<compile_context>
chip_gen: v7x
topology: tpu7x:2x2x1
jax: 0.10.2.dev20260603
libtpu: 0.0.44.dev20260713+nightly
codegen_flags: <defaults>
</compile_context>

<pallas_src>
import functools

import jax
import jax.numpy as jnp
from jax import lax
from jax.experimental import pallas as pl
from jax.experimental.pallas import tpu as pltpu
from jax.experimental.pallas import tpu_sc as plsc


F32 = jnp.float32



def _dot_nt(a, b):
    return lax.dot_general(a, b, (((1,), (1,)), ((), ())),
                           preferred_element_type=F32)


def _first_body(x_ref, wix_ref, wox_ref, bo_ref, h0_ref, xo_ref):
    xv = x_ref[...]
    h0_ref[...] = _dot_nt(xv, wix_ref[...])
    xo_ref[...] = _dot_nt(xv, wox_ref[...]) + bo_ref[...]


def _first_tc(x, W_ix, W_ox, b_o):
    n, f = x.shape
    h = W_ix.shape[0]
    return pl.pallas_call(
        _first_body,
        out_shape=(jax.ShapeDtypeStruct((n, h), F32),
                   jax.ShapeDtypeStruct((n, h), F32)),
    )(x, W_ix, W_ox, b_o.reshape(1, h))


def _edge_mm_body(ea_ref, w_ref, e_ref):
    e_ref[...] = _dot_nt(ea_ref[...], w_ref[...])


def _edge_mm(edge_attr, W_ie):
    e_total, bf = edge_attr.shape
    h = W_ie.shape[0]
    blk = 3200
    grid = e_total // blk
    return pl.pallas_call(
        _edge_mm_body,
        grid=(grid,),
        in_specs=[pl.BlockSpec((blk, bf), lambda i: (i, 0)),
                  pl.BlockSpec((h, bf), lambda i: (0, 0))],
        out_specs=pl.BlockSpec((blk, h), lambda i: (i, 0)),
        out_shape=jax.ShapeDtypeStruct((e_total, h), F32),
    )(edge_attr, W_ie)


def _sum_mm_body(np_ref, w_ref, o_ref):
    a = np_ref[0] + np_ref[1]
    o_ref[...] = _dot_nt(a, w_ref[...])


def _sum_mm(npart, W):
    _, n, h = npart.shape
    return pl.pallas_call(
        _sum_mm_body,
        out_shape=jax.ShapeDtypeStruct((n, h), F32),
    )(npart, W)


def _final_body(ngraphs, xo_ref, np_ref, b_ref, w_ref, mol_ref, acc_ref):
    i = pl.program_id(0)
    nsum = np_ref[0] + np_ref[1]
    out = jnp.maximum(xo_ref[...] + _dot_nt(nsum, w_ref[...]), 0.0)
    bvals = b_ref[0, 0]
    gids = lax.broadcasted_iota(jnp.int32, (ngraphs, bvals.shape[0]), 0)
    onehot = (gids == bvals[None, :]).astype(F32)
    contrib = lax.dot_general(onehot, out, (((1,), (0,)), ((), ())),
                              preferred_element_type=F32)

    @pl.when(i == 0)
    def _():
        acc_ref[...] = jnp.zeros_like(acc_ref)

    acc_ref[...] += contrib
    mol_ref[...] = acc_ref[...]


def _final_tc(xo, npart, batch, W_oh, ngraphs):
    n, h = xo.shape
    blk = 2000
    ngrid = n // blk
    batch3 = batch.reshape(ngrid, 1, blk).astype(jnp.int32)
    return pl.pallas_call(
        functools.partial(_final_body, ngraphs),
        grid=(ngrid,),
        in_specs=[pl.BlockSpec((blk, h), lambda i: (i, 0)),
                  pl.BlockSpec((2, blk, h), lambda i: (0, i, 0)),
                  pl.BlockSpec((1, 1, blk), lambda i: (i, 0, 0)),
                  pl.BlockSpec((h, h), lambda i: (0, 0))],
        out_specs=pl.BlockSpec((ngraphs, h), lambda i: (0, 0)),
        out_shape=jax.ShapeDtypeStruct((ngraphs, h), F32),
        scratch_shapes=[pltpu.VMEM((ngraphs, h), F32)],
    )(xo, npart, batch3, W_oh)



_NC = 2
_NS = 16
_B = 40
_ZR = 25


def _make_sc_pass(n, e, h, write_m):
    nw = _NC * _NS
    te = e // nw
    nblk = te // _B
    rpt = n // _NS
    assert te * nw == e and nblk * _B == te and rpt * _NS == n
    assert rpt % _ZR == 0 and nblk % 2 == 0 and _ZR <= _B
    hl = h // 16

    mesh = plsc.VectorSubcoreMesh(core_axis_name="c", subcore_axis_name="s")
    outs = [jax.ShapeDtypeStruct((nw, rpt, h), F32)]
    if write_m:
        outs = [jax.ShapeDtypeStruct((e, h), F32)] + outs

    @functools.partial(
        pl.kernel, mesh=mesh, out_type=tuple(outs),
        scratch_types=[
            pltpu.VMEM((2, _B), jnp.int32),
            pltpu.VMEM((te,), jnp.int32),
            pltpu.VMEM((2, _B, h), F32),
            pltpu.VMEM((2, _B, h), F32),
            pltpu.VMEM((2, _B, h), F32),
            pltpu.SemaphoreType.DMA((2,)),
            pltpu.SemaphoreType.DMA((2,)),
            pltpu.SemaphoreType.DMA((2,)),
            pltpu.SemaphoreType.DMA((2,)),
            pltpu.SemaphoreType.DMA((2,)),
            pltpu.VMEM_SHARED((n, h), F32),
        ],
    )
    def _pass(h_hbm, m_hbm, src_hbm, tgt_hbm, *rest):
        if write_m:
            mnew_hbm, npart_hbm = rest[0], rest[1]
            rest = rest[2:]
        else:
            npart_hbm = rest[0]
            rest = rest[1:]
        (tidx, sidx, g_v, l_v, o_v,
         tsem, gsem, msem, wlsem, wssem, acc) = rest
        c = lax.axis_index("c")
        s = lax.axis_index("s")
        wid = s * _NC + c
        base = wid * te

        def m_rows(k):
            return pl.ds(pl.multiple_of(base + k * _B, 8), _B)

        def e_rows(k):
            return pl.ds(pl.multiple_of(k * _B, 8), _B)

        def issue_tgt(k, j):
            pltpu.async_copy(tgt_hbm.at[m_rows(k)], tidx.at[j], tsem.at[j])

        def wait_tgt(k, j):
            pltpu.make_async_copy(tgt_hbm.at[m_rows(k)], tidx.at[j],
                                  tsem.at[j]).wait()

        def issue_loads(k, j):
            pltpu.async_copy(h_hbm.at[sidx.at[e_rows(k)]], g_v.at[j],
                             gsem.at[j])
            pltpu.async_copy(m_hbm.at[m_rows(k)], l_v.at[j], msem.at[j])

        def wait_loads(k, j):
            pltpu.make_async_copy(h_hbm.at[sidx.at[e_rows(k)]], g_v.at[j],
                                  gsem.at[j]).wait()
            pltpu.make_async_copy(m_hbm.at[m_rows(k)], l_v.at[j],
                                  msem.at[j]).wait()

        def issue_writes(k, j):
            if write_m:
                pltpu.async_copy(o_v.at[j], mnew_hbm.at[m_rows(k)],
                                 wlsem.at[j])
            pltpu.async_copy(o_v.at[j], acc.at[tidx.at[j]], wssem.at[j],
                             add=True)

        def wait_writes(k, j):
            if write_m:
                pltpu.make_async_copy(o_v.at[j], mnew_hbm.at[m_rows(k)],
                                      wlsem.at[j]).wait()
            pltpu.make_async_copy(o_v.at[j], acc.at[tidx.at[j]],
                                  wssem.at[j]).wait()

        zero16 = jnp.zeros((16,), F32)

        @pl.loop(0, _ZR)
        def _(i):
            for j in range(hl):
                o_v[0, i, pl.ds(j * 16, 16)] = zero16

        zsrc = o_v.at[0].at[pl.ds(0, _ZR)]

        @pl.loop(0, rpt // _ZR)
        def _(k):
            pltpu.sync_copy(zsrc, acc.at[pl.ds(s * rpt + k * _ZR, _ZR)])

        plsc.subcore_barrier()

        pltpu.sync_copy(src_hbm.at[pl.ds(pl.multiple_of(base, 8), te)], sidx)
        issue_tgt(0, 0)
        issue_tgt(1, 1)
        issue_loads(0, 0)
        issue_loads(1, 1)

        @pl.loop(0, nblk // 2)
        def _(t):
            k0 = t * 2
            for p in range(2):
                k = k0 + p
                q = 1 - p
                wait_loads(k, p)

                @pl.loop(0, _B)
                def _(r):
                    for j in range(hl):
                        sl = pl.ds(j * 16, 16)
                        o_v[p, r, sl] = jnp.maximum(
                            l_v[p, r, sl] + g_v[p, r, sl], 0.0)

                wait_tgt(k, p)
                issue_writes(k, p)

                @pl.when(k >= 1)
                def _():
                    wait_writes(k - 1, q)

                @pl.when(jnp.logical_and(k >= 1, k + 1 < nblk))
                def _():
                    issue_tgt(k + 1, q)

                @pl.when(k + 2 < nblk)
                def _():
                    issue_loads(k + 2, p)

        wait_writes(nblk - 1, (nblk - 1) % 2)
        plsc.subcore_barrier()
        pltpu.sync_copy(acc.at[pl.ds(s * rpt, rpt)],
                        npart_hbm.at[c * _NS + s])

    return _pass



def kernel(x, edge_index, edge_attr, batch, W_i, W_h, W_o, b_o):
    n, f = x.shape
    e = edge_index.shape[1]
    h = W_i.shape[0]
    ngraphs = 512
    nw = _NC * _NS

    src = edge_index[0].astype(jnp.int32)
    tgt = edge_index[1].astype(jnp.int32)
    W_ix = W_i[:, :f]
    W_ie = W_i[:, f:]
    W_ox = W_o[:, :f]
    W_oh = W_o[:, f:]

    sc_pass_w = _make_sc_pass(n, e, h, write_m=True)
    sc_pass_n = _make_sc_pass(n, e, h, write_m=False)

    h0, xo = _first_tc(x, W_ix, W_ox, b_o)
    ev = _edge_mm(edge_attr, W_ie)

    m1, np1 = sc_pass_w(h0, ev, src, tgt)
    h1 = _sum_mm(np1.reshape(_NC, n, h), W_h)
    m2, np2 = sc_pass_w(h1, m1, src, tgt)
    h2 = _sum_mm(np2.reshape(_NC, n, h), W_h)
    (np3,) = sc_pass_n(h2, m2, src, tgt)

    return _final_tc(xo, np3.reshape(_NC, n, h), batch, W_oh, ngraphs)

# --- scband reference (transcript-rebuilt; emitter-appended) ---
"""Pipeline reference for scband-dmpnnencoder-65558380806592 (READ-ONLY COPY).

The authoritative reference and input builder live on the scoring server;
editing this copy changes nothing except your own understanding.
"""

import jax, jax.numpy as jnp
import numpy as np

NUM_NODES = 10000
NUM_EDGES = 320000
ATOM_FDIM = 128
BOND_FDIM = 16
HIDDEN = 128
DEPTH = 3
NUM_GRAPHS = 512


def setup_inputs(seed: int = 0) -> dict:
    key = jax.random.key(seed)
    k_x, k_ei, k_ea, k_b, k_wi, k_wh, k_wo, k_bo = jax.random.split(key, 8)
    x = jax.random.normal(k_x, (NUM_NODES, ATOM_FDIM), dtype=jnp.float32)
    edge_index = jax.random.randint(k_ei, (2, NUM_EDGES), 0, NUM_NODES, dtype=jnp.int64 if jax.config.jax_enable_x64 else jnp.int32)
    edge_attr = jax.random.normal(k_ea, (NUM_EDGES, BOND_FDIM), dtype=jnp.float32)
    batch = jnp.sort(jax.random.randint(k_b, (NUM_NODES,), 0, NUM_GRAPHS))
    W_i = jax.random.normal(k_wi, (HIDDEN, ATOM_FDIM + BOND_FDIM), dtype=jnp.float32) * 0.05
    W_h = jax.random.normal(k_wh, (HIDDEN, HIDDEN), dtype=jnp.float32) * 0.05
    W_o = jax.random.normal(k_wo, (HIDDEN, ATOM_FDIM + HIDDEN), dtype=jnp.float32) * 0.05
    b_o = jax.random.normal(k_bo, (HIDDEN,), dtype=jnp.float32) * 0.05
    return {"x": x, "edge_index": edge_index, "edge_attr": edge_attr, "batch": batch,
            "W_i": W_i, "W_h": W_h, "W_o": W_o, "b_o": b_o}


def reference(x, edge_index, edge_attr, batch, W_i, W_h, W_o, b_o):
    num_atoms = x.shape[0]
    src = edge_index[0]
    tgt = edge_index[1]
    # initial messages along directed edges
    init_messages = jnp.concatenate([x[src], edge_attr], axis=-1)
    messages = jax.nn.relu(init_messages @ W_i.T)
    # message passing (dropout=0.0 -> identity)
    for _ in range(DEPTH - 1):
        nei_messages = jax.ops.segment_sum(messages, tgt, num_segments=num_atoms)
        messages = jax.nn.relu(messages + nei_messages[src] @ W_h.T)
    # aggregate final messages to atoms
    atom_messages = jax.ops.segment_sum(messages, tgt, num_segments=num_atoms)
    atom_hiddens = jax.nn.relu(jnp.concatenate([x, atom_messages], axis=-1) @ W_o.T + b_o)
    # global add pool over molecules
    mol_embeddings = jax.ops.segment_sum(atom_hiddens, batch, num_segments=NUM_GRAPHS)
    return mol_embeddings

if __name__ == "__main__":
    import jax
    _d = setup_inputs()
    print(jax.jit(kernel)(*tuple(_d.values())))

</pallas_src>

<mosaic_0001>
#map = affine_map<(d0, d1) -> (0, 0)>
#map1 = affine_map<(d0, d1) -> (0)>
#map2 = affine_map<(d0, d1) -> (0, 0, 0)>
module attributes {stable_mosaic.version = 14 : i64} {
  func.func @_pass(%arg0: i32, %arg1: i32, %arg2: memref<10000x128xf32, #tpu.memory_space<hbm>>, %arg3: memref<320000x128xf32, #tpu.memory_space<hbm>>, %arg4: memref<320000xi32, #tpu.memory_space<hbm>>, %arg5: memref<320000xi32, #tpu.memory_space<hbm>>, %arg6: memref<32x625x128xf32, #tpu.memory_space<hbm>>, %arg7: memref<2x40xi32, #tpu.memory_space<vmem>>, %arg8: memref<10000xi32, #tpu.memory_space<vmem>>, %arg9: memref<2x40x128xf32, #tpu.memory_space<vmem>>, %arg10: memref<2x40x128xf32, #tpu.memory_space<vmem>>, %arg11: memref<2x40x128xf32, #tpu.memory_space<vmem>>, %arg12: memref<2x!tpu.dma_semaphore, #tpu.memory_space<semaphore_mem>>, %arg13: memref<2x!tpu.dma_semaphore, #tpu.memory_space<semaphore_mem>>, %arg14: memref<2x!tpu.dma_semaphore, #tpu.memory_space<semaphore_mem>>, %arg15: memref<2x!tpu.dma_semaphore, #tpu.memory_space<semaphore_mem>>, %arg16: memref<2x!tpu.dma_semaphore, #tpu.memory_space<semaphore_mem>>, %arg17: memref<10000x128xf32, #tpu.memory_space<vmem_shared>>) attributes {dimension_semantics = [#tpu.dimension_semantics<core_parallel>, #tpu.dimension_semantics<subcore_parallel>], iteration_bounds = array<i64: 2, 16>, scalar_prefetch = 0 : i64, scratch_operands = 11 : i64, tpu.core_type = #tpu.core_type<sc_vector_subcore>, window_params = [{transform_indices = #map}, {transform_indices = #map}, {transform_indices = #map1}, {transform_indices = #map1}, {transform_indices = #map2}]} {
    %mul3A = arith.constant 2 : i32
    %mul3A_0 = arith.muli %arg1, %mul3A : i32
    %add3A = arith.addi %mul3A_0, %arg0 : i32
    %mul3A_1 = arith.constant 10000 : i32
    %mul3A_2 = arith.muli %add3A, %mul3A_1 : i32
    %broadcast_in_dim3A = arith.constant 0.000000e+00 : f32
    %broadcast_in_dim3A_3 = vector.broadcast %broadcast_in_dim3A : f32 to vector<16xf32>
    %scan3A = arith.constant 0 : i32
    %scan3A_4 = arith.constant 25 : i32
    %scan3A_5 = arith.addi %scan3A, %scan3A_4 : i32
    %scan3A_6 = arith.constant 1 : i32
    scf.for %scan3A_134 = %scan3A to %scan3A_5 step %scan3A_6  : i32 {
      %mul3A_135 = arith.constant 1 : i32
      %mul3A_136 = arith.muli %scan3A_134, %mul3A_135 : i32
      %add3A_137 = arith.constant 0 : i32
      %add3A_138 = arith.addi %add3A_137, %mul3A_136 : i32
      %swap3A = arith.constant 0 : i32
      %swap3A_139 = arith.index_cast %swap3A : i32 to index
      %swap3A_140 = arith.index_cast %add3A_138 : i32 to index
      %swap3A_141 = arith.constant 0 : index
      %swap3A_142 = tpu.vector_load %arg11[%swap3A_139, %swap3A_140, %swap3A_141] {strides = array<i32>} : memref<2x40x128xf32, #tpu.memory_space<vmem>>, vector<1x1x16xf32>,
      %swap3A_143 = vector.shape_cast %swap3A_142 : vector<1x1x16xf32> to vector<16xf32>
      %swap3A_144 = vector.shape_cast %broadcast_in_dim3A_3 : vector<16xf32> to vector<1x1x16xf32>
      tpu.vector_store %arg11[%swap3A_139, %swap3A_140, %swap3A_141], %swap3A_144 {strides = array<i32>} : memref<2x40x128xf32, #tpu.memory_space<vmem>>, vector<1x1x16xf32>,
      %swap3A_145 = arith.constant 0 : i32
      %swap3A_146 = arith.index_cast %swap3A_145 : i32 to index
      %swap3A_147 = arith.index_cast %add3A_138 : i32 to index
      %swap3A_148 = arith.constant 16 : index
      %swap3A_149 = tpu.vector_load %arg11[%swap3A_146, %swap3A_147, %swap3A_148] {strides = array<i32>} : memref<2x40x128xf32, #tpu.memory_space<vmem>>, vector<1x1x16xf32>,
      %swap3A_150 = vector.shape_cast %swap3A_149 : vector<1x1x16xf32> to vector<16xf32>
      %swap3A_151 = vector.shape_cast %broadcast_in_dim3A_3 : vector<16xf32> to vector<1x1x16xf32>
      tpu.vector_store %arg11[%swap3A_146, %swap3A_147, %swap3A_148], %swap3A_151 {strides = array<i32>} : memref<2x40x128xf32, #tpu.memory_space<vmem>>, vector<1x1x16xf32>,
      %swap3A_152 = arith.constant 0 : i32
      %swap3A_153 = arith.index_cast %swap3A_152 : i32 to index
      %swap3A_154 = arith.index_cast %add3A_138 : i32 to index
      %swap3A_155 = arith.constant 32 : index
      %swap3A_156 = tpu.vector_load %arg11[%swap3A_153, %swap3A_154, %swap3A_155] {strides = array<i32>} : memref<2x40x128xf32, #tpu.memory_space<vmem>>, vector<1x1x16xf32>,
      %swap3A_157 = vector.shape_cast %swap3A_156 : vector<1x1x16xf32> to vector<16xf32>
      %swap3A_158 = vector.shape_cast %broadcast_in_dim3A_3 : vector<16xf32> to vector<1x1x16xf32>
      tpu.vector_store %arg11[%swap3A_153, %swap3A_154, %swap3A_155], %swap3A_158 {strides = array<i32>} : memref<2x40x128xf32, #tpu.memory_space<vmem>>, vector<1x1x16xf32>,
      %swap3A_159 = arith.constant 0 : i32
      %swap3A_160 = arith.index_cast %swap3A_159 : i32 to index
      %swap3A_161 = arith.index_cast %add3A_138 : i32 to index
      %swap3A_162 = arith.constant 48 : index
      %swap3A_163 = tpu.vector_load %arg11[%swap3A_160, %swap3A_161, %swap3A_162] {strides = array<i32>} : memref<2x40x128xf32, #tpu.memory_space<vmem>>, vector<1x1x16xf32>,
      %swap3A_164 = vector.shape_cast %swap3A_163 : vector<1x1x16xf32> to vector<16xf32>
      %swap3A_165 = vector.shape_cast %broadcast_in_dim3A_3 : vector<16xf32> to vector<1x1x16xf32>
      tpu.vector_store %arg11[%swap3A_160, %swap3A_161, %swap3A_162], %swap3A_165 {strides = array<i32>} : memref<2x40x128xf32, #tpu.memory_space<vmem>>, vector<1x1x16xf32>,
      %swap3A_166 = arith.constant 0 : i32
      %swap3A_167 = arith.index_cast %swap3A_166 : i32 to index
      %swap3A_168 = arith.index_cast %add3A_138 : i32 to index
      %swap3A_169 = arith.constant 64 : index
      %swap3A_170 = tpu.vector_load %arg11[%swap3A_167, %swap3A_168, %swap3A_169] {strides = array<i32>} : memref<2x40x128xf32, #tpu.memory_space<vmem>>, vector<1x1x16xf32>,
      %swap3A_171 = vector.shape_cast %swap3A_170 : vector<1x1x16xf32> to vector<16xf32>
      %swap3A_172 = vector.shape_cast %broadcast_in_dim3A_3 : vector<16xf32> to vector<1x1x16xf32>
      tpu.vector_store %arg11[%swap3A_167, %swap3A_168, %swap3A_169], %swap3A_172 {strides = array<i32>} : memref<2x40x128xf32, #tpu.memory_space<vmem>>, vector<1x1x16xf32>,
      %swap3A_173 = arith.constant 0 : i32
      %swap3A_174 = arith.index_cast %swap3A_173 : i32 to index
      %swap3A_175 = arith.index_cast %add3A_138 : i32 to index
      %swap3A_176 = arith.constant 80 : index
      %swap3A_177 = tpu.vector_load %arg11[%swap3A_174, %swap3A_175, %swap3A_176] {strides = array<i32>} : memref<2x40x128xf32, #tpu.memory_space<vmem>>, vector<1x1x16xf32>,
      %swap3A_178 = vector.shape_cast %swap3A_177 : vector<1x1x16xf32> to vector<16xf32>
      %swap3A_179 = vector.shape_cast %broadcast_in_dim3A_3 : vector<16xf32> to vector<1x1x16xf32>
      tpu.vector_store %arg11[%swap3A_174, %swap3A_175, %swap3A_176], %swap3A_179 {strides = array<i32>} : memref<2x40x128xf32, #tpu.memory_space<vmem>>, vector<1x1x16xf32>,
      %swap3A_180 = arith.constant 0 : i32
      %swap3A_181 = arith.index_cast %swap3A_180 : i32 to index
      %swap3A_182 = arith.index_cast %add3A_138 : i32 to index
      %swap3A_183 = arith.constant 96 : index
      %swap3A_184 = tpu.vector_load %arg11[%swap3A_181, %swap3A_182, %swap3A_183] {strides = array<i32>} : memref<2x40x128xf32, #tpu.memory_space<vmem>>, vector<1x1x16xf32>,
      %swap3A_185 = vector.shape_cast %swap3A_184 : vector<1x1x16xf32> to vector<16xf32>
      %swap3A_186 = vector.shape_cast %broadcast_in_dim3A_3 : vector<16xf32> to vector<1x1x16xf32>
      tpu.vector_store %arg11[%swap3A_181, %swap3A_182, %swap3A_183], %swap3A_186 {strides = array<i32>} : memref<2x40x128xf32, #tpu.memory_space<vmem>>, vector<1x1x16xf32>,
      %swap3A_187 = arith.constant 0 : i32
      %swap3A_188 = arith.index_cast %swap3A_187 : i32 to index
      %swap3A_189 = arith.index_cast %add3A_138 : i32 to index
      %swap3A_190 = arith.constant 112 : index
      %swap3A_191 = tpu.vector_load %arg11[%swap3A_188, %swap3A_189, %swap3A_190] {strides = array<i32>} : memref<2x40x128xf32, #tpu.memory_space<vmem>>, vector<1x1x16xf32>,
      %swap3A_192 = vector.shape_cast %swap3A_191 : vector<1x1x16xf32> to vector<16xf32>
      %swap3A_193 = vector.shape_cast %broadcast_in_dim3A_3 : vector<16xf32> to vector<1x1x16xf32>
      tpu.vector_store %arg11[%swap3A_188, %swap3A_189, %swap3A_190], %swap3A_193 {strides = array<i32>} : memref<2x40x128xf32, #tpu.memory_space<vmem>>, vector<1x1x16xf32>,
    }
    %scan3A_7 = arith.constant 25 : i32
    %scan3A_8 = arith.constant 0 : i32
    %scan3A_9 = arith.constant 0 : i32
    %scan3A_10 = arith.constant 25 : i32
    %scan3A_11 = arith.addi %scan3A_9, %scan3A_10 : i32
    %scan3A_12 = arith.constant 1 : i32
    scf.for %scan3A_134 = %scan3A_9 to %scan3A_11 step %scan3A_12  : i32 {
      %mul3A_135 = arith.constant 1 : i32
      %mul3A_136 = arith.muli %scan3A_134, %mul3A_135 : i32
      %add3A_137 = arith.constant 0 : i32
      %add3A_138 = arith.addi %add3A_137, %mul3A_136 : i32
      %mul3A_139 = arith.constant 625 : i32
      %mul3A_140 = arith.muli %arg1, %mul3A_139 : i32
      %mul3A_141 = arith.constant 25 : i32
      %mul3A_142 = arith.muli %add3A_138, %mul3A_141 : i32
      %add3A_143 = arith.addi %mul3A_140, %mul3A_142 : i32
      "tpu.region"() ({
        %run_scoped3A = tpu.sem_alloc : memref<!tpu.dma_semaphore, #tpu.memory_space<semaphore_mem>>
        %dma_start3A_144 = arith.constant 0 : i32
        %dma_start3A_145 = arith.constant 0 : i32
        %dma_start3A_146 = tpu.memref_slice %arg11[%scan3A_8, %dma_start3A_144, %dma_start3A_145] : memref<2x40x128xf32, #tpu.memory_space<vmem>> -> memref<1x40x128xf32, #tpu.memory_space<vmem>>
        %dma_start3A_147 = tpu.memref_squeeze %dma_start3A_146 : memref<1x40x128xf32, #tpu.memory_space<vmem>> -> memref<40x128xf32, #tpu.memory_space<vmem>>
        %dma_start3A_148 = arith.constant 0 : i32
        %dma_start3A_149 = arith.constant 0 : i32
        %dma_start3A_150 = tpu.memref_slice %dma_start3A_147[%dma_start3A_148, %dma_start3A_149] : memref<40x128xf32, #tpu.memory_space<vmem>> -> memref<25x128xf32, #tpu.memory_space<vmem>>
        %dma_start3A_151 = arith.constant 0 : i32
        %dma_start3A_152 = tpu.memref_slice %arg17[%add3A_143, %dma_start3A_151] : memref<10000x128xf32, #tpu.memory_space<vmem_shared>> -> memref<25x128xf32, #tpu.memory_space<vmem_shared>>
        %dma_start3A_153 = arith.constant 0 : i32
        %dma_start3A_154 = tpu.memref_slice %arg17[%add3A_143, %dma_start3A_153] : memref<10000x128xf32, #tpu.memory_space<vmem_shared>> -> memref<25x128xf32, #tpu.memory_space<vmem_shared>>
        %dma_start3A_155 = arith.constant 0 : i32
        %dma_start3A_156 = arith.constant 0 : i32
        %dma_start3A_157 = tpu.memref_slice %arg11[%scan3A_8, %dma_start3A_155, %dma_start3A_156] : memref<2x40x128xf32, #tpu.memory_space<vmem>> -> memref<1x40x128xf32, #tpu.memory_space<vmem>>
        %dma_start3A_158 = tpu.memref_squeeze %dma_start3A_157 : memref<1x40x128xf32, #tpu.memory_space<vmem>> -> memref<40x128xf32, #tpu.memory_space<vmem>>
        %dma_start3A_159 = arith.constant 0 : i32
        %dma_start3A_160 = arith.constant 0 : i32
        %dma_start3A_161 = tpu.memref_slice %dma_start3A_158[%dma_start3A_159, %dma_start3A_160] : memref<40x128xf32, #tpu.memory_space<vmem>> -> memref<25x128xf32, #tpu.memory_space<vmem>>
        tpu.enqueue_dma source(%dma_start3A_161 : memref<25x128xf32, #tpu.memory_space<vmem>>) target(%dma_start3A_154 : memref<25x128xf32, #tpu.memory_space<vmem_shared>>) target_semaphore(%run_scoped3A : memref<!tpu.dma_semaphore, #tpu.memory_space<semaphore_mem>>)
        %dma_wait3A_162 = arith.constant 0 : i32
        %dma_wait3A_163 = arith.constant 0 : i32
        %dma_wait3A_164 = tpu.memref_slice %arg11[%scan3A_8, %dma_wait3A_162, %dma_wait3A_163] : memref<2x40x128xf32, #tpu.memory_space<vmem>> -> memref<1x40x128xf32, #tpu.memory_space<vmem>>
        %dma_wait3A_165 = tpu.memref_squeeze %dma_wait3A_164 : memref<1x40x128xf32, #tpu.memory_space<vmem>> -> memref<40x128xf32, #tpu.memory_space<vmem>>
        %dma_wait3A_166 = arith.constant 0 : i32
        %dma_wait3A_167 = arith.constant 0 : i32
        %dma_wait3A_168 = tpu.memref_slice %dma_wait3A_165[%dma_wait3A_166, %dma_wait3A_167] : memref<40x128xf32, #tpu.memory_space<vmem>> -> memref<25x128xf32, #tpu.memory_space<vmem>>
        %dma_wait3A_169 = arith.constant 0 : i32
        %dma_wait3A_170 = tpu.memref_slice %arg17[%add3A_143, %dma_wait3A_169] : memref<10000x128xf32, #tpu.memory_space<vmem_shared>> -> memref<25x128xf32, #tpu.memory_space<vmem_shared>>
        %dma_wait3A_171 = arith.constant 0 : i32
        %dma_wait3A_172 = tpu.memref_slice %arg17[%add3A_143, %dma_wait3A_171] : memref<10000x128xf32, #tpu.memory_space<vmem_shared>> -> memref<25x128xf32, #tpu.memory_space<vmem_shared>>
        %dma_wait3A_173 = arith.constant 0 : i32
        %dma_wait3A_174 = arith.constant 0 : i32
        %dma_wait3A_175 = tpu.memref_slice %arg11[%scan3A_8, %dma_wait3A_173, %dma_wait3A_174] : memref<2x40x128xf32, #tpu.memory_space<vmem>> -> memref<1x40x128xf32, #tpu.memory_space<vmem>>
        %dma_wait3A_176 = tpu.memref_squeeze %dma_wait3A_175 : memref<1x40x128xf32, #tpu.memory_space<vmem>> -> memref<40x128xf32, #tpu.memory_space<vmem>>
        %dma_wait3A_177 = arith.constant 0 : i32
        %dma_wait3A_178 = arith.constant 0 : i32
        %dma_wait3A_179 = tpu.memref_slice %dma_wait3A_176[%dma_wait3A_177, %dma_wait3A_178] : memref<40x128xf32, #tpu.memory_space<vmem>> -> memref<25x128xf32, #tpu.memory_space<vmem>>
        tpu.wait_dma2 semaphore(%run_scoped3A : memref<!tpu.dma_semaphore, #tpu.memory_space<semaphore_mem>>) src(%dma_wait3A_179 : memref<25x128xf32, #tpu.memory_space<vmem>>) dst(%dma_wait3A_172 : memref<25x128xf32, #tpu.memory_space<vmem_shared>>)
        tpu.yield
      }) : () -> ()
    }
    %scan3A_13 = arith.constant 25 : i32
    %barrier3A = arith.constant 0 : index
    tpu.barrier barrier_id(%barrier3A)
    %multiple_of3A = tpu.assume_multiple %mul3A_2, 8 : i32
    "tpu.region"() ({
      %run_scoped3A = tpu.sem_alloc : memref<!tpu.dma_semaphore, #tpu.memory_space<semaphore_mem>>
      %dma_start3A_134 = tpu.memref_slice %arg4[%multiple_of3A] : memref<320000xi32, #tpu.memory_space<hbm>> -> memref<10000xi32, #tpu.memory_space<hbm>>
      %dma_start3A_135 = tpu.memref_slice %arg4[%multiple_of3A] : memref<320000xi32, #tpu.memory_space<hbm>> -> memref<10000xi32, #tpu.memory_space<hbm>>
      tpu.enqueue_dma source(%dma_start3A_135 : memref<10000xi32, #tpu.memory_space<hbm>>) target(%arg8 : memref<10000xi32, #tpu.memory_space<vmem>>) target_semaphore(%run_scoped3A : memref<!tpu.dma_semaphore, #tpu.memory_space<semaphore_mem>>)
      %dma_wait3A_136 = tpu.memref_slice %arg4[%multiple_of3A] : memref<320000xi32, #tpu.memory_space<hbm>> -> memref<10000xi32, #tpu.memory_space<hbm>>
      %dma_wait3A_137 = tpu.memref_slice %arg4[%multiple_of3A] : memref<320000xi32, #tpu.memory_space<hbm>> -> memref<10000xi32, #tpu.memory_space<hbm>>
      tpu.wait_dma2 semaphore(%run_scoped3A : memref<!tpu.dma_semaphore, #tpu.memory_space<semaphore_mem>>) src(%dma_wait3A_137 : memref<10000xi32, #tpu.memory_space<hbm>>) dst(%arg8 : memref<10000xi32, #tpu.memory_space<vmem>>)
      tpu.yield
    }) : () -> ()
    %add3A_14 = arith.constant 0 : i32
    %add3A_15 = arith.addi %mul3A_2, %add3A_14 : i32
    %multiple_of3A_16 = tpu.assume_multiple %add3A_15, 8 : i32
    %dma_start3A = arith.constant 0 : i32
    %dma_start3A_17 = arith.constant 0 : i32
    %dma_start3A_18 = arith.constant 0 : i32
    %dma_start3A_19 = tpu.memref_slice %arg7[%dma_start3A, %dma_start3A_18] : memref<2x40xi32, #tpu.memory_space<vmem>> -> memref<1x40xi32, #tpu.memory_space<vmem>>
    %dma_start3A_20 = tpu.memref_squeeze %dma_start3A_19 : memref<1x40xi32, #tpu.memory_space<vmem>> -> memref<40xi32, #tpu.memory_space<vmem>>
    %dma_start3A_21 = tpu.memref_slice %arg5[%multiple_of3A_16] : memref<320000xi32, #tpu.memory_space<hbm>> -> memref<40xi32, #tpu.memory_space<hbm>>
    %dma_start3A_22 = tpu.memref_slice %arg12[%dma_start3A_17] : memref<2x!tpu.dma_semaphore, #tpu.memory_space<semaphore_mem>> -> memref<1x!tpu.dma_semaphore, #tpu.memory_space<semaphore_mem>>
    %dma_start3A_23 = tpu.memref_squeeze %dma_start3A_22 : memref<1x!tpu.dma_semaphore, #tpu.memory_space<semaphore_mem>> -> memref<!tpu.dma_semaphore, #tpu.memory_space<semaphore_mem>>
    %dma_start3A_24 = arith.constant 0 : i32
    %dma_start3A_25 = tpu.memref_slice %arg7[%dma_start3A, %dma_start3A_24] : memref<2x40xi32, #tpu.memory_space<vmem>> -> memref<1x40xi32, #tpu.memory_space<vmem>>
    %dma_start3A_26 = tpu.memref_squeeze %dma_start3A_25 : memref<1x40xi32, #tpu.memory_space<vmem>> -> memref<40xi32, #tpu.memory_space<vmem>>
    %dma_start3A_27 = tpu.memref_slice %arg5[%multiple_of3A_16] : memref<320000xi32, #tpu.memory_space<hbm>> -> memref<40xi32, #tpu.memory_space<hbm>>
    tpu.enqueue_dma source(%dma_start3A_27 : memref<40xi32, #tpu.memory_space<hbm>>) target(%dma_start3A_26 : memref<40xi32, #tpu.memory_space<vmem>>) target_semaphore(%dma_start3A_23 : memref<!tpu.dma_semaphore, #tpu.memory_space<semaphore_mem>>)
    %add3A_28 = arith.constant 40 : i32
    %add3A_29 = arith.addi %mul3A_2, %add3A_28 : i32
    %multiple_of3A_30 = tpu.assume_multiple %add3A_29, 8 : i32
    %dma_start3A_31 = arith.constant 1 : i32
    %dma_start3A_32 = arith.constant 1 : i32
    %dma_start3A_33 = arith.constant 0 : i32
    %dma_start3A_34 = tpu.memref_slice %arg7[%dma_start3A_31, %dma_start3A_33] : memref<2x40xi32, #tpu.memory_space<vmem>> -> memref<1x40xi32, #tpu.memory_space<vmem>>
    %dma_start3A_35 = tpu.memref_squeeze %dma_start3A_34 : memref<1x40xi32, #tpu.memory_space<vmem>> -> memref<40xi32, #tpu.memory_space<vmem>>
    %dma_start3A_36 = tpu.memref_slice %arg5[%multiple_of3A_30] : memref<320000xi32, #tpu.memory_space<hbm>> -> memref<40xi32, #tpu.memory_space<hbm>>
    %dma_start3A_37 = tpu.memref_slice %arg12[%dma_start3A_32] : memref<2x!tpu.dma_semaphore, #tpu.memory_space<semaphore_mem>> -> memref<1x!tpu.dma_semaphore, #tpu.memory_space<semaphore_mem>>
    %dma_start3A_38 = tpu.memref_squeeze %dma_start3A_37 : memref<1x!tpu.dma_semaphore, #tpu.memory_space<semaphore_mem>> -> memref<!tpu.dma_semaphore, #tpu.memory_space<semaphore_mem>>
    %dma_start3A_39 = arith.constant 0 : i32
    %dma_start3A_40 = tpu.memref_slice %arg7[%dma_start3A_31, %dma_start3A_39] : memref<2x40xi32, #tpu.memory_space<vmem>> -> memref<1x40xi32, #tpu.memory_space<vmem>>
    %dma_start3A_41 = tpu.memref_squeeze %dma_start3A_40 : memref<1x40xi32, #tpu.memory_space<vmem>> -> memref<40xi32, #tpu.memory_space<vmem>>
    %dma_start3A_42 = tpu.memref_slice %arg5[%multiple_of3A_30] : memref<320000xi32, #tpu.memory_space<hbm>> -> memref<40xi32, #tpu.memory_space<hbm>>
    tpu.enqueue_dma source(%dma_start3A_42 : memref<40xi32, #tpu.memory_space<hbm>>) target(%dma_start3A_41 : memref<40xi32, #tpu.memory_space<vmem>>) target_semaphore(%dma_start3A_38 : memref<!tpu.dma_semaphore, #tpu.memory_space<semaphore_mem>>)
    %multiple_of3A_43 = arith.constant 0 : i32
    %multiple_of3A_44 = tpu.assume_multiple %multiple_of3A_43, 8 : i32
    %dma_start3A_45 = arith.constant 0 : i32
    %dma_start3A_46 = arith.constant 0 : i32
    %dma_start3A_47 = arith.constant 0 : i32
    %dma_start3A_48 = arith.constant 0 : i32
    %dma_start3A_49 = tpu.memref_slice %arg9[%dma_start3A_45, %dma_start3A_47, %dma_start3A_48] : memref<2x40x128xf32, #tpu.memory_space<vmem>> -> memref<1x40x128xf32, #tpu.memory_space<vmem>>
    %dma_start3A_50 = tpu.memref_squeeze %dma_start3A_49 : memref<1x40x128xf32, #tpu.memory_space<vmem>> -> memref<40x128xf32, #tpu.memory_space<vmem>>
    %dma_start3A_51 = tpu.memref_slice %arg8[%multiple_of3A_44] : memref<10000xi32, #tpu.memory_space<vmem>> -> memref<40xi32, #tpu.memory_space<vmem>>
    %dma_start3A_52 = arith.constant 0 : i32
    %dma_start3A_53 = arith.constant 0 : i32
    %dma_start3A_54 = tpu.memref_slice %arg2[%dma_start3A_52, %dma_start3A_53] : memref<10000x128xf32, #tpu.memory_space<hbm>> -> memref<10000x128xf32, #tpu.memory_space<hbm>>
    %dma_start3A_55 = tpu.memref_slice %arg13[%dma_start3A_46] : memref<2x!tpu.dma_semaphore, #tpu.memory_space<semaphore_mem>> -> memref<1x!tpu.dma_semaphore, #tpu.memory_space<semaphore_mem>>
    %dma_start3A_56 = tpu.memref_squeeze %dma_start3A_55 : memref<1x!tpu.dma_semaphore, #tpu.memory_space<semaphore_mem>> -> memref<!tpu.dma_semaphore, #tpu.memory_space<semaphore_mem>>
    tpu.enqueue_indirect_dma source(%dma_start3A_54 : memref<10000x128xf32, #tpu.memory_space<hbm>>) target(%dma_start3A_50 : memref<40x128xf32, #tpu.memory_space<vmem>>) offsets(%dma_start3A_51 : memref<40xi32, #tpu.memory_space<vmem>>) semaphore(%dma_start3A_56 : memref<!tpu.dma_semaphore, #tpu.memory_space<semaphore_mem>>)
    %add3A_57 = arith.constant 0 : i32
    %add3A_58 = arith.addi %mul3A_2, %add3A_57 : i32
    %multiple_of3A_59 = tpu.assume_multiple %add3A_58, 8 : i32
    %dma_start3A_60 = arith.constant 0 : i32
    %dma_start3A_61 = arith.constant 0 : i32
    %dma_start3A_62 = arith.constant 0 : i32
    %dma_start3A_63 = arith.constant 0 : i32
    %dma_start3A_64 = tpu.memref_slice %arg10[%dma_start3A_60, %dma_start3A_62, %dma_start3A_63] : memref<2x40x128xf32, #tpu.memory_space<vmem>> -> memref<1x40x128xf32, #tpu.memory_space<vmem>>
    %dma_start3A_65 = tpu.memref_squeeze %dma_start3A_64 : memref<1x40x128xf32, #tpu.memory_space<vmem>> -> memref<40x128xf32, #tpu.memory_space<vmem>>
    %dma_start3A_66 = arith.constant 0 : i32
    %dma_start3A_67 = tpu.memref_slice %arg3[%multiple_of3A_59, %dma_start3A_66] : memref<320000x128xf32, #tpu.memory_space<hbm>> -> memref<40x128xf32, #tpu.memory_space<hbm>>
    %dma_start3A_68 = tpu.memref_slice %arg14[%dma_start3A_61] : memref<2x!tpu.dma_semaphore, #tpu.memory_space<semaphore_mem>> -> memref<1x!tpu.dma_semaphore, #tpu.memory_space<semaphore_mem>>
    %dma_start3A_69 = tpu.memref_squeeze %dma_start3A_68 : memref<1x!tpu.dma_semaphore, #tpu.memory_space<semaphore_mem>> -> memref<!tpu.dma_semaphore, #tpu.memory_space<semaphore_mem>>
    %dma_start3A_70 = arith.constant 0 : i32
    %dma_start3A_71 = arith.constant 0 : i32
    %dma_start3A_72 = tpu.memref_slice %arg10[%dma_start3A_60, %dma_start3A_70, %dma_start3A_71] : memref<2x40x128xf32, #tpu.memory_space<vmem>> -> memref<1x40x128xf32, #tpu.memory_space<vmem>>
    %dma_start3A_73 = tpu.memref_squeeze %dma_start3A_72 : memref<1x40x128xf32, #tpu.memory_space<vmem>> -> memref<40x128xf32, #tpu.memory_space<vmem>>
    %dma_start3A_74 = arith.constant 0 : i32
    %dma_start3A_75 = tpu.memref_slice %arg3[%multiple_of3A_59, %dma_start3A_74] : memref<320000x128xf32, #tpu.memory_space<hbm>> -> memref<40x128xf32, #tpu.memory_space<hbm>>
    tpu.enqueue_dma source(%dma_start3A_75 : memref<40x128xf32, #tpu.memory_space<hbm>>) target(%dma_start3A_73 : memref<40x128xf32, #tpu.memory_space<vmem>>) target_semaphore(%dma_start3A_69 : memref<!tpu.dma_semaphore, #tpu.memory_space<semaphore_mem>>)
    %multiple_of3A_76 = arith.constant 40 : i32
    %multiple_of3A_77 = tpu.assume_multiple %multiple_of3A_76, 8 : i32
    %dma_start3A_78 = arith.constant 1 : i32
    %dma_start3A_79 = arith.constant 1 : i32
    %dma_start3A_80 = arith.constant 0 : i32
    %dma_start3A_81 = arith.constant 0 : i32
    %dma_start3A_82 = tpu.memref_slice %arg9[%dma_start3A_78, %dma_start3A_80, %dma_start3A_81] : memref<2x40x128xf32, #tpu.memory_space<vmem>> -> memref<1x40x128xf32, #tpu.memory_space<vmem>>
    %dma_start3A_83 = tpu.memref_squeeze %dma_start3A_82 : memref<1x40x128xf32, #tpu.memory_space<vmem>> -> memref<40x128xf32, #tpu.memory_space<vmem>>
    %dma_start3A_84 = tpu.memref_slice %arg8[%multiple_of3A_77] : memref<10000xi32, #tpu.memory_space<vmem>> -> memref<40xi32, #tpu.memory_space<vmem>>
    %dma_start3A_85 = arith.constant 0 : i32
    %dma_start3A_86 = arith.constant 0 : i32
    %dma_start3A_87 = tpu.memref_slice %arg2[%dma_start3A_85, %dma_start3A_86] : memref<10000x128xf32, #tpu.memory_space<hbm>> -> memref<10000x128xf32, #tpu.memory_space<hbm>>
    %dma_start3A_88 = tpu.memref_slice %arg13[%dma_start3A_79] : memref<2x!tpu.dma_semaphore, #tpu.memory_space<semaphore_mem>> -> memref<1x!tpu.dma_semaphore, #tpu.memory_space<semaphore_mem>>
    %dma_start3A_89 = tpu.memref_squeeze %dma_start3A_88 : memref<1x!tpu.dma_semaphore, #tpu.memory_space<semaphore_mem>> -> memref<!tpu.dma_semaphore, #tpu.memory_space<semaphore_mem>>
    tpu.enqueue_indirect_dma source(%dma_start3A_87 : memref<10000x128xf32, #tpu.memory_space<hbm>>) target(%dma_start3A_83 : memref<40x128xf32, #tpu.memory_space<vmem>>) offsets(%dma_start3A_84 : memref<40xi32, #tpu.memory_space<vmem>>) semaphore(%dma_start3A_89 : memref<!tpu.dma_semaphore, #tpu.memory_space<semaphore_mem>>)
    %add3A_90 = arith.constant 40 : i32
    %add3A_91 = arith.addi %mul3A_2, %add3A_90 : i32
    %multiple_of3A_92 = tpu.assume_multiple %add3A_91, 8 : i32
    %dma_start3A_93 = arith.constant 1 : i32
    %dma_start3A_94 = arith.constant 1 : i32
    %dma_start3A_95 = arith.constant 0 : i32
    %dma_start3A_96 = arith.constant 0 : i32
    %dma_start3A_97 = tpu.memref_slice %arg10[%dma_start3A_93, %dma_start3A_95, %dma_start3A_96] : memref<2x40x128xf32, #tpu.memory_space<vmem>> -> memref<1x40x128xf32, #tpu.memory_space<vmem>>
    %dma_start3A_98 = tpu.memref_squeeze %dma_start3A_97 : memref<1x40x128xf32, #tpu.memory_space<vmem>> -> memref<40x128xf32, #tpu.memory_space<vmem>>
    %dma_start3A_99 = arith.constant 0 : i32
    %dma_start3A_100 = tpu.memref_slice %arg3[%multiple_of3A_92, %dma_start3A_99] : memref<320000x128xf32, #tpu.memory_space<hbm>> -> memref<40x128xf32, #tpu.memory_space<hbm>>
    %dma_start3A_101 = tpu.memref_slice %arg14[%dma_start3A_94] : memref<2x!tpu.dma_semaphore, #tpu.memory_space<semaphore_mem>> -> memref<1x!tpu.dma_semaphore, #tpu.memory_space<semaphore_mem>>
    %dma_start3A_102 = tpu.memref_squeeze %dma_start3A_101 : memref<1x!tpu.dma_semaphore, #tpu.memory_space<semaphore_mem>> -> memref<!tpu.dma_semaphore, #tpu.memory_space<semaphore_mem>>
    %dma_start3A_103 = arith.constant 0 : i32
    %dma_start3A_104 = arith.constant 0 : i32
    %dma_start3A_105 = tpu.memref_slice %arg10[%dma_start3A_93, %dma_start3A_103, %dma_start3A_104] : memref<2x40x128xf32, #tpu.memory_space<vmem>> -> memref<1x40x128xf32, #tpu.memory_space<vmem>>
    %dma_start3A_106 = tpu.memref_squeeze %dma_start3A_105 : memref<1x40x128xf32, #tpu.memory_space<vmem>> -> memref<40x128xf32, #tpu.memory_space<vmem>>
    %dma_start3A_107 = arith.constant 0 : i32
    %dma_start3A_108 = tpu.memref_slice %arg3[%multiple_of3A_92, %dma_start3A_107] : memref<320000x128xf32, #tpu.memory_space<hbm>> -> memref<40x128xf32, #tpu.memory_space<hbm>>
    tpu.enqueue_dma source(%dma_start3A_108 : memref<40x128xf32, #tpu.memory_space<hbm>>) target(%dma_start3A_106 : memref<40x128xf32, #tpu.memory_space<vmem>>) target_semaphore(%dma_start3A_102 : memref<!tpu.dma_semaphore, #tpu.memory_space<semaphore_mem>>)
    %scan3A_109 = arith.constant 0 : i32
    %scan3A_110 = arith.constant 125 : i32
    %scan3A_111 = arith.addi %scan3A_109, %scan3A_110 : i32
    %scan3A_112 = arith.constant 1 : i32
    scf.for %scan3A_134 = %scan3A_109 to %scan3A_111 step %scan3A_112  : i32 {
      %mul3A_135 = arith.constant 1 : i32
      %mul3A_136 = arith.muli %scan3A_134, %mul3A_135 : i32
      %add3A_137 = arith.constant 0 : i32
      %add3A_138 = arith.addi %add3A_137, %mul3A_136 : i32
      %mul3A_139 = arith.constant 2 : i32
      %mul3A_140 = arith.muli %add3A_138, %mul3A_139 : i32
      %add3A_141 = arith.constant 0 : i32
      %add3A_142 = arith.addi %mul3A_140, %add3A_141 : i32
      %mul3A_143 = arith.constant 40 : i32
      %mul3A_144 = arith.muli %add3A_142, %mul3A_143 : i32
      %multiple_of3A_145 = tpu.assume_multiple %mul3A_144, 8 : i32
      %dma_wait3A_146 = arith.constant 0 : i32
      %dma_wait3A_147 = arith.constant 0 : i32
      %dma_wait3A_148 = arith.constant 0 : i32
      %dma_wait3A_149 = arith.constant 0 : i32
      %dma_wait3A_150 = tpu.memref_slice %arg9[%dma_wait3A_146, %dma_wait3A_148, %dma_wait3A_149] : memref<2x40x128xf32, #tpu.memory_space<vmem>> -> memref<1x40x128xf32, #tpu.memory_space<vmem>>
      %dma_wait3A_151 = tpu.memref_squeeze %dma_wait3A_150 : memref<1x40x128xf32, #tpu.memory_space<vmem>> -> memref<40x128xf32, #tpu.memory_space<vmem>>
      %dma_wait3A_152 = tpu.memref_slice %arg8[%multiple_of3A_145] : memref<10000xi32, #tpu.memory_space<vmem>> -> memref<40xi32, #tpu.memory_space<vmem>>
      %dma_wait3A_153 = arith.constant 0 : i32
      %dma_wait3A_154 = arith.constant 0 : i32
      %dma_wait3A_155 = tpu.memref_slice %arg2[%dma_wait3A_153, %dma_wait3A_154] : memref<10000x128xf32, #tpu.memory_space<hbm>> -> memref<10000x128xf32, #tpu.memory_space<hbm>>
      %dma_wait3A_156 = tpu.memref_slice %arg13[%dma_wait3A_147] : memref<2x!tpu.dma_semaphore, #tpu.memory_space<semaphore_mem>> -> memref<1x!tpu.dma_semaphore, #tpu.memory_space<semaphore_mem>>
      %dma_wait3A_157 = tpu.memref_squeeze %dma_wait3A_156 : memref<1x!tpu.dma_semaphore, #tpu.memory_space<semaphore_mem>> -> memref<!tpu.dma_semaphore, #tpu.memory_space<semaphore_mem>>
      tpu.wait_indirect_dma semaphore(%dma_wait3A_157 : memref<!tpu.dma_semaphore, #tpu.memory_space<semaphore_mem>>) src(%dma_wait3A_155 : memref<10000x128xf32, #tpu.memory_space<hbm>>) dst(%dma_wait3A_151 : memref<40x128xf32, #tpu.memory_space<vmem>>)
      %mul3A_158 = arith.constant 40 : i32
      %mul3A_159 = arith.muli %add3A_142, %mul3A_158 : i32
      %add3A_160 = arith.addi %mul3A_2, %mul3A_159 : i32
      %multiple_of3A_161 = tpu.assume_multiple %add3A_160, 8 : i32
      %dma_wait3A_162 = arith.constant 0 : i32
      %dma_wait3A_163 = arith.constant 0 : i32
      %dma_wait3A_164 = arith.constant 0 : i32
      %dma_wait3A_165 = arith.constant 0 : i32
      %dma_wait3A_166 = tpu.memref_slice %arg10[%dma_wait3A_162, %dma_wait3A_164, %dma_wait3A_165] : memref<2x40x128xf32, #tpu.memory_space<vmem>> -> memref<1x40x128xf32, #tpu.memory_space<vmem>>
      %dma_wait3A_167 = tpu.memref_squeeze %dma_wait3A_166 : memref<1x40x128xf32, #tpu.memory_space<vmem>> -> memref<40x128xf32, #tpu.memory_space<vmem>>
      %dma_wait3A_168 = arith.constant 0 : i32
      %dma_wait3A_169 = tpu.memref_slice %arg3[%multiple_of3A_161, %dma_wait3A_168] : memref<320000x128xf32, #tpu.memory_space<hbm>> -> memref<40x128xf32, #tpu.memory_space<hbm>>
      %dma_wait3A_170 = tpu.memref_slice %arg14[%dma_wait3A_163] : memref<2x!tpu.dma_semaphore, #tpu.memory_space<semaphore_mem>> -> memref<1x!tpu.dma_semaphore, #tpu.memory_space<semaphore_mem>>
      %dma_wait3A_171 = tpu.memref_squeeze %dma_wait3A_170 : memref<1x!tpu.dma_semaphore, #tpu.memory_space<semaphore_mem>> -> memref<!tpu.dma_semaphore, #tpu.memory_space<semaphore_mem>>
      %dma_wait3A_172 = arith.constant 0 : i32
      %dma_wait3A_173 = arith.constant 0 : i32
      %dma_wait3A_174 = tpu.memref_slice %arg10[%dma_wait3A_162, %dma_wait3A_172, %dma_wait3A_173] : memref<2x40x128xf32, #tpu.memory_space<vmem>> -> memref<1x40x128xf32, #tpu.memory_space<vmem>>
      %dma_wait3A_175 = tpu.memref_squeeze %dma_wait3A_174 : memref<1x40x128xf32, #tpu.memory_space<vmem>> -> memref<40x128xf32, #tpu.memory_space<vmem>>
      %dma_wait3A_176 = arith.constant 0 : i32
      %dma_wait3A_177 = tpu.memref_slice %arg3[%multiple_of3A_161, %dma_wait3A_176] : memref<320000x128xf32, #tpu.memory_space<hbm>> -> memref<40x128xf32, #tpu.memory_space<hbm>>
      tpu.wait_dma2 semaphore(%dma_wait3A_171 : memref<!tpu.dma_semaphore, #tpu.memory_space<semaphore_mem>>) src(%dma_wait3A_177 : memref<40x128xf32, #tpu.memory_space<hbm>>) dst(%dma_wait3A_175 : memref<40x128xf32, #tpu.memory_space<vmem>>)
      %scan3A_178 = arith.constant 0 : i32
      %scan3A_179 = arith.constant 40 : i32
      %scan3A_180 = arith.addi %scan3A_178, %scan3A_179 : i32
      %scan3A_181 = arith.constant 1 : i32
      scf.for %scan3A_326 = %scan3A_178 to %scan3A_180 step %scan3A_181  : i32 {
        %mul3A_327 = arith.constant 1 : i32
        %mul3A_328 = arith.muli %scan3A_326, %mul3A_327 : i32
        %add3A_329 = arith.constant 0 : i32
        %add3A_330 = arith.addi %add3A_329, %mul3A_328 : i32
        %get3A = arith.constant 0 : i32
        %get3A_331 = arith.index_cast %get3A : i32 to index
        %get3A_332 = arith.index_cast %add3A_330 : i32 to index
        %get3A_333 = arith.constant 0 : index
        %get3A_334 = tpu.vector_load %arg10[%get3A_331, %get3A_332, %get3A_333] {strides = array<i32>} : memref<2x40x128xf32, #tpu.memory_space<vmem>>, vector<1x1x16xf32>,
        %get3A_335 = vector.shape_cast %get3A_334 : vector<1x1x16xf32> to vector<16xf32>
        %get3A_336 = arith.constant 0 : i32
        %get3A_337 = arith.index_cast %get3A_336 : i32 to index
        %get3A_338 = arith.index_cast %add3A_330 : i32 to index
        %get3A_339 = arith.constant 0 : index
        %get3A_340 = tpu.vector_load %arg9[%get3A_337, %get3A_338, %get3A_339] {strides = array<i32>} : memref<2x40x128xf32, #tpu.memory_space<vmem>>, vector<1x1x16xf32>,
        %get3A_341 = vector.shape_cast %get3A_340 : vector<1x1x16xf32> to vector<16xf32>
        %add3A_342 = arith.addf %get3A_335, %get3A_341 : vector<16xf32>
        %max3A = arith.constant 0.000000e+00 : f32
        %max3A_343 = vector.broadcast %max3A : f32 to vector<16xf32>
        %max3A_344 = arith.maximumf %add3A_342, %max3A_343 : vector<16xf32>
        %swap3A = arith.constant 0 : i32
        %swap3A_345 = arith.index_cast %swap3A : i32 to index
        %swap3A_346 = arith.index_cast %add3A_330 : i32 to index
        %swap3A_347 = arith.constant 0 : index
        %swap3A_348 = tpu.vector_load %arg11[%swap3A_345, %swap3A_346, %swap3A_347] {strides = array<i32>} : memref<2x40x128xf32, #tpu.memory_space<vmem>>, vector<1x1x16xf32>,
        %swap3A_349 = vector.shape_cast %swap3A_348 : vector<1x1x16xf32> to vector<16xf32>
        %swap3A_350 = vector.shape_cast %max3A_344 : vector<16xf32> to vector<1x1x16xf32>
        tpu.vector_store %arg11[%swap3A_345, %swap3A_346, %swap3A_347], %swap3A_350 {strides = array<i32>} : memref<2x40x128xf32, #tpu.memory_space<vmem>>, vector<1x1x16xf32>,
        %get3A_351 = arith.constant 0 : i32
        %get3A_352 = arith.index_cast %get3A_351 : i32 to index
        %get3A_353 = arith.index_cast %add3A_330 : i32 to index
        %get3A_354 = arith.constant 16 : index
        %get3A_355 = tpu.vector_load %arg10[%get3A_352, %get3A_353, %get3A_354] {strides = array<i32>} : memref<2x40x128xf32, #tpu.memory_space<vmem>>, vector<1x1x16xf32>,
        %get3A_356 = vector.shape_cast %get3A_355 : vector<1x1x16xf32> to vector<16xf32>
        %get3A_357 = arith.constant 0 : i32
        %get3A_358 = arith.index_cast %get3A_357 : i32 to index
        %get3A_359 = arith.index_cast %add3A_330 : i32 to index
        %get3A_360 = arith.constant 16 : index
        %get3A_361 = tpu.vector_load %arg9[%get3A_358, %get3A_359, %get3A_360] {strides = array<i32>} : memref<2x40x128xf32, #tpu.memory_space<vmem>>, vector<1x1x16xf32>,
        %get3A_362 = vector.shape_cast %get3A_361 : vector<1x1x16xf32> to vector<16xf32>
        %add3A_363 = arith.addf %get3A_356, %get3A_362 : vector<16xf32>
        %max3A_364 = arith.constant 0.000000e+00 : f32
        %max3A_365 = vector.broadcast %max3A_364 : f32 to vector<16xf32>
        %max3A_366 = arith.maximumf %add3A_363, %max3A_365 : vector<16xf32>
        %swap3A_367 = arith.constant 0 : i32
        %swap3A_368 = arith.index_cast %swap3A_367 : i32 to index
        %swap3A_369 = arith.index_cast %add3A_330 : i32 to index
        %swap3A_370 = arith.constant 16 : index
        %swap3A_371 = tpu.vector_load %arg11[%swap3A_368, %swap3A_369, %swap3A_370] {strides = array<i32>} : memref<2x40x128xf32, #tpu.memory_space<vmem>>, vector<1x1x16xf32>,
        %swap3A_372 = vector.shape_cast %swap3A_371 : vector<1x1x16xf32> to vector<16xf32>
        %swap3A_373 = vector.shape_cast %max3A_366 : vector<16xf32> to vector<1x1x16xf32>
        tpu.vector_store %arg11[%swap3A_368, %swap3A_369, %swap3A_370], %swap3A_373 {strides = array<i32>} : memref<2x40x128xf32, #tpu.memory_space<vmem>>, vector<1x1x16xf32>,
        %get3A_374 = arith.constant 0 : i32
        %get3A_375 = arith.index_cast %get3A_374 : i32 to index
        %get3A_376 = arith.index_cast %add3A_330 : i32 to index
        %get3A_377 = arith.constant 32 : index
        %get3A_378 = tpu.vector_load %arg10[%get3A_375, %get3A_376, %get3A_377] {strides = array<i32>} : memref<2x40x128xf32, #tpu.memory_space<vmem>>, vector<1x1x16xf32>,
        %get3A_379 = vector.shape_cast %get3A_378 : vector<1x1x16xf32> to vector<16xf32>
        %get3A_380 = arith.constant 0 : i32
        %get3A_381 = arith.index_cast %get3A_380 : i32 to index
        %get3A_382 = arith.index_cast %add3A_330 : i32 to index
        %get3A_383 = arith.constant 32 : index
        %get3A_384 = tpu.vector_load %arg9[%get3A_381, %get3A_382, %get3A_383] {strides = array<i32>} : memref<2x40x128xf32, #tpu.memory_space<vmem>>, vector<1x1x16xf32>,
        %get3A_385 = vector.shape_cast %get3A_384 : vector<1x1x16xf32> to vector<16xf32>
        %add3A_386 = arith.addf %get3A_379, %get3A_385 : vector<16xf32>
        %max3A_387 = arith.constant 0.000000e+00 : f32
        %max3A_388 = vector.broadcast %max3A_387 : f32 to vector<16xf32>
        %max3A_389 = arith.maximumf %add3A_386, %max3A_388 : vector<16xf32>
        %swap3A_390 = arith.constant 0 : i32
        %swap3A_391 = arith.index_cast %swap3A_390 : i32 to index
        %swap3A_392 = arith.index_cast %add3A_330 : i32 to index
        %swap3A_393 = arith.constant 32 : index
        %swap3A_394 = tpu.vector_load %arg11[%swap3A_391, %swap3A_392, %swap3A_393] {strides = array<i32>} : memref<2x40x128xf32, #tpu.memory_space<vmem>>, vector<1x1x16xf32>,
        %swap3A_395 = vector.shape_cast %swap3A_394 : vector<1x1x16xf32> to vector<16xf32>
        %swap3A_396 = vector.shape_cast %max3A_389 : vector<16xf32> to vector<1x1x16xf32>
        tpu.vector_store %arg11[%swap3A_391, %swap3A_392, %swap3A_393], %swap3A_396 {strides = array<i32>} : memref<2x40x128xf32, #tpu.memory_space<vmem>>, vector<1x1x16xf32>,
        %get3A_397 = arith.constant 0 : i32
        %get3A_398 = arith.index_cast %get3A_397 : i32 to index
        %get3A_399 = arith.index_cast %add3A_330 : i32 to index
        %get3A_400 = arith.constant 48 : index
        %get3A_401 = tpu.vector_load %arg10[%get3A_398, %get3A_399, %get3A_400] {strides = array<i32>} : memref<2x40x128xf32, #tpu.memory_space<vmem>>, vector<1x1x16xf32>,
        %get3A_402 = vector.shape_cast %get3A_401 : vector<1x1x16xf32> to vector<16xf32>
        %get3A_403 = arith.constant 0 : i32
        %get3A_404 = arith.index_cast %get3A_403 : i32 to index
        %get3A_405 = arith.index_cast %add3A_330 : i32 to index
        %get3A_406 = arith.constant 48 : index
        %get3A_407 = tpu.vector_load %arg9[%get3A_404, %get3A_405, %get3A_406] {strides = array<i32>} : memref<2x40x128xf32, #tpu.memory_space<vmem>>, vector<1x1x16xf32>,
        %get3A_408 = vector.shape_cast %get3A_407 : vector<1x1x16xf32> to vector<16xf32>
        %add3A_409 = arith.addf %get3A_402, %get3A_408 : vector<16xf32>
        %max3A_410 = arith.constant 0.000000e+00 : f32
        %max3A_411 = vector.broadcast %max3A_410 : f32 to vector<16xf32>
        %max3A_412 = arith.maximumf %add3A_409, %max3A_411 : vector<16xf32>
        %swap3A_413 = arith.constant 0 : i32
        %swap3A_414 = arith.index_cast %swap3A_413 : i32 to index
        %swap3A_415 = arith.index_cast %add3A_330 : i32 to index
        %swap3A_416 = arith.constant 48 : index
        %swap3A_417 = tpu.vector_load %arg11[%swap3A_414, %swap3A_415, %swap3A_416] {strides = array<i32>} : memref<2x40x128xf32, #tpu.memory_space<vmem>>, vector<1x1x16xf32>,
        %swap3A_418 = vector.shape_cast %swap3A_417 : vector<1x1x16xf32> to vector<16xf32>
        %swap3A_419 = vector.shape_cast %max3A_412 : vector<16xf32> to vector<1x1x16xf32>
        tpu.vector_store %arg11[%swap3A_414, %swap3A_415, %swap3A_416], %swap3A_419 {strides = array<i32>} : memref<2x40x128xf32, #tpu.memory_space<vmem>>, vector<1x1x16xf32>,
        %get3A_420 = arith.constant 0 : i32
        %get3A_421 = arith.index_cast %get3A_420 : i32 to index
        %get3A_422 = arith.index_cast %add3A_330 : i32 to index
        %get3A_423 = arith.constant 64 : index
        %get3A_424 = tpu.vector_load %arg10[%get3A_421, %get3A_422, %get3A_423] {strides = array<i32>} : memref<2x40x128xf32, #tpu.memory_space<vmem>>, vector<1x1x16xf32>,
        %get3A_425 = vector.shape_cast %get3A_424 : vector<1x1x16xf32> to vector<16xf32>
        %get3A_426 = arith.constant 0 : i32
        %get3A_427 = arith.index_cast %get3A_426 : i32 to index
        %get3A_428 = arith.index_cast %add3A_330 : i32 to index
        %get3A_429 = arith.constant 64 : index
        %get3A_430 = tpu.vector_load %arg9[%get3A_427, %get3A_428, %get3A_429] {strides = array<i32>} : memref<2x40x128xf32, #tpu.memory_space<vmem>>, vector<1x1x16xf32>,
        %get3A_431 = vector.shape_cast %get3A_430 : vector<1x1x16xf32> to vector<16xf32>
        %add3A_432 = arith.addf %get3A_425, %get3A_431 : vector<16xf32>
        %max3A_433 = arith.constant 0.000000e+00 : f32
        %max3A_434 = vector.broadcast %max3A_433 : f32 to vector<16xf32>
        %max3A_435 = arith.maximumf %add3A_432, %max3A_434 : vector<16xf32>
        %swap3A_436 = arith.constant 0 : i32
        %swap3A_437 = arith.index_cast %swap3A_436 : i32 to index
        %swap3A_438 = arith.index_cast %add3A_330 : i32 to index
        %swap3A_439 = arith.constant 64 : index
        %swap3A_440 = tpu.vector_load %arg11[%swap3A_437, %swap3A_438, %swap3A_439] {strides = array<i32>} : memref<2x40x128xf32, #tpu.memory_space<vmem>>, vector<1x1x16xf32>,
        %swap3A_441 = vector.shape_cast %swap3A_440 : vector<1x1x16xf32> to vector<16xf32>
        %swap3A_442 = vector.shape_cast %max3A_435 : vector<16xf32> to vector<1x1x16xf32>
        tpu.vector_store %arg11[%swap3A_437, %swap3A_438, %swap3A_439], %swap3A_442 {strides = array<i32>} : memref<2x40x128xf32, #tpu.memory_space<vmem>>, vector<1x1x16xf32>,
        %get3A_443 = arith.constant 0 : i32
        %get3A_444 = arith.index_cast %get3A_443 : i32 to index
        %get3A_445 = arith.index_cast %add3A_330 : i32 to index
        %get3A_446 = arith.constant 80 : index
        %get3A_447 = tpu.vector_load %arg10[%get3A_444, %get3A_445, %get3A_446] {strides = array<i32>} : memref<2x40x128xf32, #tpu.memory_space<vmem>>, vector<1x1x16xf32>,
        %get3A_448 = vector.shape_cast %get3A_447 : vector<1x1x16xf32> to vector<16xf32>
        %get3A_449 = arith.constant 0 : i32
        %get3A_450 = arith.index_cast %get3A_449 : i32 to index
        %get3A_451 = arith.index_cast %add3A_330 : i32 to index
        %get3A_452 = arith.constant 80 : index
        %get3A_453 = tpu.vector_load %arg9[%get3A_450, %get3A_451, %get3A_452] {strides = array<i32>} : memref<2x40x128xf32, #tpu.memory_space<vmem>>, vector<1x1x16xf32>,
        %get3A_454 = vector.shape_cast %get3A_453 : vector<1x1x16xf32> to vector<16xf32>
        %add3A_455 = arith.addf %get3A_448, %get3A_454 : vector<16xf32>
        %max3A_456 = arith.constant 0.000000e+00 : f32
        %max3A_457 = vector.broadcast %max3A_456 : f32 to vector<16xf32>
        %max3A_458 = arith.maximumf %add3A_455, %max3A_457 : vector<16xf32>
        %swap3A_459 = arith.constant 0 : i32
        %swap3A_460 = arith.index_cast %swap3A_459 : i32 to index
        %swap3A_461 = arith.index_cast %add3A_330 : i32 to index
        %swap3A_462 = arith.constant 80 : index
        %swap3A_463 = tpu.vector_load %arg11[%swap3A_460, %swap3A_461, %swap3A_462] {strides = array<i32>} : memref<2x40x128xf32, #tpu.memory_space<vmem>>, vector<1x1x16xf32>,
        %swap3A_464 = vector.shape_cast %swap3A_463 : vector<1x1x16xf32> to vector<16xf32>
        %swap3A_465 = vector.shape_cast %max3A_458 : vector<16xf32> to vector<1x1x16xf32>
        tpu.vector_store %arg11[%swap3A_460, %swap3A_461, %swap3A_462], %swap3A_465 {strides = array<i32>} : memref<2x40x128xf32, #tpu.memory_space<vmem>>, vector<1x1x16xf32>,
        %get3A_466 = arith.constant 0 : i32
        %get3A_467 = arith.index_cast %get3A_466 : i32 to index
        %get3A_468 = arith.index_cast %add3A_330 : i32 to index
        %get3A_469 = arith.constant 96 : index
        %get3A_470 = tpu.vector_load %arg10[%get3A_467, %get3A_468, %get3A_469] {strides = array<i32>} : memref<2x40x128xf32, #tpu.memory_space<vmem>>, vector<1x1x16xf32>,
        %get3A_471 = vector.shape_cast %get3A_470 : vector<1x1x16xf32> to vector<16xf32>
        %get3A_472 = arith.constant 0 : i32
        %get3A_473 = arith.index_cast %get3A_472 : i32 to index
        %get3A_474 = arith.index_cast %add3A_330 : i32 to index
        %get3A_475 = arith.constant 96 : index
        %get3A_476 = tpu.vector_load %arg9[%get3A_473, %get3A_474, %get3A_475] {strides = array<i32>} : memref<2x40x128xf32, #tpu.memory_space<vmem>>, vector<1x1x16xf32>,
        %get3A_477 = vector.shape_cast %get3A_476 : vector<1x1x16xf32> to vector<16xf32>
        %add3A_478 = arith.addf %get3A_471, %get3A_477 : vector<16xf32>
        %max3A_479 = arith.constant 0.000000e+00 : f32
        %max3A_480 = vector.broadcast %max3A_479 : f32 to vector<16xf32>
        %max3A_481 = arith.maximumf %add3A_478, %max3A_480 : vector<16xf32>
        %swap3A_482 = arith.constant 0 : i32
        %swap3A_483 = arith.index_cast %swap3A_482 : i32 to index
        %swap3A_484 = arith.index_cast %add3A_330 : i32 to index
        %swap3A_485 = arith.constant 96 : index
        %swap3A_486 = tpu.vector_load %arg11[%swap3A_483, %swap3A_484, %swap3A_485] {strides = array<i32>} : memref<2x40x128xf32, #tpu.memory_space<vmem>>, vector<1x1x16xf32>,
        %swap3A_487 = vector.shape_cast %swap3A_486 : vector<1x1x16xf32> to vector<16xf32>
        %swap3A_488 = vector.shape_cast %max3A_481 : vector<16xf32> to vector<1x1x16xf32>
        tpu.vector_store %arg11[%swap3A_483, %swap3A_484, %swap3A_485], %swap3A_488 {strides = array<i32>} : memref<2x40x128xf32, #tpu.memory_space<vmem>>, vector<1x1x16xf32>,
        %get3A_489 = arith.constant 0 : i32
        %get3A_490 = arith.index_cast %get3A_489 : i32 to index
        %get3A_491 = arith.index_cast %add3A_330 : i32 to index
        %get3A_492 = arith.constant 112 : index
        %get3A_493 = tpu.vector_load %arg10[%get3A_490, %get3A_491, %get3A_492] {strides = array<i32>} : memref<2x40x128xf32, #tpu.memory_space<vmem>>, vector<1x1x16xf32>,
        %get3A_494 = vector.shape_cast %get3A_493 : vector<1x1x16xf32> to vector<16xf32>
        %get3A_495 = arith.constant 0 : i32
        %get3A_496 = arith.index_cast %get3A_495 : i32 to index
        %get3A_497 = arith.index_cast %add3A_330 : i32 to index
        %get3A_498 = arith.constant 112 : index
        %get3A_499 = tpu.vector_load %arg9[%get3A_496, %get3A_497, %get3A_498] {strides = array<i32>} : memref<2x40x128xf32, #tpu.memory_space<vmem>>, vector<1x1x16xf32>,
        %get3A_500 = vector.shape_cast %get3A_499 : vector<1x1x16xf32> to vector<16xf32>
        %add3A_501 = arith.addf %get3A_494, %get3A_500 : vector<16xf32>
        %max3A_502 = arith.constant 0.000000e+00 : f32
        %max3A_503 = vector.broadcast %max3A_502 : f32 to vector<16xf32>
        %max3A_504 = arith.maximumf %add3A_501, %max3A_503 : vector<16xf32>
        %swap3A_505 = arith.constant 0 : i32
        %swap3A_506 = arith.index_cast %swap3A_505 : i32 to index
        %swap3A_507 = arith.index_cast %add3A_330 : i32 to index
        %swap3A_508 = arith.constant 112 : index
        %swap3A_509 = tpu.vector_load %arg11[%swap3A_506, %swap3A_507, %swap3A_508] {strides = array<i32>} : memref<2x40x128xf32, #tpu.memory_space<vmem>>, vector<1x1x16xf32>,
        %swap3A_510 = vector.shape_cast %swap3A_509 : vector<1x1x16xf32> to vector<16xf32>
        %swap3A_511 = vector.shape_cast %max3A_504 : vector<16xf32> to vector<1x1x16xf32>
        tpu.vector_store %arg11[%swap3A_506, %swap3A_507, %swap3A_508], %swap3A_511 {strides = array<i32>} : memref<2x40x128xf32, #tpu.memory_space<vmem>>, vector<1x1x16xf32>,
      }
      %scan3A_182 = arith.constant 40 : i32
      %mul3A_183 = arith.constant 40 : i32
      %mul3A_184 = arith.muli %add3A_142, %mul3A_183 : i32
      %add3A_185 = arith.addi %mul3A_2, %mul3A_184 : i32
      %multiple_of3A_186 = tpu.assume_multiple %add3A_185, 8 : i32
      %dma_wait3A_187 = arith.constant 0 : i32
      %dma_wait3A_188 = arith.constant 0 : i32
      %dma_wait3A_189 = arith.constant 0 : i32
      %dma_wait3A_190 = tpu.memref_slice %arg7[%dma_wait3A_187, %dma_wait3A_189] : memref<2x40xi32, #tpu.memory_space<vmem>> -> memref<1x40xi32, #tpu.memory_space<vmem>>
      %dma_wait3A_191 = tpu.memref_squeeze %dma_wait3A_190 : memref<1x40xi32, #tpu.memory_space<vmem>> -> memref<40xi32, #tpu.memory_space<vmem>>
      %dma_wait3A_192 = tpu.memref_slice %arg5[%multiple_of3A_186] : memref<320000xi32, #tpu.memory_space<hbm>> -> memref<40xi32, #tpu.memory_space<hbm>>
      %dma_wait3A_193 = tpu.memref_slice %arg12[%dma_wait3A_188] : memref<2x!tpu.dma_semaphore, #tpu.memory_space<semaphore_mem>> -> memref<1x!tpu.dma_semaphore, #tpu.memory_space<semaphore_mem>>
      %dma_wait3A_194 = tpu.memref_squeeze %dma_wait3A_193 : memref<1x!tpu.dma_semaphore, #tpu.memory_space<semaphore_mem>> -> memref<!tpu.dma_semaphore, #tpu.memory_space<semaphore_mem>>
      %dma_wait3A_195 = arith.constant 0 : i32
      %dma_wait3A_196 = tpu.memref_slice %arg7[%dma_wait3A_187, %dma_wait3A_195] : memref<2x40xi32, #tpu.memory_space<vmem>> -> memref<1x40xi32, #tpu.memory_space<vmem>>
      %dma_wait3A_197 = tpu.memref_squeeze %dma_wait3A_196 : memref<1x40xi32, #tpu.memory_space<vmem>> -> memref<40xi32, #tpu.memory_space<vmem>>
      %dma_wait3A_198 = tpu.memref_slice %arg5[%multiple_of3A_186] : memref<320000xi32, #tpu.memory_space<hbm>> -> memref<40xi32, #tpu.memory_space<hbm>>
      tpu.wait_dma2 semaphore(%dma_wait3A_194 : memref<!tpu.dma_semaphore, #tpu.memory_space<semaphore_mem>>) src(%dma_wait3A_198 : memref<40xi32, #tpu.memory_space<hbm>>) dst(%dma_wait3A_197 : memref<40xi32, #tpu.memory_space<vmem>>)
      %dma_start3A_199 = arith.constant 0 : i32
      %dma_start3A_200 = arith.constant 0 : i32
      %dma_start3A_201 = arith.constant 0 : i32
      %dma_start3A_202 = arith.constant 0 : i32
      %dma_start3A_203 = arith.constant 0 : i32
      %dma_start3A_204 = tpu.memref_slice %arg11[%dma_start3A_199, %dma_start3A_202, %dma_start3A_203] : memref<2x40x128xf32, #tpu.memory_space<vmem>> -> memref<1x40x128xf32, #tpu.memory_space<vmem>>
      %dma_start3A_205 = tpu.memref_squeeze %dma_start3A_204 : memref<1x40x128xf32, #tpu.memory_space<vmem>> -> memref<40x128xf32, #tpu.memory_space<vmem>>
      %dma_start3A_206 = arith.constant 0 : i32
      %dma_start3A_207 = tpu.memref_slice %arg7[%dma_start3A_200, %dma_start3A_206] : memref<2x40xi32, #tpu.memory_space<vmem>> -> memref<1x40xi32, #tpu.memory_space<vmem>>
      %dma_start3A_208 = tpu.memref_squeeze %dma_start3A_207 : memref<1x40xi32, #tpu.memory_space<vmem>> -> memref<40xi32, #tpu.memory_space<vmem>>
      %dma_start3A_209 = arith.constant 0 : i32
      %dma_start3A_210 = arith.constant 0 : i32
      %dma_start3A_211 = tpu.memref_slice %arg17[%dma_start3A_209, %dma_start3A_210] : memref<10000x128xf32, #tpu.memory_space<vmem_shared>> -> memref<10000x128xf32, #tpu.memory_space<vmem_shared>>
      %dma_start3A_212 = tpu.memref_slice %arg16[%dma_start3A_201] : memref<2x!tpu.dma_semaphore, #tpu.memory_space<semaphore_mem>> -> memref<1x!tpu.dma_semaphore, #tpu.memory_space<semaphore_mem>>
      %dma_start3A_213 = tpu.memref_squeeze %dma_start3A_212 : memref<1x!tpu.dma_semaphore, #tpu.memory_space<semaphore_mem>> -> memref<!tpu.dma_semaphore, #tpu.memory_space<semaphore_mem>>
      tpu.enqueue_indirect_dma source(%dma_start3A_205 : memref<40x128xf32, #tpu.memory_space<vmem>>) target(%dma_start3A_211 : memref<10000x128xf32, #tpu.memory_space<vmem_shared>>) offsets(%dma_start3A_208 : memref<40xi32, #tpu.memory_space<vmem>>) semaphore(%dma_start3A_213 : memref<!tpu.dma_semaphore, #tpu.memory_space<semaphore_mem>>) {add = true}
      %ge3A = arith.constant 1 : i32
      %ge3A_214 = arith.cmpi sge, %add3A_142, %ge3A : i32
      %convert_element_type3A = arith.extui %ge3A_214 : i1 to i32
      %cond3A = arith.constant 0 : i32
      %cond3A_215 = arith.cmpi ne, %convert_element_type3A, %cond3A : i32
      scf.if %cond3A_215 {
        %sub3A = arith.constant 1 : i32
        %sub3A_326 = arith.subi %add3A_142, %sub3A : i32
        %dma_wait3A_327 = arith.constant 1 : i32
        %dma_wait3A_328 = arith.constant 1 : i32
        %dma_wait3A_329 = arith.constant 1 : i32
        %dma_wait3A_330 = arith.constant 0 : i32
        %dma_wait3A_331 = arith.constant 0 : i32
        %dma_wait3A_332 = tpu.memref_slice %arg11[%dma_wait3A_327, %dma_wait3A_330, %dma_wait3A_331] : memref<2x40x128xf32, #tpu.memory_space<vmem>> -> memref<1x40x128xf32, #tpu.memory_space<vmem>>
        %dma_wait3A_333 = tpu.memref_squeeze %dma_wait3A_332 : memref<1x40x128xf32, #tpu.memory_space<vmem>> -> memref<40x128xf32, #tpu.memory_space<vmem>>
        %dma_wait3A_334 = arith.constant 0 : i32
        %dma_wait3A_335 = tpu.memref_slice %arg7[%dma_wait3A_328, %dma_wait3A_334] : memref<2x40xi32, #tpu.memory_space<vmem>> -> memref<1x40xi32, #tpu.memory_space<vmem>>
        %dma_wait3A_336 = tpu.memref_squeeze %dma_wait3A_335 : memref<1x40xi32, #tpu.memory_space<vmem>> -> memref<40xi32, #tpu.memory_space<vmem>>
        %dma_wait3A_337 = arith.constant 0 : i32
        %dma_wait3A_338 = arith.constant 0 : i32
        %dma_wait3A_339 = tpu.memref_slice %arg17[%dma_wait3A_337, %dma_wait3A_338] : memref<10000x128xf32, #tpu.memory_space<vmem_shared>> -> memref<10000x128xf32, #tpu.memory_space<vmem_shared>>
        %dma_wait3A_340 = tpu.memref_slice %arg16[%dma_wait3A_329] : memref<2x!tpu.dma_semaphore, #tpu.memory_space<semaphore_mem>> -> memref<1x!tpu.dma_semaphore, #tpu.memory_space<semaphore_mem>>
        %dma_wait3A_341 = tpu.memref_squeeze %dma_wait3A_340 : memref<1x!tpu.dma_semaphore, #tpu.memory_space<semaphore_mem>> -> memref<!tpu.dma_semaphore, #tpu.memory_space<semaphore_mem>>
        tpu.wait_indirect_dma semaphore(%dma_wait3A_341 : memref<!tpu.dma_semaphore, #tpu.memory_space<semaphore_mem>>) src(%dma_wait3A_333 : memref<40x128xf32, #tpu.memory_space<vmem>>) dst(%dma_wait3A_339 : memref<10000x128xf32, #tpu.memory_space<vmem_shared>>)
      } else {
      }
      %ge3A_216 = arith.constant 1 : i32
      %ge3A_217 = arith.cmpi sge, %add3A_142, %ge3A_216 : i32
      %add3A_218 = arith.constant 1 : i32
      %add3A_219 = arith.addi %add3A_142, %add3A_218 : i32
      %lt3A = arith.constant 250 : i32
      %lt3A_220 = arith.cmpi slt, %add3A_219, %lt3A : i32
      %and3A = arith.andi %ge3A_217, %lt3A_220 : i1
      %convert_element_type3A_221 = arith.extui %and3A : i1 to i32
      %cond3A_222 = arith.constant 0 : i32
      %cond3A_223 = arith.cmpi ne, %convert_element_type3A_221, %cond3A_222 : i32
      scf.if %cond3A_223 {
        %add3A_326 = arith.constant 1 : i32
        %add3A_327 = arith.addi %add3A_142, %add3A_326 : i32
        %mul3A_328 = arith.constant 40 : i32
        %mul3A_329 = arith.muli %add3A_327, %mul3A_328 : i32
        %add3A_330 = arith.addi %mul3A_2, %mul3A_329 : i32
        %multiple_of3A_331 = tpu.assume_multiple %add3A_330, 8 : i32
        %dma_start3A_332 = arith.constant 1 : i32
        %dma_start3A_333 = arith.constant 1 : i32
        %dma_start3A_334 = arith.constant 0 : i32
        %dma_start3A_335 = tpu.memref_slice %arg7[%dma_start3A_332, %dma_start3A_334] : memref<2x40xi32, #tpu.memory_space<vmem>> -> memref<1x40xi32, #tpu.memory_space<vmem>>
        %dma_start3A_336 = tpu.memref_squeeze %dma_start3A_335 : memref<1x40xi32, #tpu.memory_space<vmem>> -> memref<40xi32, #tpu.memory_space<vmem>>
        %dma_start3A_337 = tpu.memref_slice %arg5[%multiple_of3A_331] : memref<320000xi32, #tpu.memory_space<hbm>> -> memref<40xi32, #tpu.memory_space<hbm>>
        %dma_start3A_338 = tpu.memref_slice %arg12[%dma_start3A_333] : memref<2x!tpu.dma_semaphore, #tpu.memory_space<semaphore_mem>> -> memref<1x!tpu.dma_semaphore, #tpu.memory_space<semaphore_mem>>
        %dma_start3A_339 = tpu.memref_squeeze %dma_start3A_338 : memref<1x!tpu.dma_semaphore, #tpu.memory_space<semaphore_mem>> -> memref<!tpu.dma_semaphore, #tpu.memory_space<semaphore_mem>>
        %dma_start3A_340 = arith.constant 0 : i32
        %dma_start3A_341 = tpu.memref_slice %arg7[%dma_start3A_332, %dma_start3A_340] : memref<2x40xi32, #tpu.memory_space<vmem>> -> memref<1x40xi32, #tpu.memory_space<vmem>>
        %dma_start3A_342 = tpu.memref_squeeze %dma_start3A_341 : memref<1x40xi32, #tpu.memory_space<vmem>> -> memref<40xi32, #tpu.memory_space<vmem>>
        %dma_start3A_343 = tpu.memref_slice %arg5[%multiple_of3A_331] : memref<320000xi32, #tpu.memory_space<hbm>> -> memref<40xi32, #tpu.memory_space<hbm>>
        tpu.enqueue_dma source(%dma_start3A_343 : memref<40xi32, #tpu.memory_space<hbm>>) target(%dma_start3A_342 : memref<40xi32, #tpu.memory_space<vmem>>) target_semaphore(%dma_start3A_339 : memref<!tpu.dma_semaphore, #tpu.memory_space<semaphore_mem>>)
      } else {
      }
      %add3A_224 = arith.constant 2 : i32
      %add3A_225 = arith.addi %add3A_142, %add3A_224 : i32
      %lt3A_226 = arith.constant 250 : i32
      %lt3A_227 = arith.cmpi slt, %add3A_225, %lt3A_226 : i32
      %convert_element_type3A_228 = arith.extui %lt3A_227 : i1 to i32
      %cond3A_229 = arith.constant 0 : i32
      %cond3A_230 = arith.cmpi ne, %convert_element_type3A_228, %cond3A_229 : i32
      scf.if %cond3A_230 {
        %add3A_326 = arith.constant 2 : i32
        %add3A_327 = arith.addi %add3A_142, %add3A_326 : i32
        %mul3A_328 = arith.constant 40 : i32
        %mul3A_329 = arith.muli %add3A_327, %mul3A_328 : i32
        %multiple_of3A_330 = tpu.assume_multiple %mul3A_329, 8 : i32
        %dma_start3A_331 = arith.constant 0 : i32
        %dma_start3A_332 = arith.constant 0 : i32
        %dma_start3A_333 = arith.constant 0 : i32
        %dma_start3A_334 = arith.constant 0 : i32
        %dma_start3A_335 = tpu.memref_slice %arg9[%dma_start3A_331, %dma_start3A_333, %dma_start3A_334] : memref<2x40x128xf32, #tpu.memory_space<vmem>> -> memref<1x40x128xf32, #tpu.memory_space<vmem>>
        %dma_start3A_336 = tpu.memref_squeeze %dma_start3A_335 : memref<1x40x128xf32, #tpu.memory_space<vmem>> -> memref<40x128xf32, #tpu.memory_space<vmem>>
        %dma_start3A_337 = tpu.memref_slice %arg8[%multiple_of3A_330] : memref<10000xi32, #tpu.memory_space<vmem>> -> memref<40xi32, #tpu.memory_space<vmem>>
        %dma_start3A_338 = arith.constant 0 : i32
        %dma_start3A_339 = arith.constant 0 : i32
        %dma_start3A_340 = tpu.memref_slice %arg2[%dma_start3A_338, %dma_start3A_339] : memref<10000x128xf32, #tpu.memory_space<hbm>> -> memref<10000x128xf32, #tpu.memory_space<hbm>>
        %dma_start3A_341 = tpu.memref_slice %arg13[%dma_start3A_332] : memref<2x!tpu.dma_semaphore, #tpu.memory_space<semaphore_mem>> -> memref<1x!tpu.dma_semaphore, #tpu.memory_space<semaphore_mem>>
        %dma_start3A_342 = tpu.memref_squeeze %dma_start3A_341 : memref<1x!tpu.dma_semaphore, #tpu.memory_space<semaphore_mem>> -> memref<!tpu.dma_semaphore, #tpu.memory_space<semaphore_mem>>
        tpu.enqueue_indirect_dma source(%dma_start3A_340 : memref<10000x128xf32, #tpu.memory_space<hbm>>) target(%dma_start3A_336 : memref<40x128xf32, #tpu.memory_space<vmem>>) offsets(%dma_start3A_337 : memref<40xi32, #tpu.memory_space<vmem>>) semaphore(%dma_start3A_342 : memref<!tpu.dma_semaphore, #tpu.memory_space<semaphore_mem>>)
        %mul3A_343 = arith.constant 40 : i32
        %mul3A_344 = arith.muli %add3A_327, %mul3A_343 : i32
        %add3A_345 = arith.addi %mul3A_2, %mul3A_344 : i32
        %multiple_of3A_346 = tpu.assume_multiple %add3A_345, 8 : i32
        %dma_start3A_347 = arith.constant 0 : i32
        %dma_start3A_348 = arith.constant 0 : i32
        %dma_start3A_349 = arith.constant 0 : i32
        %dma_start3A_350 = arith.constant 0 : i32
        %dma_start3A_351 = tpu.memref_slice %arg10[%dma_start3A_347, %dma_start3A_349, %dma_start3A_350] : memref<2x40x128xf32, #tpu.memory_space<vmem>> -> memref<1x40x128xf32, #tpu.memory_space<vmem>>
        %dma_start3A_352 = tpu.memref_squeeze %dma_start3A_351 : memref<1x40x128xf32, #tpu.memory_space<vmem>> -> memref<40x128xf32, #tpu.memory_space<vmem>>
        %dma_start3A_353 = arith.constant 0 : i32
        %dma_start3A_354 = tpu.memref_slice %arg3[%multiple_of3A_346, %dma_start3A_353] : memref<320000x128xf32, #tpu.memory_space<hbm>> -> memref<40x128xf32, #tpu.memory_space<hbm>>
        %dma_start3A_355 = tpu.memref_slice %arg14[%dma_start3A_348] : memref<2x!tpu.dma_semaphore, #tpu.memory_space<semaphore_mem>> -> memref<1x!tpu.dma_semaphore, #tpu.memory_space<semaphore_mem>>
        %dma_start3A_356 = tpu.memref_squeeze %dma_start3A_355 : memref<1x!tpu.dma_semaphore, #tpu.memory_space<semaphore_mem>> -> memref<!tpu.dma_semaphore, #tpu.memory_space<semaphore_mem>>
        %dma_start3A_357 = arith.constant 0 : i32
        %dma_start3A_358 = arith.constant 0 : i32
        %dma_start3A_359 = tpu.memref_slice %arg10[%dma_start3A_347, %dma_start3A_357, %dma_start3A_358] : memref<2x40x128xf32, #tpu.memory_space<vmem>> -> memref<1x40x128xf32, #tpu.memory_space<vmem>>
        %dma_start3A_360 = tpu.memref_squeeze %dma_start3A_359 : memref<1x40x128xf32, #tpu.memory_space<vmem>> -> memref<40x128xf32, #tpu.memory_space<vmem>>
        %dma_start3A_361 = arith.constant 0 : i32
        %dma_start3A_362 = tpu.memref_slice %arg3[%multiple_of3A_346, %dma_start3A_361] : memref<320000x128xf32, #tpu.memory_space<hbm>> -> memref<40x128xf32, #tpu.memory_space<hbm>>
        tpu.enqueue_dma source(%dma_start3A_362 : memref<40x128xf32, #tpu.memory_space<hbm>>) target(%dma_start3A_360 : memref<40x128xf32, #tpu.memory_space<vmem>>) target_semaphore(%dma_start3A_356 : memref<!tpu.dma_semaphore, #tpu.memory_space<semaphore_mem>>)
      } else {
      }
      %add3A_231 = arith.constant 1 : i32
      %add3A_232 = arith.addi %mul3A_140, %add3A_231 : i32
      %mul3A_233 = arith.constant 40 : i32
      %mul3A_234 = arith.muli %add3A_232, %mul3A_233 : i32
      %multiple_of3A_235 = tpu.assume_multiple %mul3A_234, 8 : i32
      %dma_wait3A_236 = arith.constant 1 : i32
      %dma_wait3A_237 = arith.constant 1 : i32
      %dma_wait3A_238 = arith.constant 0 : i32
      %dma_wait3A_239 = arith.constant 0 : i32
      %dma_wait3A_240 = tpu.memref_slice %arg9[%dma_wait3A_236, %dma_wait3A_238, %dma_wait3A_239] : memref<2x40x128xf32, #tpu.memory_space<vmem>> -> memref<1x40x128xf32, #tpu.memory_space<vmem>>
      %dma_wait3A_241 = tpu.memref_squeeze %dma_wait3A_240 : memref<1x40x128xf32, #tpu.memory_space<vmem>> -> memref<40x128xf32, #tpu.memory_space<vmem>>
      %dma_wait3A_242 = tpu.memref_slice %arg8[%multiple_of3A_235] : memref<10000xi32, #tpu.memory_space<vmem>> -> memref<40xi32, #tpu.memory_space<vmem>>
      %dma_wait3A_243 = arith.constant 0 : i32
      %dma_wait3A_244 = arith.constant 0 : i32
      %dma_wait3A_245 = tpu.memref_slice %arg2[%dma_wait3A_243, %dma_wait3A_244] : memref<10000x128xf32, #tpu.memory_space<hbm>> -> memref<10000x128xf32, #tpu.memory_space<hbm>>
      %dma_wait3A_246 = tpu.memref_slice %arg13[%dma_wait3A_237] : memref<2x!tpu.dma_semaphore, #tpu.memory_space<semaphore_mem>> -> memref<1x!tpu.dma_semaphore, #tpu.memory_space<semaphore_mem>>
      %dma_wait3A_247 = tpu.memref_squeeze %dma_wait3A_246 : memref<1x!tpu.dma_semaphore, #tpu.memory_space<semaphore_mem>> -> memref<!tpu.dma_semaphore, #tpu.memory_space<semaphore_mem>>
      tpu.wait_indirect_dma semaphore(%dma_wait3A_247 : memref<!tpu.dma_semaphore, #tpu.memory_space<semaphore_mem>>) src(%dma_wait3A_245 : memref<10000x128xf32, #tpu.memory_space<hbm>>) dst(%dma_wait3A_241 : memref<40x128xf32, #tpu.memory_space<vmem>>)
      %mul3A_248 = arith.constant 40 : i32
      %mul3A_249 = arith.muli %add3A_232, %mul3A_248 : i32
      %add3A_250 = arith.addi %mul3A_2, %mul3A_249 : i32
      %multiple_of3A_251 = tpu.assume_multiple %add3A_250, 8 : i32
      %dma_wait3A_252 = arith.constant 1 : i32
      %dma_wait3A_253 = arith.constant 1 : i32
      %dma_wait3A_254 = arith.constant 0 : i32
      %dma_wait3A_255 = arith.constant 0 : i32
      %dma_wait3A_256 = tpu.memref_slice %arg10[%dma_wait3A_252, %dma_wait3A_254, %dma_wait3A_255] : memref<2x40x128xf32, #tpu.memory_space<vmem>> -> memref<1x40x128xf32, #tpu.memory_space<vmem>>
      %dma_wait3A_257 = tpu.memref_squeeze %dma_wait3A_256 : memref<1x40x128xf32, #tpu.memory_space<vmem>> -> memref<40x128xf32, #tpu.memory_space<vmem>>
      %dma_wait3A_258 = arith.constant 0 : i32
      %dma_wait3A_259 = tpu.memref_slice %arg3[%multiple_of3A_251, %dma_wait3A_258] : memref<320000x128xf32, #tpu.memory_space<hbm>> -> memref<40x128xf32, #tpu.memory_space<hbm>>
      %dma_wait3A_260 = tpu.memref_slice %arg14[%dma_wait3A_253] : memref<2x!tpu.dma_semaphore, #tpu.memory_space<semaphore_mem>> -> memref<1x!tpu.dma_semaphore, #tpu.memory_space<semaphore_mem>>
      %dma_wait3A_261 = tpu.memref_squeeze %dma_wait3A_260 : memref<1x!tpu.dma_semaphore, #tpu.memory_space<semaphore_mem>> -> memref<!tpu.dma_semaphore, #tpu.memory_space<semaphore_mem>>
      %dma_wait3A_262 = arith.constant 0 : i32
      %dma_wait3A_263 = arith.constant 0 : i32
      %dma_wait3A_264 = tpu.memref_slice %arg10[%dma_wait3A_252, %dma_wait3A_262, %dma_wait3A_263] : memref<2x40x128xf32, #tpu.memory_space<vmem>> -> memref<1x40x128xf32, #tpu.memory_space<vmem>>
      %dma_wait3A_265 = tpu.memref_squeeze %dma_wait3A_264 : memref<1x40x128xf32, #tpu.memory_space<vmem>> -> memref<40x128xf32, #tpu.memory_space<vmem>>
      %dma_wait3A_266 = arith.constant 0 : i32
      %dma_wait3A_267 = tpu.memref_slice %arg3[%multiple_of3A_251, %dma_wait3A_266] : memref<320000x128xf32, #tpu.memory_space<hbm>> -> memref<40x128xf32, #tpu.memory_space<hbm>>
      tpu.wait_dma2 semaphore(%dma_wait3A_261 : memref<!tpu.dma_semaphore, #tpu.memory_space<semaphore_mem>>) src(%dma_wait3A_267 : memref<40x128xf32, #tpu.memory_space<hbm>>) dst(%dma_wait3A_265 : memref<40x128xf32, #tpu.memory_space<vmem>>)
      %scan3A_268 = arith.constant 0 : i32
      %scan3A_269 = arith.constant 40 : i32
      %scan3A_270 = arith.addi %scan3A_268, %scan3A_269 : i32
      %scan3A_271 = arith.constant 1 : i32
      scf.for %scan3A_326 = %scan3A_268 to %scan3A_270 step %scan3A_271  : i32 {
        %mul3A_327 = arith.constant 1 : i32
        %mul3A_328 = arith.muli %scan3A_326, %mul3A_327 : i32
        %add3A_329 = arith.constant 0 : i32
        %add3A_330 = arith.addi %add3A_329, %mul3A_328 : i32
        %get3A = arith.constant 1 : i32
        %get3A_331 = arith.index_cast %get3A : i32 to index
        %get3A_332 = arith.index_cast %add3A_330 : i32 to index
        %get3A_333 = arith.constant 0 : index
        %get3A_334 = tpu.vector_load %arg10[%get3A_331, %get3A_332, %get3A_333] {strides = array<i32>} : memref<2x40x128xf32, #tpu.memory_space<vmem>>, vector<1x1x16xf32>,
        %get3A_335 = vector.shape_cast %get3A_334 : vector<1x1x16xf32> to vector<16xf32>
        %get3A_336 = arith.constant 1 : i32
        %get3A_337 = arith.index_cast %get3A_336 : i32 to index
        %get3A_338 = arith.index_cast %add3A_330 : i32 to index
        %get3A_339 = arith.constant 0 : index
        %get3A_340 = tpu.vector_load %arg9[%get3A_337, %get3A_338, %get3A_339] {strides = array<i32>} : memref<2x40x128xf32, #tpu.memory_space<vmem>>, vector<1x1x16xf32>,
        %get3A_341 = vector.shape_cast %get3A_340 : vector<1x1x16xf32> to vector<16xf32>
        %add3A_342 = arith.addf %get3A_335, %get3A_341 : vector<16xf32>
        %max3A = arith.constant 0.000000e+00 : f32
        %max3A_343 = vector.broadcast %max3A : f32 to vector<16xf32>
        %max3A_344 = arith.maximumf %add3A_342, %max3A_343 : vector<16xf32>
        %swap3A = arith.constant 1 : i32
        %swap3A_345 = arith.index_cast %swap3A : i32 to index
        %swap3A_346 = arith.index_cast %add3A_330 : i32 to index
        %swap3A_347 = arith.constant 0 : index
        %swap3A_348 = tpu.vector_load %arg11[%swap3A_345, %swap3A_346, %swap3A_347] {strides = array<i32>} : memref<2x40x128xf32, #tpu.memory_space<vmem>>, vector<1x1x16xf32>,
        %swap3A_349 = vector.shape_cast %swap3A_348 : vector<1x1x16xf32> to vector<16xf32>
        %swap3A_350 = vector.shape_cast %max3A_344 : vector<16xf32> to vector<1x1x16xf32>
        tpu.vector_store %arg11[%swap3A_345, %swap3A_346, %swap3A_347], %swap3A_350 {strides = array<i32>} : memref<2x40x128xf32, #tpu.memory_space<vmem>>, vector<1x1x16xf32>,
        %get3A_351 = arith.constant 1 : i32
        %get3A_352 = arith.index_cast %get3A_351 : i32 to index
        %get3A_353 = arith.index_cast %add3A_330 : i32 to index
        %get3A_354 = arith.constant 16 : index
        %get3A_355 = tpu.vector_load %arg10[%get3A_352, %get3A_353, %get3A_354] {strides = array<i32>} : memref<2x40x128xf32, #tpu.memory_space<vmem>>, vector<1x1x16xf32>,
        %get3A_356 = vector.shape_cast %get3A_355 : vector<1x1x16xf32> to vector<16xf32>
        %get3A_357 = arith.constant 1 : i32
        %get3A_358 = arith.index_cast %get3A_357 : i32 to index
        %get3A_359 = arith.index_cast %add3A_330 : i32 to index
        %get3A_360 = arith.constant 16 : index
        %get3A_361 = tpu.vector_load %arg9[%get3A_358, %get3A_359, %get3A_360] {strides = array<i32>} : memref<2x40x128xf32, #tpu.memory_space<vmem>>, vector<1x1x16xf32>,
        %get3A_362 = vector.shape_cast %get3A_361 : vector<1x1x16xf32> to vector<16xf32>
        %add3A_363 = arith.addf %get3A_356, %get3A_362 : vector<16xf32>
        %max3A_364 = arith.constant 0.000000e+00 : f32
        %max3A_365 = vector.broadcast %max3A_364 : f32 to vector<16xf32>
        %max3A_366 = arith.maximumf %add3A_363, %max3A_365 : vector<16xf32>
        %swap3A_367 = arith.constant 1 : i32
        %swap3A_368 = arith.index_cast %swap3A_367 : i32 to index
        %swap3A_369 = arith.index_cast %add3A_330 : i32 to index
        %swap3A_370 = arith.constant 16 : index
        %swap3A_371 = tpu.vector_load %arg11[%swap3A_368, %swap3A_369, %swap3A_370] {strides = array<i32>} : memref<2x40x128xf32, #tpu.memory_space<vmem>>, vector<1x1x16xf32>,
        %swap3A_372 = vector.shape_cast %swap3A_371 : vector<1x1x16xf32> to vector<16xf32>
        %swap3A_373 = vector.shape_cast %max3A_366 : vector<16xf32> to vector<1x1x16xf32>
        tpu.vector_store %arg11[%swap3A_368, %swap3A_369, %swap3A_370], %swap3A_373 {strides = array<i32>} : memref<2x40x128xf32, #tpu.memory_space<vmem>>, vector<1x1x16xf32>,
        %get3A_374 = arith.constant 1 : i32
        %get3A_375 = arith.index_cast %get3A_374 : i32 to index
        %get3A_376 = arith.index_cast %add3A_330 : i32 to index
        %get3A_377 = arith.constant 32 : index
        %get3A_378 = tpu.vector_load %arg10[%get3A_375, %get3A_376, %get3A_377] {strides = array<i32>} : memref<2x40x128xf32, #tpu.memory_space<vmem>>, vector<1x1x16xf32>,
        %get3A_379 = vector.shape_cast %get3A_378 : vector<1x1x16xf32> to vector<16xf32>
        %get3A_380 = arith.constant 1 : i32
        %get3A_381 = arith.index_cast %get3A_380 : i32 to index
        %get3A_382 = arith.index_cast %add3A_330 : i32 to index
        %get3A_383 = arith.constant 32 : index
        %get3A_384 = tpu.vector_load %arg9[%get3A_381, %get3A_382, %get3A_383] {strides = array<i32>} : memref<2x40x128xf32, #tpu.memory_space<vmem>>, vector<1x1x16xf32>,
        %get3A_385 = vector.shape_cast %get3A_384 : vector<1x1x16xf32> to vector<16xf32>
        %add3A_386 = arith.addf %get3A_379, %get3A_385 : vector<16xf32>
        %max3A_387 = arith.constant 0.000000e+00 : f32
        %max3A_388 = vector.broadcast %max3A_387 : f32 to vector<16xf32>
        %max3A_389 = arith.maximumf %add3A_386, %max3A_388 : vector<16xf32>
        %swap3A_390 = arith.constant 1 : i32
        %swap3A_391 = arith.index_cast %swap3A_390 : i32 to index
        %swap3A_392 = arith.index_cast %add3A_330 : i32 to index
        %swap3A_393 = arith.constant 32 : index
        %swap3A_394 = tpu.vector_load %arg11[%swap3A_391, %swap3A_392, %swap3A_393] {strides = array<i32>} : memref<2x40x128xf32, #tpu.memory_space<vmem>>, vector<1x1x16xf32>,
        %swap3A_395 = vector.shape_cast %swap3A_394 : vector<1x1x16xf32> to vector<16xf32>
        %swap3A_396 = vector.shape_cast %max3A_389 : vector<16xf32> to vector<1x1x16xf32>
        tpu.vector_store %arg11[%swap3A_391, %swap3A_392, %swap3A_393], %swap3A_396 {strides = array<i32>} : memref<2x40x128xf32, #tpu.memory_space<vmem>>, vector<1x1x16xf32>,
        %get3A_397 = arith.constant 1 : i32
        %get3A_398 = arith.index_cast %get3A_397 : i32 to index
        %get3A_399 = arith.index_cast %add3A_330 : i32 to index
        %get3A_400 = arith.constant 48 : index
        %get3A_401 = tpu.vector_load %arg10[%get3A_398, %get3A_399, %get3A_400] {strides = array<i32>} : memref<2x40x128xf32, #tpu.memory_space<vmem>>, vector<1x1x16xf32>,
        %get3A_402 = vector.shape_cast %get3A_401 : vector<1x1x16xf32> to vector<16xf32>
        %get3A_403 = arith.constant 1 : i32
        %get3A_404 = arith.index_cast %get3A_403 : i32 to index
        %get3A_405 = arith.index_cast %add3A_330 : i32 to index
        %get3A_406 = arith.constant 48 : index
        %get3A_407 = tpu.vector_load %arg9[%get3A_404, %get3A_405, %get3A_406] {strides = array<i32>} : memref<2x40x128xf32, #tpu.memory_space<vmem>>, vector<1x1x16xf32>,
        %get3A_408 = vector.shape_cast %get3A_407 : vector<1x1x16xf32> to vector<16xf32>
        %add3A_409 = arith.addf %get3A_402, %get3A_408 : vector<16xf32>
        %max3A_410 = arith.constant 0.000000e+00 : f32
        %max3A_411 = vector.broadcast %max3A_410 : f32 to vector<16xf32>
        %max3A_412 = arith.maximumf %add3A_409, %max3A_411 : vector<16xf32>
        %swap3A_413 = arith.constant 1 : i32
        %swap3A_414 = arith.index_cast %swap3A_413 : i32 to index
        %swap3A_415 = arith.index_cast %add3A_330 : i32 to index
        %swap3A_416 = arith.constant 48 : index
        %swap3A_417 = tpu.vector_load %arg11[%swap3A_414, %swap3A_415, %swap3A_416] {strides = array<i32>} : memref<2x40x128xf32, #tpu.memory_space<vmem>>, vector<1x1x16xf32>,
        %swap3A_418 = vector.shape_cast %swap3A_417 : vector<1x1x16xf32> to vector<16xf32>
        %swap3A_419 = vector.shape_cast %max3A_412 : vector<16xf32> to vector<1x1x16xf32>
        tpu.vector_store %arg11[%swap3A_414, %swap3A_415, %swap3A_416], %swap3A_419 {strides = array<i32>} : memref<2x40x128xf32, #tpu.memory_space<vmem>>, vector<1x1x16xf32>,
        %get3A_420 = arith.constant 1 : i32
        %get3A_421 = arith.index_cast %get3A_420 : i32 to index
        %get3A_422 = arith.index_cast %add3A_330 : i32 to index
        %get3A_423 = arith.constant 64 : index
        %get3A_424 = tpu.vector_load %arg10[%get3A_421, %get3A_422, %get3A_423] {strides = array<i32>} : memref<2x40x128xf32, #tpu.memory_space<vmem>>, vector<1x1x16xf32>,
        %get3A_425 = vector.shape_cast %get3A_424 : vector<1x1x16xf32> to vector<16xf32>
        %get3A_426 = arith.constant 1 : i32
        %get3A_427 = arith.index_cast %get3A_426 : i32 to index
        %get3A_428 = arith.index_cast %add3A_330 : i32 to index
        %get3A_429 = arith.constant 64 : index
        %get3A_430 = tpu.vector_load %arg9[%get3A_427, %get3A_428, %get3A_429] {strides = array<i32>} : memref<2x40x128xf32, #tpu.memory_space<vmem>>, vector<1x1x16xf32>,
        %get3A_431 = vector.shape_cast %get3A_430 : vector<1x1x16xf32> to vector<16xf32>
        %add3A_432 = arith.addf %get3A_425, %get3A_431 : vector<16xf32>
        %max3A_433 = arith.constant 0.000000e+00 : f32
        %max3A_434 = vector.broadcast %max3A_433 : f32 to vector<16xf32>
        %max3A_435 = arith.maximumf %add3A_432, %max3A_434 : vector<16xf32>
        %swap3A_436 = arith.constant 1 : i32
        %swap3A_437 = arith.index_cast %swap3A_436 : i32 to index
        %swap3A_438 = arith.index_cast %add3A_330 : i32 to index
        %swap3A_439 = arith.constant 64 : index
        %swap3A_440 = tpu.vector_load %arg11[%swap3A_437, %swap3A_438, %swap3A_439] {strides = array<i32>} : memref<2x40x128xf32, #tpu.memory_space<vmem>>, vector<1x1x16xf32>,
        %swap3A_441 = vector.shape_cast %swap3A_440 : vector<1x1x16xf32> to vector<16xf32>
        %swap3A_442 = vector.shape_cast %max3A_435 : vector<16xf32> to vector<1x1x16xf32>
        tpu.vector_store %arg11[%swap3A_437, %swap3A_438, %swap3A_439], %swap3A_442 {strides = array<i32>} : memref<2x40x128xf32, #tpu.memory_space<vmem>>, vector<1x1x16xf32>,
        %get3A_443 = arith.constant 1 : i32
        %get3A_444 = arith.index_cast %get3A_443 : i32 to index
        %get3A_445 = arith.index_cast %add3A_330 : i32 to index
        %get3A_446 = arith.constant 80 : index
        %get3A_447 = tpu.vector_load %arg10[%get3A_444, %get3A_445, %get3A_446] {strides = array<i32>} : memref<2x40x128xf32, #tpu.memory_space<vmem>>, vector<1x1x16xf32>,
        %get3A_448 = vector.shape_cast %get3A_447 : vector<1x1x16xf32> to vector<16xf32>
        %get3A_449 = arith.constant 1 : i32
        %get3A_450 = arith.index_cast %get3A_449 : i32 to index
        %get3A_451 = arith.index_cast %add3A_330 : i32 to index
        %get3A_452 = arith.constant 80 : index
        %get3A_453 = tpu.vector_load %arg9[%get3A_450, %get3A_451, %get3A_452] {strides = array<i32>} : memref<2x40x128xf32, #tpu.memory_space<vmem>>, vector<1x1x16xf32>,
        %get3A_454 = vector.shape_cast %get3A_453 : vector<1x1x16xf32> to vector<16xf32>
        %add3A_455 = arith.addf %get3A_448, %get3A_454 : vector<16xf32>
        %max3A_456 = arith.constant 0.000000e+00 : f32
        %max3A_457 = vector.broadcast %max3A_456 : f32 to vector<16xf32>
        %max3A_458 = arith.maximumf %add3A_455, %max3A_457 : vector<16xf32>
        %swap3A_459 = arith.constant 1 : i32
        %swap3A_460 = arith.index_cast %swap3A_459 : i32 to index
        %swap3A_461 = arith.index_cast %add3A_330 : i32 to index
        %swap3A_462 = arith.constant 80 : index
        %swap3A_463 = tpu.vector_load %arg11[%swap3A_460, %swap3A_461, %swap3A_462] {strides = array<i32>} : memref<2x40x128xf32, #tpu.memory_space<vmem>>, vector<1x1x16xf32>,
        %swap3A_464 = vector.shape_cast %swap3A_463 : vector<1x1x16xf32> to vector<16xf32>
        %swap3A_465 = vector.shape_cast %max3A_458 : vector<16xf32> to vector<1x1x16xf32>
        tpu.vector_store %arg11[%swap3A_460, %swap3A_461, %swap3A_462], %swap3A_465 {strides = array<i32>} : memref<2x40x128xf32, #tpu.memory_space<vmem>>, vector<1x1x16xf32>,
        %get3A_466 = arith.constant 1 : i32
        %get3A_467 = arith.index_cast %get3A_466 : i32 to index
        %get3A_468 = arith.index_cast %add3A_330 : i32 to index
        %get3A_469 = arith.constant 96 : index
        %get3A_470 = tpu.vector_load %arg10[%get3A_467, %get3A_468, %get3A_469] {strides = array<i32>} : memref<2x40x128xf32, #tpu.memory_space<vmem>>, vector<1x1x16xf32>,
        %get3A_471 = vector.shape_cast %get3A_470 : vector<1x1x16xf32> to vector<16xf32>
        %get3A_472 = arith.constant 1 : i32
        %get3A_473 = arith.index_cast %get3A_472 : i32 to index
        %get3A_474 = arith.index_cast %add3A_330 : i32 to index
        %get3A_475 = arith.constant 96 : index
        %get3A_476 = tpu.vector_load %arg9[%get3A_473, %get3A_474, %get3A_475] {strides = array<i32>} : memref<2x40x128xf32, #tpu.memory_space<vmem>>, vector<1x1x16xf32>,
        %get3A_477 = vector.shape_cast %get3A_476 : vector<1x1x16xf32> to vector<16xf32>
        %add3A_478 = arith.addf %get3A_471, %get3A_477 : vector<16xf32>
        %max3A_479 = arith.constant 0.000000e+00 : f32
        %max3A_480 = vector.broadcast %max3A_479 : f32 to vector<16xf32>
        %max3A_481 = arith.maximumf %add3A_478, %max3A_480 : vector<16xf32>
        %swap3A_482 = arith.constant 1 : i32
        %swap3A_483 = arith.index_cast %swap3A_482 : i32 to index
        %swap3A_484 = arith.index_cast %add3A_330 : i32 to index
        %swap3A_485 = arith.constant 96 : index
        %swap3A_486 = tpu.vector_load %arg11[%swap3A_483, %swap3A_484, %swap3A_485] {strides = array<i32>} : memref<2x40x128xf32, #tpu.memory_space<vmem>>, vector<1x1x16xf32>,
        %swap3A_487 = vector.shape_cast %swap3A_486 : vector<1x1x16xf32> to vector<16xf32>
        %swap3A_488 = vector.shape_cast %max3A_481 : vector<16xf32> to vector<1x1x16xf32>
        tpu.vector_store %arg11[%swap3A_483, %swap3A_484, %swap3A_485], %swap3A_488 {strides = array<i32>} : memref<2x40x128xf32, #tpu.memory_space<vmem>>, vector<1x1x16xf32>,
        %get3A_489 = arith.constant 1 : i32
        %get3A_490 = arith.index_cast %get3A_489 : i32 to index
        %get3A_491 = arith.index_cast %add3A_330 : i32 to index
        %get3A_492 = arith.constant 112 : index
        %get3A_493 = tpu.vector_load %arg10[%get3A_490, %get3A_491, %get3A_492] {strides = array<i32>} : memref<2x40x128xf32, #tpu.memory_space<vmem>>, vector<1x1x16xf32>,
        %get3A_494 = vector.shape_cast %get3A_493 : vector<1x1x16xf32> to vector<16xf32>
        %get3A_495 = arith.constant 1 : i32
        %get3A_496 = arith.index_cast %get3A_495 : i32 to index
        %get3A_497 = arith.index_cast %add3A_330 : i32 to index
        %get3A_498 = arith.constant 112 : index
        %get3A_499 = tpu.vector_load %arg9[%get3A_496, %get3A_497, %get3A_498] {strides = array<i32>} : memref<2x40x128xf32, #tpu.memory_space<vmem>>, vector<1x1x16xf32>,
        %get3A_500 = vector.shape_cast %get3A_499 : vector<1x1x16xf32> to vector<16xf32>
        %add3A_501 = arith.addf %get3A_494, %get3A_500 : vector<16xf32>
        %max3A_502 = arith.constant 0.000000e+00 : f32
        %max3A_503 = vector.broadcast %max3A_502 : f32 to vector<16xf32>
        %max3A_504 = arith.maximumf %add3A_501, %max3A_503 : vector<16xf32>
        %swap3A_505 = arith.constant 1 : i32
        %swap3A_506 = arith.index_cast %swap3A_505 : i32 to index
        %swap3A_507 = arith.index_cast %add3A_330 : i32 to index
        %swap3A_508 = arith.constant 112 : index
        %swap3A_509 = tpu.vector_load %arg11[%swap3A_506, %swap3A_507, %swap3A_508] {strides = array<i32>} : memref<2x40x128xf32, #tpu.memory_space<vmem>>, vector<1x1x16xf32>,
        %swap3A_510 = vector.shape_cast %swap3A_509 : vector<1x1x16xf32> to vector<16xf32>
        %swap3A_511 = vector.shape_cast %max3A_504 : vector<16xf32> to vector<1x1x16xf32>
        tpu.vector_store %arg11[%swap3A_506, %swap3A_507, %swap3A_508], %swap3A_511 {strides = array<i32>} : memref<2x40x128xf32, #tpu.memory_space<vmem>>, vector<1x1x16xf32>,
      }
      %scan3A_272 = arith.constant 40 : i32
      %mul3A_273 = arith.constant 40 : i32
      %mul3A_274 = arith.muli %add3A_232, %mul3A_273 : i32
      %add3A_275 = arith.addi %mul3A_2, %mul3A_274 : i32
      %multiple_of3A_276 = tpu.assume_multiple %add3A_275, 8 : i32
      %dma_wait3A_277 = arith.constant 1 : i32
      %dma_wait3A_278 = arith.constant 1 : i32
      %dma_wait3A_279 = arith.constant 0 : i32
      %dma_wait3A_280 = tpu.memref_slice %arg7[%dma_wait3A_277, %dma_wait3A_279] : memref<2x40xi32, #tpu.memory_space<vmem>> -> memref<1x40xi32, #tpu.memory_space<vmem>>
      %dma_wait3A_281 = tpu.memref_squeeze %dma_wait3A_280 : memref<1x40xi32, #tpu.memory_space<vmem>> -> memref<40xi32, #tpu.memory_space<vmem>>
      %dma_wait3A_282 = tpu.memref_slice %arg5[%multiple_of3A_276] : memref<320000xi32, #tpu.memory_space<hbm>> -> memref<40xi32, #tpu.memory_space<hbm>>
      %dma_wait3A_283 = tpu.memref_slice %arg12[%dma_wait3A_278] : memref<2x!tpu.dma_semaphore, #tpu.memory_space<semaphore_mem>> -> memref<1x!tpu.dma_semaphore, #tpu.memory_space<semaphore_mem>>
      %dma_wait3A_284 = tpu.memref_squeeze %dma_wait3A_283 : memref<1x!tpu.dma_semaphore, #tpu.memory_space<semaphore_mem>> -> memref<!tpu.dma_semaphore, #tpu.memory_space<semaphore_mem>>
      %dma_wait3A_285 = arith.constant 0 : i32
      %dma_wait3A_286 = tpu.memref_slice %arg7[%dma_wait3A_277, %dma_wait3A_285] : memref<2x40xi32, #tpu.memory_space<vmem>> -> memref<1x40xi32, #tpu.memory_space<vmem>>
      %dma_wait3A_287 = tpu.memref_squeeze %dma_wait3A_286 : memref<1x40xi32, #tpu.memory_space<vmem>> -> memref<40xi32, #tpu.memory_space<vmem>>
      %dma_wait3A_288 = tpu.memref_slice %arg5[%multiple_of3A_276] : memref<320000xi32, #tpu.memory_space<hbm>> -> memref<40xi32, #tpu.memory_space<hbm>>
      tpu.wait_dma2 semaphore(%dma_wait3A_284 : memref<!tpu.dma_semaphore, #tpu.memory_space<semaphore_mem>>) src(%dma_wait3A_288 : memref<40xi32, #tpu.memory_space<hbm>>) dst(%dma_wait3A_287 : memref<40xi32, #tpu.memory_space<vmem>>)
      %dma_start3A_289 = arith.constant 1 : i32
      %dma_start3A_290 = arith.constant 1 : i32
      %dma_start3A_291 = arith.constant 1 : i32
      %dma_start3A_292 = arith.constant 0 : i32
      %dma_start3A_293 = arith.constant 0 : i32
      %dma_start3A_294 = tpu.memref_slice %arg11[%dma_start3A_289, %dma_start3A_292, %dma_start3A_293] : memref<2x40x128xf32, #tpu.memory_space<vmem>> -> memref<1x40x128xf32, #tpu.memory_space<vmem>>
      %dma_start3A_295 = tpu.memref_squeeze %dma_start3A_294 : memref<1x40x128xf32, #tpu.memory_space<vmem>> -> memref<40x128xf32, #tpu.memory_space<vmem>>
      %dma_start3A_296 = arith.constant 0 : i32
      %dma_start3A_297 = tpu.memref_slice %arg7[%dma_start3A_290, %dma_start3A_296] : memref<2x40xi32, #tpu.memory_space<vmem>> -> memref<1x40xi32, #tpu.memory_space<vmem>>
      %dma_start3A_298 = tpu.memref_squeeze %dma_start3A_297 : memref<1x40xi32, #tpu.memory_space<vmem>> -> memref<40xi32, #tpu.memory_space<vmem>>
      %dma_start3A_299 = arith.constant 0 : i32
      %dma_start3A_300 = arith.constant 0 : i32
      %dma_start3A_301 = tpu.memref_slice %arg17[%dma_start3A_299, %dma_start3A_300] : memref<10000x128xf32, #tpu.memory_space<vmem_shared>> -> memref<10000x128xf32, #tpu.memory_space<vmem_shared>>
      %dma_start3A_302 = tpu.memref_slice %arg16[%dma_start3A_291] : memref<2x!tpu.dma_semaphore, #tpu.memory_space<semaphore_mem>> -> memref<1x!tpu.dma_semaphore, #tpu.memory_space<semaphore_mem>>
      %dma_start3A_303 = tpu.memref_squeeze %dma_start3A_302 : memref<1x!tpu.dma_semaphore, #tpu.memory_space<semaphore_mem>> -> memref<!tpu.dma_semaphore, #tpu.memory_space<semaphore_mem>>
      tpu.enqueue_indirect_dma source(%dma_start3A_295 : memref<40x128xf32, #tpu.memory_space<vmem>>) target(%dma_start3A_301 : memref<10000x128xf32, #tpu.memory_space<vmem_shared>>) offsets(%dma_start3A_298 : memref<40xi32, #tpu.memory_space<vmem>>) semaphore(%dma_start3A_303 : memref<!tpu.dma_semaphore, #tpu.memory_space<semaphore_mem>>) {add = true}
      %ge3A_304 = arith.constant 1 : i32
      %ge3A_305 = arith.cmpi sge, %add3A_232, %ge3A_304 : i32
      %convert_element_type3A_306 = arith.extui %ge3A_305 : i1 to i32
      %cond3A_307 = arith.constant 0 : i32
      %cond3A_308 = arith.cmpi ne, %convert_element_type3A_306, %cond3A_307 : i32
      scf.if %cond3A_308 {
        %sub3A = arith.constant 1 : i32
        %sub3A_326 = arith.subi %add3A_232, %sub3A : i32
        %dma_wait3A_327 = arith.constant 0 : i32
        %dma_wait3A_328 = arith.constant 0 : i32
        %dma_wait3A_329 = arith.constant 0 : i32
        %dma_wait3A_330 = arith.constant 0 : i32
        %dma_wait3A_331 = arith.constant 0 : i32
        %dma_wait3A_332 = tpu.memref_slice %arg11[%dma_wait3A_327, %dma_wait3A_330, %dma_wait3A_331] : memref<2x40x128xf32, #tpu.memory_space<vmem>> -> memref<1x40x128xf32, #tpu.memory_space<vmem>>
        %dma_wait3A_333 = tpu.memref_squeeze %dma_wait3A_332 : memref<1x40x128xf32, #tpu.memory_space<vmem>> -> memref<40x128xf32, #tpu.memory_space<vmem>>
        %dma_wait3A_334 = arith.constant 0 : i32
        %dma_wait3A_335 = tpu.memref_slice %arg7[%dma_wait3A_328, %dma_wait3A_334] : memref<2x40xi32, #tpu.memory_space<vmem>> -> memref<1x40xi32, #tpu.memory_space<vmem>>
        %dma_wait3A_336 = tpu.memref_squeeze %dma_wait3A_335 : memref<1x40xi32, #tpu.memory_space<vmem>> -> memref<40xi32, #tpu.memory_space<vmem>>
        %dma_wait3A_337 = arith.constant 0 : i32
        %dma_wait3A_338 = arith.constant 0 : i32
        %dma_wait3A_339 = tpu.memref_slice %arg17[%dma_wait3A_337, %dma_wait3A_338] : memref<10000x128xf32, #tpu.memory_space<vmem_shared>> -> memref<10000x128xf32, #tpu.memory_space<vmem_shared>>
        %dma_wait3A_340 = tpu.memref_slice %arg16[%dma_wait3A_329] : memref<2x!tpu.dma_semaphore, #tpu.memory_space<semaphore_mem>> -> memref<1x!tpu.dma_semaphore, #tpu.memory_space<semaphore_mem>>
        %dma_wait3A_341 = tpu.memref_squeeze %dma_wait3A_340 : memref<1x!tpu.dma_semaphore, #tpu.memory_space<semaphore_mem>> -> memref<!tpu.dma_semaphore, #tpu.memory_space<semaphore_mem>>
        tpu.wait_indirect_dma semaphore(%dma_wait3A_341 : memref<!tpu.dma_semaphore, #tpu.memory_space<semaphore_mem>>) src(%dma_wait3A_333 : memref<40x128xf32, #tpu.memory_space<vmem>>) dst(%dma_wait3A_339 : memref<10000x128xf32, #tpu.memory_space<vmem_shared>>)
      } else {
      }
      %ge3A_309 = arith.constant 1 : i32
      %ge3A_310 = arith.cmpi sge, %add3A_232, %ge3A_309 : i32
      %add3A_311 = arith.constant 1 : i32
      %add3A_312 = arith.addi %add3A_232, %add3A_311 : i32
      %lt3A_313 = arith.constant 250 : i32
      %lt3A_314 = arith.cmpi slt, %add3A_312, %lt3A_313 : i32
      %and3A_315 = arith.andi %ge3A_310, %lt3A_314 : i1
      %convert_element_type3A_316 = arith.extui %and3A_315 : i1 to i32
      %cond3A_317 = arith.constant 0 : i32
      %cond3A_318 = arith.cmpi ne, %convert_element_type3A_316, %cond3A_317 : i32
      scf.if %cond3A_318 {
        %add3A_326 = arith.constant 1 : i32
        %add3A_327 = arith.addi %add3A_232, %add3A_326 : i32
        %mul3A_328 = arith.constant 40 : i32
        %mul3A_329 = arith.muli %add3A_327, %mul3A_328 : i32
        %add3A_330 = arith.addi %mul3A_2, %mul3A_329 : i32
        %multiple_of3A_331 = tpu.assume_multiple %add3A_330, 8 : i32
        %dma_start3A_332 = arith.constant 0 : i32
        %dma_start3A_333 = arith.constant 0 : i32
        %dma_start3A_334 = arith.constant 0 : i32
        %dma_start3A_335 = tpu.memref_slice %arg7[%dma_start3A_332, %dma_start3A_334] : memref<2x40xi32, #tpu.memory_space<vmem>> -> memref<1x40xi32, #tpu.memory_space<vmem>>
        %dma_start3A_336 = tpu.memref_squeeze %dma_start3A_335 : memref<1x40xi32, #tpu.memory_space<vmem>> -> memref<40xi32, #tpu.memory_space<vmem>>
        %dma_start3A_337 = tpu.memref_slice %arg5[%multiple_of3A_331] : memref<320000xi32, #tpu.memory_space<hbm>> -> memref<40xi32, #tpu.memory_space<hbm>>
        %dma_start3A_338 = tpu.memref_slice %arg12[%dma_start3A_333] : memref<2x!tpu.dma_semaphore, #tpu.memory_space<semaphore_mem>> -> memref<1x!tpu.dma_semaphore, #tpu.memory_space<semaphore_mem>>
        %dma_start3A_339 = tpu.memref_squeeze %dma_start3A_338 : memref<1x!tpu.dma_semaphore, #tpu.memory_space<semaphore_mem>> -> memref<!tpu.dma_semaphore, #tpu.memory_space<semaphore_mem>>
        %dma_start3A_340 = arith.constant 0 : i32
        %dma_start3A_341 = tpu.memref_slice %arg7[%dma_start3A_332, %dma_start3A_340] : memref<2x40xi32, #tpu.memory_space<vmem>> -> memref<1x40xi32, #tpu.memory_space<vmem>>
        %dma_start3A_342 = tpu.memref_squeeze %dma_start3A_341 : memref<1x40xi32, #tpu.memory_space<vmem>> -> memref<40xi32, #tpu.memory_space<vmem>>
        %dma_start3A_343 = tpu.memref_slice %arg5[%multiple_of3A_331] : memref<320000xi32, #tpu.memory_space<hbm>> -> memref<40xi32, #tpu.memory_space<hbm>>
        tpu.enqueue_dma source(%dma_start3A_343 : memref<40xi32, #tpu.memory_space<hbm>>) target(%dma_start3A_342 : memref<40xi32, #tpu.memory_space<vmem>>) target_semaphore(%dma_start3A_339 : memref<!tpu.dma_semaphore, #tpu.memory_space<semaphore_mem>>)
      } else {
      }
      %add3A_319 = arith.constant 2 : i32
      %add3A_320 = arith.addi %add3A_232, %add3A_319 : i32
      %lt3A_321 = arith.constant 250 : i32
      %lt3A_322 = arith.cmpi slt, %add3A_320, %lt3A_321 : i32
      %convert_element_type3A_323 = arith.extui %lt3A_322 : i1 to i32
      %cond3A_324 = arith.constant 0 : i32
      %cond3A_325 = arith.cmpi ne, %convert_element_type3A_323, %cond3A_324 : i32
      scf.if %cond3A_325 {
        %add3A_326 = arith.constant 2 : i32
        %add3A_327 = arith.addi %add3A_232, %add3A_326 : i32
        %mul3A_328 = arith.constant 40 : i32
        %mul3A_329 = arith.muli %add3A_327, %mul3A_328 : i32
        %multiple_of3A_330 = tpu.assume_multiple %mul3A_329, 8 : i32
        %dma_start3A_331 = arith.constant 1 : i32
        %dma_start3A_332 = arith.constant 1 : i32
        %dma_start3A_333 = arith.constant 0 : i32
        %dma_start3A_334 = arith.constant 0 : i32
        %dma_start3A_335 = tpu.memref_slice %arg9[%dma_start3A_331, %dma_start3A_333, %dma_start3A_334] : memref<2x40x128xf32, #tpu.memory_space<vmem>> -> memref<1x40x128xf32, #tpu.memory_space<vmem>>
        %dma_start3A_336 = tpu.memref_squeeze %dma_start3A_335 : memref<1x40x128xf32, #tpu.memory_space<vmem>> -> memref<40x128xf32, #tpu.memory_space<vmem>>
        %dma_start3A_337 = tpu.memref_slice %arg8[%multiple_of3A_330] : memref<10000xi32, #tpu.memory_space<vmem>> -> memref<40xi32, #tpu.memory_space<vmem>>
        %dma_start3A_338 = arith.constant 0 : i32
        %dma_start3A_339 = arith.constant 0 : i32
        %dma_start3A_340 = tpu.memref_slice %arg2[%dma_start3A_338, %dma_start3A_339] : memref<10000x128xf32, #tpu.memory_space<hbm>> -> memref<10000x128xf32, #tpu.memory_space<hbm>>
        %dma_start3A_341 = tpu.memref_slice %arg13[%dma_start3A_332] : memref<2x!tpu.dma_semaphore, #tpu.memory_space<semaphore_mem>> -> memref<1x!tpu.dma_semaphore, #tpu.memory_space<semaphore_mem>>
        %dma_start3A_342 = tpu.memref_squeeze %dma_start3A_341 : memref<1x!tpu.dma_semaphore, #tpu.memory_space<semaphore_mem>> -> memref<!tpu.dma_semaphore, #tpu.memory_space<semaphore_mem>>
        tpu.enqueue_indirect_dma source(%dma_start3A_340 : memref<10000x128xf32, #tpu.memory_space<hbm>>) target(%dma_start3A_336 : memref<40x128xf32, #tpu.memory_space<vmem>>) offsets(%dma_start3A_337 : memref<40xi32, #tpu.memory_space<vmem>>) semaphore(%dma_start3A_342 : memref<!tpu.dma_semaphore, #tpu.memory_space<semaphore_mem>>)
        %mul3A_343 = arith.constant 40 : i32
        %mul3A_344 = arith.muli %add3A_327, %mul3A_343 : i32
        %add3A_345 = arith.addi %mul3A_2, %mul3A_344 : i32
        %multiple_of3A_346 = tpu.assume_multiple %add3A_345, 8 : i32
        %dma_start3A_347 = arith.constant 1 : i32
        %dma_start3A_348 = arith.constant 1 : i32
        %dma_start3A_349 = arith.constant 0 : i32
        %dma_start3A_350 = arith.constant 0 : i32
        %dma_start3A_351 = tpu.memref_slice %arg10[%dma_start3A_347, %dma_start3A_349, %dma_start3A_350] : memref<2x40x128xf32, #tpu.memory_space<vmem>> -> memref<1x40x128xf32, #tpu.memory_space<vmem>>
        %dma_start3A_352 = tpu.memref_squeeze %dma_start3A_351 : memref<1x40x128xf32, #tpu.memory_space<vmem>> -> memref<40x128xf32, #tpu.memory_space<vmem>>
        %dma_start3A_353 = arith.constant 0 : i32
        %dma_start3A_354 = tpu.memref_slice %arg3[%multiple_of3A_346, %dma_start3A_353] : memref<320000x128xf32, #tpu.memory_space<hbm>> -> memref<40x128xf32, #tpu.memory_space<hbm>>
        %dma_start3A_355 = tpu.memref_slice %arg14[%dma_start3A_348] : memref<2x!tpu.dma_semaphore, #tpu.memory_space<semaphore_mem>> -> memref<1x!tpu.dma_semaphore, #tpu.memory_space<semaphore_mem>>
        %dma_start3A_356 = tpu.memref_squeeze %dma_start3A_355 : memref<1x!tpu.dma_semaphore, #tpu.memory_space<semaphore_mem>> -> memref<!tpu.dma_semaphore, #tpu.memory_space<semaphore_mem>>
        %dma_start3A_357 = arith.constant 0 : i32
        %dma_start3A_358 = arith.constant 0 : i32
        %dma_start3A_359 = tpu.memref_slice %arg10[%dma_start3A_347, %dma_start3A_357, %dma_start3A_358] : memref<2x40x128xf32, #tpu.memory_space<vmem>> -> memref<1x40x128xf32, #tpu.memory_space<vmem>>
        %dma_start3A_360 = tpu.memref_squeeze %dma_start3A_359 : memref<1x40x128xf32, #tpu.memory_space<vmem>> -> memref<40x128xf32, #tpu.memory_space<vmem>>
        %dma_start3A_361 = arith.constant 0 : i32
        %dma_start3A_362 = tpu.memref_slice %arg3[%multiple_of3A_346, %dma_start3A_361] : memref<320000x128xf32, #tpu.memory_space<hbm>> -> memref<40x128xf32, #tpu.memory_space<hbm>>
        tpu.enqueue_dma source(%dma_start3A_362 : memref<40x128xf32, #tpu.memory_space<hbm>>) target(%dma_start3A_360 : memref<40x128xf32, #tpu.memory_space<vmem>>) target_semaphore(%dma_start3A_356 : memref<!tpu.dma_semaphore, #tpu.memory_space<semaphore_mem>>)
      } else {
      }
    }
    %scan3A_113 = arith.constant 125 : i32
    %dma_wait3A = arith.constant 1 : i32
    %dma_wait3A_114 = arith.constant 1 : i32
    %dma_wait3A_115 = arith.constant 1 : i32
    %dma_wait3A_116 = arith.constant 0 : i32
    %dma_wait3A_117 = arith.constant 0 : i32
    %dma_wait3A_118 = tpu.memref_slice %arg11[%dma_wait3A, %dma_wait3A_116, %dma_wait3A_117] : memref<2x40x128xf32, #tpu.memory_space<vmem>> -> memref<1x40x128xf32, #tpu.memory_space<vmem>>
    %dma_wait3A_119 = tpu.memref_squeeze %dma_wait3A_118 : memref<1x40x128xf32, #tpu.memory_space<vmem>> -> memref<40x128xf32, #tpu.memory_space<vmem>>
    %dma_wait3A_120 = arith.constant 0 : i32
    %dma_wait3A_121 = tpu.memref_slice %arg7[%dma_wait3A_114, %dma_wait3A_120] : memref<2x40xi32, #tpu.memory_space<vmem>> -> memref<1x40xi32, #tpu.memory_space<vmem>>
    %dma_wait3A_122 = tpu.memref_squeeze %dma_wait3A_121 : memref<1x40xi32, #tpu.memory_space<vmem>> -> memref<40xi32, #tpu.memory_space<vmem>>
    %dma_wait3A_123 = arith.constant 0 : i32
    %dma_wait3A_124 = arith.constant 0 : i32
    %dma_wait3A_125 = tpu.memref_slice %arg17[%dma_wait3A_123, %dma_wait3A_124] : memref<10000x128xf32, #tpu.memory_space<vmem_shared>> -> memref<10000x128xf32, #tpu.memory_space<vmem_shared>>
    %dma_wait3A_126 = tpu.memref_slice %arg16[%dma_wait3A_115] : memref<2x!tpu.dma_semaphore, #tpu.memory_space<semaphore_mem>> -> memref<1x!tpu.dma_semaphore, #tpu.memory_space<semaphore_mem>>
    %dma_wait3A_127 = tpu.memref_squeeze %dma_wait3A_126 : memref<1x!tpu.dma_semaphore, #tpu.memory_space<semaphore_mem>> -> memref<!tpu.dma_semaphore, #tpu.memory_space<semaphore_mem>>
    tpu.wait_indirect_dma semaphore(%dma_wait3A_127 : memref<!tpu.dma_semaphore, #tpu.memory_space<semaphore_mem>>) src(%dma_wait3A_119 : memref<40x128xf32, #tpu.memory_space<vmem>>) dst(%dma_wait3A_125 : memref<10000x128xf32, #tpu.memory_space<vmem_shared>>)
    %barrier3A_128 = arith.constant 0 : index
    tpu.barrier barrier_id(%barrier3A_128)
    %mul3A_129 = arith.constant 625 : i32
    %mul3A_130 = arith.muli %arg1, %mul3A_129 : i32
    %mul3A_131 = arith.constant 16 : i32
    %mul3A_132 = arith.muli %arg0, %mul3A_131 : i32
    %add3A_133 = arith.addi %mul3A_132, %arg1 : i32
    "tpu.region"() ({
      %run_scoped3A = tpu.sem_alloc : memref<!tpu.dma_semaphore, #tpu.memory_space<semaphore_mem>>
      %dma_start3A_134 = arith.constant 0 : i32
      %dma_start3A_135 = arith.constant 0 : i32
      %dma_start3A_136 = tpu.memref_slice %arg6[%add3A_133, %dma_start3A_134, %dma_start3A_135] : memref<32x625x128xf32, #tpu.memory_space<hbm>> -> memref<1x625x128xf32, #tpu.memory_space<hbm>>
      %dma_start3A_137 = tpu.memref_squeeze %dma_start3A_136 : memref<1x625x128xf32, #tpu.memory_space<hbm>> -> memref<625x128xf32, #tpu.memory_space<hbm>>
      %dma_start3A_138 = arith.constant 0 : i32
      %dma_start3A_139 = tpu.memref_slice %arg17[%mul3A_130, %dma_start3A_138] : memref<10000x128xf32, #tpu.memory_space<vmem_shared>> -> memref<625x128xf32, #tpu.memory_space<vmem_shared>>
      tpu.enqueue_dma source(%dma_start3A_139 : memref<625x128xf32, #tpu.memory_space<vmem_shared>>) target(%dma_start3A_137 : memref<625x128xf32, #tpu.memory_space<hbm>>) target_semaphore(%run_scoped3A : memref<!tpu.dma_semaphore, #tpu.memory_space<semaphore_mem>>)
      %dma_wait3A_140 = arith.constant 0 : i32
      %dma_wait3A_141 = arith.constant 0 : i32
      %dma_wait3A_142 = tpu.memref_slice %arg6[%add3A_133, %dma_wait3A_140, %dma_wait3A_141] : memref<32x625x128xf32, #tpu.memory_space<hbm>> -> memref<1x625x128xf32, #tpu.memory_space<hbm>>
      %dma_wait3A_143 = tpu.memref_squeeze %dma_wait3A_142 : memref<1x625x128xf32, #tpu.memory_space<hbm>> -> memref<625x128xf32, #tpu.memory_space<hbm>>
      %dma_wait3A_144 = arith.constant 0 : i32
      %dma_wait3A_145 = tpu.memref_slice %arg17[%mul3A_130, %dma_wait3A_144] : memref<10000x128xf32, #tpu.memory_space<vmem_shared>> -> memref<625x128xf32, #tpu.memory_space<vmem_shared>>
      tpu.wait_dma2 semaphore(%run_scoped3A : memref<!tpu.dma_semaphore, #tpu.memory_space<semaphore_mem>>) src(%dma_wait3A_145 : memref<625x128xf32, #tpu.memory_space<vmem_shared>>) dst(%dma_wait3A_143 : memref<625x128xf32, #tpu.memory_space<hbm>>)
      tpu.yield
    }) : () -> ()
    return
  }
}

#map = affine_map<(d0, d1) -> (0, 0)>
#map1 = affine_map<(d0, d1) -> (0)>
#map2 = affine_map<(d0, d1) -> (0, 0, 0)>
module attributes {stable_mosaic.version = 14 : i64} {
  func.func @_pass(%arg0: i32, %arg1: i32, %arg2: memref<10000x128xf32, #tpu.memory_space<hbm>>, %arg3: memref<320000x128xf32, #tpu.memory_space<hbm>>, %arg4: memref<320000xi32, #tpu.memory_space<hbm>>, %arg5: memref<320000xi32, #tpu.memory_space<hbm>>, %arg6: memref<320000x128xf32, #tpu.memory_space<hbm>>, %arg7: memref<32x625x128xf32, #tpu.memory_space<hbm>>, %arg8: memref<2x40xi32, #tpu.memory_space<vmem>>, %arg9: memref<10000xi32, #tpu.memory_space<vmem>>, %arg10: memref<2x40x128xf32, #tpu.memory_space<vmem>>, %arg11: memref<2x40x128xf32, #tpu.memory_space<vmem>>, %arg12: memref<2x40x128xf32, #tpu.memory_space<vmem>>, %arg13: memref<2x!tpu.dma_semaphore, #tpu.memory_space<semaphore_mem>>, %arg14: memref<2x!tpu.dma_semaphore, #tpu.memory_space<semaphore_mem>>, %arg15: memref<2x!tpu.dma_semaphore, #tpu.memory_space<semaphore_mem>>, %arg16: memref<2x!tpu.dma_semaphore, #tpu.memory_space<semaphore_mem>>, %arg17: memref<2x!tpu.dma_semaphore, #tpu.memory_space<semaphore_mem>>, %arg18: memref<10000x128xf32, #tpu.memory_space<vmem_shared>>) attributes {dimension_semantics = [#tpu.dimension_semantics<core_parallel>, #tpu.dimension_semantics<subcore_parallel>], iteration_bounds = array<i64: 2, 16>, scalar_prefetch = 0 : i64, scratch_operands = 11 : i64, tpu.core_type = #tpu.core_type<sc_vector_subcore>, window_params = [{transform_indices = #map}, {transform_indices = #map}, {transform_indices = #map1}, {transform_indices = #map1}, {transform_indices = #map}, {transform_indices = #map2}]} {
    %mul3A = arith.constant 2 : i32
    %mul3A_0 = arith.muli %arg1, %mul3A : i32
    %add3A = arith.addi %mul3A_0, %arg0 : i32
    %mul3A_1 = arith.constant 10000 : i32
    %mul3A_2 = arith.muli %add3A, %mul3A_1 : i32
    %broadcast_in_dim3A = arith.constant 0.000000e+00 : f32
    %broadcast_in_dim3A_3 = vector.broadcast %broadcast_in_dim3A : f32 to vector<16xf32>
    %scan3A = arith.constant 0 : i32
    %scan3A_4 = arith.constant 25 : i32
    %scan3A_5 = arith.addi %scan3A, %scan3A_4 : i32
    %scan3A_6 = arith.constant 1 : i32
    scf.for %scan3A_153 = %scan3A to %scan3A_5 step %scan3A_6  : i32 {
      %mul3A_154 = arith.constant 1 : i32
      %mul3A_155 = arith.muli %scan3A_153, %mul3A_154 : i32
      %add3A_156 = arith.constant 0 : i32
      %add3A_157 = arith.addi %add3A_156, %mul3A_155 : i32
      %swap3A = arith.constant 0 : i32
      %swap3A_158 = arith.index_cast %swap3A : i32 to index
      %swap3A_159 = arith.index_cast %add3A_157 : i32 to index
      %swap3A_160 = arith.constant 0 : index
      %swap3A_161 = tpu.vector_load %arg12[%swap3A_158, %swap3A_159, %swap3A_160] {strides = array<i32>} : memref<2x40x128xf32, #tpu.memory_space<vmem>>, vector<1x1x16xf32>,
      %swap3A_162 = vector.shape_cast %swap3A_161 : vector<1x1x16xf32> to vector<16xf32>
      %swap3A_163 = vector.shape_cast %broadcast_in_dim3A_3 : vector<16xf32> to vector<1x1x16xf32>
      tpu.vector_store %arg12[%swap3A_158, %swap3A_159, %swap3A_160], %swap3A_163 {strides = array<i32>} : memref<2x40x128xf32, #tpu.memory_space<vmem>>, vector<1x1x16xf32>,
      %swap3A_164 = arith.constant 0 : i32
      %swap3A_165 = arith.index_cast %swap3A_164 : i32 to index
      %swap3A_166 = arith.index_cast %add3A_157 : i32 to index
      %swap3A_167 = arith.constant 16 : index
      %swap3A_168 = tpu.vector_load %arg12[%swap3A_165, %swap3A_166, %swap3A_167] {strides = array<i32>} : memref<2x40x128xf32, #tpu.memory_space<vmem>>, vector<1x1x16xf32>,
      %swap3A_169 = vector.shape_cast %swap3A_168 : vector<1x1x16xf32> to vector<16xf32>
      %swap3A_170 = vector.shape_cast %broadcast_in_dim3A_3 : vector<16xf32> to vector<1x1x16xf32>
      tpu.vector_store %arg12[%swap3A_165, %swap3A_166, %swap3A_167], %swap3A_170 {strides = array<i32>} : memref<2x40x128xf32, #tpu.memory_space<vmem>>, vector<1x1x16xf32>,
      %swap3A_171 = arith.constant 0 : i32
      %swap3A_172 = arith.index_cast %swap3A_171 : i32 to index
      %swap3A_173 = arith.index_cast %add3A_157 : i32 to index
      %swap3A_174 = arith.constant 32 : index
      %swap3A_175 = tpu.vector_load %arg12[%swap3A_172, %swap3A_173, %swap3A_174] {strides = array<i32>} : memref<2x40x128xf32, #tpu.memory_space<vmem>>, vector<1x1x16xf32>,
      %swap3A_176 = vector.shape_cast %swap3A_175 : vector<1x1x16xf32> to vector<16xf32>
      %swap3A_177 = vector.shape_cast %broadcast_in_dim3A_3 : vector<16xf32> to vector<1x1x16xf32>
      tpu.vector_store %arg12[%swap3A_172, %swap3A_173, %swap3A_174], %swap3A_177 {strides = array<i32>} : memref<2x40x128xf32, #tpu.memory_space<vmem>>, vector<1x1x16xf32>,
      %swap3A_178 = arith.constant 0 : i32
      %swap3A_179 = arith.index_cast %swap3A_178 : i32 to index
      %swap3A_180 = arith.index_cast %add3A_157 : i32 to index
      %swap3A_181 = arith.constant 48 : index
      %swap3A_182 = tpu.vector_load %arg12[%swap3A_179, %swap3A_180, %swap3A_181] {strides = array<i32>} : memref<2x40x128xf32, #tpu.memory_space<vmem>>, vector<1x1x16xf32>,
      %swap3A_183 = vector.shape_cast %swap3A_182 : vector<1x1x16xf32> to vector<16xf32>
      %swap3A_184 = vector.shape_cast %broadcast_in_dim3A_3 : vector<16xf32> to vector<1x1x16xf32>
      tpu.vector_store %arg12[%swap3A_179, %swap3A_180, %swap3A_181], %swap3A_184 {strides = array<i32>} : memref<2x40x128xf32, #tpu.memory_space<vmem>>, vector<1x1x16xf32>,
      %swap3A_185 = arith.constant 0 : i32
      %swap3A_186 = arith.index_cast %swap3A_185 : i32 to index
      %swap3A_187 = arith.index_cast %add3A_157 : i32 to index
      %swap3A_188 = arith.constant 64 : index
      %swap3A_189 = tpu.vector_load %arg12[%swap3A_186, %swap3A_187, %swap3A_188] {strides = array<i32>} : memref<2x40x128xf32, #tpu.memory_space<vmem>>, vector<1x1x16xf32>,
      %swap3A_190 = vector.shape_cast %swap3A_189 : vector<1x1x16xf32> to vector<16xf32>
      %swap3A_191 = vector.shape_cast %broadcast_in_dim3A_3 : vector<16xf32> to vector<1x1x16xf32>
      tpu.vector_store %arg12[%swap3A_186, %swap3A_187, %swap3A_188], %swap3A_191 {strides = array<i32>} : memref<2x40x128xf32, #tpu.memory_space<vmem>>, vector<1x1x16xf32>,
      %swap3A_192 = arith.constant 0 : i32
      %swap3A_193 = arith.index_cast %swap3A_192 : i32 to index
      %swap3A_194 = arith.index_cast %add3A_157 : i32 to index
      %swap3A_195 = arith.constant 80 : index
      %swap3A_196 = tpu.vector_load %arg12[%swap3A_193, %swap3A_194, %swap3A_195] {strides = array<i32>} : memref<2x40x128xf32, #tpu.memory_space<vmem>>, vector<1x1x16xf32>,
      %swap3A_197 = vector.shape_cast %swap3A_196 : vector<1x1x16xf32> to vector<16xf32>
      %swap3A_198 = vector.shape_cast %broadcast_in_dim3A_3 : vector<16xf32> to vector<1x1x16xf32>
      tpu.vector_store %arg12[%swap3A_193, %swap3A_194, %swap3A_195], %swap3A_198 {strides = array<i32>} : memref<2x40x128xf32, #tpu.memory_space<vmem>>, vector<1x1x16xf32>,
      %swap3A_199 = arith.constant 0 : i32
      %swap3A_200 = arith.index_cast %swap3A_199 : i32 to index
      %swap3A_201 = arith.index_cast %add3A_157 : i32 to index
      %swap3A_202 = arith.constant 96 : index
      %swap3A_203 = tpu.vector_load %arg12[%swap3A_200, %swap3A_201, %swap3A_202] {strides = array<i32>} : memref<2x40x128xf32, #tpu.memory_space<vmem>>, vector<1x1x16xf32>,
      %swap3A_204 = vector.shape_cast %swap3A_203 : vector<1x1x16xf32> to vector<16xf32>
      %swap3A_205 = vector.shape_cast %broadcast_in_dim3A_3 : vector<16xf32> to vector<1x1x16xf32>
      tpu.vector_store %arg12[%swap3A_200, %swap3A_201, %swap3A_202], %swap3A_205 {strides = array<i32>} : memref<2x40x128xf32, #tpu.memory_space<vmem>>, vector<1x1x16xf32>,
      %swap3A_206 = arith.constant 0 : i32
      %swap3A_207 = arith.index_cast %swap3A_206 : i32 to index
      %swap3A_208 = arith.index_cast %add3A_157 : i32 to index
      %swap3A_209 = arith.constant 112 : index
      %swap3A_210 = tpu.vector_load %arg12[%swap3A_207, %swap3A_208, %swap3A_209] {strides = array<i32>} : memref<2x40x128xf32, #tpu.memory_space<vmem>>, vector<1x1x16xf32>,
      %swap3A_211 = vector.shape_cast %swap3A_210 : vector<1x1x16xf32> to vector<16xf32>
      %swap3A_212 = vector.shape_cast %broadcast_in_dim3A_3 : vector<16xf32> to vector<1x1x16xf32>
      tpu.vector_store %arg12[%swap3A_207, %swap3A_208, %swap3A_209], %swap3A_212 {strides = array<i32>} : memref<2x40x128xf32, #tpu.memory_space<vmem>>, vector<1x1x16xf32>,
    }
    %scan3A_7 = arith.constant 25 : i32
    %scan3A_8 = arith.constant 0 : i32
    %scan3A_9 = arith.constant 0 : i32
    %scan3A_10 = arith.constant 25 : i32
    %scan3A_11 = arith.addi %scan3A_9, %scan3A_10 : i32
    %scan3A_12 = arith.constant 1 : i32
    scf.for %scan3A_153 = %scan3A_9 to %scan3A_11 step %scan3A_12  : i32 {
      %mul3A_154 = arith.constant 1 : i32
      %mul3A_155 = arith.muli %scan3A_153, %mul3A_154 : i32
      %add3A_156 = arith.constant 0 : i32
      %add3A_157 = arith.addi %add3A_156, %mul3A_155 : i32
      %mul3A_158 = arith.constant 625 : i32
      %mul3A_159 = arith.muli %arg1, %mul3A_158 : i32
      %mul3A_160 = arith.constant 25 : i32
      %mul3A_161 = arith.muli %add3A_157, %mul3A_160 : i32
      %add3A_162 = arith.addi %mul3A_159, %mul3A_161 : i32
      "tpu.region"() ({
        %run_scoped3A = tpu.sem_alloc : memref<!tpu.dma_semaphore, #tpu.memory_space<semaphore_mem>>
        %dma_start3A_163 = arith.constant 0 : i32
        %dma_start3A_164 = arith.constant 0 : i32
        %dma_start3A_165 = tpu.memref_slice %arg12[%scan3A_8, %dma_start3A_163, %dma_start3A_164] : memref<2x40x128xf32, #tpu.memory_space<vmem>> -> memref<1x40x128xf32, #tpu.memory_space<vmem>>
        %dma_start3A_166 = tpu.memref_squeeze %dma_start3A_165 : memref<1x40x128xf32, #tpu.memory_space<vmem>> -> memref<40x128xf32, #tpu.memory_space<vmem>>
        %dma_start3A_167 = arith.constant 0 : i32
        %dma_start3A_168 = arith.constant 0 : i32
        %dma_start3A_169 = tpu.memref_slice %dma_start3A_166[%dma_start3A_167, %dma_start3A_168] : memref<40x128xf32, #tpu.memory_space<vmem>> -> memref<25x128xf32, #tpu.memory_space<vmem>>
        %dma_start3A_170 = arith.constant 0 : i32
        %dma_start3A_171 = tpu.memref_slice %arg18[%add3A_162, %dma_start3A_170] : memref<10000x128xf32, #tpu.memory_space<vmem_shared>> -> memref<25x128xf32, #tpu.memory_space<vmem_shared>>
        %dma_start3A_172 = arith.constant 0 : i32
        %dma_start3A_173 = tpu.memref_slice %arg18[%add3A_162, %dma_start3A_172] : memref<10000x128xf32, #tpu.memory_space<vmem_shared>> -> memref<25x128xf32, #tpu.memory_space<vmem_shared>>
        %dma_start3A_174 = arith.constant 0 : i32
        %dma_start3A_175 = arith.constant 0 : i32
        %dma_start3A_176 = tpu.memref_slice %arg12[%scan3A_8, %dma_start3A_174, %dma_start3A_175] : memref<2x40x128xf32, #tpu.memory_space<vmem>> -> memref<1x40x128xf32, #tpu.memory_space<vmem>>
        %dma_start3A_177 = tpu.memref_squeeze %dma_start3A_176 : memref<1x40x128xf32, #tpu.memory_space<vmem>> -> memref<40x128xf32, #tpu.memory_space<vmem>>
        %dma_start3A_178 = arith.constant 0 : i32
        %dma_start3A_179 = arith.constant 0 : i32
        %dma_start3A_180 = tpu.memref_slice %dma_start3A_177[%dma_start3A_178, %dma_start3A_179] : memref<40x128xf32, #tpu.memory_space<vmem>> -> memref<25x128xf32, #tpu.memory_space<vmem>>
        tpu.enqueue_dma source(%dma_start3A_180 : memref<25x128xf32, #tpu.memory_space<vmem>>) target(%dma_start3A_173 : memref<25x128xf32, #tpu.memory_space<vmem_shared>>) target_semaphore(%run_scoped3A : memref<!tpu.dma_semaphore, #tpu.memory_space<semaphore_mem>>)
        %dma_wait3A_181 = arith.constant 0 : i32
        %dma_wait3A_182 = arith.constant 0 : i32
        %dma_wait3A_183 = tpu.memref_slice %arg12[%scan3A_8, %dma_wait3A_181, %dma_wait3A_182] : memref<2x40x128xf32, #tpu.memory_space<vmem>> -> memref<1x40x128xf32, #tpu.memory_space<vmem>>
        %dma_wait3A_184 = tpu.memref_squeeze %dma_wait3A_183 : memref<1x40x128xf32, #tpu.memory_space<vmem>> -> memref<40x128xf32, #tpu.memory_space<vmem>>
        %dma_wait3A_185 = arith.constant 0 : i32
        %dma_wait3A_186 = arith.constant 0 : i32
        %dma_wait3A_187 = tpu.memref_slice %dma_wait3A_184[%dma_wait3A_185, %dma_wait3A_186] : memref<40x128xf32, #tpu.memory_space<vmem>> -> memref<25x128xf32, #tpu.memory_space<vmem>>
        %dma_wait3A_188 = arith.constant 0 : i32
        %dma_wait3A_189 = tpu.memref_slice %arg18[%add3A_162, %dma_wait3A_188] : memref<10000x128xf32, #tpu.memory_space<vmem_shared>> -> memref<25x128xf32, #tpu.memory_space<vmem_shared>>
        %dma_wait3A_190 = arith.constant 0 : i32
        %dma_wait3A_191 = tpu.memref_slice %arg18[%add3A_162, %dma_wait3A_190] : memref<10000x128xf32, #tpu.memory_space<vmem_shared>> -> memref<25x128xf32, #tpu.memory_space<vmem_shared>>
        %dma_wait3A_192 = arith.constant 0 : i32
        %dma_wait3A_193 = arith.constant 0 : i32
        %dma_wait3A_194 = tpu.memref_slice %arg12[%scan3A_8, %dma_wait3A_192, %dma_wait3A_193] : memref<2x40x128xf32, #tpu.memory_space<vmem>> -> memref<1x40x128xf32, #tpu.memory_space<vmem>>
        %dma_wait3A_195 = tpu.memref_squeeze %dma_wait3A_194 : memref<1x40x128xf32, #tpu.memory_space<vmem>> -> memref<40x128xf32, #tpu.memory_space<vmem>>
        %dma_wait3A_196 = arith.constant 0 : i32
        %dma_wait3A_197 = arith.constant 0 : i32
        %dma_wait3A_198 = tpu.memref_slice %dma_wait3A_195[%dma_wait3A_196, %dma_wait3A_197] : memref<40x128xf32, #tpu.memory_space<vmem>> -> memref<25x128xf32, #tpu.memory_space<vmem>>
        tpu.wait_dma2 semaphore(%run_scoped3A : memref<!tpu.dma_semaphore, #tpu.memory_space<semaphore_mem>>) src(%dma_wait3A_198 : memref<25x128xf32, #tpu.memory_space<vmem>>) dst(%dma_wait3A_191 : memref<25x128xf32, #tpu.memory_space<vmem_shared>>)
        tpu.yield
      }) : () -> ()
    }
    %scan3A_13 = arith.constant 25 : i32
    %barrier3A = arith.constant 0 : index
    tpu.barrier barrier_id(%barrier3A)
    %multiple_of3A = tpu.assume_multiple %mul3A_2, 8 : i32
    "tpu.region"() ({
      %run_scoped3A = tpu.sem_alloc : memref<!tpu.dma_semaphore, #tpu.memory_space<semaphore_mem>>
      %dma_start3A_153 = tpu.memref_slice %arg4[%multiple_of3A] : memref<320000xi32, #tpu.memory_space<hbm>> -> memref<10000xi32, #tpu.memory_space<hbm>>
      %dma_start3A_154 = tpu.memref_slice %arg4[%multiple_of3A] : memref<320000xi32, #tpu.memory_space<hbm>> -> memref<10000xi32, #tpu.memory_space<hbm>>
      tpu.enqueue_dma source(%dma_start3A_154 : memref<10000xi32, #tpu.memory_space<hbm>>) target(%arg9 : memref<10000xi32, #tpu.memory_space<vmem>>) target_semaphore(%run_scoped3A : memref<!tpu.dma_semaphore, #tpu.memory_space<semaphore_mem>>)
      %dma_wait3A_155 = tpu.memref_slice %arg4[%multiple_of3A] : memref<320000xi32, #tpu.memory_space<hbm>> -> memref<10000xi32, #tpu.memory_space<hbm>>
      %dma_wait3A_156 = tpu.memref_slice %arg4[%multiple_of3A] : memref<320000xi32, #tpu.memory_space<hbm>> -> memref<10000xi32, #tpu.memory_space<hbm>>
      tpu.wait_dma2 semaphore(%run_scoped3A : memref<!tpu.dma_semaphore, #tpu.memory_space<semaphore_mem>>) src(%dma_wait3A_156 : memref<10000xi32, #tpu.memory_space<hbm>>) dst(%arg9 : memref<10000xi32, #tpu.memory_space<vmem>>)
      tpu.yield
    }) : () -> ()
    %add3A_14 = arith.constant 0 : i32
    %add3A_15 = arith.addi %mul3A_2, %add3A_14 : i32
    %multiple_of3A_16 = tpu.assume_multiple %add3A_15, 8 : i32
    %dma_start3A = arith.constant 0 : i32
    %dma_start3A_17 = arith.constant 0 : i32
    %dma_start3A_18 = arith.constant 0 : i32
    %dma_start3A_19 = tpu.memref_slice %arg8[%dma_start3A, %dma_start3A_18] : memref<2x40xi32, #tpu.memory_space<vmem>> -> memref<1x40xi32, #tpu.memory_space<vmem>>
    %dma_start3A_20 = tpu.memref_squeeze %dma_start3A_19 : memref<1x40xi32, #tpu.memory_space<vmem>> -> memref<40xi32, #tpu.memory_space<vmem>>
    %dma_start3A_21 = tpu.memref_slice %arg5[%multiple_of3A_16] : memref<320000xi32, #tpu.memory_space<hbm>> -> memref<40xi32, #tpu.memory_space<hbm>>
    %dma_start3A_22 = tpu.memref_slice %arg13[%dma_start3A_17] : memref<2x!tpu.dma_semaphore, #tpu.memory_space<semaphore_mem>> -> memref<1x!tpu.dma_semaphore, #tpu.memory_space<semaphore_mem>>
    %dma_start3A_23 = tpu.memref_squeeze %dma_start3A_22 : memref<1x!tpu.dma_semaphore, #tpu.memory_space<semaphore_mem>> -> memref<!tpu.dma_semaphore, #tpu.memory_space<semaphore_mem>>
    %dma_start3A_24 = arith.constant 0 : i32
    %dma_start3A_25 = tpu.memref_slice %arg8[%dma_start3A, %dma_start3A_24] : memref<2x40xi32, #tpu.memory_space<vmem>> -> memref<1x40xi32, #tpu.memory_space<vmem>>
    %dma_start3A_26 = tpu.memref_squeeze %dma_start3A_25 : memref<1x40xi32, #tpu.memory_space<vmem>> -> memref<40xi32, #tpu.memory_space<vmem>>
    %dma_start3A_27 = tpu.memref_slice %arg5[%multiple_of3A_16] : memref<320000xi32, #tpu.memory_space<hbm>> -> memref<40xi32, #tpu.memory_space<hbm>>
    tpu.enqueue_dma source(%dma_start3A_27 : memref<40xi32, #tpu.memory_space<hbm>>) target(%dma_start3A_26 : memref<40xi32, #tpu.memory_space<vmem>>) target_semaphore(%dma_start3A_23 : memref<!tpu.dma_semaphore, #tpu.memory_space<semaphore_mem>>)
    %add3A_28 = arith.constant 40 : i32
    %add3A_29 = arith.addi %mul3A_2, %add3A_28 : i32
    %multiple_of3A_30 = tpu.assume_multiple %add3A_29, 8 : i32
    %dma_start3A_31 = arith.constant 1 : i32
    %dma_start3A_32 = arith.constant 1 : i32
    %dma_start3A_33 = arith.constant 0 : i32
    %dma_start3A_34 = tpu.memref_slice %arg8[%dma_start3A_31, %dma_start3A_33] : memref<2x40xi32, #tpu.memory_space<vmem>> -> memref<1x40xi32, #tpu.memory_space<vmem>>
    %dma_start3A_35 = tpu.memref_squeeze %dma_start3A_34 : memref<1x40xi32, #tpu.memory_space<vmem>> -> memref<40xi32, #tpu.memory_space<vmem>>
    %dma_start3A_36 = tpu.memref_slice %arg5[%multiple_of3A_30] : memref<320000xi32, #tpu.memory_space<hbm>> -> memref<40xi32, #tpu.memory_space<hbm>>
    %dma_start3A_37 = tpu.memref_slice %arg13[%dma_start3A_32] : memref<2x!tpu.dma_semaphore, #tpu.memory_space<semaphore_mem>> -> memref<1x!tpu.dma_semaphore, #tpu.memory_space<semaphore_mem>>
    %dma_start3A_38 = tpu.memref_squeeze %dma_start3A_37 : memref<1x!tpu.dma_semaphore, #tpu.memory_space<semaphore_mem>> -> memref<!tpu.dma_semaphore, #tpu.memory_space<semaphore_mem>>
    %dma_start3A_39 = arith.constant 0 : i32
    %dma_start3A_40 = tpu.memref_slice %arg8[%dma_start3A_31, %dma_start3A_39] : memref<2x40xi32, #tpu.memory_space<vmem>> -> memref<1x40xi32, #tpu.memory_space<vmem>>
    %dma_start3A_41 = tpu.memref_squeeze %dma_start3A_40 : memref<1x40xi32, #tpu.memory_space<vmem>> -> memref<40xi32, #tpu.memory_space<vmem>>
    %dma_start3A_42 = tpu.memref_slice %arg5[%multiple_of3A_30] : memref<320000xi32, #tpu.memory_space<hbm>> -> memref<40xi32, #tpu.memory_space<hbm>>
    tpu.enqueue_dma source(%dma_start3A_42 : memref<40xi32, #tpu.memory_space<hbm>>) target(%dma_start3A_41 : memref<40xi32, #tpu.memory_space<vmem>>) target_semaphore(%dma_start3A_38 : memref<!tpu.dma_semaphore, #tpu.memory_space<semaphore_mem>>)
    %multiple_of3A_43 = arith.constant 0 : i32
    %multiple_of3A_44 = tpu.assume_multiple %multiple_of3A_43, 8 : i32
    %dma_start3A_45 = arith.constant 0 : i32
    %dma_start3A_46 = arith.constant 0 : i32
    %dma_start3A_47 = arith.constant 0 : i32
    %dma_start3A_48 = arith.constant 0 : i32
    %dma_start3A_49 = tpu.memref_slice %arg10[%dma_start3A_45, %dma_start3A_47, %dma_start3A_48] : memref<2x40x128xf32, #tpu.memory_space<vmem>> -> memref<1x40x128xf32, #tpu.memory_space<vmem>>
    %dma_start3A_50 = tpu.memref_squeeze %dma_start3A_49 : memref<1x40x128xf32, #tpu.memory_space<vmem>> -> memref<40x128xf32, #tpu.memory_space<vmem>>
    %dma_start3A_51 = tpu.memref_slice %arg9[%multiple_of3A_44] : memref<10000xi32, #tpu.memory_space<vmem>> -> memref<40xi32, #tpu.memory_space<vmem>>
    %dma_start3A_52 = arith.constant 0 : i32
    %dma_start3A_53 = arith.constant 0 : i32
    %dma_start3A_54 = tpu.memref_slice %arg2[%dma_start3A_52, %dma_start3A_53] : memref<10000x128xf32, #tpu.memory_space<hbm>> -> memref<10000x128xf32, #tpu.memory_space<hbm>>
    %dma_start3A_55 = tpu.memref_slice %arg14[%dma_start3A_46] : memref<2x!tpu.dma_semaphore, #tpu.memory_space<semaphore_mem>> -> memref<1x!tpu.dma_semaphore, #tpu.memory_space<semaphore_mem>>
    %dma_start3A_56 = tpu.memref_squeeze %dma_start3A_55 : memref<1x!tpu.dma_semaphore, #tpu.memory_space<semaphore_mem>> -> memref<!tpu.dma_semaphore, #tpu.memory_space<semaphore_mem>>
    tpu.enqueue_indirect_dma source(%dma_start3A_54 : memref<10000x128xf32, #tpu.memory_space<hbm>>) target(%dma_start3A_50 : memref<40x128xf32, #tpu.memory_space<vmem>>) offsets(%dma_start3A_51 : memref<40xi32, #tpu.memory_space<vmem>>) semaphore(%dma_start3A_56 : memref<!tpu.dma_semaphore, #tpu.memory_space<semaphore_mem>>)
    %add3A_57 = arith.constant 0 : i32
    %add3A_58 = arith.addi %mul3A_2, %add3A_57 : i32
    %multiple_of3A_59 = tpu.assume_multiple %add3A_58, 8 : i32
    %dma_start3A_60 = arith.constant 0 : i32
    %dma_start3A_61 = arith.constant 0 : i32
    %dma_start3A_62 = arith.constant 0 : i32
    %dma_start3A_63 = arith.constant 0 : i32
    %dma_start3A_64 = tpu.memref_slice %arg11[%dma_start3A_60, %dma_start3A_62, %dma_start3A_63] : memref<2x40x128xf32, #tpu.memory_space<vmem>> -> memref<1x40x128xf32, #tpu.memory_space<vmem>>
    %dma_start3A_65 = tpu.memref_squeeze %dma_start3A_64 : memref<1x40x128xf32, #tpu.memory_space<vmem>> -> memref<40x128xf32, #tpu.memory_space<vmem>>
    %dma_start3A_66 = arith.constant 0 : i32
    %dma_start3A_67 = tpu.memref_slice %arg3[%multiple_of3A_59, %dma_start3A_66] : memref<320000x128xf32, #tpu.memory_space<hbm>> -> memref<40x128xf32, #tpu.memory_space<hbm>>
    %dma_start3A_68 = tpu.memref_slice %arg15[%dma_start3A_61] : memref<2x!tpu.dma_semaphore, #tpu.memory_space<semaphore_mem>> -> memref<1x!tpu.dma_semaphore, #tpu.memory_space<semaphore_mem>>
    %dma_start3A_69 = tpu.memref_squeeze %dma_start3A_68 : memref<1x!tpu.dma_semaphore, #tpu.memory_space<semaphore_mem>> -> memref<!tpu.dma_semaphore, #tpu.memory_space<semaphore_mem>>
    %dma_start3A_70 = arith.constant 0 : i32
    %dma_start3A_71 = arith.constant 0 : i32
    %dma_start3A_72 = tpu.memref_slice %arg11[%dma_start3A_60, %dma_start3A_70, %dma_start3A_71] : memref<2x40x128xf32, #tpu.memory_space<vmem>> -> memref<1x40x128xf32, #tpu.memory_space<vmem>>
    %dma_start3A_73 = tpu.memref_squeeze %dma_start3A_72 : memref<1x40x128xf32, #tpu.memory_space<vmem>> -> memref<40x128xf32, #tpu.memory_space<vmem>>
    %dma_start3A_74 = arith.constant 0 : i32
    %dma_start3A_75 = tpu.memref_slice %arg3[%multiple_of3A_59, %dma_start3A_74] : memref<320000x128xf32, #tpu.memory_space<hbm>> -> memref<40x128xf32, #tpu.memory_space<hbm>>
    tpu.enqueue_dma source(%dma_start3A_75 : memref<40x128xf32, #tpu.memory_space<hbm>>) target(%dma_start3A_73 : memref<40x128xf32, #tpu.memory_space<vmem>>) target_semaphore(%dma_start3A_69 : memref<!tpu.dma_semaphore, #tpu.memory_space<semaphore_mem>>)
    %multiple_of3A_76 = arith.constant 40 : i32
    %multiple_of3A_77 = tpu.assume_multiple %multiple_of3A_76, 8 : i32
    %dma_start3A_78 = arith.constant 1 : i32
    %dma_start3A_79 = arith.constant 1 : i32
    %dma_start3A_80 = arith.constant 0 : i32
    %dma_start3A_81 = arith.constant 0 : i32
    %dma_start3A_82 = tpu.memref_slice %arg10[%dma_start3A_78, %dma_start3A_80, %dma_start3A_81] : memref<2x40x128xf32, #tpu.memory_space<vmem>> -> memref<1x40x128xf32, #tpu.memory_space<vmem>>
    %dma_start3A_83 = tpu.memref_squeeze %dma_start3A_82 : memref<1x40x128xf32, #tpu.memory_space<vmem>> -> memref<40x128xf32, #tpu.memory_space<vmem>>
    %dma_start3A_84 = tpu.memref_slice %arg9[%multiple_of3A_77] : memref<10000xi32, #tpu.memory_space<vmem>> -> memref<40xi32, #tpu.memory_space<vmem>>
    %dma_start3A_85 = arith.constant 0 : i32
    %dma_start3A_86 = arith.constant 0 : i32
    %dma_start3A_87 = tpu.memref_slice %arg2[%dma_start3A_85, %dma_start3A_86] : memref<10000x128xf32, #tpu.memory_space<hbm>> -> memref<10000x128xf32, #tpu.memory_space<hbm>>
    %dma_start3A_88 = tpu.memref_slice %arg14[%dma_start3A_79] : memref<2x!tpu.dma_semaphore, #tpu.memory_space<semaphore_mem>> -> memref<1x!tpu.dma_semaphore, #tpu.memory_space<semaphore_mem>>
    %dma_start3A_89 = tpu.memref_squeeze %dma_start3A_88 : memref<1x!tpu.dma_semaphore, #tpu.memory_space<semaphore_mem>> -> memref<!tpu.dma_semaphore, #tpu.memory_space<semaphore_mem>>
    tpu.enqueue_indirect_dma source(%dma_start3A_87 : memref<10000x128xf32, #tpu.memory_space<hbm>>) target(%dma_start3A_83 : memref<40x128xf32, #tpu.memory_space<vmem>>) offsets(%dma_start3A_84 : memref<40xi32, #tpu.memory_space<vmem>>) semaphore(%dma_start3A_89 : memref<!tpu.dma_semaphore, #tpu.memory_space<semaphore_mem>>)
    %add3A_90 = arith.constant 40 : i32
    %add3A_91 = arith.addi %mul3A_2, %add3A_90 : i32
    %multiple_of3A_92 = tpu.assume_multiple %add3A_91, 8 : i32
    %dma_start3A_93 = arith.constant 1 : i32
    %dma_start3A_94 = arith.constant 1 : i32
    %dma_start3A_95 = arith.constant 0 : i32
    %dma_start3A_96 = arith.constant 0 : i32
    %dma_start3A_97 = tpu.memref_slice %arg11[%dma_start3A_93, %dma_start3A_95, %dma_start3A_96] : memref<2x40x128xf32, #tpu.memory_space<vmem>> -> memref<1x40x128xf32, #tpu.memory_space<vmem>>
    %dma_start3A_98 = tpu.memref_squeeze %dma_start3A_97 : memref<1x40x128xf32, #tpu.memory_space<vmem>> -> memref<40x128xf32, #tpu.memory_space<vmem>>
    %dma_start3A_99 = arith.constant 0 : i32
    %dma_start3A_100 = tpu.memref_slice %arg3[%multiple_of3A_92, %dma_start3A_99] : memref<320000x128xf32, #tpu.memory_space<hbm>> -> memref<40x128xf32, #tpu.memory_space<hbm>>
    %dma_start3A_101 = tpu.memref_slice %arg15[%dma_start3A_94] : memref<2x!tpu.dma_semaphore, #tpu.memory_space<semaphore_mem>> -> memref<1x!tpu.dma_semaphore, #tpu.memory_space<semaphore_mem>>
    %dma_start3A_102 = tpu.memref_squeeze %dma_start3A_101 : memref<1x!tpu.dma_semaphore, #tpu.memory_space<semaphore_mem>> -> memref<!tpu.dma_semaphore, #tpu.memory_space<semaphore_mem>>
    %dma_start3A_103 = arith.constant 0 : i32
    %dma_start3A_104 = arith.constant 0 : i32
    %dma_start3A_105 = tpu.memref_slice %arg11[%dma_start3A_93, %dma_start3A_103, %dma_start3A_104] : memref<2x40x128xf32, #tpu.memory_space<vmem>> -> memref<1x40x128xf32, #tpu.memory_space<vmem>>
    %dma_start3A_106 = tpu.memref_squeeze %dma_start3A_105 : memref<1x40x128xf32, #tpu.memory_space<vmem>> -> memref<40x128xf32, #tpu.memory_space<vmem>>
    %dma_start3A_107 = arith.constant 0 : i32
    %dma_start3A_108 = tpu.memref_slice %arg3[%multiple_of3A_92, %dma_start3A_107] : memref<320000x128xf32, #tpu.memory_space<hbm>> -> memref<40x128xf32, #tpu.memory_space<hbm>>
    tpu.enqueue_dma source(%dma_start3A_108 : memref<40x128xf32, #tpu.memory_space<hbm>>) target(%dma_start3A_106 : memref<40x128xf32, #tpu.memory_space<vmem>>) target_semaphore(%dma_start3A_102 : memref<!tpu.dma_semaphore, #tpu.memory_space<semaphore_mem>>)
    %scan3A_109 = arith.constant 0 : i32
    %scan3A_110 = arith.constant 125 : i32
    %scan3A_111 = arith.addi %scan3A_109, %scan3A_110 : i32
    %scan3A_112 = arith.constant 1 : i32
    scf.for %scan3A_153 = %scan3A_109 to %scan3A_111 step %scan3A_112  : i32 {
      %mul3A_154 = arith.constant 1 : i32
      %mul3A_155 = arith.muli %scan3A_153, %mul3A_154 : i32
      %add3A_156 = arith.constant 0 : i32
      %add3A_157 = arith.addi %add3A_156, %mul3A_155 : i32
      %mul3A_158 = arith.constant 2 : i32
      %mul3A_159 = arith.muli %add3A_157, %mul3A_158 : i32
      %add3A_160 = arith.constant 0 : i32
      %add3A_161 = arith.addi %mul3A_159, %add3A_160 : i32
      %mul3A_162 = arith.constant 40 : i32
      %mul3A_163 = arith.muli %add3A_161, %mul3A_162 : i32
      %multiple_of3A_164 = tpu.assume_multiple %mul3A_163, 8 : i32
      %dma_wait3A_165 = arith.constant 0 : i32
      %dma_wait3A_166 = arith.constant 0 : i32
      %dma_wait3A_167 = arith.constant 0 : i32
      %dma_wait3A_168 = arith.constant 0 : i32
      %dma_wait3A_169 = tpu.memref_slice %arg10[%dma_wait3A_165, %dma_wait3A_167, %dma_wait3A_168] : memref<2x40x128xf32, #tpu.memory_space<vmem>> -> memref<1x40x128xf32, #tpu.memory_space<vmem>>
      %dma_wait3A_170 = tpu.memref_squeeze %dma_wait3A_169 : memref<1x40x128xf32, #tpu.memory_space<vmem>> -> memref<40x128xf32, #tpu.memory_space<vmem>>
      %dma_wait3A_171 = tpu.memref_slice %arg9[%multiple_of3A_164] : memref<10000xi32, #tpu.memory_space<vmem>> -> memref<40xi32, #tpu.memory_space<vmem>>
      %dma_wait3A_172 = arith.constant 0 : i32
      %dma_wait3A_173 = arith.constant 0 : i32
      %dma_wait3A_174 = tpu.memref_slice %arg2[%dma_wait3A_172, %dma_wait3A_173] : memref<10000x128xf32, #tpu.memory_space<hbm>> -> memref<10000x128xf32, #tpu.memory_space<hbm>>
      %dma_wait3A_175 = tpu.memref_slice %arg14[%dma_wait3A_166] : memref<2x!tpu.dma_semaphore, #tpu.memory_space<semaphore_mem>> -> memref<1x!tpu.dma_semaphore, #tpu.memory_space<semaphore_mem>>
      %dma_wait3A_176 = tpu.memref_squeeze %dma_wait3A_175 : memref<1x!tpu.dma_semaphore, #tpu.memory_space<semaphore_mem>> -> memref<!tpu.dma_semaphore, #tpu.memory_space<semaphore_mem>>
      tpu.wait_indirect_dma semaphore(%dma_wait3A_176 : memref<!tpu.dma_semaphore, #tpu.memory_space<semaphore_mem>>) src(%dma_wait3A_174 : memref<10000x128xf32, #tpu.memory_space<hbm>>) dst(%dma_wait3A_170 : memref<40x128xf32, #tpu.memory_space<vmem>>)
      %mul3A_177 = arith.constant 40 : i32
      %mul3A_178 = arith.muli %add3A_161, %mul3A_177 : i32
      %add3A_179 = arith.addi %mul3A_2, %mul3A_178 : i32
      %multiple_of3A_180 = tpu.assume_multiple %add3A_179, 8 : i32
      %dma_wait3A_181 = arith.constant 0 : i32
      %dma_wait3A_182 = arith.constant 0 : i32
      %dma_wait3A_183 = arith.constant 0 : i32
      %dma_wait3A_184 = arith.constant 0 : i32
      %dma_wait3A_185 = tpu.memref_slice %arg11[%dma_wait3A_181, %dma_wait3A_183, %dma_wait3A_184] : memref<2x40x128xf32, #tpu.memory_space<vmem>> -> memref<1x40x128xf32, #tpu.memory_space<vmem>>
      %dma_wait3A_186 = tpu.memref_squeeze %dma_wait3A_185 : memref<1x40x128xf32, #tpu.memory_space<vmem>> -> memref<40x128xf32, #tpu.memory_space<vmem>>
      %dma_wait3A_187 = arith.constant 0 : i32
      %dma_wait3A_188 = tpu.memref_slice %arg3[%multiple_of3A_180, %dma_wait3A_187] : memref<320000x128xf32, #tpu.memory_space<hbm>> -> memref<40x128xf32, #tpu.memory_space<hbm>>
      %dma_wait3A_189 = tpu.memref_slice %arg15[%dma_wait3A_182] : memref<2x!tpu.dma_semaphore, #tpu.memory_space<semaphore_mem>> -> memref<1x!tpu.dma_semaphore, #tpu.memory_space<semaphore_mem>>
      %dma_wait3A_190 = tpu.memref_squeeze %dma_wait3A_189 : memref<1x!tpu.dma_semaphore, #tpu.memory_space<semaphore_mem>> -> memref<!tpu.dma_semaphore, #tpu.memory_space<semaphore_mem>>
      %dma_wait3A_191 = arith.constant 0 : i32
      %dma_wait3A_192 = arith.constant 0 : i32
      %dma_wait3A_193 = tpu.memref_slice %arg11[%dma_wait3A_181, %dma_wait3A_191, %dma_wait3A_192] : memref<2x40x128xf32, #tpu.memory_space<vmem>> -> memref<1x40x128xf32, #tpu.memory_space<vmem>>
      %dma_wait3A_194 = tpu.memref_squeeze %dma_wait3A_193 : memref<1x40x128xf32, #tpu.memory_space<vmem>> -> memref<40x128xf32, #tpu.memory_space<vmem>>
      %dma_wait3A_195 = arith.constant 0 : i32
      %dma_wait3A_196 = tpu.memref_slice %arg3[%multiple_of3A_180, %dma_wait3A_195] : memref<320000x128xf32, #tpu.memory_space<hbm>> -> memref<40x128xf32, #tpu.memory_space<hbm>>
      tpu.wait_dma2 semaphore(%dma_wait3A_190 : memref<!tpu.dma_semaphore, #tpu.memory_space<semaphore_mem>>) src(%dma_wait3A_196 : memref<40x128xf32, #tpu.memory_space<hbm>>) dst(%dma_wait3A_194 : memref<40x128xf32, #tpu.memory_space<vmem>>)
      %scan3A_197 = arith.constant 0 : i32
      %scan3A_198 = arith.constant 40 : i32
      %scan3A_199 = arith.addi %scan3A_197, %scan3A_198 : i32
      %scan3A_200 = arith.constant 1 : i32
      scf.for %scan3A_385 = %scan3A_197 to %scan3A_199 step %scan3A_200  : i32 {
        %mul3A_386 = arith.constant 1 : i32
        %mul3A_387 = arith.muli %scan3A_385, %mul3A_386 : i32
        %add3A_388 = arith.constant 0 : i32
        %add3A_389 = arith.addi %add3A_388, %mul3A_387 : i32
        %get3A = arith.constant 0 : i32
        %get3A_390 = arith.index_cast %get3A : i32 to index
        %get3A_391 = arith.index_cast %add3A_389 : i32 to index
        %get3A_392 = arith.constant 0 : index
        %get3A_393 = tpu.vector_load %arg11[%get3A_390, %get3A_391, %get3A_392] {strides = array<i32>} : memref<2x40x128xf32, #tpu.memory_space<vmem>>, vector<1x1x16xf32>,
        %get3A_394 = vector.shape_cast %get3A_393 : vector<1x1x16xf32> to vector<16xf32>
        %get3A_395 = arith.constant 0 : i32
        %get3A_396 = arith.index_cast %get3A_395 : i32 to index
        %get3A_397 = arith.index_cast %add3A_389 : i32 to index
        %get3A_398 = arith.constant 0 : index
        %get3A_399 = tpu.vector_load %arg10[%get3A_396, %get3A_397, %get3A_398] {strides = array<i32>} : memref<2x40x128xf32, #tpu.memory_space<vmem>>, vector<1x1x16xf32>,
        %get3A_400 = vector.shape_cast %get3A_399 : vector<1x1x16xf32> to vector<16xf32>
        %add3A_401 = arith.addf %get3A_394, %get3A_400 : vector<16xf32>
        %max3A = arith.constant 0.000000e+00 : f32
        %max3A_402 = vector.broadcast %max3A : f32 to vector<16xf32>
        %max3A_403 = arith.maximumf %add3A_401, %max3A_402 : vector<16xf32>
        %swap3A = arith.constant 0 : i32
        %swap3A_404 = arith.index_cast %swap3A : i32 to index
        %swap3A_405 = arith.index_cast %add3A_389 : i32 to index
        %swap3A_406 = arith.constant 0 : index
        %swap3A_407 = tpu.vector_load %arg12[%swap3A_404, %swap3A_405, %swap3A_406] {strides = array<i32>} : memref<2x40x128xf32, #tpu.memory_space<vmem>>, vector<1x1x16xf32>,
        %swap3A_408 = vector.shape_cast %swap3A_407 : vector<1x1x16xf32> to vector<16xf32>
        %swap3A_409 = vector.shape_cast %max3A_403 : vector<16xf32> to vector<1x1x16xf32>
        tpu.vector_store %arg12[%swap3A_404, %swap3A_405, %swap3A_406], %swap3A_409 {strides = array<i32>} : memref<2x40x128xf32, #tpu.memory_space<vmem>>, vector<1x1x16xf32>,
        %get3A_410 = arith.constant 0 : i32
        %get3A_411 = arith.index_cast %get3A_410 : i32 to index
        %get3A_412 = arith.index_cast %add3A_389 : i32 to index
        %get3A_413 = arith.constant 16 : index
        %get3A_414 = tpu.vector_load %arg11[%get3A_411, %get3A_412, %get3A_413] {strides = array<i32>} : memref<2x40x128xf32, #tpu.memory_space<vmem>>, vector<1x1x16xf32>,
        %get3A_415 = vector.shape_cast %get3A_414 : vector<1x1x16xf32> to vector<16xf32>
        %get3A_416 = arith.constant 0 : i32
        %get3A_417 = arith.index_cast %get3A_416 : i32 to index
        %get3A_418 = arith.index_cast %add3A_389 : i32 to index
        %get3A_419 = arith.constant 16 : index
        %get3A_420 = tpu.vector_load %arg10[%get3A_417, %get3A_418, %get3A_419] {strides = array<i32>} : memref<2x40x128xf32, #tpu.memory_space<vmem>>, vector<1x1x16xf32>,
        %get3A_421 = vector.shape_cast %get3A_420 : vector<1x1x16xf32> to vector<16xf32>
        %add3A_422 = arith.addf %get3A_415, %get3A_421 : vector<16xf32>
        %max3A_423 = arith.constant 0.000000e+00 : f32
        %max3A_424 = vector.broadcast %max3A_423 : f32 to vector<16xf32>
        %max3A_425 = arith.maximumf %add3A_422, %max3A_424 : vector<16xf32>
        %swap3A_426 = arith.constant 0 : i32
        %swap3A_427 = arith.index_cast %swap3A_426 : i32 to index
        %swap3A_428 = arith.index_cast %add3A_389 : i32 to index
        %swap3A_429 = arith.constant 16 : index
        %swap3A_430 = tpu.vector_load %arg12[%swap3A_427, %swap3A_428, %swap3A_429] {strides = array<i32>} : memref<2x40x128xf32, #tpu.memory_space<vmem>>, vector<1x1x16xf32>,
        %swap3A_431 = vector.shape_cast %swap3A_430 : vector<1x1x16xf32> to vector<16xf32>
        %swap3A_432 = vector.shape_cast %max3A_425 : vector<16xf32> to vector<1x1x16xf32>
        tpu.vector_store %arg12[%swap3A_427, %swap3A_428, %swap3A_429], %swap3A_432 {strides = array<i32>} : memref<2x40x128xf32, #tpu.memory_space<vmem>>, vector<1x1x16xf32>,
        %get3A_433 = arith.constant 0 : i32
        %get3A_434 = arith.index_cast %get3A_433 : i32 to index
        %get3A_435 = arith.index_cast %add3A_389 : i32 to index
        %get3A_436 = arith.constant 32 : index
        %get3A_437 = tpu.vector_load %arg11[%get3A_434, %get3A_435, %get3A_436] {strides = array<i32>} : memref<2x40x128xf32, #tpu.memory_space<vmem>>, vector<1x1x16xf32>,
        %get3A_438 = vector.shape_cast %get3A_437 : vector<1x1x16xf32> to vector<16xf32>
        %get3A_439 = arith.constant 0 : i32
        %get3A_440 = arith.index_cast %get3A_439 : i32 to index
        %get3A_441 = arith.index_cast %add3A_389 : i32 to index
        %get3A_442 = arith.constant 32 : index
        %get3A_443 = tpu.vector_load %arg10[%get3A_440, %get3A_441, %get3A_442] {strides = array<i32>} : memref<2x40x128xf32, #tpu.memory_space<vmem>>, vector<1x1x16xf32>,
        %get3A_444 = vector.shape_cast %get3A_443 : vector<1x1x16xf32> to vector<16xf32>
        %add3A_445 = arith.addf %get3A_438, %get3A_444 : vector<16xf32>
        %max3A_446 = arith.constant 0.000000e+00 : f32
        %max3A_447 = vector.broadcast %max3A_446 : f32 to vector<16xf32>
        %max3A_448 = arith.maximumf %add3A_445, %max3A_447 : vector<16xf32>
        %swap3A_449 = arith.constant 0 : i32
        %swap3A_450 = arith.index_cast %swap3A_449 : i32 to index
        %swap3A_451 = arith.index_cast %add3A_389 : i32 to index
        %swap3A_452 = arith.constant 32 : index
        %swap3A_453 = tpu.vector_load %arg12[%swap3A_450, %swap3A_451, %swap3A_452] {strides = array<i32>} : memref<2x40x128xf32, #tpu.memory_space<vmem>>, vector<1x1x16xf32>,
        %swap3A_454 = vector.shape_cast %swap3A_453 : vector<1x1x16xf32> to vector<16xf32>
        %swap3A_455 = vector.shape_cast %max3A_448 : vector<16xf32> to vector<1x1x16xf32>
        tpu.vector_store %arg12[%swap3A_450, %swap3A_451, %swap3A_452], %swap3A_455 {strides = array<i32>} : memref<2x40x128xf32, #tpu.memory_space<vmem>>, vector<1x1x16xf32>,
        %get3A_456 = arith.constant 0 : i32
        %get3A_457 = arith.index_cast %get3A_456 : i32 to index
        %get3A_458 = arith.index_cast %add3A_389 : i32 to index
        %get3A_459 = arith.constant 48 : index
        %get3A_460 = tpu.vector_load %arg11[%get3A_457, %get3A_458, %get3A_459] {strides = array<i32>} : memref<2x40x128xf32, #tpu.memory_space<vmem>>, vector<1x1x16xf32>,
        %get3A_461 = vector.shape_cast %get3A_460 : vector<1x1x16xf32> to vector<16xf32>
        %get3A_462 = arith.constant 0 : i32
        %get3A_463 = arith.index_cast %get3A_462 : i32 to index
        %get3A_464 = arith.index_cast %add3A_389 : i32 to index
        %get3A_465 = arith.constant 48 : index
        %get3A_466 = tpu.vector_load %arg10[%get3A_463, %get3A_464, %get3A_465] {strides = array<i32>} : memref<2x40x128xf32, #tpu.memory_space<vmem>>, vector<1x1x16xf32>,
        %get3A_467 = vector.shape_cast %get3A_466 : vector<1x1x16xf32> to vector<16xf32>
        %add3A_468 = arith.addf %get3A_461, %get3A_467 : vector<16xf32>
        %max3A_469 = arith.constant 0.000000e+00 : f32
        %max3A_470 = vector.broadcast %max3A_469 : f32 to vector<16xf32>
        %max3A_471 = arith.maximumf %add3A_468, %max3A_470 : vector<16xf32>
        %swap3A_472 = arith.constant 0 : i32
        %swap3A_473 = arith.index_cast %swap3A_472 : i32 to index
        %swap3A_474 = arith.index_cast %add3A_389 : i32 to index
        %swap3A_475 = arith.constant 48 : index
        %swap3A_476 = tpu.vector_load %arg12[%swap3A_473, %swap3A_474, %swap3A_475] {strides = array<i32>} : memref<2x40x128xf32, #tpu.memory_space<vmem>>, vector<1x1x16xf32>,
        %swap3A_477 = vector.shape_cast %swap3A_476 : vector<1x1x16xf32> to vector<16xf32>
        %swap3A_478 = vector.shape_cast %max3A_471 : vector<16xf32> to vector<1x1x16xf32>
        tpu.vector_store %arg12[%swap3A_473, %swap3A_474, %swap3A_475], %swap3A_478 {strides = array<i32>} : memref<2x40x128xf32, #tpu.memory_space<vmem>>, vector<1x1x16xf32>,
        %get3A_479 = arith.constant 0 : i32
        %get3A_480 = arith.index_cast %get3A_479 : i32 to index
        %get3A_481 = arith.index_cast %add3A_389 : i32 to index
        %get3A_482 = arith.constant 64 : index
        %get3A_483 = tpu.vector_load %arg11[%get3A_480, %get3A_481, %get3A_482] {strides = array<i32>} : memref<2x40x128xf32, #tpu.memory_space<vmem>>, vector<1x1x16xf32>,
        %get3A_484 = vector.shape_cast %get3A_483 : vector<1x1x16xf32> to vector<16xf32>
        %get3A_485 = arith.constant 0 : i32
        %get3A_486 = arith.index_cast %get3A_485 : i32 to index
        %get3A_487 = arith.index_cast %add3A_389 : i32 to index
        %get3A_488 = arith.constant 64 : index
        %get3A_489 = tpu.vector_load %arg10[%get3A_486, %get3A_487, %get3A_488] {strides = array<i32>} : memref<2x40x128xf32, #tpu.memory_space<vmem>>, vector<1x1x16xf32>,
        %get3A_490 = vector.shape_cast %get3A_489 : vector<1x1x16xf32> to vector<16xf32>
        %add3A_491 = arith.addf %get3A_484, %get3A_490 : vector<16xf32>
        %max3A_492 = arith.constant 0.000000e+00 : f32
        %max3A_493 = vector.broadcast %max3A_492 : f32 to vector<16xf32>
        %max3A_494 = arith.maximumf %add3A_491, %max3A_493 : vector<16xf32>
        %swap3A_495 = arith.constant 0 : i32
        %swap3A_496 = arith.index_cast %swap3A_495 : i32 to index
        %swap3A_497 = arith.index_cast %add3A_389 : i32 to index
        %swap3A_498 = arith.constant 64 : index
        %swap3A_499 = tpu.vector_load %arg12[%swap3A_496, %swap3A_497, %swap3A_498] {strides = array<i32>} : memref<2x40x128xf32, #tpu.memory_space<vmem>>, vector<1x1x16xf32>,
        %swap3A_500 = vector.shape_cast %swap3A_499 : vector<1x1x16xf32> to vector<16xf32>
        %swap3A_501 = vector.shape_cast %max3A_494 : vector<16xf32> to vector<1x1x16xf32>
        tpu.vector_store %arg12[%swap3A_496, %swap3A_497, %swap3A_498], %swap3A_501 {strides = array<i32>} : memref<2x40x128xf32, #tpu.memory_space<vmem>>, vector<1x1x16xf32>,
        %get3A_502 = arith.constant 0 : i32
        %get3A_503 = arith.index_cast %get3A_502 : i32 to index
        %get3A_504 = arith.index_cast %add3A_389 : i32 to index
        %get3A_505 = arith.constant 80 : index
        %get3A_506 = tpu.vector_load %arg11[%get3A_503, %get3A_504, %get3A_505] {strides = array<i32>} : memref<2x40x128xf32, #tpu.memory_space<vmem>>, vector<1x1x16xf32>,
        %get3A_507 = vector.shape_cast %get3A_506 : vector<1x1x16xf32> to vector<16xf32>
        %get3A_508 = arith.constant 0 : i32
        %get3A_509 = arith.index_cast %get3A_508 : i32 to index
        %get3A_510 = arith.index_cast %add3A_389 : i32 to index
        %get3A_511 = arith.constant 80 : index
        %get3A_512 = tpu.vector_load %arg10[%get3A_509, %get3A_510, %get3A_511] {strides = array<i32>} : memref<2x40x128xf32, #tpu.memory_space<vmem>>, vector<1x1x16xf32>,
        %get3A_513 = vector.shape_cast %get3A_512 : vector<1x1x16xf32> to vector<16xf32>
        %add3A_514 = arith.addf %get3A_507, %get3A_513 : vector<16xf32>
        %max3A_515 = arith.constant 0.000000e+00 : f32
        %max3A_516 = vector.broadcast %max3A_515 : f32 to vector<16xf32>
        %max3A_517 = arith.maximumf %add3A_514, %max3A_516 : vector<16xf32>
        %swap3A_518 = arith.constant 0 : i32
        %swap3A_519 = arith.index_cast %swap3A_518 : i32 to index
        %swap3A_520 = arith.index_cast %add3A_389 : i32 to index
        %swap3A_521 = arith.constant 80 : index
        %swap3A_522 = tpu.vector_load %arg12[%swap3A_519, %swap3A_520, %swap3A_521] {strides = array<i32>} : memref<2x40x128xf32, #tpu.memory_space<vmem>>, vector<1x1x16xf32>,
        %swap3A_523 = vector.shape_cast %swap3A_522 : vector<1x1x16xf32> to vector<16xf32>
        %swap3A_524 = vector.shape_cast %max3A_517 : vector<16xf32> to vector<1x1x16xf32>
        tpu.vector_store %arg12[%swap3A_519, %swap3A_520, %swap3A_521], %swap3A_524 {strides = array<i32>} : memref<2x40x128xf32, #tpu.memory_space<vmem>>, vector<1x1x16xf32>,
        %get3A_525 = arith.constant 0 : i32
        %get3A_526 = arith.index_cast %get3A_525 : i32 to index
        %get3A_527 = arith.index_cast %add3A_389 : i32 to index
        %get3A_528 = arith.constant 96 : index
        %get3A_529 = tpu.vector_load %arg11[%get3A_526, %get3A_527, %get3A_528] {strides = array<i32>} : memref<2x40x128xf32, #tpu.memory_space<vmem>>, vector<1x1x16xf32>,
        %get3A_530 = vector.shape_cast %get3A_529 : vector<1x1x16xf32> to vector<16xf32>
        %get3A_531 = arith.constant 0 : i32
        %get3A_532 = arith.index_cast %get3A_531 : i32 to index
        %get3A_533 = arith.index_cast %add3A_389 : i32 to index
        %get3A_534 = arith.constant 96 : index
        %get3A_535 = tpu.vector_load %arg10[%get3A_532, %get3A_533, %get3A_534] {strides = array<i32>} : memref<2x40x128xf32, #tpu.memory_space<vmem>>, vector<1x1x16xf32>,
        %get3A_536 = vector.shape_cast %get3A_535 : vector<1x1x16xf32> to vector<16xf32>
        %add3A_537 = arith.addf %get3A_530, %get3A_536 : vector<16xf32>
        %max3A_538 = arith.constant 0.000000e+00 : f32
        %max3A_539 = vector.broadcast %max3A_538 : f32 to vector<16xf32>
        %max3A_540 = arith.maximumf %add3A_537, %max3A_539 : vector<16xf32>
        %swap3A_541 = arith.constant 0 : i32
        %swap3A_542 = arith.index_cast %swap3A_541 : i32 to index
        %swap3A_543 = arith.index_cast %add3A_389 : i32 to index
        %swap3A_544 = arith.constant 96 : index
        %swap3A_545 = tpu.vector_load %arg12[%swap3A_542, %swap3A_543, %swap3A_544] {strides = array<i32>} : memref<2x40x128xf32, #tpu.memory_space<vmem>>, vector<1x1x16xf32>,
        %swap3A_546 = vector.shape_cast %swap3A_545 : vector<1x1x16xf32> to vector<16xf32>
        %swap3A_547 = vector.shape_cast %max3A_540 : vector<16xf32> to vector<1x1x16xf32>
        tpu.vector_store %arg12[%swap3A_542, %swap3A_543, %swap3A_544], %swap3A_547 {strides = array<i32>} : memref<2x40x128xf32, #tpu.memory_space<vmem>>, vector<1x1x16xf32>,
        %get3A_548 = arith.constant 0 : i32
        %get3A_549 = arith.index_cast %get3A_548 : i32 to index
        %get3A_550 = arith.index_cast %add3A_389 : i32 to index
        %get3A_551 = arith.constant 112 : index
        %get3A_552 = tpu.vector_load %arg11[%get3A_549, %get3A_550, %get3A_551] {strides = array<i32>} : memref<2x40x128xf32, #tpu.memory_space<vmem>>, vector<1x1x16xf32>,
        %get3A_553 = vector.shape_cast %get3A_552 : vector<1x1x16xf32> to vector<16xf32>
        %get3A_554 = arith.constant 0 : i32
        %get3A_555 = arith.index_cast %get3A_554 : i32 to index
        %get3A_556 = arith.index_cast %add3A_389 : i32 to index
        %get3A_557 = arith.constant 112 : index
        %get3A_558 = tpu.vector_load %arg10[%get3A_555, %get3A_556, %get3A_557] {strides = array<i32>} : memref<2x40x128xf32, #tpu.memory_space<vmem>>, vector<1x1x16xf32>,
        %get3A_559 = vector.shape_cast %get3A_558 : vector<1x1x16xf32> to vector<16xf32>
        %add3A_560 = arith.addf %get3A_553, %get3A_559 : vector<16xf32>
        %max3A_561 = arith.constant 0.000000e+00 : f32
        %max3A_562 = vector.broadcast %max3A_561 : f32 to vector<16xf32>
        %max3A_563 = arith.maximumf %add3A_560, %max3A_562 : vector<16xf32>
        %swap3A_564 = arith.constant 0 : i32
        %swap3A_565 = arith.index_cast %swap3A_564 : i32 to index
        %swap3A_566 = arith.index_cast %add3A_389 : i32 to index
        %swap3A_567 = arith.constant 112 : index
        %swap3A_568 = tpu.vector_load %arg12[%swap3A_565, %swap3A_566, %swap3A_567] {strides = array<i32>} : memref<2x40x128xf32, #tpu.memory_space<vmem>>, vector<1x1x16xf32>,
        %swap3A_569 = vector.shape_cast %swap3A_568 : vector<1x1x16xf32> to vector<16xf32>
        %swap3A_570 = vector.shape_cast %max3A_563 : vector<16xf32> to vector<1x1x16xf32>
        tpu.vector_store %arg12[%swap3A_565, %swap3A_566, %swap3A_567], %swap3A_570 {strides = array<i32>} : memref<2x40x128xf32, #tpu.memory_space<vmem>>, vector<1x1x16xf32>,
      }
      %scan3A_201 = arith.constant 40 : i32
      %mul3A_202 = arith.constant 40 : i32
      %mul3A_203 = arith.muli %add3A_161, %mul3A_202 : i32
      %add3A_204 = arith.addi %mul3A_2, %mul3A_203 : i32
      %multiple_of3A_205 = tpu.assume_multiple %add3A_204, 8 : i32
      %dma_wait3A_206 = arith.constant 0 : i32
      %dma_wait3A_207 = arith.constant 0 : i32
      %dma_wait3A_208 = arith.constant 0 : i32
      %dma_wait3A_209 = tpu.memref_slice %arg8[%dma_wait3A_206, %dma_wait3A_208] : memref<2x40xi32, #tpu.memory_space<vmem>> -> memref<1x40xi32, #tpu.memory_space<vmem>>
      %dma_wait3A_210 = tpu.memref_squeeze %dma_wait3A_209 : memref<1x40xi32, #tpu.memory_space<vmem>> -> memref<40xi32, #tpu.memory_space<vmem>>
      %dma_wait3A_211 = tpu.memref_slice %arg5[%multiple_of3A_205] : memref<320000xi32, #tpu.memory_space<hbm>> -> memref<40xi32, #tpu.memory_space<hbm>>
      %dma_wait3A_212 = tpu.memref_slice %arg13[%dma_wait3A_207] : memref<2x!tpu.dma_semaphore, #tpu.memory_space<semaphore_mem>> -> memref<1x!tpu.dma_semaphore, #tpu.memory_space<semaphore_mem>>
      %dma_wait3A_213 = tpu.memref_squeeze %dma_wait3A_212 : memref<1x!tpu.dma_semaphore, #tpu.memory_space<semaphore_mem>> -> memref<!tpu.dma_semaphore, #tpu.memory_space<semaphore_mem>>
      %dma_wait3A_214 = arith.constant 0 : i32
      %dma_wait3A_215 = tpu.memref_slice %arg8[%dma_wait3A_206, %dma_wait3A_214] : memref<2x40xi32, #tpu.memory_space<vmem>> -> memref<1x40xi32, #tpu.memory_space<vmem>>
      %dma_wait3A_216 = tpu.memref_squeeze %dma_wait3A_215 : memref<1x40xi32, #tpu.memory_space<vmem>> -> memref<40xi32, #tpu.memory_space<vmem>>
      %dma_wait3A_217 = tpu.memref_slice %arg5[%multiple_of3A_205] : memref<320000xi32, #tpu.memory_space<hbm>> -> memref<40xi32, #tpu.memory_space<hbm>>
      tpu.wait_dma2 semaphore(%dma_wait3A_213 : memref<!tpu.dma_semaphore, #tpu.memory_space<semaphore_mem>>) src(%dma_wait3A_217 : memref<40xi32, #tpu.memory_space<hbm>>) dst(%dma_wait3A_216 : memref<40xi32, #tpu.memory_space<vmem>>)
      %mul3A_218 = arith.constant 40 : i32
      %mul3A_219 = arith.muli %add3A_161, %mul3A_218 : i32
      %add3A_220 = arith.addi %mul3A_2, %mul3A_219 : i32
      %multiple_of3A_221 = tpu.assume_multiple %add3A_220, 8 : i32
      %dma_start3A_222 = arith.constant 0 : i32
      %dma_start3A_223 = arith.constant 0 : i32
      %dma_start3A_224 = arith.constant 0 : i32
      %dma_start3A_225 = arith.constant 0 : i32
      %dma_start3A_226 = tpu.memref_slice %arg12[%dma_start3A_222, %dma_start3A_224, %dma_start3A_225] : memref<2x40x128xf32, #tpu.memory_space<vmem>> -> memref<1x40x128xf32, #tpu.memory_space<vmem>>
      %dma_start3A_227 = tpu.memref_squeeze %dma_start3A_226 : memref<1x40x128xf32, #tpu.memory_space<vmem>> -> memref<40x128xf32, #tpu.memory_space<vmem>>
      %dma_start3A_228 = arith.constant 0 : i32
      %dma_start3A_229 = tpu.memref_slice %arg6[%multiple_of3A_221, %dma_start3A_228] : memref<320000x128xf32, #tpu.memory_space<hbm>> -> memref<40x128xf32, #tpu.memory_space<hbm>>
      %dma_start3A_230 = tpu.memref_slice %arg16[%dma_start3A_223] : memref<2x!tpu.dma_semaphore, #tpu.memory_space<semaphore_mem>> -> memref<1x!tpu.dma_semaphore, #tpu.memory_space<semaphore_mem>>
      %dma_start3A_231 = tpu.memref_squeeze %dma_start3A_230 : memref<1x!tpu.dma_semaphore, #tpu.memory_space<semaphore_mem>> -> memref<!tpu.dma_semaphore, #tpu.memory_space<semaphore_mem>>
      %dma_start3A_232 = arith.constant 0 : i32
      %dma_start3A_233 = tpu.memref_slice %arg6[%multiple_of3A_221, %dma_start3A_232] : memref<320000x128xf32, #tpu.memory_space<hbm>> -> memref<40x128xf32, #tpu.memory_space<hbm>>
      %dma_start3A_234 = arith.constant 0 : i32
      %dma_start3A_235 = arith.constant 0 : i32
      %dma_start3A_236 = tpu.memref_slice %arg12[%dma_start3A_222, %dma_start3A_234, %dma_start3A_235] : memref<2x40x128xf32, #tpu.memory_space<vmem>> -> memref<1x40x128xf32, #tpu.memory_space<vmem>>
      %dma_start3A_237 = tpu.memref_squeeze %dma_start3A_236 : memref<1x40x128xf32, #tpu.memory_space<vmem>> -> memref<40x128xf32, #tpu.memory_space<vmem>>
      tpu.enqueue_dma source(%dma_start3A_237 : memref<40x128xf32, #tpu.memory_space<vmem>>) target(%dma_start3A_233 : memref<40x128xf32, #tpu.memory_space<hbm>>) target_semaphore(%dma_start3A_231 : memref<!tpu.dma_semaphore, #tpu.memory_space<semaphore_mem>>)
      %dma_start3A_238 = arith.constant 0 : i32
      %dma_start3A_239 = arith.constant 0 : i32
      %dma_start3A_240 = arith.constant 0 : i32
      %dma_start3A_241 = arith.constant 0 : i32
      %dma_start3A_242 = arith.constant 0 : i32
      %dma_start3A_243 = tpu.memref_slice %arg12[%dma_start3A_238, %dma_start3A_241, %dma_start3A_242] : memref<2x40x128xf32, #tpu.memory_space<vmem>> -> memref<1x40x128xf32, #tpu.memory_space<vmem>>
      %dma_start3A_244 = tpu.memref_squeeze %dma_start3A_243 : memref<1x40x128xf32, #tpu.memory_space<vmem>> -> memref<40x128xf32, #tpu.memory_space<vmem>>
      %dma_start3A_245 = arith.constant 0 : i32
      %dma_start3A_246 = tpu.memref_slice %arg8[%dma_start3A_239, %dma_start3A_245] : memref<2x40xi32, #tpu.memory_space<vmem>> -> memref<1x40xi32, #tpu.memory_space<vmem>>
      %dma_start3A_247 = tpu.memref_squeeze %dma_start3A_246 : memref<1x40xi32, #tpu.memory_space<vmem>> -> memref<40xi32, #tpu.memory_space<vmem>>
      %dma_start3A_248 = arith.constant 0 : i32
      %dma_start3A_249 = arith.constant 0 : i32
      %dma_start3A_250 = tpu.memref_slice %arg18[%dma_start3A_248, %dma_start3A_249] : memref<10000x128xf32, #tpu.memory_space<vmem_shared>> -> memref<10000x128xf32, #tpu.memory_space<vmem_shared>>
      %dma_start3A_251 = tpu.memref_slice %arg17[%dma_start3A_240] : memref<2x!tpu.dma_semaphore, #tpu.memory_space<semaphore_mem>> -> memref<1x!tpu.dma_semaphore, #tpu.memory_space<semaphore_mem>>
      %dma_start3A_252 = tpu.memref_squeeze %dma_start3A_251 : memref<1x!tpu.dma_semaphore, #tpu.memory_space<semaphore_mem>> -> memref<!tpu.dma_semaphore, #tpu.memory_space<semaphore_mem>>
      tpu.enqueue_indirect_dma source(%dma_start3A_244 : memref<40x128xf32, #tpu.memory_space<vmem>>) target(%dma_start3A_250 : memref<10000x128xf32, #tpu.memory_space<vmem_shared>>) offsets(%dma_start3A_247 : memref<40xi32, #tpu.memory_space<vmem>>) semaphore(%dma_start3A_252 : memref<!tpu.dma_semaphore, #tpu.memory_space<semaphore_mem>>) {add = true}
      %ge3A = arith.constant 1 : i32
      %ge3A_253 = arith.cmpi sge, %add3A_161, %ge3A : i32
      %convert_element_type3A = arith.extui %ge3A_253 : i1 to i32
      %cond3A = arith.constant 0 : i32
      %cond3A_254 = arith.cmpi ne, %convert_element_type3A, %cond3A : i32
      scf.if %cond3A_254 {
        %sub3A = arith.constant 1 : i32
        %sub3A_385 = arith.subi %add3A_161, %sub3A : i32
        %mul3A_386 = arith.constant 40 : i32
        %mul3A_387 = arith.muli %sub3A_385, %mul3A_386 : i32
        %add3A_388 = arith.addi %mul3A_2, %mul3A_387 : i32
        %multiple_of3A_389 = tpu.assume_multiple %add3A_388, 8 : i32
        %dma_wait3A_390 = arith.constant 1 : i32
        %dma_wait3A_391 = arith.constant 1 : i32
        %dma_wait3A_392 = arith.constant 0 : i32
        %dma_wait3A_393 = arith.constant 0 : i32
        %dma_wait3A_394 = tpu.memref_slice %arg12[%dma_wait3A_390, %dma_wait3A_392, %dma_wait3A_393] : memref<2x40x128xf32, #tpu.memory_space<vmem>> -> memref<1x40x128xf32, #tpu.memory_space<vmem>>
        %dma_wait3A_395 = tpu.memref_squeeze %dma_wait3A_394 : memref<1x40x128xf32, #tpu.memory_space<vmem>> -> memref<40x128xf32, #tpu.memory_space<vmem>>
        %dma_wait3A_396 = arith.constant 0 : i32
        %dma_wait3A_397 = tpu.memref_slice %arg6[%multiple_of3A_389, %dma_wait3A_396] : memref<320000x128xf32, #tpu.memory_space<hbm>> -> memref<40x128xf32, #tpu.memory_space<hbm>>
        %dma_wait3A_398 = tpu.memref_slice %arg16[%dma_wait3A_391] : memref<2x!tpu.dma_semaphore, #tpu.memory_space<semaphore_mem>> -> memref<1x!tpu.dma_semaphore, #tpu.memory_space<semaphore_mem>>
        %dma_wait3A_399 = tpu.memref_squeeze %dma_wait3A_398 : memref<1x!tpu.dma_semaphore, #tpu.memory_space<semaphore_mem>> -> memref<!tpu.dma_semaphore, #tpu.memory_space<semaphore_mem>>
        %dma_wait3A_400 = arith.constant 0 : i32
        %dma_wait3A_401 = tpu.memref_slice %arg6[%multiple_of3A_389, %dma_wait3A_400] : memref<320000x128xf32, #tpu.memory_space<hbm>> -> memref<40x128xf32, #tpu.memory_space<hbm>>
        %dma_wait3A_402 = arith.constant 0 : i32
        %dma_wait3A_403 = arith.constant 0 : i32
        %dma_wait3A_404 = tpu.memref_slice %arg12[%dma_wait3A_390, %dma_wait3A_402, %dma_wait3A_403] : memref<2x40x128xf32, #tpu.memory_space<vmem>> -> memref<1x40x128xf32, #tpu.memory_space<vmem>>
        %dma_wait3A_405 = tpu.memref_squeeze %dma_wait3A_404 : memref<1x40x128xf32, #tpu.memory_space<vmem>> -> memref<40x128xf32, #tpu.memory_space<vmem>>
        tpu.wait_dma2 semaphore(%dma_wait3A_399 : memref<!tpu.dma_semaphore, #tpu.memory_space<semaphore_mem>>) src(%dma_wait3A_405 : memref<40x128xf32, #tpu.memory_space<vmem>>) dst(%dma_wait3A_401 : memref<40x128xf32, #tpu.memory_space<hbm>>)
        %dma_wait3A_406 = arith.constant 1 : i32
        %dma_wait3A_407 = arith.constant 1 : i32
        %dma_wait3A_408 = arith.constant 1 : i32
        %dma_wait3A_409 = arith.constant 0 : i32
        %dma_wait3A_410 = arith.constant 0 : i32
        %dma_wait3A_411 = tpu.memref_slice %arg12[%dma_wait3A_406, %dma_wait3A_409, %dma_wait3A_410] : memref<2x40x128xf32, #tpu.memory_space<vmem>> -> memref<1x40x128xf32, #tpu.memory_space<vmem>>
        %dma_wait3A_412 = tpu.memref_squeeze %dma_wait3A_411 : memref<1x40x128xf32, #tpu.memory_space<vmem>> -> memref<40x128xf32, #tpu.memory_space<vmem>>
        %dma_wait3A_413 = arith.constant 0 : i32
        %dma_wait3A_414 = tpu.memref_slice %arg8[%dma_wait3A_407, %dma_wait3A_413] : memref<2x40xi32, #tpu.memory_space<vmem>> -> memref<1x40xi32, #tpu.memory_space<vmem>>
        %dma_wait3A_415 = tpu.memref_squeeze %dma_wait3A_414 : memref<1x40xi32, #tpu.memory_space<vmem>> -> memref<40xi32, #tpu.memory_space<vmem>>
        %dma_wait3A_416 = arith.constant 0 : i32
        %dma_wait3A_417 = arith.constant 0 : i32
        %dma_wait3A_418 = tpu.memref_slice %arg18[%dma_wait3A_416, %dma_wait3A_417] : memref<10000x128xf32, #tpu.memory_space<vmem_shared>> -> memref<10000x128xf32, #tpu.memory_space<vmem_shared>>
        %dma_wait3A_419 = tpu.memref_slice %arg17[%dma_wait3A_408] : memref<2x!tpu.dma_semaphore, #tpu.memory_space<semaphore_mem>> -> memref<1x!tpu.dma_semaphore, #tpu.memory_space<semaphore_mem>>
        %dma_wait3A_420 = tpu.memref_squeeze %dma_wait3A_419 : memref<1x!tpu.dma_semaphore, #tpu.memory_space<semaphore_mem>> -> memref<!tpu.dma_semaphore, #tpu.memory_space<semaphore_mem>>
        tpu.wait_indirect_dma semaphore(%dma_wait3A_420 : memref<!tpu.dma_semaphore, #tpu.memory_space<semaphore_mem>>) src(%dma_wait3A_412 : memref<40x128xf32, #tpu.memory_space<vmem>>) dst(%dma_wait3A_418 : memref<10000x128xf32, #tpu.memory_space<vmem_shared>>)
      } else {
      }
      %ge3A_255 = arith.constant 1 : i32
      %ge3A_256 = arith.cmpi sge, %add3A_161, %ge3A_255 : i32
      %add3A_257 = arith.constant 1 : i32
      %add3A_258 = arith.addi %add3A_161, %add3A_257 : i32
      %lt3A = arith.constant 250 : i32
      %lt3A_259 = arith.cmpi slt, %add3A_258, %lt3A : i32
      %and3A = arith.andi %ge3A_256, %lt3A_259 : i1
      %convert_element_type3A_260 = arith.extui %and3A : i1 to i32
      %cond3A_261 = arith.constant 0 : i32
      %cond3A_262 = arith.cmpi ne, %convert_element_type3A_260, %cond3A_261 : i32
      scf.if %cond3A_262 {
        %add3A_385 = arith.constant 1 : i32
        %add3A_386 = arith.addi %add3A_161, %add3A_385 : i32
        %mul3A_387 = arith.constant 40 : i32
        %mul3A_388 = arith.muli %add3A_386, %mul3A_387 : i32
        %add3A_389 = arith.addi %mul3A_2, %mul3A_388 : i32
        %multiple_of3A_390 = tpu.assume_multiple %add3A_389, 8 : i32
        %dma_start3A_391 = arith.constant 1 : i32
        %dma_start3A_392 = arith.constant 1 : i32
        %dma_start3A_393 = arith.constant 0 : i32
        %dma_start3A_394 = tpu.memref_slice %arg8[%dma_start3A_391, %dma_start3A_393] : memref<2x40xi32, #tpu.memory_space<vmem>> -> memref<1x40xi32, #tpu.memory_space<vmem>>
        %dma_start3A_395 = tpu.memref_squeeze %dma_start3A_394 : memref<1x40xi32, #tpu.memory_space<vmem>> -> memref<40xi32, #tpu.memory_space<vmem>>
        %dma_start3A_396 = tpu.memref_slice %arg5[%multiple_of3A_390] : memref<320000xi32, #tpu.memory_space<hbm>> -> memref<40xi32, #tpu.memory_space<hbm>>
        %dma_start3A_397 = tpu.memref_slice %arg13[%dma_start3A_392] : memref<2x!tpu.dma_semaphore, #tpu.memory_space<semaphore_mem>> -> memref<1x!tpu.dma_semaphore, #tpu.memory_space<semaphore_mem>>
        %dma_start3A_398 = tpu.memref_squeeze %dma_start3A_397 : memref<1x!tpu.dma_semaphore, #tpu.memory_space<semaphore_mem>> -> memref<!tpu.dma_semaphore, #tpu.memory_space<semaphore_mem>>
        %dma_start3A_399 = arith.constant 0 : i32
        %dma_start3A_400 = tpu.memref_slice %arg8[%dma_start3A_391, %dma_start3A_399] : memref<2x40xi32, #tpu.memory_space<vmem>> -> memref<1x40xi32, #tpu.memory_space<vmem>>
        %dma_start3A_401 = tpu.memref_squeeze %dma_start3A_400 : memref<1x40xi32, #tpu.memory_space<vmem>> -> memref<40xi32, #tpu.memory_space<vmem>>
        %dma_start3A_402 = tpu.memref_slice %arg5[%multiple_of3A_390] : memref<320000xi32, #tpu.memory_space<hbm>> -> memref<40xi32, #tpu.memory_space<hbm>>
        tpu.enqueue_dma source(%dma_start3A_402 : memref<40xi32, #tpu.memory_space<hbm>>) target(%dma_start3A_401 : memref<40xi32, #tpu.memory_space<vmem>>) target_semaphore(%dma_start3A_398 : memref<!tpu.dma_semaphore, #tpu.memory_space<semaphore_mem>>)
      } else {
      }
      %add3A_263 = arith.constant 2 : i32
      %add3A_264 = arith.addi %add3A_161, %add3A_263 : i32
      %lt3A_265 = arith.constant 250 : i32
      %lt3A_266 = arith.cmpi slt, %add3A_264, %lt3A_265 : i32
      %convert_element_type3A_267 = arith.extui %lt3A_266 : i1 to i32
      %cond3A_268 = arith.constant 0 : i32
      %cond3A_269 = arith.cmpi ne, %convert_element_type3A_267, %cond3A_268 : i32
      scf.if %cond3A_269 {
        %add3A_385 = arith.constant 2 : i32
        %add3A_386 = arith.addi %add3A_161, %add3A_385 : i32
        %mul3A_387 = arith.constant 40 : i32
        %mul3A_388 = arith.muli %add3A_386, %mul3A_387 : i32
        %multiple_of3A_389 = tpu.assume_multiple %mul3A_388, 8 : i32
        %dma_start3A_390 = arith.constant 0 : i32
        %dma_start3A_391 = arith.constant 0 : i32
        %dma_start3A_392 = arith.constant 0 : i32
        %dma_start3A_393 = arith.constant 0 : i32
        %dma_start3A_394 = tpu.memref_slice %arg10[%dma_start3A_390, %dma_start3A_392, %dma_start3A_393] : memref<2x40x128xf32, #tpu.memory_space<vmem>> -> memref<1x40x128xf32, #tpu.memory_space<vmem>>
        %dma_start3A_395 = tpu.memref_squeeze %dma_start3A_394 : memref<1x40x128xf32, #tpu.memory_space<vmem>> -> memref<40x128xf32, #tpu.memory_space<vmem>>
        %dma_start3A_396 = tpu.memref_slice %arg9[%multiple_of3A_389] : memref<10000xi32, #tpu.memory_space<vmem>> -> memref<40xi32, #tpu.memory_space<vmem>>
        %dma_start3A_397 = arith.constant 0 : i32
        %dma_start3A_398 = arith.constant 0 : i32
        %dma_start3A_399 = tpu.memref_slice %arg2[%dma_start3A_397, %dma_start3A_398] : memref<10000x128xf32, #tpu.memory_space<hbm>> -> memref<10000x128xf32, #tpu.memory_space<hbm>>
        %dma_start3A_400 = tpu.memref_slice %arg14[%dma_start3A_391] : memref<2x!tpu.dma_semaphore, #tpu.memory_space<semaphore_mem>> -> memref<1x!tpu.dma_semaphore, #tpu.memory_space<semaphore_mem>>
        %dma_start3A_401 = tpu.memref_squeeze %dma_start3A_400 : memref<1x!tpu.dma_semaphore, #tpu.memory_space<semaphore_mem>> -> memref<!tpu.dma_semaphore, #tpu.memory_space<semaphore_mem>>
        tpu.enqueue_indirect_dma source(%dma_start3A_399 : memref<10000x128xf32, #tpu.memory_space<hbm>>) target(%dma_start3A_395 : memref<40x128xf32, #tpu.memory_space<vmem>>) offsets(%dma_start3A_396 : memref<40xi32, #tpu.memory_space<vmem>>) semaphore(%dma_start3A_401 : memref<!tpu.dma_semaphore, #tpu.memory_space<semaphore_mem>>)
        %mul3A_402 = arith.constant 40 : i32
        %mul3A_403 = arith.muli %add3A_386, %mul3A_402 : i32
        %add3A_404 = arith.addi %mul3A_2, %mul3A_403 : i32
        %multiple_of3A_405 = tpu.assume_multiple %add3A_404, 8 : i32
        %dma_start3A_406 = arith.constant 0 : i32
        %dma_start3A_407 = arith.constant 0 : i32
        %dma_start3A_408 = arith.constant 0 : i32
        %dma_start3A_409 = arith.constant 0 : i32
        %dma_start3A_410 = tpu.memref_slice %arg11[%dma_start3A_406, %dma_start3A_408, %dma_start3A_409] : memref<2x40x128xf32, #tpu.memory_space<vmem>> -> memref<1x40x128xf32, #tpu.memory_space<vmem>>
        %dma_start3A_411 = tpu.memref_squeeze %dma_start3A_410 : memref<1x40x128xf32, #tpu.memory_space<vmem>> -> memref<40x128xf32, #tpu.memory_space<vmem>>
        %dma_start3A_412 = arith.constant 0 : i32
        %dma_start3A_413 = tpu.memref_slice %arg3[%multiple_of3A_405, %dma_start3A_412] : memref<320000x128xf32, #tpu.memory_space<hbm>> -> memref<40x128xf32, #tpu.memory_space<hbm>>
        %dma_start3A_414 = tpu.memref_slice %arg15[%dma_start3A_407] : memref<2x!tpu.dma_semaphore, #tpu.memory_space<semaphore_mem>> -> memref<1x!tpu.dma_semaphore, #tpu.memory_space<semaphore_mem>>
        %dma_start3A_415 = tpu.memref_squeeze %dma_start3A_414 : memref<1x!tpu.dma_semaphore, #tpu.memory_space<semaphore_mem>> -> memref<!tpu.dma_semaphore, #tpu.memory_space<semaphore_mem>>
        %dma_start3A_416 = arith.constant 0 : i32
        %dma_start3A_417 = arith.constant 0 : i32
        %dma_start3A_418 = tpu.memref_slice %arg11[%dma_start3A_406, %dma_start3A_416, %dma_start3A_417] : memref<2x40x128xf32, #tpu.memory_space<vmem>> -> memref<1x40x128xf32, #tpu.memory_space<vmem>>
        %dma_start3A_419 = tpu.memref_squeeze %dma_start3A_418 : memref<1x40x128xf32, #tpu.memory_space<vmem>> -> memref<40x128xf32, #tpu.memory_space<vmem>>
        %dma_start3A_420 = arith.constant 0 : i32
        %dma_start3A_421 = tpu.memref_slice %arg3[%multiple_of3A_405, %dma_start3A_420] : memref<320000x128xf32, #tpu.memory_space<hbm>> -> memref<40x128xf32, #tpu.memory_space<hbm>>
        tpu.enqueue_dma source(%dma_start3A_421 : memref<40x128xf32, #tpu.memory_space<hbm>>) target(%dma_start3A_419 : memref<40x128xf32, #tpu.memory_space<vmem>>) target_semaphore(%dma_start3A_415 : memref<!tpu.dma_semaphore, #tpu.memory_space<semaphore_mem>>)
      } else {
      }
      %add3A_270 = arith.constant 1 : i32
      %add3A_271 = arith.addi %mul3A_159, %add3A_270 : i32
      %mul3A_272 = arith.constant 40 : i32
      %mul3A_273 = arith.muli %add3A_271, %mul3A_272 : i32
      %multiple_of3A_274 = tpu.assume_multiple %mul3A_273, 8 : i32
      %dma_wait3A_275 = arith.constant 1 : i32
      %dma_wait3A_276 = arith.constant 1 : i32
      %dma_wait3A_277 = arith.constant 0 : i32
      %dma_wait3A_278 = arith.constant 0 : i32
      %dma_wait3A_279 = tpu.memref_slice %arg10[%dma_wait3A_275, %dma_wait3A_277, %dma_wait3A_278] : memref<2x40x128xf32, #tpu.memory_space<vmem>> -> memref<1x40x128xf32, #tpu.memory_space<vmem>>
      %dma_wait3A_280 = tpu.memref_squeeze %dma_wait3A_279 : memref<1x40x128xf32, #tpu.memory_space<vmem>> -> memref<40x128xf32, #tpu.memory_space<vmem>>
      %dma_wait3A_281 = tpu.memref_slice %arg9[%multiple_of3A_274] : memref<10000xi32, #tpu.memory_space<vmem>> -> memref<40xi32, #tpu.memory_space<vmem>>
      %dma_wait3A_282 = arith.constant 0 : i32
      %dma_wait3A_283 = arith.constant 0 : i32
      %dma_wait3A_284 = tpu.memref_slice %arg2[%dma_wait3A_282, %dma_wait3A_283] : memref<10000x128xf32, #tpu.memory_space<hbm>> -> memref<10000x128xf32, #tpu.memory_space<hbm>>
      %dma_wait3A_285 = tpu.memref_slice %arg14[%dma_wait3A_276] : memref<2x!tpu.dma_semaphore, #tpu.memory_space<semaphore_mem>> -> memref<1x!tpu.dma_semaphore, #tpu.memory_space<semaphore_mem>>
      %dma_wait3A_286 = tpu.memref_squeeze %dma_wait3A_285 : memref<1x!tpu.dma_semaphore, #tpu.memory_space<semaphore_mem>> -> memref<!tpu.dma_semaphore, #tpu.memory_space<semaphore_mem>>
      tpu.wait_indirect_dma semaphore(%dma_wait3A_286 : memref<!tpu.dma_semaphore, #tpu.memory_space<semaphore_mem>>) src(%dma_wait3A_284 : memref<10000x128xf32, #tpu.memory_space<hbm>>) dst(%dma_wait3A_280 : memref<40x128xf32, #tpu.memory_space<vmem>>)
      %mul3A_287 = arith.constant 40 : i32
      %mul3A_288 = arith.muli %add3A_271, %mul3A_287 : i32
      %add3A_289 = arith.addi %mul3A_2, %mul3A_288 : i32
      %multiple_of3A_290 = tpu.assume_multiple %add3A_289, 8 : i32
      %dma_wait3A_291 = arith.constant 1 : i32
      %dma_wait3A_292 = arith.constant 1 : i32
      %dma_wait3A_293 = arith.constant 0 : i32
      %dma_wait3A_294 = arith.constant 0 : i32
      %dma_wait3A_295 = tpu.memref_slice %arg11[%dma_wait3A_291, %dma_wait3A_293, %dma_wait3A_294] : memref<2x40x128xf32, #tpu.memory_space<vmem>> -> memref<1x40x128xf32, #tpu.memory_space<vmem>>
      %dma_wait3A_296 = tpu.memref_squeeze %dma_wait3A_295 : memref<1x40x128xf32, #tpu.memory_space<vmem>> -> memref<40x128xf32, #tpu.memory_space<vmem>>
      %dma_wait3A_297 = arith.constant 0 : i32
      %dma_wait3A_298 = tpu.memref_slice %arg3[%multiple_of3A_290, %dma_wait3A_297] : memref<320000x128xf32, #tpu.memory_space<hbm>> -> memref<40x128xf32, #tpu.memory_space<hbm>>
      %dma_wait3A_299 = tpu.memref_slice %arg15[%dma_wait3A_292] : memref<2x!tpu.dma_semaphore, #tpu.memory_space<semaphore_mem>> -> memref<1x!tpu.dma_semaphore, #tpu.memory_space<semaphore_mem>>
      %dma_wait3A_300 = tpu.memref_squeeze %dma_wait3A_299 : memref<1x!tpu.dma_semaphore, #tpu.memory_space<semaphore_mem>> -> memref<!tpu.dma_semaphore, #tpu.memory_space<semaphore_mem>>
      %dma_wait3A_301 = arith.constant 0 : i32
      %dma_wait3A_302 = arith.constant 0 : i32
      %dma_wait3A_303 = tpu.memref_slice %arg11[%dma_wait3A_291, %dma_wait3A_301, %dma_wait3A_302] : memref<2x40x128xf32, #tpu.memory_space<vmem>> -> memref<1x40x128xf32, #tpu.memory_space<vmem>>
      %dma_wait3A_304 = tpu.memref_squeeze %dma_wait3A_303 : memref<1x40x128xf32, #tpu.memory_space<vmem>> -> memref<40x128xf32, #tpu.memory_space<vmem>>
      %dma_wait3A_305 = arith.constant 0 : i32
      %dma_wait3A_306 = tpu.memref_slice %arg3[%multiple_of3A_290, %dma_wait3A_305] : memref<320000x128xf32, #tpu.memory_space<hbm>> -> memref<40x128xf32, #tpu.memory_space<hbm>>
      tpu.wait_dma2 semaphore(%dma_wait3A_300 : memref<!tpu.dma_semaphore, #tpu.memory_space<semaphore_mem>>) src(%dma_wait3A_306 : memref<40x128xf32, #tpu.memory_space<hbm>>) dst(%dma_wait3A_304 : memref<40x128xf32, #tpu.memory_space<vmem>>)
      %scan3A_307 = arith.constant 0 : i32
      %scan3A_308 = arith.constant 40 : i32
      %scan3A_309 = arith.addi %scan3A_307, %scan3A_308 : i32
      %scan3A_310 = arith.constant 1 : i32
      scf.for %scan3A_385 = %scan3A_307 to %scan3A_309 step %scan3A_310  : i32 {
        %mul3A_386 = arith.constant 1 : i32
        %mul3A_387 = arith.muli %scan3A_385, %mul3A_386 : i32
        %add3A_388 = arith.constant 0 : i32
        %add3A_389 = arith.addi %add3A_388, %mul3A_387 : i32
        %get3A = arith.constant 1 : i32
        %get3A_390 = arith.index_cast %get3A : i32 to index
        %get3A_391 = arith.index_cast %add3A_389 : i32 to index
        %get3A_392 = arith.constant 0 : index
        %get3A_393 = tpu.vector_load %arg11[%get3A_390, %get3A_391, %get3A_392] {strides = array<i32>} : memref<2x40x128xf32, #tpu.memory_space<vmem>>, vector<1x1x16xf32>,
        %get3A_394 = vector.shape_cast %get3A_393 : vector<1x1x16xf32> to vector<16xf32>
        %get3A_395 = arith.constant 1 : i32
        %get3A_396 = arith.index_cast %get3A_395 : i32 to index
        %get3A_397 = arith.index_cast %add3A_389 : i32 to index
        %get3A_398 = arith.constant 0 : index
        %get3A_399 = tpu.vector_load %arg10[%get3A_396, %get3A_397, %get3A_398] {strides = array<i32>} : memref<2x40x128xf32, #tpu.memory_space<vmem>>, vector<1x1x16xf32>,
        %get3A_400 = vector.shape_cast %get3A_399 : vector<1x1x16xf32> to vector<16xf32>
        %add3A_401 = arith.addf %get3A_394, %get3A_400 : vector<16xf32>
        %max3A = arith.constant 0.000000e+00 : f32
        %max3A_402 = vector.broadcast %max3A : f32 to vector<16xf32>
        %max3A_403 = arith.maximumf %add3A_401, %max3A_402 : vector<16xf32>
        %swap3A = arith.constant 1 : i32
        %swap3A_404 = arith.index_cast %swap3A : i32 to index
        %swap3A_405 = arith.index_cast %add3A_389 : i32 to index
        %swap3A_406 = arith.constant 0 : index
        %swap3A_407 = tpu.vector_load %arg12[%swap3A_404, %swap3A_405, %swap3A_406] {strides = array<i32>} : memref<2x40x128xf32, #tpu.memory_space<vmem>>, vector<1x1x16xf32>,
        %swap3A_408 = vector.shape_cast %swap3A_407 : vector<1x1x16xf32> to vector<16xf32>
        %swap3A_409 = vector.shape_cast %max3A_403 : vector<16xf32> to vector<1x1x16xf32>
        tpu.vector_store %arg12[%swap3A_404, %swap3A_405, %swap3A_406], %swap3A_409 {strides = array<i32>} : memref<2x40x128xf32, #tpu.memory_space<vmem>>, vector<1x1x16xf32>,
        %get3A_410 = arith.constant 1 : i32
        %get3A_411 = arith.index_cast %get3A_410 : i32 to index
        %get3A_412 = arith.index_cast %add3A_389 : i32 to index
        %get3A_413 = arith.constant 16 : index
        %get3A_414 = tpu.vector_load %arg11[%get3A_411, %get3A_412, %get3A_413] {strides = array<i32>} : memref<2x40x128xf32, #tpu.memory_space<vmem>>, vector<1x1x16xf32>,
        %get3A_415 = vector.shape_cast %get3A_414 : vector<1x1x16xf32> to vector<16xf32>
        %get3A_416 = arith.constant 1 : i32
        %get3A_417 = arith.index_cast %get3A_416 : i32 to index
        %get3A_418 = arith.index_cast %add3A_389 : i32 to index
        %get3A_419 = arith.constant 16 : index
        %get3A_420 = tpu.vector_load %arg10[%get3A_417, %get3A_418, %get3A_419] {strides = array<i32>} : memref<2x40x128xf32, #tpu.memory_space<vmem>>, vector<1x1x16xf32>,
        %get3A_421 = vector.shape_cast %get3A_420 : vector<1x1x16xf32> to vector<16xf32>
        %add3A_422 = arith.addf %get3A_415, %get3A_421 : vector<16xf32>
        %max3A_423 = arith.constant 0.000000e+00 : f32
        %max3A_424 = vector.broadcast %max3A_423 : f32 to vector<16xf32>
        %max3A_425 = arith.maximumf %add3A_422, %max3A_424 : vector<16xf32>
        %swap3A_426 = arith.constant 1 : i32
        %swap3A_427 = arith.index_cast %swap3A_426 : i32 to index
        %swap3A_428 = arith.index_cast %add3A_389 : i32 to index
        %swap3A_429 = arith.constant 16 : index
        %swap3A_430 = tpu.vector_load %arg12[%swap3A_427, %swap3A_428, %swap3A_429] {strides = array<i32>} : memref<2x40x128xf32, #tpu.memory_space<vmem>>, vector<1x1x16xf32>,
        %swap3A_431 = vector.shape_cast %swap3A_430 : vector<1x1x16xf32> to vector<16xf32>
        %swap3A_432 = vector.shape_cast %max3A_425 : vector<16xf32> to vector<1x1x16xf32>
        tpu.vector_store %arg12[%swap3A_427, %swap3A_428, %swap3A_429], %swap3A_432 {strides = array<i32>} : memref<2x40x128xf32, #tpu.memory_space<vmem>>, vector<1x1x16xf32>,
        %get3A_433 = arith.constant 1 : i32
        %get3A_434 = arith.index_cast %get3A_433 : i32 to index
        %get3A_435 = arith.index_cast %add3A_389 : i32 to index
        %get3A_436 = arith.constant 32 : index
        %get3A_437 = tpu.vector_load %arg11[%get3A_434, %get3A_435, %get3A_436] {strides = array<i32>} : memref<2x40x128xf32, #tpu.memory_space<vmem>>, vector<1x1x16xf32>,
        %get3A_438 = vector.shape_cast %get3A_437 : vector<1x1x16xf32> to vector<16xf32>
        %get3A_439 = arith.constant 1 : i32
        %get3A_440 = arith.index_cast %get3A_439 : i32 to index
        %get3A_441 = arith.index_cast %add3A_389 : i32 to index
        %get3A_442 = arith.constant 32 : index
        %get3A_443 = tpu.vector_load %arg10[%get3A_440, %get3A_441, %get3A_442] {strides = array<i32>} : memref<2x40x128xf32, #tpu.memory_space<vmem>>, vector<1x1x16xf32>,
        %get3A_444 = vector.shape_cast %get3A_443 : vector<1x1x16xf32> to vector<16xf32>
        %add3A_445 = arith.addf %get3A_438, %get3A_444 : vector<16xf32>
        %max3A_446 = arith.constant 0.000000e+00 : f32
        %max3A_447 = vector.broadcast %max3A_446 : f32 to vector<16xf32>
        %max3A_448 = arith.maximumf %add3A_445, %max3A_447 : vector<16xf32>
        %swap3A_449 = arith.constant 1 : i32
        %swap3A_450 = arith.index_cast %swap3A_449 : i32 to index
        %swap3A_451 = arith.index_cast %add3A_389 : i32 to index
        %swap3A_452 = arith.constant 32 : index
        %swap3A_453 = tpu.vector_load %arg12[%swap3A_450, %swap3A_451, %swap3A_452] {strides = array<i32>} : memref<2x40x128xf32, #tpu.memory_space<vmem>>, vector<1x1x16xf32>,
        %swap3A_454 = vector.shape_cast %swap3A_453 : vector<1x1x16xf32> to vector<16xf32>
        %swap3A_455 = vector.shape_cast %max3A_448 : vector<16xf32> to vector<1x1x16xf32>
        tpu.vector_store %arg12[%swap3A_450, %swap3A_451, %swap3A_452], %swap3A_455 {strides = array<i32>} : memref<2x40x128xf32, #tpu.memory_space<vmem>>, vector<1x1x16xf32>,
        %get3A_456 = arith.constant 1 : i32
        %get3A_457 = arith.index_cast %get3A_456 : i32 to index
        %get3A_458 = arith.index_cast %add3A_389 : i32 to index
        %get3A_459 = arith.constant 48 : index
        %get3A_460 = tpu.vector_load %arg11[%get3A_457, %get3A_458, %get3A_459] {strides = array<i32>} : memref<2x40x128xf32, #tpu.memory_space<vmem>>, vector<1x1x16xf32>,
        %get3A_461 = vector.shape_cast %get3A_460 : vector<1x1x16xf32> to vector<16xf32>
        %get3A_462 = arith.constant 1 : i32
        %get3A_463 = arith.index_cast %get3A_462 : i32 to index
        %get3A_464 = arith.index_cast %add3A_389 : i32 to index
        %get3A_465 = arith.constant 48 : index
        %get3A_466 = tpu.vector_load %arg10[%get3A_463, %get3A_464, %get3A_465] {strides = array<i32>} : memref<2x40x128xf32, #tpu.memory_space<vmem>>, vector<1x1x16xf32>,
        %get3A_467 = vector.shape_cast %get3A_466 : vector<1x1x16xf32> to vector<16xf32>
        %add3A_468 = arith.addf %get3A_461, %get3A_467 : vector<16xf32>
        %max3A_469 = arith.constant 0.000000e+00 : f32
        %max3A_470 = vector.broadcast %max3A_469 : f32 to vector<16xf32>
        %max3A_471 = arith.maximumf %add3A_468, %max3A_470 : vector<16xf32>
        %swap3A_472 = arith.constant 1 : i32
        %swap3A_473 = arith.index_cast %swap3A_472 : i32 to index
        %swap3A_474 = arith.index_cast %add3A_389 : i32 to index
        %swap3A_475 = arith.constant 48 : index
        %swap3A_476 = tpu.vector_load %arg12[%swap3A_473, %swap3A_474, %swap3A_475] {strides = array<i32>} : memref<2x40x128xf32, #tpu.memory_space<vmem>>, vector<1x1x16xf32>,
        %swap3A_477 = vector.shape_cast %swap3A_476 : vector<1x1x16xf32> to vector<16xf32>
        %swap3A_478 = vector.shape_cast %max3A_471 : vector<16xf32> to vector<1x1x16xf32>
        tpu.vector_store %arg12[%swap3A_473, %swap3A_474, %swap3A_475], %swap3A_478 {strides = array<i32>} : memref<2x40x128xf32, #tpu.memory_space<vmem>>, vector<1x1x16xf32>,
        %get3A_479 = arith.constant 1 : i32
        %get3A_480 = arith.index_cast %get3A_479 : i32 to index
        %get3A_481 = arith.index_cast %add3A_389 : i32 to index
        %get3A_482 = arith.constant 64 : index
        %get3A_483 = tpu.vector_load %arg11[%get3A_480, %get3A_481, %get3A_482] {strides = array<i32>} : memref<2x40x128xf32, #tpu.memory_space<vmem>>, vector<1x1x16xf32>,
        %get3A_484 = vector.shape_cast %get3A_483 : vector<1x1x16xf32> to vector<16xf32>
        %get3A_485 = arith.constant 1 : i32
        %get3A_486 = arith.index_cast %get3A_485 : i32 to index
        %get3A_487 = arith.index_cast %add3A_389 : i32 to index
        %get3A_488 = arith.constant 64 : index
        %get3A_489 = tpu.vector_load %arg10[%get3A_486, %get3A_487, %get3A_488] {strides = array<i32>} : memref<2x40x128xf32, #tpu.memory_space<vmem>>, vector<1x1x16xf32>,
        %get3A_490 = vector.shape_cast %get3A_489 : vector<1x1x16xf32> to vector<16xf32>
        %add3A_491 = arith.addf %get3A_484, %get3A_490 : vector<16xf32>
        %max3A_492 = arith.constant 0.000000e+00 : f32
        %max3A_493 = vector.broadcast %max3A_492 : f32 to vector<16xf32>
        %max3A_494 = arith.maximumf %add3A_491, %max3A_493 : vector<16xf32>
        %swap3A_495 = arith.constant 1 : i32
        %swap3A_496 = arith.index_cast %swap3A_495 : i32 to index
        %swap3A_497 = arith.index_cast %add3A_389 : i32 to index
        %swap3A_498 = arith.constant 64 : index
        %swap3A_499 = tpu.vector_load %arg12[%swap3A_496, %swap3A_497, %swap3A_498] {strides = array<i32>} : memref<2x40x128xf32, #tpu.memory_space<vmem>>, vector<1x1x16xf32>,
        %swap3A_500 = vector.shape_cast %swap3A_499 : vector<1x1x16xf32> to vector<16xf32>
        %swap3A_501 = vector.shape_cast %max3A_494 : vector<16xf32> to vector<1x1x16xf32>
        tpu.vector_store %arg12[%swap3A_496, %swap3A_497, %swap3A_498], %swap3A_501 {strides = array<i32>} : memref<2x40x128xf32, #tpu.memory_space<vmem>>, vector<1x1x16xf32>,
        %get3A_502 = arith.constant 1 : i32
        %get3A_503 = arith.index_cast %get3A_502 : i32 to index
        %get3A_504 = arith.index_cast %add3A_389 : i32 to index
        %get3A_505 = arith.constant 80 : index
        %get3A_506 = tpu.vector_load %arg11[%get3A_503, %get3A_504, %get3A_505] {strides = array<i32>} : memref<2x40x128xf32, #tpu.memory_space<vmem>>, vector<1x1x16xf32>,
        %get3A_507 = vector.shape_cast %get3A_506 : vector<1x1x16xf32> to vector<16xf32>
        %get3A_508 = arith.constant 1 : i32
        %get3A_509 = arith.index_cast %get3A_508 : i32 to index
        %get3A_510 = arith.index_cast %add3A_389 : i32 to index
        %get3A_511 = arith.constant 80 : index
        %get3A_512 = tpu.vector_load %arg10[%get3A_509, %get3A_510, %get3A_511] {strides = array<i32>} : memref<2x40x128xf32, #tpu.memory_space<vmem>>, vector<1x1x16xf32>,
        %get3A_513 = vector.shape_cast %get3A_512 : vector<1x1x16xf32> to vector<16xf32>
        %add3A_514 = arith.addf %get3A_507, %get3A_513 : vector<16xf32>
        %max3A_515 = arith.constant 0.000000e+00 : f32
        %max3A_516 = vector.broadcast %max3A_515 : f32 to vector<16xf32>
        %max3A_517 = arith.maximumf %add3A_514, %max3A_516 : vector<16xf32>
        %swap3A_518 = arith.constant 1 : i32
        %swap3A_519 = arith.index_cast %swap3A_518 : i32 to index
        %swap3A_520 = arith.index_cast %add3A_389 : i32 to index
        %swap3A_521 = arith.constant 80 : index
        %swap3A_522 = tpu.vector_load %arg12[%swap3A_519, %swap3A_520, %swap3A_521] {strides = array<i32>} : memref<2x40x128xf32, #tpu.memory_space<vmem>>, vector<1x1x16xf32>,
        %swap3A_523 = vector.shape_cast %swap3A_522 : vector<1x1x16xf32> to vector<16xf32>
        %swap3A_524 = vector.shape_cast %max3A_517 : vector<16xf32> to vector<1x1x16xf32>
        tpu.vector_store %arg12[%swap3A_519, %swap3A_520, %swap3A_521], %swap3A_524 {strides = array<i32>} : memref<2x40x128xf32, #tpu.memory_space<vmem>>, vector<1x1x16xf32>,
        %get3A_525 = arith.constant 1 : i32
        %get3A_526 = arith.index_cast %get3A_525 : i32 to index
        %get3A_527 = arith.index_cast %add3A_389 : i32 to index
        %get3A_528 = arith.constant 96 : index
        %get3A_529 = tpu.vector_load %arg11[%get3A_526, %get3A_527, %get3A_528] {strides = array<i32>} : memref<2x40x128xf32, #tpu.memory_space<vmem>>, vector<1x1x16xf32>,
        %get3A_530 = vector.shape_cast %get3A_529 : vector<1x1x16xf32> to vector<16xf32>
        %get3A_531 = arith.constant 1 : i32
        %get3A_532 = arith.index_cast %get3A_531 : i32 to index
        %get3A_533 = arith.index_cast %add3A_389 : i32 to index
        %get3A_534 = arith.constant 96 : index
        %get3A_535 = tpu.vector_load %arg10[%get3A_532, %get3A_533, %get3A_534] {strides = array<i32>} : memref<2x40x128xf32, #tpu.memory_space<vmem>>, vector<1x1x16xf32>,
        %get3A_536 = vector.shape_cast %get3A_535 : vector<1x1x16xf32> to vector<16xf32>
        %add3A_537 = arith.addf %get3A_530, %get3A_536 : vector<16xf32>
        %max3A_538 = arith.constant 0.000000e+00 : f32
        %max3A_539 = vector.broadcast %max3A_538 : f32 to vector<16xf32>
        %max3A_540 = arith.maximumf %add3A_537, %max3A_539 : vector<16xf32>
        %swap3A_541 = arith.constant 1 : i32
        %swap3A_542 = arith.index_cast %swap3A_541 : i32 to index
        %swap3A_543 = arith.index_cast %add3A_389 : i32 to index
        %swap3A_544 = arith.constant 96 : index
        %swap3A_545 = tpu.vector_load %arg12[%swap3A_542, %swap3A_543, %swap3A_544] {strides = array<i32>} : memref<2x40x128xf32, #tpu.memory_space<vmem>>, vector<1x1x16xf32>,
        %swap3A_546 = vector.shape_cast %swap3A_545 : vector<1x1x16xf32> to vector<16xf32>
        %swap3A_547 = vector.shape_cast %max3A_540 : vector<16xf32> to vector<1x1x16xf32>
        tpu.vector_store %arg12[%swap3A_542, %swap3A_543, %swap3A_544], %swap3A_547 {strides = array<i32>} : memref<2x40x128xf32, #tpu.memory_space<vmem>>, vector<1x1x16xf32>,
        %get3A_548 = arith.constant 1 : i32
        %get3A_549 = arith.index_cast %get3A_548 : i32 to index
        %get3A_550 = arith.index_cast %add3A_389 : i32 to index
        %get3A_551 = arith.constant 112 : index
        %get3A_552 = tpu.vector_load %arg11[%get3A_549, %get3A_550, %get3A_551] {strides = array<i32>} : memref<2x40x128xf32, #tpu.memory_space<vmem>>, vector<1x1x16xf32>,
        %get3A_553 = vector.shape_cast %get3A_552 : vector<1x1x16xf32> to vector<16xf32>
        %get3A_554 = arith.constant 1 : i32
        %get3A_555 = arith.index_cast %get3A_554 : i32 to index
        %get3A_556 = arith.index_cast %add3A_389 : i32 to index
        %get3A_557 = arith.constant 112 : index
        %get3A_558 = tpu.vector_load %arg10[%get3A_555, %get3A_556, %get3A_557] {strides = array<i32>} : memref<2x40x128xf32, #tpu.memory_space<vmem>>, vector<1x1x16xf32>,
        %get3A_559 = vector.shape_cast %get3A_558 : vector<1x1x16xf32> to vector<16xf32>
        %add3A_560 = arith.addf %get3A_553, %get3A_559 : vector<16xf32>
        %max3A_561 = arith.constant 0.000000e+00 : f32
        %max3A_562 = vector.broadcast %max3A_561 : f32 to vector<16xf32>
        %max3A_563 = arith.maximumf %add3A_560, %max3A_562 : vector<16xf32>
        %swap3A_564 = arith.constant 1 : i32
        %swap3A_565 = arith.index_cast %swap3A_564 : i32 to index
        %swap3A_566 = arith.index_cast %add3A_389 : i32 to index
        %swap3A_567 = arith.constant 112 : index
        %swap3A_568 = tpu.vector_load %arg12[%swap3A_565, %swap3A_566, %swap3A_567] {strides = array<i32>} : memref<2x40x128xf32, #tpu.memory_space<vmem>>, vector<1x1x16xf32>,
        %swap3A_569 = vector.shape_cast %swap3A_568 : vector<1x1x16xf32> to vector<16xf32>
        %swap3A_570 = vector.shape_cast %max3A_563 : vector<16xf32> to vector<1x1x16xf32>
        tpu.vector_store %arg12[%swap3A_565, %swap3A_566, %swap3A_567], %swap3A_570 {strides = array<i32>} : memref<2x40x128xf32, #tpu.memory_space<vmem>>, vector<1x1x16xf32>,
      }
      %scan3A_311 = arith.constant 40 : i32
      %mul3A_312 = arith.constant 40 : i32
      %mul3A_313 = arith.muli %add3A_271, %mul3A_312 : i32
      %add3A_314 = arith.addi %mul3A_2, %mul3A_313 : i32
      %multiple_of3A_315 = tpu.assume_multiple %add3A_314, 8 : i32
      %dma_wait3A_316 = arith.constant 1 : i32
      %dma_wait3A_317 = arith.constant 1 : i32
      %dma_wait3A_318 = arith.constant 0 : i32
      %dma_wait3A_319 = tpu.memref_slice %arg8[%dma_wait3A_316, %dma_wait3A_318] : memref<2x40xi32, #tpu.memory_space<vmem>> -> memref<1x40xi32, #tpu.memory_space<vmem>>
      %dma_wait3A_320 = tpu.memref_squeeze %dma_wait3A_319 : memref<1x40xi32, #tpu.memory_space<vmem>> -> memref<40xi32, #tpu.memory_space<vmem>>
      %dma_wait3A_321 = tpu.memref_slice %arg5[%multiple_of3A_315] : memref<320000xi32, #tpu.memory_space<hbm>> -> memref<40xi32, #tpu.memory_space<hbm>>
      %dma_wait3A_322 = tpu.memref_slice %arg13[%dma_wait3A_317] : memref<2x!tpu.dma_semaphore, #tpu.memory_space<semaphore_mem>> -> memref<1x!tpu.dma_semaphore, #tpu.memory_space<semaphore_mem>>
      %dma_wait3A_323 = tpu.memref_squeeze %dma_wait3A_322 : memref<1x!tpu.dma_semaphore, #tpu.memory_space<semaphore_mem>> -> memref<!tpu.dma_semaphore, #tpu.memory_space<semaphore_mem>>
      %dma_wait3A_324 = arith.constant 0 : i32
      %dma_wait3A_325 = tpu.memref_slice %arg8[%dma_wait3A_316, %dma_wait3A_324] : memref<2x40xi32, #tpu.memory_space<vmem>> -> memref<1x40xi32, #tpu.memory_space<vmem>>
      %dma_wait3A_326 = tpu.memref_squeeze %dma_wait3A_325 : memref<1x40xi32, #tpu.memory_space<vmem>> -> memref<40xi32, #tpu.memory_space<vmem>>
      %dma_wait3A_327 = tpu.memref_slice %arg5[%multiple_of3A_315] : memref<320000xi32, #tpu.memory_space<hbm>> -> memref<40xi32, #tpu.memory_space<hbm>>
      tpu.wait_dma2 semaphore(%dma_wait3A_323 : memref<!tpu.dma_semaphore, #tpu.memory_space<semaphore_mem>>) src(%dma_wait3A_327 : memref<40xi32, #tpu.memory_space<hbm>>) dst(%dma_wait3A_326 : memref<40xi32, #tpu.memory_space<vmem>>)
      %mul3A_328 = arith.constant 40 : i32
      %mul3A_329 = arith.muli %add3A_271, %mul3A_328 : i32
      %add3A_330 = arith.addi %mul3A_2, %mul3A_329 : i32
      %multiple_of3A_331 = tpu.assume_multiple %add3A_330, 8 : i32
      %dma_start3A_332 = arith.constant 1 : i32
      %dma_start3A_333 = arith.constant 1 : i32
      %dma_start3A_334 = arith.constant 0 : i32
      %dma_start3A_335 = arith.constant 0 : i32
      %dma_start3A_336 = tpu.memref_slice %arg12[%dma_start3A_332, %dma_start3A_334, %dma_start3A_335] : memref<2x40x128xf32, #tpu.memory_space<vmem>> -> memref<1x40x128xf32, #tpu.memory_space<vmem>>
      %dma_start3A_337 = tpu.memref_squeeze %dma_start3A_336 : memref<1x40x128xf32, #tpu.memory_space<vmem>> -> memref<40x128xf32, #tpu.memory_space<vmem>>
      %dma_start3A_338 = arith.constant 0 : i32
      %dma_start3A_339 = tpu.memref_slice %arg6[%multiple_of3A_331, %dma_start3A_338] : memref<320000x128xf32, #tpu.memory_space<hbm>> -> memref<40x128xf32, #tpu.memory_space<hbm>>
      %dma_start3A_340 = tpu.memref_slice %arg16[%dma_start3A_333] : memref<2x!tpu.dma_semaphore, #tpu.memory_space<semaphore_mem>> -> memref<1x!tpu.dma_semaphore, #tpu.memory_space<semaphore_mem>>
      %dma_start3A_341 = tpu.memref_squeeze %dma_start3A_340 : memref<1x!tpu.dma_semaphore, #tpu.memory_space<semaphore_mem>> -> memref<!tpu.dma_semaphore, #tpu.memory_space<semaphore_mem>>
      %dma_start3A_342 = arith.constant 0 : i32
      %dma_start3A_343 = tpu.memref_slice %arg6[%multiple_of3A_331, %dma_start3A_342] : memref<320000x128xf32, #tpu.memory_space<hbm>> -> memref<40x128xf32, #tpu.memory_space<hbm>>
      %dma_start3A_344 = arith.constant 0 : i32
      %dma_start3A_345 = arith.constant 0 : i32
      %dma_start3A_346 = tpu.memref_slice %arg12[%dma_start3A_332, %dma_start3A_344, %dma_start3A_345] : memref<2x40x128xf32, #tpu.memory_space<vmem>> -> memref<1x40x128xf32, #tpu.memory_space<vmem>>
      %dma_start3A_347 = tpu.memref_squeeze %dma_start3A_346 : memref<1x40x128xf32, #tpu.memory_space<vmem>> -> memref<40x128xf32, #tpu.memory_space<vmem>>
      tpu.enqueue_dma source(%dma_start3A_347 : memref<40x128xf32, #tpu.memory_space<vmem>>) target(%dma_start3A_343 : memref<40x128xf32, #tpu.memory_space<hbm>>) target_semaphore(%dma_start3A_341 : memref<!tpu.dma_semaphore, #tpu.memory_space<semaphore_mem>>)
      %dma_start3A_348 = arith.constant 1 : i32
      %dma_start3A_349 = arith.constant 1 : i32
      %dma_start3A_350 = arith.constant 1 : i32
      %dma_start3A_351 = arith.constant 0 : i32
      %dma_start3A_352 = arith.constant 0 : i32
      %dma_start3A_353 = tpu.memref_slice %arg12[%dma_start3A_348, %dma_start3A_351, %dma_start3A_352] : memref<2x40x128xf32, #tpu.memory_space<vmem>> -> memref<1x40x128xf32, #tpu.memory_space<vmem>>
      %dma_start3A_354 = tpu.memref_squeeze %dma_start3A_353 : memref<1x40x128xf32, #tpu.memory_space<vmem>> -> memref<40x128xf32, #tpu.memory_space<vmem>>
      %dma_start3A_355 = arith.constant 0 : i32
      %dma_start3A_356 = tpu.memref_slice %arg8[%dma_start3A_349, %dma_start3A_355] : memref<2x40xi32, #tpu.memory_space<vmem>> -> memref<1x40xi32, #tpu.memory_space<vmem>>
      %dma_start3A_357 = tpu.memref_squeeze %dma_start3A_356 : memref<1x40xi32, #tpu.memory_space<vmem>> -> memref<40xi32, #tpu.memory_space<vmem>>
      %dma_start3A_358 = arith.constant 0 : i32
      %dma_start3A_359 = arith.constant 0 : i32
      %dma_start3A_360 = tpu.memref_slice %arg18[%dma_start3A_358, %dma_start3A_359] : memref<10000x128xf32, #tpu.memory_space<vmem_shared>> -> memref<10000x128xf32, #tpu.memory_space<vmem_shared>>
      %dma_start3A_361 = tpu.memref_slice %arg17[%dma_start3A_350] : memref<2x!tpu.dma_semaphore, #tpu.memory_space<semaphore_mem>> -> memref<1x!tpu.dma_semaphore, #tpu.memory_space<semaphore_mem>>
      %dma_start3A_362 = tpu.memref_squeeze %dma_start3A_361 : memref<1x!tpu.dma_semaphore, #tpu.memory_space<semaphore_mem>> -> memref<!tpu.dma_semaphore, #tpu.memory_space<semaphore_mem>>
      tpu.enqueue_indirect_dma source(%dma_start3A_354 : memref<40x128xf32, #tpu.memory_space<vmem>>) target(%dma_start3A_360 : memref<10000x128xf32, #tpu.memory_space<vmem_shared>>) offsets(%dma_start3A_357 : memref<40xi32, #tpu.memory_space<vmem>>) semaphore(%dma_start3A_362 : memref<!tpu.dma_semaphore, #tpu.memory_space<semaphore_mem>>) {add = true}
      %ge3A_363 = arith.constant 1 : i32
      %ge3A_364 = arith.cmpi sge, %add3A_271, %ge3A_363 : i32
      %convert_element_type3A_365 = arith.extui %ge3A_364 : i1 to i32
      %cond3A_366 = arith.constant 0 : i32
      %cond3A_367 = arith.cmpi ne, %convert_element_type3A_365, %cond3A_366 : i32
      scf.if %cond3A_367 {
        %sub3A = arith.constant 1 : i32
        %sub3A_385 = arith.subi %add3A_271, %sub3A : i32
        %mul3A_386 = arith.constant 40 : i32
        %mul3A_387 = arith.muli %sub3A_385, %mul3A_386 : i32
        %add3A_388 = arith.addi %mul3A_2, %mul3A_387 : i32
        %multiple_of3A_389 = tpu.assume_multiple %add3A_388, 8 : i32
        %dma_wait3A_390 = arith.constant 0 : i32
        %dma_wait3A_391 = arith.constant 0 : i32
        %dma_wait3A_392 = arith.constant 0 : i32
        %dma_wait3A_393 = arith.constant 0 : i32
        %dma_wait3A_394 = tpu.memref_slice %arg12[%dma_wait3A_390, %dma_wait3A_392, %dma_wait3A_393] : memref<2x40x128xf32, #tpu.memory_space<vmem>> -> memref<1x40x128xf32, #tpu.memory_space<vmem>>
        %dma_wait3A_395 = tpu.memref_squeeze %dma_wait3A_394 : memref<1x40x128xf32, #tpu.memory_space<vmem>> -> memref<40x128xf32, #tpu.memory_space<vmem>>
        %dma_wait3A_396 = arith.constant 0 : i32
        %dma_wait3A_397 = tpu.memref_slice %arg6[%multiple_of3A_389, %dma_wait3A_396] : memref<320000x128xf32, #tpu.memory_space<hbm>> -> memref<40x128xf32, #tpu.memory_space<hbm>>
        %dma_wait3A_398 = tpu.memref_slice %arg16[%dma_wait3A_391] : memref<2x!tpu.dma_semaphore, #tpu.memory_space<semaphore_mem>> -> memref<1x!tpu.dma_semaphore, #tpu.memory_space<semaphore_mem>>
        %dma_wait3A_399 = tpu.memref_squeeze %dma_wait3A_398 : memref<1x!tpu.dma_semaphore, #tpu.memory_space<semaphore_mem>> -> memref<!tpu.dma_semaphore, #tpu.memory_space<semaphore_mem>>
        %dma_wait3A_400 = arith.constant 0 : i32
        %dma_wait3A_401 = tpu.memref_slice %arg6[%multiple_of3A_389, %dma_wait3A_400] : memref<320000x128xf32, #tpu.memory_space<hbm>> -> memref<40x128xf32, #tpu.memory_space<hbm>>
        %dma_wait3A_402 = arith.constant 0 : i32
        %dma_wait3A_403 = arith.constant 0 : i32
        %dma_wait3A_404 = tpu.memref_slice %arg12[%dma_wait3A_390, %dma_wait3A_402, %dma_wait3A_403] : memref<2x40x128xf32, #tpu.memory_space<vmem>> -> memref<1x40x128xf32, #tpu.memory_space<vmem>>
        %dma_wait3A_405 = tpu.memref_squeeze %dma_wait3A_404 : memref<1x40x128xf32, #tpu.memory_space<vmem>> -> memref<40x128xf32, #tpu.memory_space<vmem>>
        tpu.wait_dma2 semaphore(%dma_wait3A_399 : memref<!tpu.dma_semaphore, #tpu.memory_space<semaphore_mem>>) src(%dma_wait3A_405 : memref<40x128xf32, #tpu.memory_space<vmem>>) dst(%dma_wait3A_401 : memref<40x128xf32, #tpu.memory_space<hbm>>)
        %dma_wait3A_406 = arith.constant 0 : i32
        %dma_wait3A_407 = arith.constant 0 : i32
        %dma_wait3A_408 = arith.constant 0 : i32
        %dma_wait3A_409 = arith.constant 0 : i32
        %dma_wait3A_410 = arith.constant 0 : i32
        %dma_wait3A_411 = tpu.memref_slice %arg12[%dma_wait3A_406, %dma_wait3A_409, %dma_wait3A_410] : memref<2x40x128xf32, #tpu.memory_space<vmem>> -> memref<1x40x128xf32, #tpu.memory_space<vmem>>
        %dma_wait3A_412 = tpu.memref_squeeze %dma_wait3A_411 : memref<1x40x128xf32, #tpu.memory_space<vmem>> -> memref<40x128xf32, #tpu.memory_space<vmem>>
        %dma_wait3A_413 = arith.constant 0 : i32
        %dma_wait3A_414 = tpu.memref_slice %arg8[%dma_wait3A_407, %dma_wait3A_413] : memref<2x40xi32, #tpu.memory_space<vmem>> -> memref<1x40xi32, #tpu.memory_space<vmem>>
        %dma_wait3A_415 = tpu.memref_squeeze %dma_wait3A_414 : memref<1x40xi32, #tpu.memory_space<vmem>> -> memref<40xi32, #tpu.memory_space<vmem>>
        %dma_wait3A_416 = arith.constant 0 : i32
        %dma_wait3A_417 = arith.constant 0 : i32
        %dma_wait3A_418 = tpu.memref_slice %arg18[%dma_wait3A_416, %dma_wait3A_417] : memref<10000x128xf32, #tpu.memory_space<vmem_shared>> -> memref<10000x128xf32, #tpu.memory_space<vmem_shared>>
        %dma_wait3A_419 = tpu.memref_slice %arg17[%dma_wait3A_408] : memref<2x!tpu.dma_semaphore, #tpu.memory_space<semaphore_mem>> -> memref<1x!tpu.dma_semaphore, #tpu.memory_space<semaphore_mem>>
        %dma_wait3A_420 = tpu.memref_squeeze %dma_wait3A_419 : memref<1x!tpu.dma_semaphore, #tpu.memory_space<semaphore_mem>> -> memref<!tpu.dma_semaphore, #tpu.memory_space<semaphore_mem>>
        tpu.wait_indirect_dma semaphore(%dma_wait3A_420 : memref<!tpu.dma_semaphore, #tpu.memory_space<semaphore_mem>>) src(%dma_wait3A_412 : memref<40x128xf32, #tpu.memory_space<vmem>>) dst(%dma_wait3A_418 : memref<10000x128xf32, #tpu.memory_space<vmem_shared>>)
      } else {
      }
      %ge3A_368 = arith.constant 1 : i32
      %ge3A_369 = arith.cmpi sge, %add3A_271, %ge3A_368 : i32
      %add3A_370 = arith.constant 1 : i32
      %add3A_371 = arith.addi %add3A_271, %add3A_370 : i32
      %lt3A_372 = arith.constant 250 : i32
      %lt3A_373 = arith.cmpi slt, %add3A_371, %lt3A_372 : i32
      %and3A_374 = arith.andi %ge3A_369, %lt3A_373 : i1
      %convert_element_type3A_375 = arith.extui %and3A_374 : i1 to i32
      %cond3A_376 = arith.constant 0 : i32
      %cond3A_377 = arith.cmpi ne, %convert_element_type3A_375, %cond3A_376 : i32
      scf.if %cond3A_377 {
        %add3A_385 = arith.constant 1 : i32
        %add3A_386 = arith.addi %add3A_271, %add3A_385 : i32
        %mul3A_387 = arith.constant 40 : i32
        %mul3A_388 = arith.muli %add3A_386, %mul3A_387 : i32
        %add3A_389 = arith.addi %mul3A_2, %mul3A_388 : i32
        %multiple_of3A_390 = tpu.assume_multiple %add3A_389, 8 : i32
        %dma_start3A_391 = arith.constant 0 : i32
        %dma_start3A_392 = arith.constant 0 : i32
        %dma_start3A_393 = arith.constant 0 : i32
        %dma_start3A_394 = tpu.memref_slice %arg8[%dma_start3A_391, %dma_start3A_393] : memref<2x40xi32, #tpu.memory_space<vmem>> -> memref<1x40xi32, #tpu.memory_space<vmem>>
        %dma_start3A_395 = tpu.memref_squeeze %dma_start3A_394 : memref<1x40xi32, #tpu.memory_space<vmem>> -> memref<40xi32, #tpu.memory_space<vmem>>
        %dma_start3A_396 = tpu.memref_slice %arg5[%multiple_of3A_390] : memref<320000xi32, #tpu.memory_space<hbm>> -> memref<40xi32, #tpu.memory_space<hbm>>
        %dma_start3A_397 = tpu.memref_slice %arg13[%dma_start3A_392] : memref<2x!tpu.dma_semaphore, #tpu.memory_space<semaphore_mem>> -> memref<1x!tpu.dma_semaphore, #tpu.memory_space<semaphore_mem>>
        %dma_start3A_398 = tpu.memref_squeeze %dma_start3A_397 : memref<1x!tpu.dma_semaphore, #tpu.memory_space<semaphore_mem>> -> memref<!tpu.dma_semaphore, #tpu.memory_space<semaphore_mem>>
        %dma_start3A_399 = arith.constant 0 : i32
        %dma_start3A_400 = tpu.memref_slice %arg8[%dma_start3A_391, %dma_start3A_399] : memref<2x40xi32, #tpu.memory_space<vmem>> -> memref<1x40xi32, #tpu.memory_space<vmem>>
        %dma_start3A_401 = tpu.memref_squeeze %dma_start3A_400 : memref<1x40xi32, #tpu.memory_space<vmem>> -> memref<40xi32, #tpu.memory_space<vmem>>
        %dma_start3A_402 = tpu.memref_slice %arg5[%multiple_of3A_390] : memref<320000xi32, #tpu.memory_space<hbm>> -> memref<40xi32, #tpu.memory_space<hbm>>
        tpu.enqueue_dma source(%dma_start3A_402 : memref<40xi32, #tpu.memory_space<hbm>>) target(%dma_start3A_401 : memref<40xi32, #tpu.memory_space<vmem>>) target_semaphore(%dma_start3A_398 : memref<!tpu.dma_semaphore, #tpu.memory_space<semaphore_mem>>)
      } else {
      }
      %add3A_378 = arith.constant 2 : i32
      %add3A_379 = arith.addi %add3A_271, %add3A_378 : i32
      %lt3A_380 = arith.constant 250 : i32
      %lt3A_381 = arith.cmpi slt, %add3A_379, %lt3A_380 : i32
      %convert_element_type3A_382 = arith.extui %lt3A_381 : i1 to i32
      %cond3A_383 = arith.constant 0 : i32
      %cond3A_384 = arith.cmpi ne, %convert_element_type3A_382, %cond3A_383 : i32
      scf.if %cond3A_384 {
        %add3A_385 = arith.constant 2 : i32
        %add3A_386 = arith.addi %add3A_271, %add3A_385 : i32
        %mul3A_387 = arith.constant 40 : i32
        %mul3A_388 = arith.muli %add3A_386, %mul3A_387 : i32
        %multiple_of3A_389 = tpu.assume_multiple %mul3A_388, 8 : i32
        %dma_start3A_390 = arith.constant 1 : i32
        %dma_start3A_391 = arith.constant 1 : i32
        %dma_start3A_392 = arith.constant 0 : i32
        %dma_start3A_393 = arith.constant 0 : i32
        %dma_start3A_394 = tpu.memref_slice %arg10[%dma_start3A_390, %dma_start3A_392, %dma_start3A_393] : memref<2x40x128xf32, #tpu.memory_space<vmem>> -> memref<1x40x128xf32, #tpu.memory_space<vmem>>
        %dma_start3A_395 = tpu.memref_squeeze %dma_start3A_394 : memref<1x40x128xf32, #tpu.memory_space<vmem>> -> memref<40x128xf32, #tpu.memory_space<vmem>>
        %dma_start3A_396 = tpu.memref_slice %arg9[%multiple_of3A_389] : memref<10000xi32, #tpu.memory_space<vmem>> -> memref<40xi32, #tpu.memory_space<vmem>>
        %dma_start3A_397 = arith.constant 0 : i32
        %dma_start3A_398 = arith.constant 0 : i32
        %dma_start3A_399 = tpu.memref_slice %arg2[%dma_start3A_397, %dma_start3A_398] : memref<10000x128xf32, #tpu.memory_space<hbm>> -> memref<10000x128xf32, #tpu.memory_space<hbm>>
        %dma_start3A_400 = tpu.memref_slice %arg14[%dma_start3A_391] : memref<2x!tpu.dma_semaphore, #tpu.memory_space<semaphore_mem>> -> memref<1x!tpu.dma_semaphore, #tpu.memory_space<semaphore_mem>>
        %dma_start3A_401 = tpu.memref_squeeze %dma_start3A_400 : memref<1x!tpu.dma_semaphore, #tpu.memory_space<semaphore_mem>> -> memref<!tpu.dma_semaphore, #tpu.memory_space<semaphore_mem>>
        tpu.enqueue_indirect_dma source(%dma_start3A_399 : memref<10000x128xf32, #tpu.memory_space<hbm>>) target(%dma_start3A_395 : memref<40x128xf32, #tpu.memory_space<vmem>>) offsets(%dma_start3A_396 : memref<40xi32, #tpu.memory_space<vmem>>) semaphore(%dma_start3A_401 : memref<!tpu.dma_semaphore, #tpu.memory_space<semaphore_mem>>)
        %mul3A_402 = arith.constant 40 : i32
        %mul3A_403 = arith.muli %add3A_386, %mul3A_402 : i32
        %add3A_404 = arith.addi %mul3A_2, %mul3A_403 : i32
        %multiple_of3A_405 = tpu.assume_multiple %add3A_404, 8 : i32
        %dma_start3A_406 = arith.constant 1 : i32
        %dma_start3A_407 = arith.constant 1 : i32
        %dma_start3A_408 = arith.constant 0 : i32
        %dma_start3A_409 = arith.constant 0 : i32
        %dma_start3A_410 = tpu.memref_slice %arg11[%dma_start3A_406, %dma_start3A_408, %dma_start3A_409] : memref<2x40x128xf32, #tpu.memory_space<vmem>> -> memref<1x40x128xf32, #tpu.memory_space<vmem>>
        %dma_start3A_411 = tpu.memref_squeeze %dma_start3A_410 : memref<1x40x128xf32, #tpu.memory_space<vmem>> -> memref<40x128xf32, #tpu.memory_space<vmem>>
        %dma_start3A_412 = arith.constant 0 : i32
        %dma_start3A_413 = tpu.memref_slice %arg3[%multiple_of3A_405, %dma_start3A_412] : memref<320000x128xf32, #tpu.memory_space<hbm>> -> memref<40x128xf32, #tpu.memory_space<hbm>>
        %dma_start3A_414 = tpu.memref_slice %arg15[%dma_start3A_407] : memref<2x!tpu.dma_semaphore, #tpu.memory_space<semaphore_mem>> -> memref<1x!tpu.dma_semaphore, #tpu.memory_space<semaphore_mem>>
        %dma_start3A_415 = tpu.memref_squeeze %dma_start3A_414 : memref<1x!tpu.dma_semaphore, #tpu.memory_space<semaphore_mem>> -> memref<!tpu.dma_semaphore, #tpu.memory_space<semaphore_mem>>
        %dma_start3A_416 = arith.constant 0 : i32
        %dma_start3A_417 = arith.constant 0 : i32
        %dma_start3A_418 = tpu.memref_slice %arg11[%dma_start3A_406, %dma_start3A_416, %dma_start3A_417] : memref<2x40x128xf32, #tpu.memory_space<vmem>> -> memref<1x40x128xf32, #tpu.memory_space<vmem>>
        %dma_start3A_419 = tpu.memref_squeeze %dma_start3A_418 : memref<1x40x128xf32, #tpu.memory_space<vmem>> -> memref<40x128xf32, #tpu.memory_space<vmem>>
        %dma_start3A_420 = arith.constant 0 : i32
        %dma_start3A_421 = tpu.memref_slice %arg3[%multiple_of3A_405, %dma_start3A_420] : memref<320000x128xf32, #tpu.memory_space<hbm>> -> memref<40x128xf32, #tpu.memory_space<hbm>>
        tpu.enqueue_dma source(%dma_start3A_421 : memref<40x128xf32, #tpu.memory_space<hbm>>) target(%dma_start3A_419 : memref<40x128xf32, #tpu.memory_space<vmem>>) target_semaphore(%dma_start3A_415 : memref<!tpu.dma_semaphore, #tpu.memory_space<semaphore_mem>>)
      } else {
      }
    }
    %scan3A_113 = arith.constant 125 : i32
    %add3A_114 = arith.constant 9960 : i32
    %add3A_115 = arith.addi %mul3A_2, %add3A_114 : i32
    %multiple_of3A_116 = tpu.assume_multiple %add3A_115, 8 : i32
    %dma_wait3A = arith.constant 1 : i32
    %dma_wait3A_117 = arith.constant 1 : i32
    %dma_wait3A_118 = arith.constant 0 : i32
    %dma_wait3A_119 = arith.constant 0 : i32
    %dma_wait3A_120 = tpu.memref_slice %arg12[%dma_wait3A, %dma_wait3A_118, %dma_wait3A_119] : memref<2x40x128xf32, #tpu.memory_space<vmem>> -> memref<1x40x128xf32, #tpu.memory_space<vmem>>
    %dma_wait3A_121 = tpu.memref_squeeze %dma_wait3A_120 : memref<1x40x128xf32, #tpu.memory_space<vmem>> -> memref<40x128xf32, #tpu.memory_space<vmem>>
    %dma_wait3A_122 = arith.constant 0 : i32
    %dma_wait3A_123 = tpu.memref_slice %arg6[%multiple_of3A_116, %dma_wait3A_122] : memref<320000x128xf32, #tpu.memory_space<hbm>> -> memref<40x128xf32, #tpu.memory_space<hbm>>
    %dma_wait3A_124 = tpu.memref_slice %arg16[%dma_wait3A_117] : memref<2x!tpu.dma_semaphore, #tpu.memory_space<semaphore_mem>> -> memref<1x!tpu.dma_semaphore, #tpu.memory_space<semaphore_mem>>
    %dma_wait3A_125 = tpu.memref_squeeze %dma_wait3A_124 : memref<1x!tpu.dma_semaphore, #tpu.memory_space<semaphore_mem>> -> memref<!tpu.dma_semaphore, #tpu.memory_space<semaphore_mem>>
    %dma_wait3A_126 = arith.constant 0 : i32
    %dma_wait3A_127 = tpu.memref_slice %arg6[%multiple_of3A_116, %dma_wait3A_126] : memref<320000x128xf32, #tpu.memory_space<hbm>> -> memref<40x128xf32, #tpu.memory_space<hbm>>
    %dma_wait3A_128 = arith.constant 0 : i32
    %dma_wait3A_129 = arith.constant 0 : i32
    %dma_wait3A_130 = tpu.memref_slice %arg12[%dma_wait3A, %dma_wait3A_128, %dma_wait3A_129] : memref<2x40x128xf32, #tpu.memory_space<vmem>> -> memref<1x40x128xf32, #tpu.memory_space<vmem>>
    %dma_wait3A_131 = tpu.memref_squeeze %dma_wait3A_130 : memref<1x40x128xf32, #tpu.memory_space<vmem>> -> memref<40x128xf32, #tpu.memory_space<vmem>>
    tpu.wait_dma2 semaphore(%dma_wait3A_125 : memref<!tpu.dma_semaphore, #tpu.memory_space<semaphore_mem>>) src(%dma_wait3A_131 : memref<40x128xf32, #tpu.memory_space<vmem>>) dst(%dma_wait3A_127 : memref<40x128xf32, #tpu.memory_space<hbm>>)
    %dma_wait3A_132 = arith.constant 1 : i32
    %dma_wait3A_133 = arith.constant 1 : i32
    %dma_wait3A_134 = arith.constant 1 : i32
    %dma_wait3A_135 = arith.constant 0 : i32
    %dma_wait3A_136 = arith.constant 0 : i32
    %dma_wait3A_137 = tpu.memref_slice %arg12[%dma_wait3A_132, %dma_wait3A_135, %dma_wait3A_136] : memref<2x40x128xf32, #tpu.memory_space<vmem>> -> memref<1x40x128xf32, #tpu.memory_space<vmem>>
    %dma_wait3A_138 = tpu.memref_squeeze %dma_wait3A_137 : memref<1x40x128xf32, #tpu.memory_space<vmem>> -> memref<40x128xf32, #tpu.memory_space<vmem>>
    %dma_wait3A_139 = arith.constant 0 : i32
    %dma_wait3A_140 = tpu.memref_slice %arg8[%dma_wait3A_133, %dma_wait3A_139] : memref<2x40xi32, #tpu.memory_space<vmem>> -> memref<1x40xi32, #tpu.memory_space<vmem>>
    %dma_wait3A_141 = tpu.memref_squeeze %dma_wait3A_140 : memref<1x40xi32, #tpu.memory_space<vmem>> -> memref<40xi32, #tpu.memory_space<vmem>>
    %dma_wait3A_142 = arith.constant 0 : i32
    %dma_wait3A_143 = arith.constant 0 : i32
    %dma_wait3A_144 = tpu.memref_slice %arg18[%dma_wait3A_142, %dma_wait3A_143] : memref<10000x128xf32, #tpu.memory_space<vmem_shared>> -> memref<10000x128xf32, #tpu.memory_space<vmem_shared>>
    %dma_wait3A_145 = tpu.memref_slice %arg17[%dma_wait3A_134] : memref<2x!tpu.dma_semaphore, #tpu.memory_space<semaphore_mem>> -> memref<1x!tpu.dma_semaphore, #tpu.memory_space<semaphore_mem>>
    %dma_wait3A_146 = tpu.memref_squeeze %dma_wait3A_145 : memref<1x!tpu.dma_semaphore, #tpu.memory_space<semaphore_mem>> -> memref<!tpu.dma_semaphore, #tpu.memory_space<semaphore_mem>>
    tpu.wait_indirect_dma semaphore(%dma_wait3A_146 : memref<!tpu.dma_semaphore, #tpu.memory_space<semaphore_mem>>) src(%dma_wait3A_138 : memref<40x128xf32, #tpu.memory_space<vmem>>) dst(%dma_wait3A_144 : memref<10000x128xf32, #tpu.memory_space<vmem_shared>>)
    %barrier3A_147 = arith.constant 0 : index
    tpu.barrier barrier_id(%barrier3A_147)
    %mul3A_148 = arith.constant 625 : i32
    %mul3A_149 = arith.muli %arg1, %mul3A_148 : i32
    %mul3A_150 = arith.constant 16 : i32
    %mul3A_151 = arith.muli %arg0, %mul3A_150 : i32
    %add3A_152 = arith.addi %mul3A_151, %arg1 : i32
    "tpu.region"() ({
      %run_scoped3A = tpu.sem_alloc : memref<!tpu.dma_semaphore, #tpu.memory_space<semaphore_mem>>
      %dma_start3A_153 = arith.constant 0 : i32
      %dma_start3A_154 = arith.constant 0 : i32
      %dma_start3A_155 = tpu.memref_slice %arg7[%add3A_152, %dma_start3A_153, %dma_start3A_154] : memref<32x625x128xf32, #tpu.memory_space<hbm>> -> memref<1x625x128xf32, #tpu.memory_space<hbm>>
      %dma_start3A_156 = tpu.memref_squeeze %dma_start3A_155 : memref<1x625x128xf32, #tpu.memory_space<hbm>> -> memref<625x128xf32, #tpu.memory_space<hbm>>
      %dma_start3A_157 = arith.constant 0 : i32
      %dma_start3A_158 = tpu.memref_slice %arg18[%mul3A_149, %dma_start3A_157] : memref<10000x128xf32, #tpu.memory_space<vmem_shared>> -> memref<625x128xf32, #tpu.memory_space<vmem_shared>>
      tpu.enqueue_dma source(%dma_start3A_158 : memref<625x128xf32, #tpu.memory_space<vmem_shared>>) target(%dma_start3A_156 : memref<625x128xf32, #tpu.memory_space<hbm>>) target_semaphore(%run_scoped3A : memref<!tpu.dma_semaphore, #tpu.memory_space<semaphore_mem>>)
      %dma_wait3A_159 = arith.constant 0 : i32
      %dma_wait3A_160 = arith.constant 0 : i32
      %dma_wait3A_161 = tpu.memref_slice %arg7[%add3A_152, %dma_wait3A_159, %dma_wait3A_160] : memref<32x625x128xf32, #tpu.memory_space<hbm>> -> memref<1x625x128xf32, #tpu.memory_space<hbm>>
      %dma_wait3A_162 = tpu.memref_squeeze %dma_wait3A_161 : memref<1x625x128xf32, #tpu.memory_space<hbm>> -> memref<625x128xf32, #tpu.memory_space<hbm>>
      %dma_wait3A_163 = arith.constant 0 : i32
      %dma_wait3A_164 = tpu.memref_slice %arg18[%mul3A_149, %dma_wait3A_163] : memref<10000x128xf32, #tpu.memory_space<vmem_shared>> -> memref<625x128xf32, #tpu.memory_space<vmem_shared>>
      tpu.wait_dma2 semaphore(%run_scoped3A : memref<!tpu.dma_semaphore, #tpu.memory_space<semaphore_mem>>) src(%dma_wait3A_164 : memref<625x128xf32, #tpu.memory_space<vmem_shared>>) dst(%dma_wait3A_162 : memref<625x128xf32, #tpu.memory_space<hbm>>)
      tpu.yield
    }) : () -> ()
    return
  }
}

#map = affine_map<(d0, d1) -> (0, 0)>
#map1 = affine_map<(d0, d1) -> (0)>
#map2 = affine_map<(d0, d1) -> (0, 0, 0)>
module attributes {stable_mosaic.version = 14 : i64} {
  func.func @_pass(%arg0: i32, %arg1: i32, %arg2: memref<10000x128xf32, #tpu.memory_space<hbm>>, %arg3: memref<320000x128xf32, #tpu.memory_space<hbm>>, %arg4: memref<320000xi32, #tpu.memory_space<hbm>>, %arg5: memref<320000xi32, #tpu.memory_space<hbm>>, %arg6: memref<320000x128xf32, #tpu.memory_space<hbm>>, %arg7: memref<32x625x128xf32, #tpu.memory_space<hbm>>, %arg8: memref<2x40xi32, #tpu.memory_space<vmem>>, %arg9: memref<10000xi32, #tpu.memory_space<vmem>>, %arg10: memref<2x40x128xf32, #tpu.memory_space<vmem>>, %arg11: memref<2x40x128xf32, #tpu.memory_space<vmem>>, %arg12: memref<2x40x128xf32, #tpu.memory_space<vmem>>, %arg13: memref<2x!tpu.dma_semaphore, #tpu.memory_space<semaphore_mem>>, %arg14: memref<2x!tpu.dma_semaphore, #tpu.memory_space<semaphore_mem>>, %arg15: memref<2x!tpu.dma_semaphore, #tpu.memory_space<semaphore_mem>>, %arg16: memref<2x!tpu.dma_semaphore, #tpu.memory_space<semaphore_mem>>, %arg17: memref<2x!tpu.dma_semaphore, #tpu.memory_space<semaphore_mem>>, %arg18: memref<10000x128xf32, #tpu.memory_space<vmem_shared>>) attributes {dimension_semantics = [#tpu.dimension_semantics<core_parallel>, #tpu.dimension_semantics<subcore_parallel>], iteration_bounds = array<i64: 2, 16>, scalar_prefetch = 0 : i64, scratch_operands = 11 : i64, tpu.core_type = #tpu.core_type<sc_vector_subcore>, window_params = [{transform_indices = #map}, {transform_indices = #map}, {transform_indices = #map1}, {transform_indices = #map1}, {transform_indices = #map}, {transform_indices = #map2}]} {
    %mul3A = arith.constant 2 : i32
    %mul3A_0 = arith.muli %arg1, %mul3A : i32
    %add3A = arith.addi %mul3A_0, %arg0 : i32
    %mul3A_1 = arith.constant 10000 : i32
    %mul3A_2 = arith.muli %add3A, %mul3A_1 : i32
    %broadcast_in_dim3A = arith.constant 0.000000e+00 : f32
    %broadcast_in_dim3A_3 = vector.broadcast %broadcast_in_dim3A : f32 to vector<16xf32>
    %scan3A = arith.constant 0 : i32
    %scan3A_4 = arith.constant 25 : i32
    %scan3A_5 = arith.addi %scan3A, %scan3A_4 : i32
    %scan3A_6 = arith.constant 1 : i32
    scf.for %scan3A_153 = %scan3A to %scan3A_5 step %scan3A_6  : i32 {
      %mul3A_154 = arith.constant 1 : i32
      %mul3A_155 = arith.muli %scan3A_153, %mul3A_154 : i32
      %add3A_156 = arith.constant 0 : i32
      %add3A_157 = arith.addi %add3A_156, %mul3A_155 : i32
      %swap3A = arith.constant 0 : i32
      %swap3A_158 = arith.index_cast %swap3A : i32 to index
      %swap3A_159 = arith.index_cast %add3A_157 : i32 to index
      %swap3A_160 = arith.constant 0 : index
      %swap3A_161 = tpu.vector_load %arg12[%swap3A_158, %swap3A_159, %swap3A_160] {strides = array<i32>} : memref<2x40x128xf32, #tpu.memory_space<vmem>>, vector<1x1x16xf32>,
      %swap3A_162 = vector.shape_cast %swap3A_161 : vector<1x1x16xf32> to vector<16xf32>
      %swap3A_163 = vector.shape_cast %broadcast_in_dim3A_3 : vector<16xf32> to vector<1x1x16xf32>
      tpu.vector_store %arg12[%swap3A_158, %swap3A_159, %swap3A_160], %swap3A_163 {strides = array<i32>} : memref<2x40x128xf32, #tpu.memory_space<vmem>>, vector<1x1x16xf32>,
      %swap3A_164 = arith.constant 0 : i32
      %swap3A_165 = arith.index_cast %swap3A_164 : i32 to index
      %swap3A_166 = arith.index_cast %add3A_157 : i32 to index
      %swap3A_167 = arith.constant 16 : index
      %swap3A_168 = tpu.vector_load %arg12[%swap3A_165, %swap3A_166, %swap3A_167] {strides = array<i32>} : memref<2x40x128xf32, #tpu.memory_space<vmem>>, vector<1x1x16xf32>,
      %swap3A_169 = vector.shape_cast %swap3A_168 : vector<1x1x16xf32> to vector<16xf32>
      %swap3A_170 = vector.shape_cast %broadcast_in_dim3A_3 : vector<16xf32> to vector<1x1x16xf32>
      tpu.vector_store %arg12[%swap3A_165, %swap3A_166, %swap3A_167], %swap3A_170 {strides = array<i32>} : memref<2x40x128xf32, #tpu.memory_space<vmem>>, vector<1x1x16xf32>,
      %swap3A_171 = arith.constant 0 : i32
      %swap3A_172 = arith.index_cast %swap3A_171 : i32 to index
      %swap3A_173 = arith.index_cast %add3A_157 : i32 to index
      %swap3A_174 = arith.constant 32 : index
      %swap3A_175 = tpu.vector_load %arg12[%swap3A_172, %swap3A_173, %swap3A_174] {strides = array<i32>} : memref<2x40x128xf32, #tpu.memory_space<vmem>>, vector<1x1x16xf32>,
      %swap3A_176 = vector.shape_cast %swap3A_175 : vector<1x1x16xf32> to vector<16xf32>
      %swap3A_177 = vector.shape_cast %broadcast_in_dim3A_3 : vector<16xf32> to vector<1x1x16xf32>
      tpu.vector_store %arg12[%swap3A_172, %swap3A_173, %swap3A_174], %swap3A_177 {strides = array<i32>} : memref<2x40x128xf32, #tpu.memory_space<vmem>>, vector<1x1x16xf32>,
      %swap3A_178 = arith.constant 0 : i32
      %swap3A_179 = arith.index_cast %swap3A_178 : i32 to index
      %swap3A_180 = arith.index_cast %add3A_157 : i32 to index
      %swap3A_181 = arith.constant 48 : index
      %swap3A_182 = tpu.vector_load %arg12[%swap3A_179, %swap3A_180, %swap3A_181] {strides = array<i32>} : memref<2x40x128xf32, #tpu.memory_space<vmem>>, vector<1x1x16xf32>,
      %swap3A_183 = vector.shape_cast %swap3A_182 : vector<1x1x16xf32> to vector<16xf32>
      %swap3A_184 = vector.shape_cast %broadcast_in_dim3A_3 : vector<16xf32> to vector<1x1x16xf32>
      tpu.vector_store %arg12[%swap3A_179, %swap3A_180, %swap3A_181], %swap3A_184 {strides = array<i32>} : memref<2x40x128xf32, #tpu.memory_space<vmem>>, vector<1x1x16xf32>,
      %swap3A_185 = arith.constant 0 : i32
      %swap3A_186 = arith.index_cast %swap3A_185 : i32 to index
      %swap3A_187 = arith.index_cast %add3A_157 : i32 to index
      %swap3A_188 = arith.constant 64 : index
      %swap3A_189 = tpu.vector_load %arg12[%swap3A_186, %swap3A_187, %swap3A_188] {strides = array<i32>} : memref<2x40x128xf32, #tpu.memory_space<vmem>>, vector<1x1x16xf32>,
      %swap3A_190 = vector.shape_cast %swap3A_189 : vector<1x1x16xf32> to vector<16xf32>
      %swap3A_191 = vector.shape_cast %broadcast_in_dim3A_3 : vector<16xf32> to vector<1x1x16xf32>
      tpu.vector_store %arg12[%swap3A_186, %swap3A_187, %swap3A_188], %swap3A_191 {strides = array<i32>} : memref<2x40x128xf32, #tpu.memory_space<vmem>>, vector<1x1x16xf32>,
      %swap3A_192 = arith.constant 0 : i32
      %swap3A_193 = arith.index_cast %swap3A_192 : i32 to index
      %swap3A_194 = arith.index_cast %add3A_157 : i32 to index
      %swap3A_195 = arith.constant 80 : index
      %swap3A_196 = tpu.vector_load %arg12[%swap3A_193, %swap3A_194, %swap3A_195] {strides = array<i32>} : memref<2x40x128xf32, #tpu.memory_space<vmem>>, vector<1x1x16xf32>,
      %swap3A_197 = vector.shape_cast %swap3A_196 : vector<1x1x16xf32> to vector<16xf32>
      %swap3A_198 = vector.shape_cast %broadcast_in_dim3A_3 : vector<16xf32> to vector<1x1x16xf32>
      tpu.vector_store %arg12[%swap3A_193, %swap3A_194, %swap3A_195], %swap3A_198 {strides = array<i32>} : memref<2x40x128xf32, #tpu.memory_space<vmem>>, vector<1x1x16xf32>,
      %swap3A_199 = arith.constant 0 : i32
      %swap3A_200 = arith.index_cast %swap3A_199 : i32 to index
      %swap3A_201 = arith.index_cast %add3A_157 : i32 to index
      %swap3A_202 = arith.constant 96 : index
      %swap3A_203 = tpu.vector_load %arg12[%swap3A_200, %swap3A_201, %swap3A_202] {strides = array<i32>} : memref<2x40x128xf32, #tpu.memory_space<vmem>>, vector<1x1x16xf32>,
      %swap3A_204 = vector.shape_cast %swap3A_203 : vector<1x1x16xf32> to vector<16xf32>
      %swap3A_205 = vector.shape_cast %broadcast_in_dim3A_3 : vector<16xf32> to vector<1x1x16xf32>
      tpu.vector_store %arg12[%swap3A_200, %swap3A_201, %swap3A_202], %swap3A_205 {strides = array<i32>} : memref<2x40x128xf32, #tpu.memory_space<vmem>>, vector<1x1x16xf32>,
      %swap3A_206 = arith.constant 0 : i32
      %swap3A_207 = arith.index_cast %swap3A_206 : i32 to index
      %swap3A_208 = arith.index_cast %add3A_157 : i32 to index
      %swap3A_209 = arith.constant 112 : index
      %swap3A_210 = tpu.vector_load %arg12[%swap3A_207, %swap3A_208, %swap3A_209] {strides = array<i32>} : memref<2x40x128xf32, #tpu.memory_space<vmem>>, vector<1x1x16xf32>,
      %swap3A_211 = vector.shape_cast %swap3A_210 : vector<1x1x16xf32> to vector<16xf32>
      %swap3A_212 = vector.shape_cast %broadcast_in_dim3A_3 : vector<16xf32> to vector<1x1x16xf32>
      tpu.vector_store %arg12[%swap3A_207, %swap3A_208, %swap3A_209], %swap3A_212 {strides = array<i32>} : memref<2x40x128xf32, #tpu.memory_space<vmem>>, vector<1x1x16xf32>,
    }
    %scan3A_7 = arith.constant 25 : i32
    %scan3A_8 = arith.constant 0 : i32
    %scan3A_9 = arith.constant 0 : i32
    %scan3A_10 = arith.constant 25 : i32
    %scan3A_11 = arith.addi %scan3A_9, %scan3A_10 : i32
    %scan3A_12 = arith.constant 1 : i32
    scf.for %scan3A_153 = %scan3A_9 to %scan3A_11 step %scan3A_12  : i32 {
      %mul3A_154 = arith.constant 1 : i32
      %mul3A_155 = arith.muli %scan3A_153, %mul3A_154 : i32
      %add3A_156 = arith.constant 0 : i32
      %add3A_157 = arith.addi %add3A_156, %mul3A_155 : i32
      %mul3A_158 = arith.constant 625 : i32
      %mul3A_159 = arith.muli %arg1, %mul3A_158 : i32
      %mul3A_160 = arith.constant 25 : i32
      %mul3A_161 = arith.muli %add3A_157, %mul3A_160 : i32
      %add3A_162 = arith.addi %mul3A_159, %mul3A_161 : i32
      "tpu.region"() ({
        %run_scoped3A = tpu.sem_alloc : memref<!tpu.dma_semaphore, #tpu.memory_space<semaphore_mem>>
        %dma_start3A_163 = arith.constant 0 : i32
        %dma_start3A_164 = arith.constant 0 : i32
        %dma_start3A_165 = tpu.memref_slice %arg12[%scan3A_8, %dma_start3A_163, %dma_start3A_164] : memref<2x40x128xf32, #tpu.memory_space<vmem>> -> memref<1x40x128xf32, #tpu.memory_space<vmem>>
        %dma_start3A_166 = tpu.memref_squeeze %dma_start3A_165 : memref<1x40x128xf32, #tpu.memory_space<vmem>> -> memref<40x128xf32, #tpu.memory_space<vmem>>
        %dma_start3A_167 = arith.constant 0 : i32
        %dma_start3A_168 = arith.constant 0 : i32
        %dma_start3A_169 = tpu.memref_slice %dma_start3A_166[%dma_start3A_167, %dma_start3A_168] : memref<40x128xf32, #tpu.memory_space<vmem>> -> memref<25x128xf32, #tpu.memory_space<vmem>>
        %dma_start3A_170 = arith.constant 0 : i32
        %dma_start3A_171 = tpu.memref_slice %arg18[%add3A_162, %dma_start3A_170] : memref<10000x128xf32, #tpu.memory_space<vmem_shared>> -> memref<25x128xf32, #tpu.memory_space<vmem_shared>>
        %dma_start3A_172 = arith.constant 0 : i32
        %dma_start3A_173 = tpu.memref_slice %arg18[%add3A_162, %dma_start3A_172] : memref<10000x128xf32, #tpu.memory_space<vmem_shared>> -> memref<25x128xf32, #tpu.memory_space<vmem_shared>>
        %dma_start3A_174 = arith.constant 0 : i32
        %dma_start3A_175 = arith.constant 0 : i32
        %dma_start3A_176 = tpu.memref_slice %arg12[%scan3A_8, %dma_start3A_174, %dma_start3A_175] : memref<2x40x128xf32, #tpu.memory_space<vmem>> -> memref<1x40x128xf32, #tpu.memory_space<vmem>>
        %dma_start3A_177 = tpu.memref_squeeze %dma_start3A_176 : memref<1x40x128xf32, #tpu.memory_space<vmem>> -> memref<40x128xf32, #tpu.memory_space<vmem>>
        %dma_start3A_178 = arith.constant 0 : i32
        %dma_start3A_179 = arith.constant 0 : i32
        %dma_start3A_180 = tpu.memref_slice %dma_start3A_177[%dma_start3A_178, %dma_start3A_179] : memref<40x128xf32, #tpu.memory_space<vmem>> -> memref<25x128xf32, #tpu.memory_space<vmem>>
        tpu.enqueue_dma source(%dma_start3A_180 : memref<25x128xf32, #tpu.memory_space<vmem>>) target(%dma_start3A_173 : memref<25x128xf32, #tpu.memory_space<vmem_shared>>) target_semaphore(%run_scoped3A : memref<!tpu.dma_semaphore, #tpu.memory_space<semaphore_mem>>)
        %dma_wait3A_181 = arith.constant 0 : i32
        %dma_wait3A_182 = arith.constant 0 : i32
        %dma_wait3A_183 = tpu.memref_slice %arg12[%scan3A_8, %dma_wait3A_181, %dma_wait3A_182] : memref<2x40x128xf32, #tpu.memory_space<vmem>> -> memref<1x40x128xf32, #tpu.memory_space<vmem>>
        %dma_wait3A_184 = tpu.memref_squeeze %dma_wait3A_183 : memref<1x40x128xf32, #tpu.memory_space<vmem>> -> memref<40x128xf32, #tpu.memory_space<vmem>>
        %dma_wait3A_185 = arith.constant 0 : i32
        %dma_wait3A_186 = arith.constant 0 : i32
        %dma_wait3A_187 = tpu.memref_slice %dma_wait3A_184[%dma_wait3A_185, %dma_wait3A_186] : memref<40x128xf32, #tpu.memory_space<vmem>> -> memref<25x128xf32, #tpu.memory_space<vmem>>
        %dma_wait3A_188 = arith.constant 0 : i32
        %dma_wait3A_189 = tpu.memref_slice %arg18[%add3A_162, %dma_wait3A_188] : memref<10000x128xf32, #tpu.memory_space<vmem_shared>> -> memref<25x128xf32, #tpu.memory_space<vmem_shared>>
        %dma_wait3A_190 = arith.constant 0 : i32
        %dma_wait3A_191 = tpu.memref_slice %arg18[%add3A_162, %dma_wait3A_190] : memref<10000x128xf32, #tpu.memory_space<vmem_shared>> -> memref<25x128xf32, #tpu.memory_space<vmem_shared>>
        %dma_wait3A_192 = arith.constant 0 : i32
        %dma_wait3A_193 = arith.constant 0 : i32
        %dma_wait3A_194 = tpu.memref_slice %arg12[%scan3A_8, %dma_wait3A_192, %dma_wait3A_193] : memref<2x40x128xf32, #tpu.memory_space<vmem>> -> memref<1x40x128xf32, #tpu.memory_space<vmem>>
        %dma_wait3A_195 = tpu.memref_squeeze %dma_wait3A_194 : memref<1x40x128xf32, #tpu.memory_space<vmem>> -> memref<40x128xf32, #tpu.memory_space<vmem>>
        %dma_wait3A_196 = arith.constant 0 : i32
        %dma_wait3A_197 = arith.constant 0 : i32
        %dma_wait3A_198 = tpu.memref_slice %dma_wait3A_195[%dma_wait3A_196, %dma_wait3A_197] : memref<40x128xf32, #tpu.memory_space<vmem>> -> memref<25x128xf32, #tpu.memory_space<vmem>>
        tpu.wait_dma2 semaphore(%run_scoped3A : memref<!tpu.dma_semaphore, #tpu.memory_space<semaphore_mem>>) src(%dma_wait3A_198 : memref<25x128xf32, #tpu.memory_space<vmem>>) dst(%dma_wait3A_191 : memref<25x128xf32, #tpu.memory_space<vmem_shared>>)
        tpu.yield
      }) : () -> ()
    }
    %scan3A_13 = arith.constant 25 : i32
    %barrier3A = arith.constant 0 : index
    tpu.barrier barrier_id(%barrier3A)
    %multiple_of3A = tpu.assume_multiple %mul3A_2, 8 : i32
    "tpu.region"() ({
      %run_scoped3A = tpu.sem_alloc : memref<!tpu.dma_semaphore, #tpu.memory_space<semaphore_mem>>
      %dma_start3A_153 = tpu.memref_slice %arg4[%multiple_of3A] : memref<320000xi32, #tpu.memory_space<hbm>> -> memref<10000xi32, #tpu.memory_space<hbm>>
      %dma_start3A_154 = tpu.memref_slice %arg4[%multiple_of3A] : memref<320000xi32, #tpu.memory_space<hbm>> -> memref<10000xi32, #tpu.memory_space<hbm>>
      tpu.enqueue_dma source(%dma_start3A_154 : memref<10000xi32, #tpu.memory_space<hbm>>) target(%arg9 : memref<10000xi32, #tpu.memory_space<vmem>>) target_semaphore(%run_scoped3A : memref<!tpu.dma_semaphore, #tpu.memory_space<semaphore_mem>>)
      %dma_wait3A_155 = tpu.memref_slice %arg4[%multiple_of3A] : memref<320000xi32, #tpu.memory_space<hbm>> -> memref<10000xi32, #tpu.memory_space<hbm>>
      %dma_wait3A_156 = tpu.memref_slice %arg4[%multiple_of3A] : memref<320000xi32, #tpu.memory_space<hbm>> -> memref<10000xi32, #tpu.memory_space<hbm>>
      tpu.wait_dma2 semaphore(%run_scoped3A : memref<!tpu.dma_semaphore, #tpu.memory_space<semaphore_mem>>) src(%dma_wait3A_156 : memref<10000xi32, #tpu.memory_space<hbm>>) dst(%arg9 : memref<10000xi32, #tpu.memory_space<vmem>>)
      tpu.yield
    }) : () -> ()
    %add3A_14 = arith.constant 0 : i32
    %add3A_15 = arith.addi %mul3A_2, %add3A_14 : i32
    %multiple_of3A_16 = tpu.assume_multiple %add3A_15, 8 : i32
    %dma_start3A = arith.constant 0 : i32
    %dma_start3A_17 = arith.constant 0 : i32
    %dma_start3A_18 = arith.constant 0 : i32
    %dma_start3A_19 = tpu.memref_slice %arg8[%dma_start3A, %dma_start3A_18] : memref<2x40xi32, #tpu.memory_space<vmem>> -> memref<1x40xi32, #tpu.memory_space<vmem>>
    %dma_start3A_20 = tpu.memref_squeeze %dma_start3A_19 : memref<1x40xi32, #tpu.memory_space<vmem>> -> memref<40xi32, #tpu.memory_space<vmem>>
    %dma_start3A_21 = tpu.memref_slice %arg5[%multiple_of3A_16] : memref<320000xi32, #tpu.memory_space<hbm>> -> memref<40xi32, #tpu.memory_space<hbm>>
    %dma_start3A_22 = tpu.memref_slice %arg13[%dma_start3A_17] : memref<2x!tpu.dma_semaphore, #tpu.memory_space<semaphore_mem>> -> memref<1x!tpu.dma_semaphore, #tpu.memory_space<semaphore_mem>>
    %dma_start3A_23 = tpu.memref_squeeze %dma_start3A_22 : memref<1x!tpu.dma_semaphore, #tpu.memory_space<semaphore_mem>> -> memref<!tpu.dma_semaphore, #tpu.memory_space<semaphore_mem>>
    %dma_start3A_24 = arith.constant 0 : i32
    %dma_start3A_25 = tpu.memref_slice %arg8[%dma_start3A, %dma_start3A_24] : memref<2x40xi32, #tpu.memory_space<vmem>> -> memref<1x40xi32, #tpu.memory_space<vmem>>
    %dma_start3A_26 = tpu.memref_squeeze %dma_start3A_25 : memref<1x40xi32, #tpu.memory_space<vmem>> -> memref<40xi32, #tpu.memory_space<vmem>>
    %dma_start3A_27 = tpu.memref_slice %arg5[%multiple_of3A_16] : memref<320000xi32, #tpu.memory_space<hbm>> -> memref<40xi32, #tpu.memory_space<hbm>>
    tpu.enqueue_dma source(%dma_start3A_27 : memref<40xi32, #tpu.memory_space<hbm>>) target(%dma_start3A_26 : memref<40xi32, #tpu.memory_space<vmem>>) target_semaphore(%dma_start3A_23 : memref<!tpu.dma_semaphore, #tpu.memory_space<semaphore_mem>>)
    %add3A_28 = arith.constant 40 : i32
    %add3A_29 = arith.addi %mul3A_2, %add3A_28 : i32
    %multiple_of3A_30 = tpu.assume_multiple %add3A_29, 8 : i32
    %dma_start3A_31 = arith.constant 1 : i32
    %dma_start3A_32 = arith.constant 1 : i32
    %dma_start3A_33 = arith.constant 0 : i32
    %dma_start3A_34 = tpu.memref_slice %arg8[%dma_start3A_31, %dma_start3A_33] : memref<2x40xi32, #tpu.memory_space<vmem>> -> memref<1x40xi32, #tpu.memory_space<vmem>>
    %dma_start3A_35 = tpu.memref_squeeze %dma_start3A_34 : memref<1x40xi32, #tpu.memory_space<vmem>> -> memref<40xi32, #tpu.memory_space<vmem>>
    %dma_start3A_36 = tpu.memref_slice %arg5[%multiple_of3A_30] : memref<320000xi32, #tpu.memory_space<hbm>> -> memref<40xi32, #tpu.memory_space<hbm>>
    %dma_start3A_37 = tpu.memref_slice %arg13[%dma_start3A_32] : memref<2x!tpu.dma_semaphore, #tpu.memory_space<semaphore_mem>> -> memref<1x!tpu.dma_semaphore, #tpu.memory_space<semaphore_mem>>
    %dma_start3A_38 = tpu.memref_squeeze %dma_start3A_37 : memref<1x!tpu.dma_semaphore, #tpu.memory_space<semaphore_mem>> -> memref<!tpu.dma_semaphore, #tpu.memory_space<semaphore_mem>>
    %dma_start3A_39 = arith.constant 0 : i32
    %dma_start3A_40 = tpu.memref_slice %arg8[%dma_start3A_31, %dma_start3A_39] : memref<2x40xi32, #tpu.memory_space<vmem>> -> memref<1x40xi32, #tpu.memory_space<vmem>>
    %dma_start3A_41 = tpu.memref_squeeze %dma_start3A_40 : memref<1x40xi32, #tpu.memory_space<vmem>> -> memref<40xi32, #tpu.memory_space<vmem>>
    %dma_start3A_42 = tpu.memref_slice %arg5[%multiple_of3A_30] : memref<320000xi32, #tpu.memory_space<hbm>> -> memref<40xi32, #tpu.memory_space<hbm>>
    tpu.enqueue_dma source(%dma_start3A_42 : memref<40xi32, #tpu.memory_space<hbm>>) target(%dma_start3A_41 : memref<40xi32, #tpu.memory_space<vmem>>) target_semaphore(%dma_start3A_38 : memref<!tpu.dma_semaphore, #tpu.memory_space<semaphore_mem>>)
    %multiple_of3A_43 = arith.constant 0 : i32
    %multiple_of3A_44 = tpu.assume_multiple %multiple_of3A_43, 8 : i32
    %dma_start3A_45 = arith.constant 0 : i32
    %dma_start3A_46 = arith.constant 0 : i32
    %dma_start3A_47 = arith.constant 0 : i32
    %dma_start3A_48 = arith.constant 0 : i32
    %dma_start3A_49 = tpu.memref_slice %arg10[%dma_start3A_45, %dma_start3A_47, %dma_start3A_48] : memref<2x40x128xf32, #tpu.memory_space<vmem>> -> memref<1x40x128xf32, #tpu.memory_space<vmem>>
    %dma_start3A_50 = tpu.memref_squeeze %dma_start3A_49 : memref<1x40x128xf32, #tpu.memory_space<vmem>> -> memref<40x128xf32, #tpu.memory_space<vmem>>
    %dma_start3A_51 = tpu.memref_slice %arg9[%multiple_of3A_44] : memref<10000xi32, #tpu.memory_space<vmem>> -> memref<40xi32, #tpu.memory_space<vmem>>
    %dma_start3A_52 = arith.constant 0 : i32
    %dma_start3A_53 = arith.constant 0 : i32
    %dma_start3A_54 = tpu.memref_slice %arg2[%dma_start3A_52, %dma_start3A_53] : memref<10000x128xf32, #tpu.memory_space<hbm>> -> memref<10000x128xf32, #tpu.memory_space<hbm>>
    %dma_start3A_55 = tpu.memref_slice %arg14[%dma_start3A_46] : memref<2x!tpu.dma_semaphore, #tpu.memory_space<semaphore_mem>> -> memref<1x!tpu.dma_semaphore, #tpu.memory_space<semaphore_mem>>
    %dma_start3A_56 = tpu.memref_squeeze %dma_start3A_55 : memref<1x!tpu.dma_semaphore, #tpu.memory_space<semaphore_mem>> -> memref<!tpu.dma_semaphore, #tpu.memory_space<semaphore_mem>>
    tpu.enqueue_indirect_dma source(%dma_start3A_54 : memref<10000x128xf32, #tpu.memory_space<hbm>>) target(%dma_start3A_50 : memref<40x128xf32, #tpu.memory_space<vmem>>) offsets(%dma_start3A_51 : memref<40xi32, #tpu.memory_space<vmem>>) semaphore(%dma_start3A_56 : memref<!tpu.dma_semaphore, #tpu.memory_space<semaphore_mem>>)
    %add3A_57 = arith.constant 0 : i32
    %add3A_58 = arith.addi %mul3A_2, %add3A_57 : i32
    %multiple_of3A_59 = tpu.assume_multiple %add3A_58, 8 : i32
    %dma_start3A_60 = arith.constant 0 : i32
    %dma_start3A_61 = arith.constant 0 : i32
    %dma_start3A_62 = arith.constant 0 : i32
    %dma_start3A_63 = arith.constant 0 : i32
    %dma_start3A_64 = tpu.memref_slice %arg11[%dma_start3A_60, %dma_start3A_62, %dma_start3A_63] : memref<2x40x128xf32, #tpu.memory_space<vmem>> -> memref<1x40x128xf32, #tpu.memory_space<vmem>>
    %dma_start3A_65 = tpu.memref_squeeze %dma_start3A_64 : memref<1x40x128xf32, #tpu.memory_space<vmem>> -> memref<40x128xf32, #tpu.memory_space<vmem>>
    %dma_start3A_66 = arith.constant 0 : i32
    %dma_start3A_67 = tpu.memref_slice %arg3[%multiple_of3A_59, %dma_start3A_66] : memref<320000x128xf32, #tpu.memory_space<hbm>> -> memref<40x128xf32, #tpu.memory_space<hbm>>
    %dma_start3A_68 = tpu.memref_slice %arg15[%dma_start3A_61] : memref<2x!tpu.dma_semaphore, #tpu.memory_space<semaphore_mem>> -> memref<1x!tpu.dma_semaphore, #tpu.memory_space<semaphore_mem>>
    %dma_start3A_69 = tpu.memref_squeeze %dma_start3A_68 : memref<1x!tpu.dma_semaphore, #tpu.memory_space<semaphore_mem>> -> memref<!tpu.dma_semaphore, #tpu.memory_space<semaphore_mem>>
    %dma_start3A_70 = arith.constant 0 : i32
    %dma_start3A_71 = arith.constant 0 : i32
    %dma_start3A_72 = tpu.memref_slice %arg11[%dma_start3A_60, %dma_start3A_70, %dma_start3A_71] : memref<2x40x128xf32, #tpu.memory_space<vmem>> -> memref<1x40x128xf32, #tpu.memory_space<vmem>>
    %dma_start3A_73 = tpu.memref_squeeze %dma_start3A_72 : memref<1x40x128xf32, #tpu.memory_space<vmem>> -> memref<40x128xf32, #tpu.memory_space<vmem>>
    %dma_start3A_74 = arith.constant 0 : i32
    %dma_start3A_75 = tpu.memref_slice %arg3[%multiple_of3A_59, %dma_start3A_74] : memref<320000x128xf32, #tpu.memory_space<hbm>> -> memref<40x128xf32, #tpu.memory_space<hbm>>
    tpu.enqueue_dma source(%dma_start3A_75 : memref<40x128xf32, #tpu.memory_space<hbm>>) target(%dma_start3A_73 : memref<40x128xf32, #tpu.memory_space<vmem>>) target_semaphore(%dma_start3A_69 : memref<!tpu.dma_semaphore, #tpu.memory_space<semaphore_mem>>)
    %multiple_of3A_76 = arith.constant 40 : i32
    %multiple_of3A_77 = tpu.assume_multiple %multiple_of3A_76, 8 : i32
    %dma_start3A_78 = arith.constant 1 : i32
    %dma_start3A_79 = arith.constant 1 : i32
    %dma_start3A_80 = arith.constant 0 : i32
    %dma_start3A_81 = arith.constant 0 : i32
    %dma_start3A_82 = tpu.memref_slice %arg10[%dma_start3A_78, %dma_start3A_80, %dma_start3A_81] : memref<2x40x128xf32, #tpu.memory_space<vmem>> -> memref<1x40x128xf32, #tpu.memory_space<vmem>>
    %dma_start3A_83 = tpu.memref_squeeze %dma_start3A_82 : memref<1x40x128xf32, #tpu.memory_space<vmem>> -> memref<40x128xf32, #tpu.memory_space<vmem>>
    %dma_start3A_84 = tpu.memref_slice %arg9[%multiple_of3A_77] : memref<10000xi32, #tpu.memory_space<vmem>> -> memref<40xi32, #tpu.memory_space<vmem>>
    %dma_start3A_85 = arith.constant 0 : i32
    %dma_start3A_86 = arith.constant 0 : i32
    %dma_start3A_87 = tpu.memref_slice %arg2[%dma_start3A_85, %dma_start3A_86] : memref<10000x128xf32, #tpu.memory_space<hbm>> -> memref<10000x128xf32, #tpu.memory_space<hbm>>
    %dma_start3A_88 = tpu.memref_slice %arg14[%dma_start3A_79] : memref<2x!tpu.dma_semaphore, #tpu.memory_space<semaphore_mem>> -> memref<1x!tpu.dma_semaphore, #tpu.memory_space<semaphore_mem>>
    %dma_start3A_89 = tpu.memref_squeeze %dma_start3A_88 : memref<1x!tpu.dma_semaphore, #tpu.memory_space<semaphore_mem>> -> memref<!tpu.dma_semaphore, #tpu.memory_space<semaphore_mem>>
    tpu.enqueue_indirect_dma source(%dma_start3A_87 : memref<10000x128xf32, #tpu.memory_space<hbm>>) target(%dma_start3A_83 : memref<40x128xf32, #tpu.memory_space<vmem>>) offsets(%dma_start3A_84 : memref<40xi32, #tpu.memory_space<vmem>>) semaphore(%dma_start3A_89 : memref<!tpu.dma_semaphore, #tpu.memory_space<semaphore_mem>>)
    %add3A_90 = arith.constant 40 : i32
    %add3A_91 = arith.addi %mul3A_2, %add3A_90 : i32
    %multiple_of3A_92 = tpu.assume_multiple %add3A_91, 8 : i32
    %dma_start3A_93 = arith.constant 1 : i32
    %dma_start3A_94 = arith.constant 1 : i32
    %dma_start3A_95 = arith.constant 0 : i32
    %dma_start3A_96 = arith.constant 0 : i32
    %dma_start3A_97 = tpu.memref_slice %arg11[%dma_start3A_93, %dma_start3A_95, %dma_start3A_96] : memref<2x40x128xf32, #tpu.memory_space<vmem>> -> memref<1x40x128xf32, #tpu.memory_space<vmem>>
    %dma_start3A_98 = tpu.memref_squeeze %dma_start3A_97 : memref<1x40x128xf32, #tpu.memory_space<vmem>> -> memref<40x128xf32, #tpu.memory_space<vmem>>
    %dma_start3A_99 = arith.constant 0 : i32
    %dma_start3A_100 = tpu.memref_slice %arg3[%multiple_of3A_92, %dma_start3A_99] : memref<320000x128xf32, #tpu.memory_space<hbm>> -> memref<40x128xf32, #tpu.memory_space<hbm>>
    %dma_start3A_101 = tpu.memref_slice %arg15[%dma_start3A_94] : memref<2x!tpu.dma_semaphore, #tpu.memory_space<semaphore_mem>> -> memref<1x!tpu.dma_semaphore, #tpu.memory_space<semaphore_mem>>
    %dma_start3A_102 = tpu.memref_squeeze %dma_start3A_101 : memref<1x!tpu.dma_semaphore, #tpu.memory_space<semaphore_mem>> -> memref<!tpu.dma_semaphore, #tpu.memory_space<semaphore_mem>>
    %dma_start3A_103 = arith.constant 0 : i32
    %dma_start3A_104 = arith.constant 0 : i32
    %dma_start3A_105 = tpu.memref_slice %arg11[%dma_start3A_93, %dma_start3A_103, %dma_start3A_104] : memref<2x40x128xf32, #tpu.memory_space<vmem>> -> memref<1x40x128xf32, #tpu.memory_space<vmem>>
    %dma_start3A_106 = tpu.memref_squeeze %dma_start3A_105 : memref<1x40x128xf32, #tpu.memory_space<vmem>> -> memref<40x128xf32, #tpu.memory_space<vmem>>
    %dma_start3A_107 = arith.constant 0 : i32
    %dma_start3A_108 = tpu.memref_slice %arg3[%multiple_of3A_92, %dma_start3A_107] : memref<320000x128xf32, #tpu.memory_space<hbm>> -> memref<40x128xf32, #tpu.memory_space<hbm>>
    tpu.enqueue_dma source(%dma_start3A_108 : memref<40x128xf32, #tpu.memory_space<hbm>>) target(%dma_start3A_106 : memref<40x128xf32, #tpu.memory_space<vmem>>) target_semaphore(%dma_start3A_102 : memref<!tpu.dma_semaphore, #tpu.memory_space<semaphore_mem>>)
    %scan3A_109 = arith.constant 0 : i32
    %scan3A_110 = arith.constant 125 : i32
    %scan3A_111 = arith.addi %scan3A_109, %scan3A_110 : i32
    %scan3A_112 = arith.constant 1 : i32
    scf.for %scan3A_153 = %scan3A_109 to %scan3A_111 step %scan3A_112  : i32 {
      %mul3A_154 = arith.constant 1 : i32
      %mul3A_155 = arith.muli %scan3A_153, %mul3A_154 : i32
      %add3A_156 = arith.constant 0 : i32
      %add3A_157 = arith.addi %add3A_156, %mul3A_155 : i32
      %mul3A_158 = arith.constant 2 : i32
      %mul3A_159 = arith.muli %add3A_157, %mul3A_158 : i32
      %add3A_160 = arith.constant 0 : i32
      %add3A_161 = arith.addi %mul3A_159, %add3A_160 : i32
      %mul3A_162 = arith.constant 40 : i32
      %mul3A_163 = arith.muli %add3A_161, %mul3A_162 : i32
      %multiple_of3A_164 = tpu.assume_multiple %mul3A_163, 8 : i32
      %dma_wait3A_165 = arith.constant 0 : i32
      %dma_wait3A_166 = arith.constant 0 : i32
      %dma_wait3A_167 = arith.constant 0 : i32
      %dma_wait3A_168 = arith.constant 0 : i32
      %dma_wait3A_169 = tpu.memref_slice %arg10[%dma_wait3A_165, %dma_wait3A_167, %dma_wait3A_168] : memref<2x40x128xf32, #tpu.memory_space<vmem>> -> memref<1x40x128xf32, #tpu.memory_space<vmem>>
      %dma_wait3A_170 = tpu.memref_squeeze %dma_wait3A_169 : memref<1x40x128xf32, #tpu.memory_space<vmem>> -> memref<40x128xf32, #tpu.memory_space<vmem>>
      %dma_wait3A_171 = tpu.memref_slice %arg9[%multiple_of3A_164] : memref<10000xi32, #tpu.memory_space<vmem>> -> memref<40xi32, #tpu.memory_space<vmem>>
      %dma_wait3A_172 = arith.constant 0 : i32
      %dma_wait3A_173 = arith.constant 0 : i32
      %dma_wait3A_174 = tpu.memref_slice %arg2[%dma_wait3A_172, %dma_wait3A_173] : memref<10000x128xf32, #tpu.memory_space<hbm>> -> memref<10000x128xf32, #tpu.memory_space<hbm>>
      %dma_wait3A_175 = tpu.memref_slice %arg14[%dma_wait3A_166] : memref<2x!tpu.dma_semaphore, #tpu.memory_space<semaphore_mem>> -> memref<1x!tpu.dma_semaphore, #tpu.memory_space<semaphore_mem>>
      %dma_wait3A_176 = tpu.memref_squeeze %dma_wait3A_175 : memref<1x!tpu.dma_semaphore, #tpu.memory_space<semaphore_mem>> -> memref<!tpu.dma_semaphore, #tpu.memory_space<semaphore_mem>>
      tpu.wait_indirect_dma semaphore(%dma_wait3A_176 : memref<!tpu.dma_semaphore, #tpu.memory_space<semaphore_mem>>) src(%dma_wait3A_174 : memref<10000x128xf32, #tpu.memory_space<hbm>>) dst(%dma_wait3A_170 : memref<40x128xf32, #tpu.memory_space<vmem>>)
      %mul3A_177 = arith.constant 40 : i32
      %mul3A_178 = arith.muli %add3A_161, %mul3A_177 : i32
      %add3A_179 = arith.addi %mul3A_2, %mul3A_178 : i32
      %multiple_of3A_180 = tpu.assume_multiple %add3A_179, 8 : i32
      %dma_wait3A_181 = arith.constant 0 : i32
      %dma_wait3A_182 = arith.constant 0 : i32
      %dma_wait3A_183 = arith.constant 0 : i32
      %dma_wait3A_184 = arith.constant 0 : i32
      %dma_wait3A_185 = tpu.memref_slice %arg11[%dma_wait3A_181, %dma_wait3A_183, %dma_wait3A_184] : memref<2x40x128xf32, #tpu.memory_space<vmem>> -> memref<1x40x128xf32, #tpu.memory_space<vmem>>
      %dma_wait3A_186 = tpu.memref_squeeze %dma_wait3A_185 : memref<1x40x128xf32, #tpu.memory_space<vmem>> -> memref<40x128xf32, #tpu.memory_space<vmem>>
      %dma_wait3A_187 = arith.constant 0 : i32
      %dma_wait3A_188 = tpu.memref_slice %arg3[%multiple_of3A_180, %dma_wait3A_187] : memref<320000x128xf32, #tpu.memory_space<hbm>> -> memref<40x128xf32, #tpu.memory_space<hbm>>
      %dma_wait3A_189 = tpu.memref_slice %arg15[%dma_wait3A_182] : memref<2x!tpu.dma_semaphore, #tpu.memory_space<semaphore_mem>> -> memref<1x!tpu.dma_semaphore, #tpu.memory_space<semaphore_mem>>
      %dma_wait3A_190 = tpu.memref_squeeze %dma_wait3A_189 : memref<1x!tpu.dma_semaphore, #tpu.memory_space<semaphore_mem>> -> memref<!tpu.dma_semaphore, #tpu.memory_space<semaphore_mem>>
      %dma_wait3A_191 = arith.constant 0 : i32
      %dma_wait3A_192 = arith.constant 0 : i32
      %dma_wait3A_193 = tpu.memref_slice %arg11[%dma_wait3A_181, %dma_wait3A_191, %dma_wait3A_192] : memref<2x40x128xf32, #tpu.memory_space<vmem>> -> memref<1x40x128xf32, #tpu.memory_space<vmem>>
      %dma_wait3A_194 = tpu.memref_squeeze %dma_wait3A_193 : memref<1x40x128xf32, #tpu.memory_space<vmem>> -> memref<40x128xf32, #tpu.memory_space<vmem>>
      %dma_wait3A_195 = arith.constant 0 : i32
      %dma_wait3A_196 = tpu.memref_slice %arg3[%multiple_of3A_180, %dma_wait3A_195] : memref<320000x128xf32, #tpu.memory_space<hbm>> -> memref<40x128xf32, #tpu.memory_space<hbm>>
      tpu.wait_dma2 semaphore(%dma_wait3A_190 : memref<!tpu.dma_semaphore, #tpu.memory_space<semaphore_mem>>) src(%dma_wait3A_196 : memref<40x128xf32, #tpu.memory_space<hbm>>) dst(%dma_wait3A_194 : memref<40x128xf32, #tpu.memory_space<vmem>>)
      %scan3A_197 = arith.constant 0 : i32
      %scan3A_198 = arith.constant 40 : i32
      %scan3A_199 = arith.addi %scan3A_197, %scan3A_198 : i32
      %scan3A_200 = arith.constant 1 : i32
      scf.for %scan3A_385 = %scan3A_197 to %scan3A_199 step %scan3A_200  : i32 {
        %mul3A_386 = arith.constant 1 : i32
        %mul3A_387 = arith.muli %scan3A_385, %mul3A_386 : i32
        %add3A_388 = arith.constant 0 : i32
        %add3A_389 = arith.addi %add3A_388, %mul3A_387 : i32
        %get3A = arith.constant 0 : i32
        %get3A_390 = arith.index_cast %get3A : i32 to index
        %get3A_391 = arith.index_cast %add3A_389 : i32 to index
        %get3A_392 = arith.constant 0 : index
        %get3A_393 = tpu.vector_load %arg11[%get3A_390, %get3A_391, %get3A_392] {strides = array<i32>} : memref<2x40x128xf32, #tpu.memory_space<vmem>>, vector<1x1x16xf32>,
        %get3A_394 = vector.shape_cast %get3A_393 : vector<1x1x16xf32> to vector<16xf32>
        %get3A_395 = arith.constant 0 : i32
        %get3A_396 = arith.index_cast %get3A_395 : i32 to index
        %get3A_397 = arith.index_cast %add3A_389 : i32 to index
        %get3A_398 = arith.constant 0 : index
        %get3A_399 = tpu.vector_load %arg10[%get3A_396, %get3A_397, %get3A_398] {strides = array<i32>} : memref<2x40x128xf32, #tpu.memory_space<vmem>>, vector<1x1x16xf32>,
        %get3A_400 = vector.shape_cast %get3A_399 : vector<1x1x16xf32> to vector<16xf32>
        %add3A_401 = arith.addf %get3A_394, %get3A_400 : vector<16xf32>
        %max3A = arith.constant 0.000000e+00 : f32
        %max3A_402 = vector.broadcast %max3A : f32 to vector<16xf32>
        %max3A_403 = arith.maximumf %add3A_401, %max3A_402 : vector<16xf32>
        %swap3A = arith.constant 0 : i32
        %swap3A_404 = arith.index_cast %swap3A : i32 to index
        %swap3A_405 = arith.index_cast %add3A_389 : i32 to index
        %swap3A_406 = arith.constant 0 : index
        %swap3A_407 = tpu.vector_load %arg12[%swap3A_404, %swap3A_405, %swap3A_406] {strides = array<i32>} : memref<2x40x128xf32, #tpu.memory_space<vmem>>, vector<1x1x16xf32>,
        %swap3A_408 = vector.shape_cast %swap3A_407 : vector<1x1x16xf32> to vector<16xf32>
        %swap3A_409 = vector.shape_cast %max3A_403 : vector<16xf32> to vector<1x1x16xf32>
        tpu.vector_store %arg12[%swap3A_404, %swap3A_405, %swap3A_406], %swap3A_409 {strides = array<i32>} : memref<2x40x128xf32, #tpu.memory_space<vmem>>, vector<1x1x16xf32>,
        %get3A_410 = arith.constant 0 : i32
        %get3A_411 = arith.index_cast %get3A_410 : i32 to index
        %get3A_412 = arith.index_cast %add3A_389 : i32 to index
        %get3A_413 = arith.constant 16 : index
        %get3A_414 = tpu.vector_load %arg11[%get3A_411, %get3A_412, %get3A_413] {strides = array<i32>} : memref<2x40x128xf32, #tpu.memory_space<vmem>>, vector<1x1x16xf32>,
        %get3A_415 = vector.shape_cast %get3A_414 : vector<1x1x16xf32> to vector<16xf32>
        %get3A_416 = arith.constant 0 : i32
        %get3A_417 = arith.index_cast %get3A_416 : i32 to index
        %get3A_418 = arith.index_cast %add3A_389 : i32 to index
        %get3A_419 = arith.constant 16 : index
        %get3A_420 = tpu.vector_load %arg10[%get3A_417, %get3A_418, %get3A_419] {strides = array<i32>} : memref<2x40x128xf32, #tpu.memory_space<vmem>>, vector<1x1x16xf32>,
        %get3A_421 = vector.shape_cast %get3A_420 : vector<1x1x16xf32> to vector<16xf32>
        %add3A_422 = arith.addf %get3A_415, %get3A_421 : vector<16xf32>
        %max3A_423 = arith.constant 0.000000e+00 : f32
        %max3A_424 = vector.broadcast %max3A_423 : f32 to vector<16xf32>
        %max3A_425 = arith.maximumf %add3A_422, %max3A_424 : vector<16xf32>
        %swap3A_426 = arith.constant 0 : i32
        %swap3A_427 = arith.index_cast %swap3A_426 : i32 to index
        %swap3A_428 = arith.index_cast %add3A_389 : i32 to index
        %swap3A_429 = arith.constant 16 : index
        %swap3A_430 = tpu.vector_load %arg12[%swap3A_427, %swap3A_428, %swap3A_429] {strides = array<i32>} : memref<2x40x128xf32, #tpu.memory_space<vmem>>, vector<1x1x16xf32>,
        %swap3A_431 = vector.shape_cast %swap3A_430 : vector<1x1x16xf32> to vector<16xf32>
        %swap3A_432 = vector.shape_cast %max3A_425 : vector<16xf32> to vector<1x1x16xf32>
        tpu.vector_store %arg12[%swap3A_427, %swap3A_428, %swap3A_429], %swap3A_432 {strides = array<i32>} : memref<2x40x128xf32, #tpu.memory_space<vmem>>, vector<1x1x16xf32>,
        %get3A_433 = arith.constant 0 : i32
        %get3A_434 = arith.index_cast %get3A_433 : i32 to index
        %get3A_435 = arith.index_cast %add3A_389 : i32 to index
        %get3A_436 = arith.constant 32 : index
        %get3A_437 = tpu.vector_load %arg11[%get3A_434, %get3A_435, %get3A_436] {strides = array<i32>} : memref<2x40x128xf32, #tpu.memory_space<vmem>>, vector<1x1x16xf32>,
        %get3A_438 = vector.shape_cast %get3A_437 : vector<1x1x16xf32> to vector<16xf32>
        %get3A_439 = arith.constant 0 : i32
        %get3A_440 = arith.index_cast %get3A_439 : i32 to index
        %get3A_441 = arith.index_cast %add3A_389 : i32 to index
        %get3A_442 = arith.constant 32 : index
        %get3A_443 = tpu.vector_load %arg10[%get3A_440, %get3A_441, %get3A_442] {strides = array<i32>} : memref<2x40x128xf32, #tpu.memory_space<vmem>>, vector<1x1x16xf32>,
        %get3A_444 = vector.shape_cast %get3A_443 : vector<1x1x16xf32> to vector<16xf32>
        %add3A_445 = arith.addf %get3A_438, %get3A_444 : vector<16xf32>
        %max3A_446 = arith.constant 0.000000e+00 : f32
        %max3A_447 = vector.broadcast %max3A_446 : f32 to vector<16xf32>
        %max3A_448 = arith.maximumf %add3A_445, %max3A_447 : vector<16xf32>
        %swap3A_449 = arith.constant 0 : i32
        %swap3A_450 = arith.index_cast %swap3A_449 : i32 to index
        %swap3A_451 = arith.index_cast %add3A_389 : i32 to index
        %swap3A_452 = arith.constant 32 : index
        %swap3A_453 = tpu.vector_load %arg12[%swap3A_450, %swap3A_451, %swap3A_452] {strides = array<i32>} : memref<2x40x128xf32, #tpu.memory_space<vmem>>, vector<1x1x16xf32>,
        %swap3A_454 = vector.shape_cast %swap3A_453 : vector<1x1x16xf32> to vector<16xf32>
        %swap3A_455 = vector.shape_cast %max3A_448 : vector<16xf32> to vector<1x1x16xf32>
        tpu.vector_store %arg12[%swap3A_450, %swap3A_451, %swap3A_452], %swap3A_455 {strides = array<i32>} : memref<2x40x128xf32, #tpu.memory_space<vmem>>, vector<1x1x16xf32>,
        %get3A_456 = arith.constant 0 : i32
        %get3A_457 = arith.index_cast %get3A_456 : i32 to index
        %get3A_458 = arith.index_cast %add3A_389 : i32 to index
        %get3A_459 = arith.constant 48 : index
        %get3A_460 = tpu.vector_load %arg11[%get3A_457, %get3A_458, %get3A_459] {strides = array<i32>} : memref<2x40x128xf32, #tpu.memory_space<vmem>>, vector<1x1x16xf32>,
        %get3A_461 = vector.shape_cast %get3A_460 : vector<1x1x16xf32> to vector<16xf32>
        %get3A_462 = arith.constant 0 : i32
        %get3A_463 = arith.index_cast %get3A_462 : i32 to index
        %get3A_464 = arith.index_cast %add3A_389 : i32 to index
        %get3A_465 = arith.constant 48 : index
        %get3A_466 = tpu.vector_load %arg10[%get3A_463, %get3A_464, %get3A_465] {strides = array<i32>} : memref<2x40x128xf32, #tpu.memory_space<vmem>>, vector<1x1x16xf32>,
        %get3A_467 = vector.shape_cast %get3A_466 : vector<1x1x16xf32> to vector<16xf32>
        %add3A_468 = arith.addf %get3A_461, %get3A_467 : vector<16xf32>
        %max3A_469 = arith.constant 0.000000e+00 : f32
        %max3A_470 = vector.broadcast %max3A_469 : f32 to vector<16xf32>
        %max3A_471 = arith.maximumf %add3A_468, %max3A_470 : vector<16xf32>
        %swap3A_472 = arith.constant 0 : i32
        %swap3A_473 = arith.index_cast %swap3A_472 : i32 to index
        %swap3A_474 = arith.index_cast %add3A_389 : i32 to index
        %swap3A_475 = arith.constant 48 : index
        %swap3A_476 = tpu.vector_load %arg12[%swap3A_473, %swap3A_474, %swap3A_475] {strides = array<i32>} : memref<2x40x128xf32, #tpu.memory_space<vmem>>, vector<1x1x16xf32>,
        %swap3A_477 = vector.shape_cast %swap3A_476 : vector<1x1x16xf32> to vector<16xf32>
        %swap3A_478 = vector.shape_cast %max3A_471 : vector<16xf32> to vector<1x1x16xf32>
        tpu.vector_store %arg12[%swap3A_473, %swap3A_474, %swap3A_475], %swap3A_478 {strides = array<i32>} : memref<2x40x128xf32, #tpu.memory_space<vmem>>, vector<1x1x16xf32>,
        %get3A_479 = arith.constant 0 : i32
        %get3A_480 = arith.index_cast %get3A_479 : i32 to index
        %get3A_481 = arith.index_cast %add3A_389 : i32 to index
        %get3A_482 = arith.constant 64 : index
        %get3A_483 = tpu.vector_load %arg11[%get3A_480, %get3A_481, %get3A_482] {strides = array<i32>} : memref<2x40x128xf32, #tpu.memory_space<vmem>>, vector<1x1x16xf32>,
        %get3A_484 = vector.shape_cast %get3A_483 : vector<1x1x16xf32> to vector<16xf32>
        %get3A_485 = arith.constant 0 : i32
        %get3A_486 = arith.index_cast %get3A_485 : i32 to index
        %get3A_487 = arith.index_cast %add3A_389 : i32 to index
        %get3A_488 = arith.constant 64 : index
        %get3A_489 = tpu.vector_load %arg10[%get3A_486, %get3A_487, %get3A_488] {strides = array<i32>} : memref<2x40x128xf32, #tpu.memory_space<vmem>>, vector<1x1x16xf32>,
        %get3A_490 = vector.shape_cast %get3A_489 : vector<1x1x16xf32> to vector<16xf32>
        %add3A_491 = arith.addf %get3A_484, %get3A_490 : vector<16xf32>
        %max3A_492 = arith.constant 0.000000e+00 : f32
        %max3A_493 = vector.broadcast %max3A_492 : f32 to vector<16xf32>
        %max3A_494 = arith.maximumf %add3A_491, %max3A_493 : vector<16xf32>
        %swap3A_495 = arith.constant 0 : i32
        %swap3A_496 = arith.index_cast %swap3A_495 : i32 to index
        %swap3A_497 = arith.index_cast %add3A_389 : i32 to index
        %swap3A_498 = arith.constant 64 : index
        %swap3A_499 = tpu.vector_load %arg12[%swap3A_496, %swap3A_497, %swap3A_498] {strides = array<i32>} : memref<2x40x128xf32, #tpu.memory_space<vmem>>, vector<1x1x16xf32>,
        %swap3A_500 = vector.shape_cast %swap3A_499 : vector<1x1x16xf32> to vector<16xf32>
        %swap3A_501 = vector.shape_cast %max3A_494 : vector<16xf32> to vector<1x1x16xf32>
        tpu.vector_store %arg12[%swap3A_496, %swap3A_497, %swap3A_498], %swap3A_501 {strides = array<i32>} : memref<2x40x128xf32, #tpu.memory_space<vmem>>, vector<1x1x16xf32>,
        %get3A_502 = arith.constant 0 : i32
        %get3A_503 = arith.index_cast %get3A_502 : i32 to index
        %get3A_504 = arith.index_cast %add3A_389 : i32 to index
        %get3A_505 = arith.constant 80 : index
        %get3A_506 = tpu.vector_load %arg11[%get3A_503, %get3A_504, %get3A_505] {strides = array<i32>} : memref<2x40x128xf32, #tpu.memory_space<vmem>>, vector<1x1x16xf32>,
        %get3A_507 = vector.shape_cast %get3A_506 : vector<1x1x16xf32> to vector<16xf32>
        %get3A_508 = arith.constant 0 : i32
        %get3A_509 = arith.index_cast %get3A_508 : i32 to index
        %get3A_510 = arith.index_cast %add3A_389 : i32 to index
        %get3A_511 = arith.constant 80 : index
        %get3A_512 = tpu.vector_load %arg10[%get3A_509, %get3A_510, %get3A_511] {strides = array<i32>} : memref<2x40x128xf32, #tpu.memory_space<vmem>>, vector<1x1x16xf32>,
        %get3A_513 = vector.shape_cast %get3A_512 : vector<1x1x16xf32> to vector<16xf32>
        %add3A_514 = arith.addf %get3A_507, %get3A_513 : vector<16xf32>
        %max3A_515 = arith.constant 0.000000e+00 : f32
        %max3A_516 = vector.broadcast %max3A_515 : f32 to vector<16xf32>
        %max3A_517 = arith.maximumf %add3A_514, %max3A_516 : vector<16xf32>
        %swap3A_518 = arith.constant 0 : i32
        %swap3A_519 = arith.index_cast %swap3A_518 : i32 to index
        %swap3A_520 = arith.index_cast %add3A_389 : i32 to index
        %swap3A_521 = arith.constant 80 : index
        %swap3A_522 = tpu.vector_load %arg12[%swap3A_519, %swap3A_520, %swap3A_521] {strides = array<i32>} : memref<2x40x128xf32, #tpu.memory_space<vmem>>, vector<1x1x16xf32>,
        %swap3A_523 = vector.shape_cast %swap3A_522 : vector<1x1x16xf32> to vector<16xf32>
        %swap3A_524 = vector.shape_cast %max3A_517 : vector<16xf32> to vector<1x1x16xf32>
        tpu.vector_store %arg12[%swap3A_519, %swap3A_520, %swap3A_521], %swap3A_524 {strides = array<i32>} : memref<2x40x128xf32, #tpu.memory_space<vmem>>, vector<1x1x16xf32>,
        %get3A_525 = arith.constant 0 : i32
        %get3A_526 = arith.index_cast %get3A_525 : i32 to index
        %get3A_527 = arith.index_cast %add3A_389 : i32 to index
        %get3A_528 = arith.constant 96 : index
        %get3A_529 = tpu.vector_load %arg11[%get3A_526, %get3A_527, %get3A_528] {strides = array<i32>} : memref<2x40x128xf32, #tpu.memory_space<vmem>>, vector<1x1x16xf32>,
        %get3A_530 = vector.shape_cast %get3A_529 : vector<1x1x16xf32> to vector<16xf32>
        %get3A_531 = arith.constant 0 : i32
        %get3A_532 = arith.index_cast %get3A_531 : i32 to index
        %get3A_533 = arith.index_cast %add3A_389 : i32 to index
        %get3A_534 = arith.constant 96 : index
        %get3A_535 = tpu.vector_load %arg10[%get3A_532, %get3A_533, %get3A_534] {strides = array<i32>} : memref<2x40x128xf32, #tpu.memory_space<vmem>>, vector<1x1x16xf32>,
        %get3A_536 = vector.shape_cast %get3A_535 : vector<1x1x16xf32> to vector<16xf32>
        %add3A_537 = arith.addf %get3A_530, %get3A_536 : vector<16xf32>
        %max3A_538 = arith.constant 0.000000e+00 : f32
        %max3A_539 = vector.broadcast %max3A_538 : f32 to vector<16xf32>
        %max3A_540 = arith.maximumf %add3A_537, %max3A_539 : vector<16xf32>
        %swap3A_541 = arith.constant 0 : i32
        %swap3A_542 = arith.index_cast %swap3A_541 : i32 to index
        %swap3A_543 = arith.index_cast %add3A_389 : i32 to index
        %swap3A_544 = arith.constant 96 : index
        %swap3A_545 = tpu.vector_load %arg12[%swap3A_542, %swap3A_543, %swap3A_544] {strides = array<i32>} : memref<2x40x128xf32, #tpu.memory_space<vmem>>, vector<1x1x16xf32>,
        %swap3A_546 = vector.shape_cast %swap3A_545 : vector<1x1x16xf32> to vector<16xf32>
        %swap3A_547 = vector.shape_cast %max3A_540 : vector<16xf32> to vector<1x1x16xf32>
        tpu.vector_store %arg12[%swap3A_542, %swap3A_543, %swap3A_544], %swap3A_547 {strides = array<i32>} : memref<2x40x128xf32, #tpu.memory_space<vmem>>, vector<1x1x16xf32>,
        %get3A_548 = arith.constant 0 : i32
        %get3A_549 = arith.index_cast %get3A_548 : i32 to index
        %get3A_550 = arith.index_cast %add3A_389 : i32 to index
        %get3A_551 = arith.constant 112 : index
        %get3A_552 = tpu.vector_load %arg11[%get3A_549, %get3A_550, %get3A_551] {strides = array<i32>} : memref<2x40x128xf32, #tpu.memory_space<vmem>>, vector<1x1x16xf32>,
        %get3A_553 = vector.shape_cast %get3A_552 : vector<1x1x16xf32> to vector<16xf32>
        %get3A_554 = arith.constant 0 : i32
        %get3A_555 = arith.index_cast %get3A_554 : i32 to index
        %get3A_556 = arith.index_cast %add3A_389 : i32 to index
        %get3A_557 = arith.constant 112 : index
        %get3A_558 = tpu.vector_load %arg10[%get3A_555, %get3A_556, %get3A_557] {strides = array<i32>} : memref<2x40x128xf32, #tpu.memory_space<vmem>>, vector<1x1x16xf32>,
        %get3A_559 = vector.shape_cast %get3A_558 : vector<1x1x16xf32> to vector<16xf32>
        %add3A_560 = arith.addf %get3A_553, %get3A_559 : vector<16xf32>
        %max3A_561 = arith.constant 0.000000e+00 : f32
        %max3A_562 = vector.broadcast %max3A_561 : f32 to vector<16xf32>
        %max3A_563 = arith.maximumf %add3A_560, %max3A_562 : vector<16xf32>
        %swap3A_564 = arith.constant 0 : i32
        %swap3A_565 = arith.index_cast %swap3A_564 : i32 to index
        %swap3A_566 = arith.index_cast %add3A_389 : i32 to index
        %swap3A_567 = arith.constant 112 : index
        %swap3A_568 = tpu.vector_load %arg12[%swap3A_565, %swap3A_566, %swap3A_567] {strides = array<i32>} : memref<2x40x128xf32, #tpu.memory_space<vmem>>, vector<1x1x16xf32>,
        %swap3A_569 = vector.shape_cast %swap3A_568 : vector<1x1x16xf32> to vector<16xf32>
        %swap3A_570 = vector.shape_cast %max3A_563 : vector<16xf32> to vector<1x1x16xf32>
        tpu.vector_store %arg12[%swap3A_565, %swap3A_566, %swap3A_567], %swap3A_570 {strides = array<i32>} : memref<2x40x128xf32, #tpu.memory_space<vmem>>, vector<1x1x16xf32>,
      }
      %scan3A_201 = arith.constant 40 : i32
      %mul3A_202 = arith.constant 40 : i32
      %mul3A_203 = arith.muli %add3A_161, %mul3A_202 : i32
      %add3A_204 = arith.addi %mul3A_2, %mul3A_203 : i32
      %multiple_of3A_205 = tpu.assume_multiple %add3A_204, 8 : i32
      %dma_wait3A_206 = arith.constant 0 : i32
      %dma_wait3A_207 = arith.constant 0 : i32
      %dma_wait3A_208 = arith.constant 0 : i32
      %dma_wait3A_209 = tpu.memref_slice %arg8[%dma_wait3A_206, %dma_wait3A_208] : memref<2x40xi32, #tpu.memory_space<vmem>> -> memref<1x40xi32, #tpu.memory_space<vmem>>
      %dma_wait3A_210 = tpu.memref_squeeze %dma_wait3A_209 : memref<1x40xi32, #tpu.memory_space<vmem>> -> memref<40xi32, #tpu.memory_space<vmem>>
      %dma_wait3A_211 = tpu.memref_slice %arg5[%multiple_of3A_205] : memref<320000xi32, #tpu.memory_space<hbm>> -> memref<40xi32, #tpu.memory_space<hbm>>
      %dma_wait3A_212 = tpu.memref_slice %arg13[%dma_wait3A_207] : memref<2x!tpu.dma_semaphore, #tpu.memory_space<semaphore_mem>> -> memref<1x!tpu.dma_semaphore, #tpu.memory_space<semaphore_mem>>
      %dma_wait3A_213 = tpu.memref_squeeze %dma_wait3A_212 : memref<1x!tpu.dma_semaphore, #tpu.memory_space<semaphore_mem>> -> memref<!tpu.dma_semaphore, #tpu.memory_space<semaphore_mem>>
      %dma_wait3A_214 = arith.constant 0 : i32
      %dma_wait3A_215 = tpu.memref_slice %arg8[%dma_wait3A_206, %dma_wait3A_214] : memref<2x40xi32, #tpu.memory_space<vmem>> -> memref<1x40xi32, #tpu.memory_space<vmem>>
      %dma_wait3A_216 = tpu.memref_squeeze %dma_wait3A_215 : memref<1x40xi32, #tpu.memory_space<vmem>> -> memref<40xi32, #tpu.memory_space<vmem>>
      %dma_wait3A_217 = tpu.memref_slice %arg5[%multiple_of3A_205] : memref<320000xi32, #tpu.memory_space<hbm>> -> memref<40xi32, #tpu.memory_space<hbm>>
      tpu.wait_dma2 semaphore(%dma_wait3A_213 : memref<!tpu.dma_semaphore, #tpu.memory_space<semaphore_mem>>) src(%dma_wait3A_217 : memref<40xi32, #tpu.memory_space<hbm>>) dst(%dma_wait3A_216 : memref<40xi32, #tpu.memory_space<vmem>>)
      %mul3A_218 = arith.constant 40 : i32
      %mul3A_219 = arith.muli %add3A_161, %mul3A_218 : i32
      %add3A_220 = arith.addi %mul3A_2, %mul3A_219 : i32
      %multiple_of3A_221 = tpu.assume_multiple %add3A_220, 8 : i32
      %dma_start3A_222 = arith.constant 0 : i32
      %dma_start3A_223 = arith.constant 0 : i32
      %dma_start3A_224 = arith.constant 0 : i32
      %dma_start3A_225 = arith.constant 0 : i32
      %dma_start3A_226 = tpu.memref_slice %arg12[%dma_start3A_222, %dma_start3A_224, %dma_start3A_225] : memref<2x40x128xf32, #tpu.memory_space<vmem>> -> memref<1x40x128xf32, #tpu.memory_space<vmem>>
      %dma_start3A_227 = tpu.memref_squeeze %dma_start3A_226 : memref<1x40x128xf32, #tpu.memory_space<vmem>> -> memref<40x128xf32, #tpu.memory_space<vmem>>
      %dma_start3A_228 = arith.constant 0 : i32
      %dma_start3A_229 = tpu.memref_slice %arg6[%multiple_of3A_221, %dma_start3A_228] : memref<320000x128xf32, #tpu.memory_space<hbm>> -> memref<40x128xf32, #tpu.memory_space<hbm>>
      %dma_start3A_230 = tpu.memref_slice %arg16[%dma_start3A_223] : memref<2x!tpu.dma_semaphore, #tpu.memory_space<semaphore_mem>> -> memref<1x!tpu.dma_semaphore, #tpu.memory_space<semaphore_mem>>
      %dma_start3A_231 = tpu.memref_squeeze %dma_start3A_230 : memref<1x!tpu.dma_semaphore, #tpu.memory_space<semaphore_mem>> -> memref<!tpu.dma_semaphore, #tpu.memory_space<semaphore_mem>>
      %dma_start3A_232 = arith.constant 0 : i32
      %dma_start3A_233 = tpu.memref_slice %arg6[%multiple_of3A_221, %dma_start3A_232] : memref<320000x128xf32, #tpu.memory_space<hbm>> -> memref<40x128xf32, #tpu.memory_space<hbm>>
      %dma_start3A_234 = arith.constant 0 : i32
      %dma_start3A_235 = arith.constant 0 : i32
      %dma_start3A_236 = tpu.memref_slice %arg12[%dma_start3A_222, %dma_start3A_234, %dma_start3A_235] : memref<2x40x128xf32, #tpu.memory_space<vmem>> -> memref<1x40x128xf32, #tpu.memory_space<vmem>>
      %dma_start3A_237 = tpu.memref_squeeze %dma_start3A_236 : memref<1x40x128xf32, #tpu.memory_space<vmem>> -> memref<40x128xf32, #tpu.memory_space<vmem>>
      tpu.enqueue_dma source(%dma_start3A_237 : memref<40x128xf32, #tpu.memory_space<vmem>>) target(%dma_start3A_233 : memref<40x128xf32, #tpu.memory_space<hbm>>) target_semaphore(%dma_start3A_231 : memref<!tpu.dma_semaphore, #tpu.memory_space<semaphore_mem>>)
      %dma_start3A_238 = arith.constant 0 : i32
      %dma_start3A_239 = arith.constant 0 : i32
      %dma_start3A_240 = arith.constant 0 : i32
      %dma_start3A_241 = arith.constant 0 : i32
      %dma_start3A_242 = arith.constant 0 : i32
      %dma_start3A_243 = tpu.memref_slice %arg12[%dma_start3A_238, %dma_start3A_241, %dma_start3A_242] : memref<2x40x128xf32, #tpu.memory_space<vmem>> -> memref<1x40x128xf32, #tpu.memory_space<vmem>>
      %dma_start3A_244 = tpu.memref_squeeze %dma_start3A_243 : memref<1x40x128xf32, #tpu.memory_space<vmem>> -> memref<40x128xf32, #tpu.memory_space<vmem>>
      %dma_start3A_245 = arith.constant 0 : i32
      %dma_start3A_246 = tpu.memref_slice %arg8[%dma_start3A_239, %dma_start3A_245] : memref<2x40xi32, #tpu.memory_space<vmem>> -> memref<1x40xi32, #tpu.memory_space<vmem>>
      %dma_start3A_247 = tpu.memref_squeeze %dma_start3A_246 : memref<1x40xi32, #tpu.memory_space<vmem>> -> memref<40xi32, #tpu.memory_space<vmem>>
      %dma_start3A_248 = arith.constant 0 : i32
      %dma_start3A_249 = arith.constant 0 : i32
      %dma_start3A_250 = tpu.memref_slice %arg18[%dma_start3A_248, %dma_start3A_249] : memref<10000x128xf32, #tpu.memory_space<vmem_shared>> -> memref<10000x128xf32, #tpu.memory_space<vmem_shared>>
      %dma_start3A_251 = tpu.memref_slice %arg17[%dma_start3A_240] : memref<2x!tpu.dma_semaphore, #tpu.memory_space<semaphore_mem>> -> memref<1x!tpu.dma_semaphore, #tpu.memory_space<semaphore_mem>>
      %dma_start3A_252 = tpu.memref_squeeze %dma_start3A_251 : memref<1x!tpu.dma_semaphore, #tpu.memory_space<semaphore_mem>> -> memref<!tpu.dma_semaphore, #tpu.memory_space<semaphore_mem>>
      tpu.enqueue_indirect_dma source(%dma_start3A_244 : memref<40x128xf32, #tpu.memory_space<vmem>>) target(%dma_start3A_250 : memref<10000x128xf32, #tpu.memory_space<vmem_shared>>) offsets(%dma_start3A_247 : memref<40xi32, #tpu.memory_space<vmem>>) semaphore(%dma_start3A_252 : memref<!tpu.dma_semaphore, #tpu.memory_space<semaphore_mem>>) {add = true}
      %ge3A = arith.constant 1 : i32
      %ge3A_253 = arith.cmpi sge, %add3A_161, %ge3A : i32
      %convert_element_type3A = arith.extui %ge3A_253 : i1 to i32
      %cond3A = arith.constant 0 : i32
      %cond3A_254 = arith.cmpi ne, %convert_element_type3A, %cond3A : i32
      scf.if %cond3A_254 {
        %sub3A = arith.constant 1 : i32
        %sub3A_385 = arith.subi %add3A_161, %sub3A : i32
        %mul3A_386 = arith.constant 40 : i32
        %mul3A_387 = arith.muli %sub3A_385, %mul3A_386 : i32
        %add3A_388 = arith.addi %mul3A_2, %mul3A_387 : i32
        %multiple_of3A_389 = tpu.assume_multiple %add3A_388, 8 : i32
        %dma_wait3A_390 = arith.constant 1 : i32
        %dma_wait3A_391 = arith.constant 1 : i32
        %dma_wait3A_392 = arith.constant 0 : i32
        %dma_wait3A_393 = arith.constant 0 : i32
        %dma_wait3A_394 = tpu.memref_slice %arg12[%dma_wait3A_390, %dma_wait3A_392, %dma_wait3A_393] : memref<2x40x128xf32, #tpu.memory_space<vmem>> -> memref<1x40x128xf32, #tpu.memory_space<vmem>>
        %dma_wait3A_395 = tpu.memref_squeeze %dma_wait3A_394 : memref<1x40x128xf32, #tpu.memory_space<vmem>> -> memref<40x128xf32, #tpu.memory_space<vmem>>
        %dma_wait3A_396 = arith.constant 0 : i32
        %dma_wait3A_397 = tpu.memref_slice %arg6[%multiple_of3A_389, %dma_wait3A_396] : memref<320000x128xf32, #tpu.memory_space<hbm>> -> memref<40x128xf32, #tpu.memory_space<hbm>>
        %dma_wait3A_398 = tpu.memref_slice %arg16[%dma_wait3A_391] : memref<2x!tpu.dma_semaphore, #tpu.memory_space<semaphore_mem>> -> memref<1x!tpu.dma_semaphore, #tpu.memory_space<semaphore_mem>>
        %dma_wait3A_399 = tpu.memref_squeeze %dma_wait3A_398 : memref<1x!tpu.dma_semaphore, #tpu.memory_space<semaphore_mem>> -> memref<!tpu.dma_semaphore, #tpu.memory_space<semaphore_mem>>
        %dma_wait3A_400 = arith.constant 0 : i32
        %dma_wait3A_401 = tpu.memref_slice %arg6[%multiple_of3A_389, %dma_wait3A_400] : memref<320000x128xf32, #tpu.memory_space<hbm>> -> memref<40x128xf32, #tpu.memory_space<hbm>>
        %dma_wait3A_402 = arith.constant 0 : i32
        %dma_wait3A_403 = arith.constant 0 : i32
        %dma_wait3A_404 = tpu.memref_slice %arg12[%dma_wait3A_390, %dma_wait3A_402, %dma_wait3A_403] : memref<2x40x128xf32, #tpu.memory_space<vmem>> -> memref<1x40x128xf32, #tpu.memory_space<vmem>>
        %dma_wait3A_405 = tpu.memref_squeeze %dma_wait3A_404 : memref<1x40x128xf32, #tpu.memory_space<vmem>> -> memref<40x128xf32, #tpu.memory_space<vmem>>
        tpu.wait_dma2 semaphore(%dma_wait3A_399 : memref<!tpu.dma_semaphore, #tpu.memory_space<semaphore_mem>>) src(%dma_wait3A_405 : memref<40x128xf32, #tpu.memory_space<vmem>>) dst(%dma_wait3A_401 : memref<40x128xf32, #tpu.memory_space<hbm>>)
        %dma_wait3A_406 = arith.constant 1 : i32
        %dma_wait3A_407 = arith.constant 1 : i32
        %dma_wait3A_408 = arith.constant 1 : i32
        %dma_wait3A_409 = arith.constant 0 : i32
        %dma_wait3A_410 = arith.constant 0 : i32
        %dma_wait3A_411 = tpu.memref_slice %arg12[%dma_wait3A_406, %dma_wait3A_409, %dma_wait3A_410] : memref<2x40x128xf32, #tpu.memory_space<vmem>> -> memref<1x40x128xf32, #tpu.memory_space<vmem>>
        %dma_wait3A_412 = tpu.memref_squeeze %dma_wait3A_411 : memref<1x40x128xf32, #tpu.memory_space<vmem>> -> memref<40x128xf32, #tpu.memory_space<vmem>>
        %dma_wait3A_413 = arith.constant 0 : i32
        %dma_wait3A_414 = tpu.memref_slice %arg8[%dma_wait3A_407, %dma_wait3A_413] : memref<2x40xi32, #tpu.memory_space<vmem>> -> memref<1x40xi32, #tpu.memory_space<vmem>>
        %dma_wait3A_415 = tpu.memref_squeeze %dma_wait3A_414 : memref<1x40xi32, #tpu.memory_space<vmem>> -> memref<40xi32, #tpu.memory_space<vmem>>
        %dma_wait3A_416 = arith.constant 0 : i32
        %dma_wait3A_417 = arith.constant 0 : i32
        %dma_wait3A_418 = tpu.memref_slice %arg18[%dma_wait3A_416, %dma_wait3A_417] : memref<10000x128xf32, #tpu.memory_space<vmem_shared>> -> memref<10000x128xf32, #tpu.memory_space<vmem_shared>>
        %dma_wait3A_419 = tpu.memref_slice %arg17[%dma_wait3A_408] : memref<2x!tpu.dma_semaphore, #tpu.memory_space<semaphore_mem>> -> memref<1x!tpu.dma_semaphore, #tpu.memory_space<semaphore_mem>>
        %dma_wait3A_420 = tpu.memref_squeeze %dma_wait3A_419 : memref<1x!tpu.dma_semaphore, #tpu.memory_space<semaphore_mem>> -> memref<!tpu.dma_semaphore, #tpu.memory_space<semaphore_mem>>
        tpu.wait_indirect_dma semaphore(%dma_wait3A_420 : memref<!tpu.dma_semaphore, #tpu.memory_space<semaphore_mem>>) src(%dma_wait3A_412 : memref<40x128xf32, #tpu.memory_space<vmem>>) dst(%dma_wait3A_418 : memref<10000x128xf32, #tpu.memory_space<vmem_shared>>)
      } else {
      }
      %ge3A_255 = arith.constant 1 : i32
      %ge3A_256 = arith.cmpi sge, %add3A_161, %ge3A_255 : i32
      %add3A_257 = arith.constant 1 : i32
      %add3A_258 = arith.addi %add3A_161, %add3A_257 : i32
      %lt3A = arith.constant 250 : i32
      %lt3A_259 = arith.cmpi slt, %add3A_258, %lt3A : i32
      %and3A = arith.andi %ge3A_256, %lt3A_259 : i1
      %convert_element_type3A_260 = arith.extui %and3A : i1 to i32
      %cond3A_261 = arith.constant 0 : i32
      %cond3A_262 = arith.cmpi ne, %convert_element_type3A_260, %cond3A_261 : i32
      scf.if %cond3A_262 {
        %add3A_385 = arith.constant 1 : i32
        %add3A_386 = arith.addi %add3A_161, %add3A_385 : i32
        %mul3A_387 = arith.constant 40 : i32
        %mul3A_388 = arith.muli %add3A_386, %mul3A_387 : i32
        %add3A_389 = arith.addi %mul3A_2, %mul3A_388 : i32
        %multiple_of3A_390 = tpu.assume_multiple %add3A_389, 8 : i32
        %dma_start3A_391 = arith.constant 1 : i32
        %dma_start3A_392 = arith.constant 1 : i32
        %dma_start3A_393 = arith.constant 0 : i32
        %dma_start3A_394 = tpu.memref_slice %arg8[%dma_start3A_391, %dma_start3A_393] : memref<2x40xi32, #tpu.memory_space<vmem>> -> memref<1x40xi32, #tpu.memory_space<vmem>>
        %dma_start3A_395 = tpu.memref_squeeze %dma_start3A_394 : memref<1x40xi32, #tpu.memory_space<vmem>> -> memref<40xi32, #tpu.memory_space<vmem>>
        %dma_start3A_396 = tpu.memref_slice %arg5[%multiple_of3A_390] : memref<320000xi32, #tpu.memory_space<hbm>> -> memref<40xi32, #tpu.memory_space<hbm>>
        %dma_start3A_397 = tpu.memref_slice %arg13[%dma_start3A_392] : memref<2x!tpu.dma_semaphore, #tpu.memory_space<semaphore_mem>> -> memref<1x!tpu.dma_semaphore, #tpu.memory_space<semaphore_mem>>
        %dma_start3A_398 = tpu.memref_squeeze %dma_start3A_397 : memref<1x!tpu.dma_semaphore, #tpu.memory_space<semaphore_mem>> -> memref<!tpu.dma_semaphore, #tpu.memory_space<semaphore_mem>>
        %dma_start3A_399 = arith.constant 0 : i32
        %dma_start3A_400 = tpu.memref_slice %arg8[%dma_start3A_391, %dma_start3A_399] : memref<2x40xi32, #tpu.memory_space<vmem>> -> memref<1x40xi32, #tpu.memory_space<vmem>>
        %dma_start3A_401 = tpu.memref_squeeze %dma_start3A_400 : memref<1x40xi32, #tpu.memory_space<vmem>> -> memref<40xi32, #tpu.memory_space<vmem>>
        %dma_start3A_402 = tpu.memref_slice %arg5[%multiple_of3A_390] : memref<320000xi32, #tpu.memory_space<hbm>> -> memref<40xi32, #tpu.memory_space<hbm>>
        tpu.enqueue_dma source(%dma_start3A_402 : memref<40xi32, #tpu.memory_space<hbm>>) target(%dma_start3A_401 : memref<40xi32, #tpu.memory_space<vmem>>) target_semaphore(%dma_start3A_398 : memref<!tpu.dma_semaphore, #tpu.memory_space<semaphore_mem>>)
      } else {
      }
      %add3A_263 = arith.constant 2 : i32
      %add3A_264 = arith.addi %add3A_161, %add3A_263 : i32
      %lt3A_265 = arith.constant 250 : i32
      %lt3A_266 = arith.cmpi slt, %add3A_264, %lt3A_265 : i32
      %convert_element_type3A_267 = arith.extui %lt3A_266 : i1 to i32
      %cond3A_268 = arith.constant 0 : i32
      %cond3A_269 = arith.cmpi ne, %convert_element_type3A_267, %cond3A_268 : i32
      scf.if %cond3A_269 {
        %add3A_385 = arith.constant 2 : i32
        %add3A_386 = arith.addi %add3A_161, %add3A_385 : i32
        %mul3A_387 = arith.constant 40 : i32
        %mul3A_388 = arith.muli %add3A_386, %mul3A_387 : i32
        %multiple_of3A_389 = tpu.assume_multiple %mul3A_388, 8 : i32
        %dma_start3A_390 = arith.constant 0 : i32
        %dma_start3A_391 = arith.constant 0 : i32
        %dma_start3A_392 = arith.constant 0 : i32
        %dma_start3A_393 = arith.constant 0 : i32
        %dma_start3A_394 = tpu.memref_slice %arg10[%dma_start3A_390, %dma_start3A_392, %dma_start3A_393] : memref<2x40x128xf32, #tpu.memory_space<vmem>> -> memref<1x40x128xf32, #tpu.memory_space<vmem>>
        %dma_start3A_395 = tpu.memref_squeeze %dma_start3A_394 : memref<1x40x128xf32, #tpu.memory_space<vmem>> -> memref<40x128xf32, #tpu.memory_space<vmem>>
        %dma_start3A_396 = tpu.memref_slice %arg9[%multiple_of3A_389] : memref<10000xi32, #tpu.memory_space<vmem>> -> memref<40xi32, #tpu.memory_space<vmem>>
        %dma_start3A_397 = arith.constant 0 : i32
        %dma_start3A_398 = arith.constant 0 : i32
        %dma_start3A_399 = tpu.memref_slice %arg2[%dma_start3A_397, %dma_start3A_398] : memref<10000x128xf32, #tpu.memory_space<hbm>> -> memref<10000x128xf32, #tpu.memory_space<hbm>>
        %dma_start3A_400 = tpu.memref_slice %arg14[%dma_start3A_391] : memref<2x!tpu.dma_semaphore, #tpu.memory_space<semaphore_mem>> -> memref<1x!tpu.dma_semaphore, #tpu.memory_space<semaphore_mem>>
        %dma_start3A_401 = tpu.memref_squeeze %dma_start3A_400 : memref<1x!tpu.dma_semaphore, #tpu.memory_space<semaphore_mem>> -> memref<!tpu.dma_semaphore, #tpu.memory_space<semaphore_mem>>
        tpu.enqueue_indirect_dma source(%dma_start3A_399 : memref<10000x128xf32, #tpu.memory_space<hbm>>) target(%dma_start3A_395 : memref<40x128xf32, #tpu.memory_space<vmem>>) offsets(%dma_start3A_396 : memref<40xi32, #tpu.memory_space<vmem>>) semaphore(%dma_start3A_401 : memref<!tpu.dma_semaphore, #tpu.memory_space<semaphore_mem>>)
        %mul3A_402 = arith.constant 40 : i32
        %mul3A_403 = arith.muli %add3A_386, %mul3A_402 : i32
        %add3A_404 = arith.addi %mul3A_2, %mul3A_403 : i32
        %multiple_of3A_405 = tpu.assume_multiple %add3A_404, 8 : i32
        %dma_start3A_406 = arith.constant 0 : i32
        %dma_start3A_407 = arith.constant 0 : i32
        %dma_start3A_408 = arith.constant 0 : i32
        %dma_start3A_409 = arith.constant 0 : i32
        %dma_start3A_410 = tpu.memref_slice %arg11[%dma_start3A_406, %dma_start3A_408, %dma_start3A_409] : memref<2x40x128xf32, #tpu.memory_space<vmem>> -> memref<1x40x128xf32, #tpu.memory_space<vmem>>
        %dma_start3A_411 = tpu.memref_squeeze %dma_start3A_410 : memref<1x40x128xf32, #tpu.memory_space<vmem>> -> memref<40x128xf32, #tpu.memory_space<vmem>>
        %dma_start3A_412 = arith.constant 0 : i32
        %dma_start3A_413 = tpu.memref_slice %arg3[%multiple_of3A_405, %dma_start3A_412] : memref<320000x128xf32, #tpu.memory_space<hbm>> -> memref<40x128xf32, #tpu.memory_space<hbm>>
        %dma_start3A_414 = tpu.memref_slice %arg15[%dma_start3A_407] : memref<2x!tpu.dma_semaphore, #tpu.memory_space<semaphore_mem>> -> memref<1x!tpu.dma_semaphore, #tpu.memory_space<semaphore_mem>>
        %dma_start3A_415 = tpu.memref_squeeze %dma_start3A_414 : memref<1x!tpu.dma_semaphore, #tpu.memory_space<semaphore_mem>> -> memref<!tpu.dma_semaphore, #tpu.memory_space<semaphore_mem>>
        %dma_start3A_416 = arith.constant 0 : i32
        %dma_start3A_417 = arith.constant 0 : i32
        %dma_start3A_418 = tpu.memref_slice %arg11[%dma_start3A_406, %dma_start3A_416, %dma_start3A_417] : memref<2x40x128xf32, #tpu.memory_space<vmem>> -> memref<1x40x128xf32, #tpu.memory_space<vmem>>
        %dma_start3A_419 = tpu.memref_squeeze %dma_start3A_418 : memref<1x40x128xf32, #tpu.memory_space<vmem>> -> memref<40x128xf32, #tpu.memory_space<vmem>>
        %dma_start3A_420 = arith.constant 0 : i32
        %dma_start3A_421 = tpu.memref_slice %arg3[%multiple_of3A_405, %dma_start3A_420] : memref<320000x128xf32, #tpu.memory_space<hbm>> -> memref<40x128xf32, #tpu.memory_space<hbm>>
        tpu.enqueue_dma source(%dma_start3A_421 : memref<40x128xf32, #tpu.memory_space<hbm>>) target(%dma_start3A_419 : memref<40x128xf32, #tpu.memory_space<vmem>>) target_semaphore(%dma_start3A_415 : memref<!tpu.dma_semaphore, #tpu.memory_space<semaphore_mem>>)
      } else {
      }
      %add3A_270 = arith.constant 1 : i32
      %add3A_271 = arith.addi %mul3A_159, %add3A_270 : i32
      %mul3A_272 = arith.constant 40 : i32
      %mul3A_273 = arith.muli %add3A_271, %mul3A_272 : i32
      %multiple_of3A_274 = tpu.assume_multiple %mul3A_273, 8 : i32
      %dma_wait3A_275 = arith.constant 1 : i32
      %dma_wait3A_276 = arith.constant 1 : i32
      %dma_wait3A_277 = arith.constant 0 : i32
      %dma_wait3A_278 = arith.constant 0 : i32
      %dma_wait3A_279 = tpu.memref_slice %arg10[%dma_wait3A_275, %dma_wait3A_277, %dma_wait3A_278] : memref<2x40x128xf32, #tpu.memory_space<vmem>> -> memref<1x40x128xf32, #tpu.memory_space<vmem>>
      %dma_wait3A_280 = tpu.memref_squeeze %dma_wait3A_279 : memref<1x40x128xf32, #tpu.memory_space<vmem>> -> memref<40x128xf32, #tpu.memory_space<vmem>>
      %dma_wait3A_281 = tpu.memref_slice %arg9[%multiple_of3A_274] : memref<10000xi32, #tpu.memory_space<vmem>> -> memref<40xi32, #tpu.memory_space<vmem>>
      %dma_wait3A_282 = arith.constant 0 : i32
      %dma_wait3A_283 = arith.constant 0 : i32
      %dma_wait3A_284 = tpu.memref_slice %arg2[%dma_wait3A_282, %dma_wait3A_283] : memref<10000x128xf32, #tpu.memory_space<hbm>> -> memref<10000x128xf32, #tpu.memory_space<hbm>>
      %dma_wait3A_285 = tpu.memref_slice %arg14[%dma_wait3A_276] : memref<2x!tpu.dma_semaphore, #tpu.memory_space<semaphore_mem>> -> memref<1x!tpu.dma_semaphore, #tpu.memory_space<semaphore_mem>>
      %dma_wait3A_286 = tpu.memref_squeeze %dma_wait3A_285 : memref<1x!tpu.dma_semaphore, #tpu.memory_space<semaphore_mem>> -> memref<!tpu.dma_semaphore, #tpu.memory_space<semaphore_mem>>
      tpu.wait_indirect_dma semaphore(%dma_wait3A_286 : memref<!tpu.dma_semaphore, #tpu.memory_space<semaphore_mem>>) src(%dma_wait3A_284 : memref<10000x128xf32, #tpu.memory_space<hbm>>) dst(%dma_wait3A_280 : memref<40x128xf32, #tpu.memory_space<vmem>>)
      %mul3A_287 = arith.constant 40 : i32
      %mul3A_288 = arith.muli %add3A_271, %mul3A_287 : i32
      %add3A_289 = arith.addi %mul3A_2, %mul3A_288 : i32
      %multiple_of3A_290 = tpu.assume_multiple %add3A_289, 8 : i32
      %dma_wait3A_291 = arith.constant 1 : i32
      %dma_wait3A_292 = arith.constant 1 : i32
      %dma_wait3A_293 = arith.constant 0 : i32
      %dma_wait3A_294 = arith.constant 0 : i32
      %dma_wait3A_295 = tpu.memref_slice %arg11[%dma_wait3A_291, %dma_wait3A_293, %dma_wait3A_294] : memref<2x40x128xf32, #tpu.memory_space<vmem>> -> memref<1x40x128xf32, #tpu.memory_space<vmem>>
      %dma_wait3A_296 = tpu.memref_squeeze %dma_wait3A_295 : memref<1x40x128xf32, #tpu.memory_space<vmem>> -> memref<40x128xf32, #tpu.memory_space<vmem>>
      %dma_wait3A_297 = arith.constant 0 : i32
      %dma_wait3A_298 = tpu.memref_slice %arg3[%multiple_of3A_290, %dma_wait3A_297] : memref<320000x128xf32, #tpu.memory_space<hbm>> -> memref<40x128xf32, #tpu.memory_space<hbm>>
      %dma_wait3A_299 = tpu.memref_slice %arg15[%dma_wait3A_292] : memref<2x!tpu.dma_semaphore, #tpu.memory_space<semaphore_mem>> -> memref<1x!tpu.dma_semaphore, #tpu.memory_space<semaphore_mem>>
      %dma_wait3A_300 = tpu.memref_squeeze %dma_wait3A_299 : memref<1x!tpu.dma_semaphore, #tpu.memory_space<semaphore_mem>> -> memref<!tpu.dma_semaphore, #tpu.memory_space<semaphore_mem>>
      %dma_wait3A_301 = arith.constant 0 : i32
      %dma_wait3A_302 = arith.constant 0 : i32
      %dma_wait3A_303 = tpu.memref_slice %arg11[%dma_wait3A_291, %dma_wait3A_301, %dma_wait3A_302] : memref<2x40x128xf32, #tpu.memory_space<vmem>> -> memref<1x40x128xf32, #tpu.memory_space<vmem>>
      %dma_wait3A_304 = tpu.memref_squeeze %dma_wait3A_303 : memref<1x40x128xf32, #tpu.memory_space<vmem>> -> memref<40x128xf32, #tpu.memory_space<vmem>>
      %dma_wait3A_305 = arith.constant 0 : i32
      %dma_wait3A_306 = tpu.memref_slice %arg3[%multiple_of3A_290, %dma_wait3A_305] : memref<320000x128xf32, #tpu.memory_space<hbm>> -> memref<40x128xf32, #tpu.memory_space<hbm>>
      tpu.wait_dma2 semaphore(%dma_wait3A_300 : memref<!tpu.dma_semaphore, #tpu.memory_space<semaphore_mem>>) src(%dma_wait3A_306 : memref<40x128xf32, #tpu.memory_space<hbm>>) dst(%dma_wait3A_304 : memref<40x128xf32, #tpu.memory_space<vmem>>)
      %scan3A_307 = arith.constant 0 : i32
      %scan3A_308 = arith.constant 40 : i32
      %scan3A_309 = arith.addi %scan3A_307, %scan3A_308 : i32
      %scan3A_310 = arith.constant 1 : i32
      scf.for %scan3A_385 = %scan3A_307 to %scan3A_309 step %scan3A_310  : i32 {
        %mul3A_386 = arith.constant 1 : i32
        %mul3A_387 = arith.muli %scan3A_385, %mul3A_386 : i32
        %add3A_388 = arith.constant 0 : i32
        %add3A_389 = arith.addi %add3A_388, %mul3A_387 : i32
        %get3A = arith.constant 1 : i32
        %get3A_390 = arith.index_cast %get3A : i32 to index
        %get3A_391 = arith.index_cast %add3A_389 : i32 to index
        %get3A_392 = arith.constant 0 : index
        %get3A_393 = tpu.vector_load %arg11[%get3A_390, %get3A_391, %get3A_392] {strides = array<i32>} : memref<2x40x128xf32, #tpu.memory_space<vmem>>, vector<1x1x16xf32>,
        %get3A_394 = vector.shape_cast %get3A_393 : vector<1x1x16xf32> to vector<16xf32>
        %get3A_395 = arith.constant 1 : i32
        %get3A_396 = arith.index_cast %get3A_395 : i32 to index
        %get3A_397 = arith.index_cast %add3A_389 : i32 to index
        %get3A_398 = arith.constant 0 : index
        %get3A_399 = tpu.vector_load %arg10[%get3A_396, %get3A_397, %get3A_398] {strides = array<i32>} : memref<2x40x128xf32, #tpu.memory_space<vmem>>, vector<1x1x16xf32>,
        %get3A_400 = vector.shape_cast %get3A_399 : vector<1x1x16xf32> to vector<16xf32>
        %add3A_401 = arith.addf %get3A_394, %get3A_400 : vector<16xf32>
        %max3A = arith.constant 0.000000e+00 : f32
        %max3A_402 = vector.broadcast %max3A : f32 to vector<16xf32>
        %max3A_403 = arith.maximumf %add3A_401, %max3A_402 : vector<16xf32>
        %swap3A = arith.constant 1 : i32
        %swap3A_404 = arith.index_cast %swap3A : i32 to index
        %swap3A_405 = arith.index_cast %add3A_389 : i32 to index
        %swap3A_406 = arith.constant 0 : index
        %swap3A_407 = tpu.vector_load %arg12[%swap3A_404, %swap3A_405, %swap3A_406] {strides = array<i32>} : memref<2x40x128xf32, #tpu.memory_space<vmem>>, vector<1x1x16xf32>,
        %swap3A_408 = vector.shape_cast %swap3A_407 : vector<1x1x16xf32> to vector<16xf32>
        %swap3A_409 = vector.shape_cast %max3A_403 : vector<16xf32> to vector<1x1x16xf32>
        tpu.vector_store %arg12[%swap3A_404, %swap3A_405, %swap3A_406], %swap3A_409 {strides = array<i32>} : memref<2x40x128xf32, #tpu.memory_space<vmem>>, vector<1x1x16xf32>,
        %get3A_410 = arith.constant 1 : i32
        %get3A_411 = arith.index_cast %get3A_410 : i32 to index
        %get3A_412 = arith.index_cast %add3A_389 : i32 to index
        %get3A_413 = arith.constant 16 : index
        %get3A_414 = tpu.vector_load %arg11[%get3A_411, %get3A_412, %get3A_413] {strides = array<i32>} : memref<2x40x128xf32, #tpu.memory_space<vmem>>, vector<1x1x16xf32>,
        %get3A_415 = vector.shape_cast %get3A_414 : vector<1x1x16xf32> to vector<16xf32>
        %get3A_416 = arith.constant 1 : i32
        %get3A_417 = arith.index_cast %get3A_416 : i32 to index
        %get3A_418 = arith.index_cast %add3A_389 : i32 to index
        %get3A_419 = arith.constant 16 : index
        %get3A_420 = tpu.vector_load %arg10[%get3A_417, %get3A_418, %get3A_419] {strides = array<i32>} : memref<2x40x128xf32, #tpu.memory_space<vmem>>, vector<1x1x16xf32>,
        %get3A_421 = vector.shape_cast %get3A_420 : vector<1x1x16xf32> to vector<16xf32>
        %add3A_422 = arith.addf %get3A_415, %get3A_421 : vector<16xf32>
        %max3A_423 = arith.constant 0.000000e+00 : f32
        %max3A_424 = vector.broadcast %max3A_423 : f32 to vector<16xf32>
        %max3A_425 = arith.maximumf %add3A_422, %max3A_424 : vector<16xf32>
        %swap3A_426 = arith.constant 1 : i32
        %swap3A_427 = arith.index_cast %swap3A_426 : i32 to index
        %swap3A_428 = arith.index_cast %add3A_389 : i32 to index
        %swap3A_429 = arith.constant 16 : index
        %swap3A_430 = tpu.vector_load %arg12[%swap3A_427, %swap3A_428, %swap3A_429] {strides = array<i32>} : memref<2x40x128xf32, #tpu.memory_space<vmem>>, vector<1x1x16xf32>,
        %swap3A_431 = vector.shape_cast %swap3A_430 : vector<1x1x16xf32> to vector<16xf32>
        %swap3A_432 = vector.shape_cast %max3A_425 : vector<16xf32> to vector<1x1x16xf32>
        tpu.vector_store %arg12[%swap3A_427, %swap3A_428, %swap3A_429], %swap3A_432 {strides = array<i32>} : memref<2x40x128xf32, #tpu.memory_space<vmem>>, vector<1x1x16xf32>,
        %get3A_433 = arith.constant 1 : i32
        %get3A_434 = arith.index_cast %get3A_433 : i32 to index
        %get3A_435 = arith.index_cast %add3A_389 : i32 to index
        %get3A_436 = arith.constant 32 : index
        %get3A_437 = tpu.vector_load %arg11[%get3A_434, %get3A_435, %get3A_436] {strides = array<i32>} : memref<2x40x128xf32, #tpu.memory_space<vmem>>, vector<1x1x16xf32>,
        %get3A_438 = vector.shape_cast %get3A_437 : vector<1x1x16xf32> to vector<16xf32>
        %get3A_439 = arith.constant 1 : i32
        %get3A_440 = arith.index_cast %get3A_439 : i32 to index
        %get3A_441 = arith.index_cast %add3A_389 : i32 to index
        %get3A_442 = arith.constant 32 : index
        %get3A_443 = tpu.vector_load %arg10[%get3A_440, %get3A_441, %get3A_442] {strides = array<i32>} : memref<2x40x128xf32, #tpu.memory_space<vmem>>, vector<1x1x16xf32>,
        %get3A_444 = vector.shape_cast %get3A_443 : vector<1x1x16xf32> to vector<16xf32>
        %add3A_445 = arith.addf %get3A_438, %get3A_444 : vector<16xf32>
        %max3A_446 = arith.constant 0.000000e+00 : f32
        %max3A_447 = vector.broadcast %max3A_446 : f32 to vector<16xf32>
        %max3A_448 = arith.maximumf %add3A_445, %max3A_447 : vector<16xf32>
        %swap3A_449 = arith.constant 1 : i32
        %swap3A_450 = arith.index_cast %swap3A_449 : i32 to index
        %swap3A_451 = arith.index_cast %add3A_389 : i32 to index
        %swap3A_452 = arith.constant 32 : index
        %swap3A_453 = tpu.vector_load %arg12[%swap3A_450, %swap3A_451, %swap3A_452] {strides = array<i32>} : memref<2x40x128xf32, #tpu.memory_space<vmem>>, vector<1x1x16xf32>,
        %swap3A_454 = vector.shape_cast %swap3A_453 : vector<1x1x16xf32> to vector<16xf32>
        %swap3A_455 = vector.shape_cast %max3A_448 : vector<16xf32> to vector<1x1x16xf32>
        tpu.vector_store %arg12[%swap3A_450, %swap3A_451, %swap3A_452], %swap3A_455 {strides = array<i32>} : memref<2x40x128xf32, #tpu.memory_space<vmem>>, vector<1x1x16xf32>,
        %get3A_456 = arith.constant 1 : i32
        %get3A_457 = arith.index_cast %get3A_456 : i32 to index
        %get3A_458 = arith.index_cast %add3A_389 : i32 to index
        %get3A_459 = arith.constant 48 : index
        %get3A_460 = tpu.vector_load %arg11[%get3A_457, %get3A_458, %get3A_459] {strides = array<i32>} : memref<2x40x128xf32, #tpu.memory_space<vmem>>, vector<1x1x16xf32>,
        %get3A_461 = vector.shape_cast %get3A_460 : vector<1x1x16xf32> to vector<16xf32>
        %get3A_462 = arith.constant 1 : i32
        %get3A_463 = arith.index_cast %get3A_462 : i32 to index
        %get3A_464 = arith.index_cast %add3A_389 : i32 to index
        %get3A_465 = arith.constant 48 : index
        %get3A_466 = tpu.vector_load %arg10[%get3A_463, %get3A_464, %get3A_465] {strides = array<i32>} : memref<2x40x128xf32, #tpu.memory_space<vmem>>, vector<1x1x16xf32>,
        %get3A_467 = vector.shape_cast %get3A_466 : vector<1x1x16xf32> to vector<16xf32>
        %add3A_468 = arith.addf %get3A_461, %get3A_467 : vector<16xf32>
        %max3A_469 = arith.constant 0.000000e+00 : f32
        %max3A_470 = vector.broadcast %max3A_469 : f32 to vector<16xf32>
        %max3A_471 = arith.maximumf %add3A_468, %max3A_470 : vector<16xf32>
        %swap3A_472 = arith.constant 1 : i32
        %swap3A_473 = arith.index_cast %swap3A_472 : i32 to index
        %swap3A_474 = arith.index_cast %add3A_389 : i32 to index
        %swap3A_475 = arith.constant 48 : index
        %swap3A_476 = tpu.vector_load %arg12[%swap3A_473, %swap3A_474, %swap3A_475] {strides = array<i32>} : memref<2x40x128xf32, #tpu.memory_space<vmem>>, vector<1x1x16xf32>,
        %swap3A_477 = vector.shape_cast %swap3A_476 : vector<1x1x16xf32> to vector<16xf32>
        %swap3A_478 = vector.shape_cast %max3A_471 : vector<16xf32> to vector<1x1x16xf32>
        tpu.vector_store %arg12[%swap3A_473, %swap3A_474, %swap3A_475], %swap3A_478 {strides = array<i32>} : memref<2x40x128xf32, #tpu.memory_space<vmem>>, vector<1x1x16xf32>,
        %get3A_479 = arith.constant 1 : i32
        %get3A_480 = arith.index_cast %get3A_479 : i32 to index
        %get3A_481 = arith.index_cast %add3A_389 : i32 to index
        %get3A_482 = arith.constant 64 : index
        %get3A_483 = tpu.vector_load %arg11[%get3A_480, %get3A_481, %get3A_482] {strides = array<i32>} : memref<2x40x128xf32, #tpu.memory_space<vmem>>, vector<1x1x16xf32>,
        %get3A_484 = vector.shape_cast %get3A_483 : vector<1x1x16xf32> to vector<16xf32>
        %get3A_485 = arith.constant 1 : i32
        %get3A_486 = arith.index_cast %get3A_485 : i32 to index
        %get3A_487 = arith.index_cast %add3A_389 : i32 to index
        %get3A_488 = arith.constant 64 : index
        %get3A_489 = tpu.vector_load %arg10[%get3A_486, %get3A_487, %get3A_488] {strides = array<i32>} : memref<2x40x128xf32, #tpu.memory_space<vmem>>, vector<1x1x16xf32>,
        %get3A_490 = vector.shape_cast %get3A_489 : vector<1x1x16xf32> to vector<16xf32>
        %add3A_491 = arith.addf %get3A_484, %get3A_490 : vector<16xf32>
        %max3A_492 = arith.constant 0.000000e+00 : f32
        %max3A_493 = vector.broadcast %max3A_492 : f32 to vector<16xf32>
        %max3A_494 = arith.maximumf %add3A_491, %max3A_493 : vector<16xf32>
        %swap3A_495 = arith.constant 1 : i32
        %swap3A_496 = arith.index_cast %swap3A_495 : i32 to index
        %swap3A_497 = arith.index_cast %add3A_389 : i32 to index
        %swap3A_498 = arith.constant 64 : index
        %swap3A_499 = tpu.vector_load %arg12[%swap3A_496, %swap3A_497, %swap3A_498] {strides = array<i32>} : memref<2x40x128xf32, #tpu.memory_space<vmem>>, vector<1x1x16xf32>,
        %swap3A_500 = vector.shape_cast %swap3A_499 : vector<1x1x16xf32> to vector<16xf32>
        %swap3A_501 = vector.shape_cast %max3A_494 : vector<16xf32> to vector<1x1x16xf32>
        tpu.vector_store %arg12[%swap3A_496, %swap3A_497, %swap3A_498], %swap3A_501 {strides = array<i32>} : memref<2x40x128xf32, #tpu.memory_space<vmem>>, vector<1x1x16xf32>,
        %get3A_502 = arith.constant 1 : i32
        %get3A_503 = arith.index_cast %get3A_502 : i32 to index
        %get3A_504 = arith.index_cast %add3A_389 : i32 to index
        %get3A_505 = arith.constant 80 : index
        %get3A_506 = tpu.vector_load %arg11[%get3A_503, %get3A_504, %get3A_505] {strides = array<i32>} : memref<2x40x128xf32, #tpu.memory_space<vmem>>, vector<1x1x16xf32>,
        %get3A_507 = vector.shape_cast %get3A_506 : vector<1x1x16xf32> to vector<16xf32>
        %get3A_508 = arith.constant 1 : i32
        %get3A_509 = arith.index_cast %get3A_508 : i32 to index
        %get3A_510 = arith.index_cast %add3A_389 : i32 to index
        %get3A_511 = arith.constant 80 : index
        %get3A_512 = tpu.vector_load %arg10[%get3A_509, %get3A_510, %get3A_511] {strides = array<i32>} : memref<2x40x128xf32, #tpu.memory_space<vmem>>, vector<1x1x16xf32>,
        %get3A_513 = vector.shape_cast %get3A_512 : vector<1x1x16xf32> to vector<16xf32>
        %add3A_514 = arith.addf %get3A_507, %get3A_513 : vector<16xf32>
        %max3A_515 = arith.constant 0.000000e+00 : f32
        %max3A_516 = vector.broadcast %max3A_515 : f32 to vector<16xf32>
        %max3A_517 = arith.maximumf %add3A_514, %max3A_516 : vector<16xf32>
        %swap3A_518 = arith.constant 1 : i32
        %swap3A_519 = arith.index_cast %swap3A_518 : i32 to index
        %swap3A_520 = arith.index_cast %add3A_389 : i32 to index
        %swap3A_521 = arith.constant 80 : index
        %swap3A_522 = tpu.vector_load %arg12[%swap3A_519, %swap3A_520, %swap3A_521] {strides = array<i32>} : memref<2x40x128xf32, #tpu.memory_space<vmem>>, vector<1x1x16xf32>,
        %swap3A_523 = vector.shape_cast %swap3A_522 : vector<1x1x16xf32> to vector<16xf32>
        %swap3A_524 = vector.shape_cast %max3A_517 : vector<16xf32> to vector<1x1x16xf32>
        tpu.vector_store %arg12[%swap3A_519, %swap3A_520, %swap3A_521], %swap3A_524 {strides = array<i32>} : memref<2x40x128xf32, #tpu.memory_space<vmem>>, vector<1x1x16xf32>,
        %get3A_525 = arith.constant 1 : i32
        %get3A_526 = arith.index_cast %get3A_525 : i32 to index
        %get3A_527 = arith.index_cast %add3A_389 : i32 to index
        %get3A_528 = arith.constant 96 : index
        %get3A_529 = tpu.vector_load %arg11[%get3A_526, %get3A_527, %get3A_528] {strides = array<i32>} : memref<2x40x128xf32, #tpu.memory_space<vmem>>, vector<1x1x16xf32>,
        %get3A_530 = vector.shape_cast %get3A_529 : vector<1x1x16xf32> to vector<16xf32>
        %get3A_531 = arith.constant 1 : i32
        %get3A_532 = arith.index_cast %get3A_531 : i32 to index
        %get3A_533 = arith.index_cast %add3A_389 : i32 to index
        %get3A_534 = arith.constant 96 : index
        %get3A_535 = tpu.vector_load %arg10[%get3A_532, %get3A_533, %get3A_534] {strides = array<i32>} : memref<2x40x128xf32, #tpu.memory_space<vmem>>, vector<1x1x16xf32>,
        %get3A_536 = vector.shape_cast %get3A_535 : vector<1x1x16xf32> to vector<16xf32>
        %add3A_537 = arith.addf %get3A_530, %get3A_536 : vector<16xf32>
        %max3A_538 = arith.constant 0.000000e+00 : f32
        %max3A_539 = vector.broadcast %max3A_538 : f32 to vector<16xf32>
        %max3A_540 = arith.maximumf %add3A_537, %max3A_539 : vector<16xf32>
        %swap3A_541 = arith.constant 1 : i32
        %swap3A_542 = arith.index_cast %swap3A_541 : i32 to index
        %swap3A_543 = arith.index_cast %add3A_389 : i32 to index
        %swap3A_544 = arith.constant 96 : index
        %swap3A_545 = tpu.vector_load %arg12[%swap3A_542, %swap3A_543, %swap3A_544] {strides = array<i32>} : memref<2x40x128xf32, #tpu.memory_space<vmem>>, vector<1x1x16xf32>,
        %swap3A_546 = vector.shape_cast %swap3A_545 : vector<1x1x16xf32> to vector<16xf32>
        %swap3A_547 = vector.shape_cast %max3A_540 : vector<16xf32> to vector<1x1x16xf32>
        tpu.vector_store %arg12[%swap3A_542, %swap3A_543, %swap3A_544], %swap3A_547 {strides = array<i32>} : memref<2x40x128xf32, #tpu.memory_space<vmem>>, vector<1x1x16xf32>,
        %get3A_548 = arith.constant 1 : i32
        %get3A_549 = arith.index_cast %get3A_548 : i32 to index
        %get3A_550 = arith.index_cast %add3A_389 : i32 to index
        %get3A_551 = arith.constant 112 : index
        %get3A_552 = tpu.vector_load %arg11[%get3A_549, %get3A_550, %get3A_551] {strides = array<i32>} : memref<2x40x128xf32, #tpu.memory_space<vmem>>, vector<1x1x16xf32>,
        %get3A_553 = vector.shape_cast %get3A_552 : vector<1x1x16xf32> to vector<16xf32>
        %get3A_554 = arith.constant 1 : i32
        %get3A_555 = arith.index_cast %get3A_554 : i32 to index
        %get3A_556 = arith.index_cast %add3A_389 : i32 to index
        %get3A_557 = arith.constant 112 : index
        %get3A_558 = tpu.vector_load %arg10[%get3A_555, %get3A_556, %get3A_557] {strides = array<i32>} : memref<2x40x128xf32, #tpu.memory_space<vmem>>, vector<1x1x16xf32>,
        %get3A_559 = vector.shape_cast %get3A_558 : vector<1x1x16xf32> to vector<16xf32>
        %add3A_560 = arith.addf %get3A_553, %get3A_559 : vector<16xf32>
        %max3A_561 = arith.constant 0.000000e+00 : f32
        %max3A_562 = vector.broadcast %max3A_561 : f32 to vector<16xf32>
        %max3A_563 = arith.maximumf %add3A_560, %max3A_562 : vector<16xf32>
        %swap3A_564 = arith.constant 1 : i32
        %swap3A_565 = arith.index_cast %swap3A_564 : i32 to index
        %swap3A_566 = arith.index_cast %add3A_389 : i32 to index
        %swap3A_567 = arith.constant 112 : index
        %swap3A_568 = tpu.vector_load %arg12[%swap3A_565, %swap3A_566, %swap3A_567] {strides = array<i32>} : memref<2x40x128xf32, #tpu.memory_space<vmem>>, vector<1x1x16xf32>,
        %swap3A_569 = vector.shape_cast %swap3A_568 : vector<1x1x16xf32> to vector<16xf32>
        %swap3A_570 = vector.shape_cast %max3A_563 : vector<16xf32> to vector<1x1x16xf32>
        tpu.vector_store %arg12[%swap3A_565, %swap3A_566, %swap3A_567], %swap3A_570 {strides = array<i32>} : memref<2x40x128xf32, #tpu.memory_space<vmem>>, vector<1x1x16xf32>,
      }
      %scan3A_311 = arith.constant 40 : i32
      %mul3A_312 = arith.constant 40 : i32
      %mul3A_313 = arith.muli %add3A_271, %mul3A_312 : i32
      %add3A_314 = arith.addi %mul3A_2, %mul3A_313 : i32
      %multiple_of3A_315 = tpu.assume_multiple %add3A_314, 8 : i32
      %dma_wait3A_316 = arith.constant 1 : i32
      %dma_wait3A_317 = arith.constant 1 : i32
      %dma_wait3A_318 = arith.constant 0 : i32
      %dma_wait3A_319 = tpu.memref_slice %arg8[%dma_wait3A_316, %dma_wait3A_318] : memref<2x40xi32, #tpu.memory_space<vmem>> -> memref<1x40xi32, #tpu.memory_space<vmem>>
      %dma_wait3A_320 = tpu.memref_squeeze %dma_wait3A_319 : memref<1x40xi32, #tpu.memory_space<vmem>> -> memref<40xi32, #tpu.memory_space<vmem>>
      %dma_wait3A_321 = tpu.memref_slice %arg5[%multiple_of3A_315] : memref<320000xi32, #tpu.memory_space<hbm>> -> memref<40xi32, #tpu.memory_space<hbm>>
      %dma_wait3A_322 = tpu.memref_slice %arg13[%dma_wait3A_317] : memref<2x!tpu.dma_semaphore, #tpu.memory_space<semaphore_mem>> -> memref<1x!tpu.dma_semaphore, #tpu.memory_space<semaphore_mem>>
      %dma_wait3A_323 = tpu.memref_squeeze %dma_wait3A_322 : memref<1x!tpu.dma_semaphore, #tpu.memory_space<semaphore_mem>> -> memref<!tpu.dma_semaphore, #tpu.memory_space<semaphore_mem>>
      %dma_wait3A_324 = arith.constant 0 : i32
      %dma_wait3A_325 = tpu.memref_slice %arg8[%dma_wait3A_316, %dma_wait3A_324] : memref<2x40xi32, #tpu.memory_space<vmem>> -> memref<1x40xi32, #tpu.memory_space<vmem>>
      %dma_wait3A_326 = tpu.memref_squeeze %dma_wait3A_325 : memref<1x40xi32, #tpu.memory_space<vmem>> -> memref<40xi32, #tpu.memory_space<vmem>>
      %dma_wait3A_327 = tpu.memref_slice %arg5[%multiple_of3A_315] : memref<320000xi32, #tpu.memory_space<hbm>> -> memref<40xi32, #tpu.memory_space<hbm>>
      tpu.wait_dma2 semaphore(%dma_wait3A_323 : memref<!tpu.dma_semaphore, #tpu.memory_space<semaphore_mem>>) src(%dma_wait3A_327 : memref<40xi32, #tpu.memory_space<hbm>>) dst(%dma_wait3A_326 : memref<40xi32, #tpu.memory_space<vmem>>)
      %mul3A_328 = arith.constant 40 : i32
      %mul3A_329 = arith.muli %add3A_271, %mul3A_328 : i32
      %add3A_330 = arith.addi %mul3A_2, %mul3A_329 : i32
      %multiple_of3A_331 = tpu.assume_multiple %add3A_330, 8 : i32
      %dma_start3A_332 = arith.constant 1 : i32
      %dma_start3A_333 = arith.constant 1 : i32
      %dma_start3A_334 = arith.constant 0 : i32
      %dma_start3A_335 = arith.constant 0 : i32
      %dma_start3A_336 = tpu.memref_slice %arg12[%dma_start3A_332, %dma_start3A_334, %dma_start3A_335] : memref<2x40x128xf32, #tpu.memory_space<vmem>> -> memref<1x40x128xf32, #tpu.memory_space<vmem>>
      %dma_start3A_337 = tpu.memref_squeeze %dma_start3A_336 : memref<1x40x128xf32, #tpu.memory_space<vmem>> -> memref<40x128xf32, #tpu.memory_space<vmem>>
      %dma_start3A_338 = arith.constant 0 : i32
      %dma_start3A_339 = tpu.memref_slice %arg6[%multiple_of3A_331, %dma_start3A_338] : memref<320000x128xf32, #tpu.memory_space<hbm>> -> memref<40x128xf32, #tpu.memory_space<hbm>>
      %dma_start3A_340 = tpu.memref_slice %arg16[%dma_start3A_333] : memref<2x!tpu.dma_semaphore, #tpu.memory_space<semaphore_mem>> -> memref<1x!tpu.dma_semaphore, #tpu.memory_space<semaphore_mem>>
      %dma_start3A_341 = tpu.memref_squeeze %dma_start3A_340 : memref<1x!tpu.dma_semaphore, #tpu.memory_space<semaphore_mem>> -> memref<!tpu.dma_semaphore, #tpu.memory_space<semaphore_mem>>
      %dma_start3A_342 = arith.constant 0 : i32
      %dma_start3A_343 = tpu.memref_slice %arg6[%multiple_of3A_331, %dma_start3A_342] : memref<320000x128xf32, #tpu.memory_space<hbm>> -> memref<40x128xf32, #tpu.memory_space<hbm>>
      %dma_start3A_344 = arith.constant 0 : i32
      %dma_start3A_345 = arith.constant 0 : i32
      %dma_start3A_346 = tpu.memref_slice %arg12[%dma_start3A_332, %dma_start3A_344, %dma_start3A_345] : memref<2x40x128xf32, #tpu.memory_space<vmem>> -> memref<1x40x128xf32, #tpu.memory_space<vmem>>
      %dma_start3A_347 = tpu.memref_squeeze %dma_start3A_346 : memref<1x40x128xf32, #tpu.memory_space<vmem>> -> memref<40x128xf32, #tpu.memory_space<vmem>>
      tpu.enqueue_dma source(%dma_start3A_347 : memref<40x128xf32, #tpu.memory_space<vmem>>) target(%dma_start3A_343 : memref<40x128xf32, #tpu.memory_space<hbm>>) target_semaphore(%dma_start3A_341 : memref<!tpu.dma_semaphore, #tpu.memory_space<semaphore_mem>>)
      %dma_start3A_348 = arith.constant 1 : i32
      %dma_start3A_349 = arith.constant 1 : i32
      %dma_start3A_350 = arith.constant 1 : i32
      %dma_start3A_351 = arith.constant 0 : i32
      %dma_start3A_352 = arith.constant 0 : i32
      %dma_start3A_353 = tpu.memref_slice %arg12[%dma_start3A_348, %dma_start3A_351, %dma_start3A_352] : memref<2x40x128xf32, #tpu.memory_space<vmem>> -> memref<1x40x128xf32, #tpu.memory_space<vmem>>
      %dma_start3A_354 = tpu.memref_squeeze %dma_start3A_353 : memref<1x40x128xf32, #tpu.memory_space<vmem>> -> memref<40x128xf32, #tpu.memory_space<vmem>>
      %dma_start3A_355 = arith.constant 0 : i32
      %dma_start3A_356 = tpu.memref_slice %arg8[%dma_start3A_349, %dma_start3A_355] : memref<2x40xi32, #tpu.memory_space<vmem>> -> memref<1x40xi32, #tpu.memory_space<vmem>>
      %dma_start3A_357 = tpu.memref_squeeze %dma_start3A_356 : memref<1x40xi32, #tpu.memory_space<vmem>> -> memref<40xi32, #tpu.memory_space<vmem>>
      %dma_start3A_358 = arith.constant 0 : i32
      %dma_start3A_359 = arith.constant 0 : i32
      %dma_start3A_360 = tpu.memref_slice %arg18[%dma_start3A_358, %dma_start3A_359] : memref<10000x128xf32, #tpu.memory_space<vmem_shared>> -> memref<10000x128xf32, #tpu.memory_space<vmem_shared>>
      %dma_start3A_361 = tpu.memref_slice %arg17[%dma_start3A_350] : memref<2x!tpu.dma_semaphore, #tpu.memory_space<semaphore_mem>> -> memref<1x!tpu.dma_semaphore, #tpu.memory_space<semaphore_mem>>
      %dma_start3A_362 = tpu.memref_squeeze %dma_start3A_361 : memref<1x!tpu.dma_semaphore, #tpu.memory_space<semaphore_mem>> -> memref<!tpu.dma_semaphore, #tpu.memory_space<semaphore_mem>>
      tpu.enqueue_indirect_dma source(%dma_start3A_354 : memref<40x128xf32, #tpu.memory_space<vmem>>) target(%dma_start3A_360 : memref<10000x128xf32, #tpu.memory_space<vmem_shared>>) offsets(%dma_start3A_357 : memref<40xi32, #tpu.memory_space<vmem>>) semaphore(%dma_start3A_362 : memref<!tpu.dma_semaphore, #tpu.memory_space<semaphore_mem>>) {add = true}
      %ge3A_363 = arith.constant 1 : i32
      %ge3A_364 = arith.cmpi sge, %add3A_271, %ge3A_363 : i32
      %convert_element_type3A_365 = arith.extui %ge3A_364 : i1 to i32
      %cond3A_366 = arith.constant 0 : i32
      %cond3A_367 = arith.cmpi ne, %convert_element_type3A_365, %cond3A_366 : i32
      scf.if %cond3A_367 {
        %sub3A = arith.constant 1 : i32
        %sub3A_385 = arith.subi %add3A_271, %sub3A : i32
        %mul3A_386 = arith.constant 40 : i32
        %mul3A_387 = arith.muli %sub3A_385, %mul3A_386 : i32
        %add3A_388 = arith.addi %mul3A_2, %mul3A_387 : i32
        %multiple_of3A_389 = tpu.assume_multiple %add3A_388, 8 : i32
        %dma_wait3A_390 = arith.constant 0 : i32
        %dma_wait3A_391 = arith.constant 0 : i32
        %dma_wait3A_392 = arith.constant 0 : i32
        %dma_wait3A_393 = arith.constant 0 : i32
        %dma_wait3A_394 = tpu.memref_slice %arg12[%dma_wait3A_390, %dma_wait3A_392, %dma_wait3A_393] : memref<2x40x128xf32, #tpu.memory_space<vmem>> -> memref<1x40x128xf32, #tpu.memory_space<vmem>>
        %dma_wait3A_395 = tpu.memref_squeeze %dma_wait3A_394 : memref<1x40x128xf32, #tpu.memory_space<vmem>> -> memref<40x128xf32, #tpu.memory_space<vmem>>
        %dma_wait3A_396 = arith.constant 0 : i32
        %dma_wait3A_397 = tpu.memref_slice %arg6[%multiple_of3A_389, %dma_wait3A_396] : memref<320000x128xf32, #tpu.memory_space<hbm>> -> memref<40x128xf32, #tpu.memory_space<hbm>>
        %dma_wait3A_398 = tpu.memref_slice %arg16[%dma_wait3A_391] : memref<2x!tpu.dma_semaphore, #tpu.memory_space<semaphore_mem>> -> memref<1x!tpu.dma_semaphore, #tpu.memory_space<semaphore_mem>>
        %dma_wait3A_399 = tpu.memref_squeeze %dma_wait3A_398 : memref<1x!tpu.dma_semaphore, #tpu.memory_space<semaphore_mem>> -> memref<!tpu.dma_semaphore, #tpu.memory_space<semaphore_mem>>
        %dma_wait3A_400 = arith.constant 0 : i32
        %dma_wait3A_401 = tpu.memref_slice %arg6[%multiple_of3A_389, %dma_wait3A_400] : memref<320000x128xf32, #tpu.memory_space<hbm>> -> memref<40x128xf32, #tpu.memory_space<hbm>>
        %dma_wait3A_402 = arith.constant 0 : i32
        %dma_wait3A_403 = arith.constant 0 : i32
        %dma_wait3A_404 = tpu.memref_slice %arg12[%dma_wait3A_390, %dma_wait3A_402, %dma_wait3A_403] : memref<2x40x128xf32, #tpu.memory_space<vmem>> -> memref<1x40x128xf32, #tpu.memory_space<vmem>>
        %dma_wait3A_405 = tpu.memref_squeeze %dma_wait3A_404 : memref<1x40x128xf32, #tpu.memory_space<vmem>> -> memref<40x128xf32, #tpu.memory_space<vmem>>
        tpu.wait_dma2 semaphore(%dma_wait3A_399 : memref<!tpu.dma_semaphore, #tpu.memory_space<semaphore_mem>>) src(%dma_wait3A_405 : memref<40x128xf32, #tpu.memory_space<vmem>>) dst(%dma_wait3A_401 : memref<40x128xf32, #tpu.memory_space<hbm>>)
        %dma_wait3A_406 = arith.constant 0 : i32
        %dma_wait3A_407 = arith.constant 0 : i32
        %dma_wait3A_408 = arith.constant 0 : i32
        %dma_wait3A_409 = arith.constant 0 : i32
        %dma_wait3A_410 = arith.constant 0 : i32
        %dma_wait3A_411 = tpu.memref_slice %arg12[%dma_wait3A_406, %dma_wait3A_409, %dma_wait3A_410] : memref<2x40x128xf32, #tpu.memory_space<vmem>> -> memref<1x40x128xf32, #tpu.memory_space<vmem>>
        %dma_wait3A_412 = tpu.memref_squeeze %dma_wait3A_411 : memref<1x40x128xf32, #tpu.memory_space<vmem>> -> memref<40x128xf32, #tpu.memory_space<vmem>>
        %dma_wait3A_413 = arith.constant 0 : i32
        %dma_wait3A_414 = tpu.memref_slice %arg8[%dma_wait3A_407, %dma_wait3A_413] : memref<2x40xi32, #tpu.memory_space<vmem>> -> memref<1x40xi32, #tpu.memory_space<vmem>>
        %dma_wait3A_415 = tpu.memref_squeeze %dma_wait3A_414 : memref<1x40xi32, #tpu.memory_space<vmem>> -> memref<40xi32, #tpu.memory_space<vmem>>
        %dma_wait3A_416 = arith.constant 0 : i32
        %dma_wait3A_417 = arith.constant 0 : i32
        %dma_wait3A_418 = tpu.memref_slice %arg18[%dma_wait3A_416, %dma_wait3A_417] : memref<10000x128xf32, #tpu.memory_space<vmem_shared>> -> memref<10000x128xf32, #tpu.memory_space<vmem_shared>>
        %dma_wait3A_419 = tpu.memref_slice %arg17[%dma_wait3A_408] : memref<2x!tpu.dma_semaphore, #tpu.memory_space<semaphore_mem>> -> memref<1x!tpu.dma_semaphore, #tpu.memory_space<semaphore_mem>>
        %dma_wait3A_420 = tpu.memref_squeeze %dma_wait3A_419 : memref<1x!tpu.dma_semaphore, #tpu.memory_space<semaphore_mem>> -> memref<!tpu.dma_semaphore, #tpu.memory_space<semaphore_mem>>
        tpu.wait_indirect_dma semaphore(%dma_wait3A_420 : memref<!tpu.dma_semaphore, #tpu.memory_space<semaphore_mem>>) src(%dma_wait3A_412 : memref<40x128xf32, #tpu.memory_space<vmem>>) dst(%dma_wait3A_418 : memref<10000x128xf32, #tpu.memory_space<vmem_shared>>)
      } else {
      }
      %ge3A_368 = arith.constant 1 : i32
      %ge3A_369 = arith.cmpi sge, %add3A_271, %ge3A_368 : i32
      %add3A_370 = arith.constant 1 : i32
      %add3A_371 = arith.addi %add3A_271, %add3A_370 : i32
      %lt3A_372 = arith.constant 250 : i32
      %lt3A_373 = arith.cmpi slt, %add3A_371, %lt3A_372 : i32
      %and3A_374 = arith.andi %ge3A_369, %lt3A_373 : i1
      %convert_element_type3A_375 = arith.extui %and3A_374 : i1 to i32
      %cond3A_376 = arith.constant 0 : i32
      %cond3A_377 = arith.cmpi ne, %convert_element_type3A_375, %cond3A_376 : i32
      scf.if %cond3A_377 {
        %add3A_385 = arith.constant 1 : i32
        %add3A_386 = arith.addi %add3A_271, %add3A_385 : i32
        %mul3A_387 = arith.constant 40 : i32
        %mul3A_388 = arith.muli %add3A_386, %mul3A_387 : i32
        %add3A_389 = arith.addi %mul3A_2, %mul3A_388 : i32
        %multiple_of3A_390 = tpu.assume_multiple %add3A_389, 8 : i32
        %dma_start3A_391 = arith.constant 0 : i32
        %dma_start3A_392 = arith.constant 0 : i32
        %dma_start3A_393 = arith.constant 0 : i32
        %dma_start3A_394 = tpu.memref_slice %arg8[%dma_start3A_391, %dma_start3A_393] : memref<2x40xi32, #tpu.memory_space<vmem>> -> memref<1x40xi32, #tpu.memory_space<vmem>>
        %dma_start3A_395 = tpu.memref_squeeze %dma_start3A_394 : memref<1x40xi32, #tpu.memory_space<vmem>> -> memref<40xi32, #tpu.memory_space<vmem>>
        %dma_start3A_396 = tpu.memref_slice %arg5[%multiple_of3A_390] : memref<320000xi32, #tpu.memory_space<hbm>> -> memref<40xi32, #tpu.memory_space<hbm>>
        %dma_start3A_397 = tpu.memref_slice %arg13[%dma_start3A_392] : memref<2x!tpu.dma_semaphore, #tpu.memory_space<semaphore_mem>> -> memref<1x!tpu.dma_semaphore, #tpu.memory_space<semaphore_mem>>
        %dma_start3A_398 = tpu.memref_squeeze %dma_start3A_397 : memref<1x!tpu.dma_semaphore, #tpu.memory_space<semaphore_mem>> -> memref<!tpu.dma_semaphore, #tpu.memory_space<semaphore_mem>>
        %dma_start3A_399 = arith.constant 0 : i32
        %dma_start3A_400 = tpu.memref_slice %arg8[%dma_start3A_391, %dma_start3A_399] : memref<2x40xi32, #tpu.memory_space<vmem>> -> memref<1x40xi32, #tpu.memory_space<vmem>>
        %dma_start3A_401 = tpu.memref_squeeze %dma_start3A_400 : memref<1x40xi32, #tpu.memory_space<vmem>> -> memref<40xi32, #tpu.memory_space<vmem>>
        %dma_start3A_402 = tpu.memref_slice %arg5[%multiple_of3A_390] : memref<320000xi32, #tpu.memory_space<hbm>> -> memref<40xi32, #tpu.memory_space<hbm>>
        tpu.enqueue_dma source(%dma_start3A_402 : memref<40xi32, #tpu.memory_space<hbm>>) target(%dma_start3A_401 : memref<40xi32, #tpu.memory_space<vmem>>) target_semaphore(%dma_start3A_398 : memref<!tpu.dma_semaphore, #tpu.memory_space<semaphore_mem>>)
      } else {
      }
      %add3A_378 = arith.constant 2 : i32
      %add3A_379 = arith.addi %add3A_271, %add3A_378 : i32
      %lt3A_380 = arith.constant 250 : i32
      %lt3A_381 = arith.cmpi slt, %add3A_379, %lt3A_380 : i32
      %convert_element_type3A_382 = arith.extui %lt3A_381 : i1 to i32
      %cond3A_383 = arith.constant 0 : i32
      %cond3A_384 = arith.cmpi ne, %convert_element_type3A_382, %cond3A_383 : i32
      scf.if %cond3A_384 {
        %add3A_385 = arith.constant 2 : i32
        %add3A_386 = arith.addi %add3A_271, %add3A_385 : i32
        %mul3A_387 = arith.constant 40 : i32
        %mul3A_388 = arith.muli %add3A_386, %mul3A_387 : i32
        %multiple_of3A_389 = tpu.assume_multiple %mul3A_388, 8 : i32
        %dma_start3A_390 = arith.constant 1 : i32
        %dma_start3A_391 = arith.constant 1 : i32
        %dma_start3A_392 = arith.constant 0 : i32
        %dma_start3A_393 = arith.constant 0 : i32
        %dma_start3A_394 = tpu.memref_slice %arg10[%dma_start3A_390, %dma_start3A_392, %dma_start3A_393] : memref<2x40x128xf32, #tpu.memory_space<vmem>> -> memref<1x40x128xf32, #tpu.memory_space<vmem>>
        %dma_start3A_395 = tpu.memref_squeeze %dma_start3A_394 : memref<1x40x128xf32, #tpu.memory_space<vmem>> -> memref<40x128xf32, #tpu.memory_space<vmem>>
        %dma_start3A_396 = tpu.memref_slice %arg9[%multiple_of3A_389] : memref<10000xi32, #tpu.memory_space<vmem>> -> memref<40xi32, #tpu.memory_space<vmem>>
        %dma_start3A_397 = arith.constant 0 : i32
        %dma_start3A_398 = arith.constant 0 : i32
        %dma_start3A_399 = tpu.memref_slice %arg2[%dma_start3A_397, %dma_start3A_398] : memref<10000x128xf32, #tpu.memory_space<hbm>> -> memref<10000x128xf32, #tpu.memory_space<hbm>>
        %dma_start3A_400 = tpu.memref_slice %arg14[%dma_start3A_391] : memref<2x!tpu.dma_semaphore, #tpu.memory_space<semaphore_mem>> -> memref<1x!tpu.dma_semaphore, #tpu.memory_space<semaphore_mem>>
        %dma_start3A_401 = tpu.memref_squeeze %dma_start3A_400 : memref<1x!tpu.dma_semaphore, #tpu.memory_space<semaphore_mem>> -> memref<!tpu.dma_semaphore, #tpu.memory_space<semaphore_mem>>
        tpu.enqueue_indirect_dma source(%dma_start3A_399 : memref<10000x128xf32, #tpu.memory_space<hbm>>) target(%dma_start3A_395 : memref<40x128xf32, #tpu.memory_space<vmem>>) offsets(%dma_start3A_396 : memref<40xi32, #tpu.memory_space<vmem>>) semaphore(%dma_start3A_401 : memref<!tpu.dma_semaphore, #tpu.memory_space<semaphore_mem>>)
        %mul3A_402 = arith.constant 40 : i32
        %mul3A_403 = arith.muli %add3A_386, %mul3A_402 : i32
        %add3A_404 = arith.addi %mul3A_2, %mul3A_403 : i32
        %multiple_of3A_405 = tpu.assume_multiple %add3A_404, 8 : i32
        %dma_start3A_406 = arith.constant 1 : i32
        %dma_start3A_407 = arith.constant 1 : i32
        %dma_start3A_408 = arith.constant 0 : i32
        %dma_start3A_409 = arith.constant 0 : i32
        %dma_start3A_410 = tpu.memref_slice %arg11[%dma_start3A_406, %dma_start3A_408, %dma_start3A_409] : memref<2x40x128xf32, #tpu.memory_space<vmem>> -> memref<1x40x128xf32, #tpu.memory_space<vmem>>
        %dma_start3A_411 = tpu.memref_squeeze %dma_start3A_410 : memref<1x40x128xf32, #tpu.memory_space<vmem>> -> memref<40x128xf32, #tpu.memory_space<vmem>>
        %dma_start3A_412 = arith.constant 0 : i32
        %dma_start3A_413 = tpu.memref_slice %arg3[%multiple_of3A_405, %dma_start3A_412] : memref<320000x128xf32, #tpu.memory_space<hbm>> -> memref<40x128xf32, #tpu.memory_space<hbm>>
        %dma_start3A_414 = tpu.memref_slice %arg15[%dma_start3A_407] : memref<2x!tpu.dma_semaphore, #tpu.memory_space<semaphore_mem>> -> memref<1x!tpu.dma_semaphore, #tpu.memory_space<semaphore_mem>>
        %dma_start3A_415 = tpu.memref_squeeze %dma_start3A_414 : memref<1x!tpu.dma_semaphore, #tpu.memory_space<semaphore_mem>> -> memref<!tpu.dma_semaphore, #tpu.memory_space<semaphore_mem>>
        %dma_start3A_416 = arith.constant 0 : i32
        %dma_start3A_417 = arith.constant 0 : i32
        %dma_start3A_418 = tpu.memref_slice %arg11[%dma_start3A_406, %dma_start3A_416, %dma_start3A_417] : memref<2x40x128xf32, #tpu.memory_space<vmem>> -> memref<1x40x128xf32, #tpu.memory_space<vmem>>
        %dma_start3A_419 = tpu.memref_squeeze %dma_start3A_418 : memref<1x40x128xf32, #tpu.memory_space<vmem>> -> memref<40x128xf32, #tpu.memory_space<vmem>>
        %dma_start3A_420 = arith.constant 0 : i32
        %dma_start3A_421 = tpu.memref_slice %arg3[%multiple_of3A_405, %dma_start3A_420] : memref<320000x128xf32, #tpu.memory_space<hbm>> -> memref<40x128xf32, #tpu.memory_space<hbm>>
        tpu.enqueue_dma source(%dma_start3A_421 : memref<40x128xf32, #tpu.memory_space<hbm>>) target(%dma_start3A_419 : memref<40x128xf32, #tpu.memory_space<vmem>>) target_semaphore(%dma_start3A_415 : memref<!tpu.dma_semaphore, #tpu.memory_space<semaphore_mem>>)
      } else {
      }
    }
    %scan3A_113 = arith.constant 125 : i32
    %add3A_114 = arith.constant 9960 : i32
    %add3A_115 = arith.addi %mul3A_2, %add3A_114 : i32
    %multiple_of3A_116 = tpu.assume_multiple %add3A_115, 8 : i32
    %dma_wait3A = arith.constant 1 : i32
    %dma_wait3A_117 = arith.constant 1 : i32
    %dma_wait3A_118 = arith.constant 0 : i32
    %dma_wait3A_119 = arith.constant 0 : i32
    %dma_wait3A_120 = tpu.memref_slice %arg12[%dma_wait3A, %dma_wait3A_118, %dma_wait3A_119] : memref<2x40x128xf32, #tpu.memory_space<vmem>> -> memref<1x40x128xf32, #tpu.memory_space<vmem>>
    %dma_wait3A_121 = tpu.memref_squeeze %dma_wait3A_120 : memref<1x40x128xf32, #tpu.memory_space<vmem>> -> memref<40x128xf32, #tpu.memory_space<vmem>>
    %dma_wait3A_122 = arith.constant 0 : i32
    %dma_wait3A_123 = tpu.memref_slice %arg6[%multiple_of3A_116, %dma_wait3A_122] : memref<320000x128xf32, #tpu.memory_space<hbm>> -> memref<40x128xf32, #tpu.memory_space<hbm>>
    %dma_wait3A_124 = tpu.memref_slice %arg16[%dma_wait3A_117] : memref<2x!tpu.dma_semaphore, #tpu.memory_space<semaphore_mem>> -> memref<1x!tpu.dma_semaphore, #tpu.memory_space<semaphore_mem>>
    %dma_wait3A_125 = tpu.memref_squeeze %dma_wait3A_124 : memref<1x!tpu.dma_semaphore, #tpu.memory_space<semaphore_mem>> -> memref<!tpu.dma_semaphore, #tpu.memory_space<semaphore_mem>>
    %dma_wait3A_126 = arith.constant 0 : i32
    %dma_wait3A_127 = tpu.memref_slice %arg6[%multiple_of3A_116, %dma_wait3A_126] : memref<320000x128xf32, #tpu.memory_space<hbm>> -> memref<40x128xf32, #tpu.memory_space<hbm>>
    %dma_wait3A_128 = arith.constant 0 : i32
    %dma_wait3A_129 = arith.constant 0 : i32
    %dma_wait3A_130 = tpu.memref_slice %arg12[%dma_wait3A, %dma_wait3A_128, %dma_wait3A_129] : memref<2x40x128xf32, #tpu.memory_space<vmem>> -> memref<1x40x128xf32, #tpu.memory_space<vmem>>
    %dma_wait3A_131 = tpu.memref_squeeze %dma_wait3A_130 : memref<1x40x128xf32, #tpu.memory_space<vmem>> -> memref<40x128xf32, #tpu.memory_space<vmem>>
    tpu.wait_dma2 semaphore(%dma_wait3A_125 : memref<!tpu.dma_semaphore, #tpu.memory_space<semaphore_mem>>) src(%dma_wait3A_131 : memref<40x128xf32, #tpu.memory_space<vmem>>) dst(%dma_wait3A_127 : memref<40x128xf32, #tpu.memory_space<hbm>>)
    %dma_wait3A_132 = arith.constant 1 : i32
    %dma_wait3A_133 = arith.constant 1 : i32
    %dma_wait3A_134 = arith.constant 1 : i32
    %dma_wait3A_135 = arith.constant 0 : i32
    %dma_wait3A_136 = arith.constant 0 : i32
    %dma_wait3A_137 = tpu.memref_slice %arg12[%dma_wait3A_132, %dma_wait3A_135, %dma_wait3A_136] : memref<2x40x128xf32, #tpu.memory_space<vmem>> -> memref<1x40x128xf32, #tpu.memory_space<vmem>>
    %dma_wait3A_138 = tpu.memref_squeeze %dma_wait3A_137 : memref<1x40x128xf32, #tpu.memory_space<vmem>> -> memref<40x128xf32, #tpu.memory_space<vmem>>
    %dma_wait3A_139 = arith.constant 0 : i32
    %dma_wait3A_140 = tpu.memref_slice %arg8[%dma_wait3A_133, %dma_wait3A_139] : memref<2x40xi32, #tpu.memory_space<vmem>> -> memref<1x40xi32, #tpu.memory_space<vmem>>
    %dma_wait3A_141 = tpu.memref_squeeze %dma_wait3A_140 : memref<1x40xi32, #tpu.memory_space<vmem>> -> memref<40xi32, #tpu.memory_space<vmem>>
    %dma_wait3A_142 = arith.constant 0 : i32
    %dma_wait3A_143 = arith.constant 0 : i32
    %dma_wait3A_144 = tpu.memref_slice %arg18[%dma_wait3A_142, %dma_wait3A_143] : memref<10000x128xf32, #tpu.memory_space<vmem_shared>> -> memref<10000x128xf32, #tpu.memory_space<vmem_shared>>
    %dma_wait3A_145 = tpu.memref_slice %arg17[%dma_wait3A_134] : memref<2x!tpu.dma_semaphore, #tpu.memory_space<semaphore_mem>> -> memref<1x!tpu.dma_semaphore, #tpu.memory_space<semaphore_mem>>
    %dma_wait3A_146 = tpu.memref_squeeze %dma_wait3A_145 : memref<1x!tpu.dma_semaphore, #tpu.memory_space<semaphore_mem>> -> memref<!tpu.dma_semaphore, #tpu.memory_space<semaphore_mem>>
    tpu.wait_indirect_dma semaphore(%dma_wait3A_146 : memref<!tpu.dma_semaphore, #tpu.memory_space<semaphore_mem>>) src(%dma_wait3A_138 : memref<40x128xf32, #tpu.memory_space<vmem>>) dst(%dma_wait3A_144 : memref<10000x128xf32, #tpu.memory_space<vmem_shared>>)
    %barrier3A_147 = arith.constant 0 : index
    tpu.barrier barrier_id(%barrier3A_147)
    %mul3A_148 = arith.constant 625 : i32
    %mul3A_149 = arith.muli %arg1, %mul3A_148 : i32
    %mul3A_150 = arith.constant 16 : i32
    %mul3A_151 = arith.muli %arg0, %mul3A_150 : i32
    %add3A_152 = arith.addi %mul3A_151, %arg1 : i32
    "tpu.region"() ({
      %run_scoped3A = tpu.sem_alloc : memref<!tpu.dma_semaphore, #tpu.memory_space<semaphore_mem>>
      %dma_start3A_153 = arith.constant 0 : i32
      %dma_start3A_154 = arith.constant 0 : i32
      %dma_start3A_155 = tpu.memref_slice %arg7[%add3A_152, %dma_start3A_153, %dma_start3A_154] : memref<32x625x128xf32, #tpu.memory_space<hbm>> -> memref<1x625x128xf32, #tpu.memory_space<hbm>>
      %dma_start3A_156 = tpu.memref_squeeze %dma_start3A_155 : memref<1x625x128xf32, #tpu.memory_space<hbm>> -> memref<625x128xf32, #tpu.memory_space<hbm>>
      %dma_start3A_157 = arith.constant 0 : i32
      %dma_start3A_158 = tpu.memref_slice %arg18[%mul3A_149, %dma_start3A_157] : memref<10000x128xf32, #tpu.memory_space<vmem_shared>> -> memref<625x128xf32, #tpu.memory_space<vmem_shared>>
      tpu.enqueue_dma source(%dma_start3A_158 : memref<625x128xf32, #tpu.memory_space<vmem_shared>>) target(%dma_start3A_156 : memref<625x128xf32, #tpu.memory_space<hbm>>) target_semaphore(%run_scoped3A : memref<!tpu.dma_semaphore, #tpu.memory_space<semaphore_mem>>)
      %dma_wait3A_159 = arith.constant 0 : i32
      %dma_wait3A_160 = arith.constant 0 : i32
      %dma_wait3A_161 = tpu.memref_slice %arg7[%add3A_152, %dma_wait3A_159, %dma_wait3A_160] : memref<32x625x128xf32, #tpu.memory_space<hbm>> -> memref<1x625x128xf32, #tpu.memory_space<hbm>>
      %dma_wait3A_162 = tpu.memref_squeeze %dma_wait3A_161 : memref<1x625x128xf32, #tpu.memory_space<hbm>> -> memref<625x128xf32, #tpu.memory_space<hbm>>
      %dma_wait3A_163 = arith.constant 0 : i32
      %dma_wait3A_164 = tpu.memref_slice %arg18[%mul3A_149, %dma_wait3A_163] : memref<10000x128xf32, #tpu.memory_space<vmem_shared>> -> memref<625x128xf32, #tpu.memory_space<vmem_shared>>
      tpu.wait_dma2 semaphore(%run_scoped3A : memref<!tpu.dma_semaphore, #tpu.memory_space<semaphore_mem>>) src(%dma_wait3A_164 : memref<625x128xf32, #tpu.memory_space<vmem_shared>>) dst(%dma_wait3A_162 : memref<625x128xf32, #tpu.memory_space<hbm>>)
      tpu.yield
    }) : () -> ()
    return
  }
}

module attributes {stable_mosaic.version = 14 : i64} {
  func.func @_edge_mm_body(%arg0: i32, %arg1: memref<3200x16xf32, #tpu.memory_space<vmem>>, %arg2: memref<128x16xf32, #tpu.memory_space<vmem>>, %arg3: memref<3200x128xf32, #tpu.memory_space<vmem>>) attributes {dimension_semantics = [#tpu.dimension_semantics<arbitrary>], iteration_bounds = array<i64: 100>, scalar_prefetch = 0 : i64, scratch_operands = 0 : i64, tpu.core_type = #tpu.core_type<tc>, window_params = [{transform_indices = @transform_0, window_bounds = array<i64: 3200, 16>}, {pipeline_mode = #tpu.pipeline_mode<synchronous>, transform_indices = @transform_1, window_bounds = array<i64: 128, 16>}, {transform_indices = @transform_2, window_bounds = array<i64: 3200, 128>}]} {
    %get3A = arith.constant 0 : index
    %get3A_0 = arith.constant 0 : index
    %get3A_1 = vector.load %arg1[%get3A, %get3A_0] : memref<3200x16xf32, #tpu.memory_space<vmem>>, vector<3200x16xf32>
    %get3A_2 = arith.constant 0 : index
    %get3A_3 = arith.constant 0 : index
    %get3A_4 = vector.load %arg2[%get3A_2, %get3A_3] : memref<128x16xf32, #tpu.memory_space<vmem>>, vector<128x16xf32>
    %dot_general3A = arith.constant dense<0.000000e+00> : vector<3200x128xf32>
    %dot_general3A_5 = tpu.matmul %get3A_1, %get3A_4, %dot_general3A {dimension_numbers = #tpu.dot_dimension_numbers<[1], [1], [0], [0], [0, 0, 1, 0], [], []>, transpose_lhs_hint = false} : vector<3200x16xf32>, vector<128x16xf32>, vector<3200x128xf32> -> vector<3200x128xf32>
    %swap3A = arith.constant 0 : index
    %swap3A_6 = arith.constant 0 : index
    %swap3A_7 = vector.load %arg3[%swap3A, %swap3A_6] : memref<3200x128xf32, #tpu.memory_space<vmem>>, vector<3200x128xf32>
    tpu.vector_store %arg3[%swap3A, %swap3A_6], %dot_general3A_5 {strides = array<i32>} : memref<3200x128xf32, #tpu.memory_space<vmem>>, vector<3200x128xf32>,
    return
  }
  func.func @transform_0(%arg0: i32) -> (i32, i32) {
    %c0_i32 = arith.constant 0 : i32
    %c0_i32_0 = arith.constant 0 : i32
    return %arg0, %c0_i32 : i32, i32
  }
  func.func @transform_1(%arg0: i32) -> (i32, i32) {
    %c0_i32 = arith.constant 0 : i32
    %c0_i32_0 = arith.constant 0 : i32
    %c0_i32_1 = arith.constant 0 : i32
    return %c0_i32, %c0_i32_0 : i32, i32
  }
  func.func @transform_2(%arg0: i32) -> (i32, i32) {
    %c0_i32 = arith.constant 0 : i32
    %c0_i32_0 = arith.constant 0 : i32
    return %arg0, %c0_i32 : i32, i32
  }
}

module attributes {stable_mosaic.version = 14 : i64} {
  func.func @_first_body(%arg0: memref<10000x128xf32, #tpu.memory_space<vmem>>, %arg1: memref<128x128xf32, #tpu.memory_space<vmem>>, %arg2: memref<128x128xf32, #tpu.memory_space<vmem>>, %arg3: memref<1x128xf32, #tpu.memory_space<vmem>>, %arg4: memref<10000x128xf32, #tpu.memory_space<vmem>>, %arg5: memref<10000x128xf32, #tpu.memory_space<vmem>>) attributes {dimension_semantics = [], scalar_prefetch = 0 : i64, scratch_operands = 0 : i64, tpu.core_type = #tpu.core_type<tc>} {
    %get3A = arith.constant 0 : index
    %get3A_0 = arith.constant 0 : index
    %get3A_1 = vector.load %arg0[%get3A, %get3A_0] : memref<10000x128xf32, #tpu.memory_space<vmem>>, vector<10000x128xf32>
    %get3A_2 = arith.constant 0 : index
    %get3A_3 = arith.constant 0 : index
    %get3A_4 = vector.load %arg1[%get3A_2, %get3A_3] : memref<128x128xf32, #tpu.memory_space<vmem>>, vector<128x128xf32>
    %dot_general3A = arith.constant dense<0.000000e+00> : vector<10000x128xf32>
    %dot_general3A_5 = tpu.matmul %get3A_1, %get3A_4, %dot_general3A {dimension_numbers = #tpu.dot_dimension_numbers<[1], [1], [0], [0], [0, 0, 1, 0], [], []>, transpose_lhs_hint = false} : vector<10000x128xf32>, vector<128x128xf32>, vector<10000x128xf32> -> vector<10000x128xf32>
    %swap3A = arith.constant 0 : index
    %swap3A_6 = arith.constant 0 : index
    %swap3A_7 = vector.load %arg4[%swap3A, %swap3A_6] : memref<10000x128xf32, #tpu.memory_space<vmem>>, vector<10000x128xf32>
    tpu.vector_store %arg4[%swap3A, %swap3A_6], %dot_general3A_5 {strides = array<i32>} : memref<10000x128xf32, #tpu.memory_space<vmem>>, vector<10000x128xf32>,
    %get3A_8 = arith.constant 0 : index
    %get3A_9 = arith.constant 0 : index
    %get3A_10 = vector.load %arg2[%get3A_8, %get3A_9] : memref<128x128xf32, #tpu.memory_space<vmem>>, vector<128x128xf32>
    %dot_general3A_11 = arith.constant dense<0.000000e+00> : vector<10000x128xf32>
    %dot_general3A_12 = tpu.matmul %get3A_1, %get3A_10, %dot_general3A_11 {dimension_numbers = #tpu.dot_dimension_numbers<[1], [1], [0], [0], [0, 0, 1, 0], [], []>, transpose_lhs_hint = false} : vector<10000x128xf32>, vector<128x128xf32>, vector<10000x128xf32> -> vector<10000x128xf32>
    %get3A_13 = arith.constant 0 : index
    %get3A_14 = arith.constant 0 : index
    %get3A_15 = vector.load %arg3[%get3A_13, %get3A_14] : memref<1x128xf32, #tpu.memory_space<vmem>>, vector<1x128xf32>
    %add3A = vector.broadcast %get3A_15 : vector<1x128xf32> to vector<10000x128xf32>
    %add3A_16 = arith.addf %dot_general3A_12, %add3A : vector<10000x128xf32>
    %swap3A_17 = arith.constant 0 : index
    %swap3A_18 = arith.constant 0 : index
    %swap3A_19 = vector.load %arg5[%swap3A_17, %swap3A_18] : memref<10000x128xf32, #tpu.memory_space<vmem>>, vector<10000x128xf32>
    tpu.vector_store %arg5[%swap3A_17, %swap3A_18], %add3A_16 {strides = array<i32>} : memref<10000x128xf32, #tpu.memory_space<vmem>>, vector<10000x128xf32>,
    return
  }
}

module attributes {stable_mosaic.version = 14 : i64} {
  func.func @_sum_mm_body(%arg0: memref<2x10000x128xf32, #tpu.memory_space<vmem>>, %arg1: memref<128x128xf32, #tpu.memory_space<vmem>>, %arg2: memref<10000x128xf32, #tpu.memory_space<vmem>>) attributes {dimension_semantics = [], scalar_prefetch = 0 : i64, scratch_operands = 0 : i64, tpu.core_type = #tpu.core_type<tc>} {
    %get3A = arith.constant 0 : index
    %get3A_0 = arith.constant 0 : index
    %get3A_1 = arith.constant 0 : index
    %get3A_2 = vector.load %arg0[%get3A, %get3A_0, %get3A_1] : memref<2x10000x128xf32, #tpu.memory_space<vmem>>, vector<1x10000x128xf32>
    %get3A_3 = vector.shape_cast %get3A_2 : vector<1x10000x128xf32> to vector<10000x128xf32>
    %get3A_4 = arith.constant 1 : index
    %get3A_5 = arith.constant 0 : index
    %get3A_6 = arith.constant 0 : index
    %get3A_7 = vector.load %arg0[%get3A_4, %get3A_5, %get3A_6] : memref<2x10000x128xf32, #tpu.memory_space<vmem>>, vector<1x10000x128xf32>
    %get3A_8 = vector.shape_cast %get3A_7 : vector<1x10000x128xf32> to vector<10000x128xf32>
    %add3A = arith.addf %get3A_3, %get3A_8 : vector<10000x128xf32>
    %get3A_9 = arith.constant 0 : index
    %get3A_10 = arith.constant 0 : index
    %get3A_11 = vector.load %arg1[%get3A_9, %get3A_10] : memref<128x128xf32, #tpu.memory_space<vmem>>, vector<128x128xf32>
    %dot_general3A = arith.constant dense<0.000000e+00> : vector<10000x128xf32>
    %dot_general3A_12 = tpu.matmul %add3A, %get3A_11, %dot_general3A {dimension_numbers = #tpu.dot_dimension_numbers<[1], [1], [0], [0], [0, 0, 1, 0], [], []>, transpose_lhs_hint = false} : vector<10000x128xf32>, vector<128x128xf32>, vector<10000x128xf32> -> vector<10000x128xf32>
    %swap3A = arith.constant 0 : index
    %swap3A_13 = arith.constant 0 : index
    %swap3A_14 = vector.load %arg2[%swap3A, %swap3A_13] : memref<10000x128xf32, #tpu.memory_space<vmem>>, vector<10000x128xf32>
    tpu.vector_store %arg2[%swap3A, %swap3A_13], %dot_general3A_12 {strides = array<i32>} : memref<10000x128xf32, #tpu.memory_space<vmem>>, vector<10000x128xf32>,
    return
  }
}

module attributes {stable_mosaic.version = 14 : i64} {
  func.func @_final_body(%arg0: i32, %arg1: memref<2000x128xf32, #tpu.memory_space<vmem>>, %arg2: memref<2x2000x128xf32, #tpu.memory_space<vmem>>, %arg3: memref<1x1x2000xi32, #tpu.memory_space<vmem>>, %arg4: memref<128x128xf32, #tpu.memory_space<vmem>>, %arg5: memref<512x128xf32, #tpu.memory_space<vmem>>, %arg6: memref<512x128xf32, #tpu.memory_space<vmem>>) attributes {dimension_semantics = [#tpu.dimension_semantics<arbitrary>], iteration_bounds = array<i64: 5>, scalar_prefetch = 0 : i64, scratch_operands = 1 : i64, tpu.core_type = #tpu.core_type<tc>, window_params = [{transform_indices = @transform_0, window_bounds = array<i64: 2000, 128>}, {transform_indices = @transform_1, window_bounds = array<i64: 2, 2000, 128>}, {transform_indices = @transform_2, window_bounds = array<i64: 1, 1, 2000>}, {pipeline_mode = #tpu.pipeline_mode<synchronous>, transform_indices = @transform_3, window_bounds = array<i64: 128, 128>}, {pipeline_mode = #tpu.pipeline_mode<synchronous>, transform_indices = @transform_4, window_bounds = array<i64: 512, 128>}]} {
    %get3A = arith.constant 0 : index
    %get3A_0 = arith.constant 0 : index
    %get3A_1 = arith.constant 0 : index
    %get3A_2 = vector.load %arg2[%get3A, %get3A_0, %get3A_1] : memref<2x2000x128xf32, #tpu.memory_space<vmem>>, vector<1x2000x128xf32>
    %get3A_3 = vector.shape_cast %get3A_2 : vector<1x2000x128xf32> to vector<2000x128xf32>
    %get3A_4 = arith.constant 1 : index
    %get3A_5 = arith.constant 0 : index
    %get3A_6 = arith.constant 0 : index
    %get3A_7 = vector.load %arg2[%get3A_4, %get3A_5, %get3A_6] : memref<2x2000x128xf32, #tpu.memory_space<vmem>>, vector<1x2000x128xf32>
    %get3A_8 = vector.shape_cast %get3A_7 : vector<1x2000x128xf32> to vector<2000x128xf32>
    %add3A = arith.addf %get3A_3, %get3A_8 : vector<2000x128xf32>
    %get3A_9 = arith.constant 0 : index
    %get3A_10 = arith.constant 0 : index
    %get3A_11 = vector.load %arg1[%get3A_9, %get3A_10] : memref<2000x128xf32, #tpu.memory_space<vmem>>, vector<2000x128xf32>
    %get3A_12 = arith.constant 0 : index
    %get3A_13 = arith.constant 0 : index
    %get3A_14 = vector.load %arg4[%get3A_12, %get3A_13] : memref<128x128xf32, #tpu.memory_space<vmem>>, vector<128x128xf32>
    %dot_general3A = arith.constant dense<0.000000e+00> : vector<2000x128xf32>
    %dot_general3A_15 = tpu.matmul %add3A, %get3A_14, %dot_general3A {dimension_numbers = #tpu.dot_dimension_numbers<[1], [1], [0], [0], [0, 0, 1, 0], [], []>, transpose_lhs_hint = false} : vector<2000x128xf32>, vector<128x128xf32>, vector<2000x128xf32> -> vector<2000x128xf32>
    %add3A_16 = arith.addf %get3A_11, %dot_general3A_15 : vector<2000x128xf32>
    %max3A = arith.constant 0.000000e+00 : f32
    %max3A_17 = vector.broadcast %max3A : f32 to vector<2000x128xf32>
    %max3A_18 = arith.maximumf %add3A_16, %max3A_17 : vector<2000x128xf32>
    %get3A_19 = arith.constant 0 : index
    %get3A_20 = arith.constant 0 : index
    %get3A_21 = arith.constant 0 : index
    %get3A_22 = vector.load %arg3[%get3A_19, %get3A_20, %get3A_21] : memref<1x1x2000xi32, #tpu.memory_space<vmem>>, vector<1x1x2000xi32>
    %get3A_23 = vector.shape_cast %get3A_22 : vector<1x1x2000xi32> to vector<2000xi32>
    %iota3A = tpu.iota {dimensions = array<i32: 0>} : vector<512x2000xi32>
    %broadcast_in_dim3A = vector.shape_cast %get3A_23 : vector<2000xi32> to vector<1x2000xi32>
    %eq3A = vector.broadcast %broadcast_in_dim3A : vector<1x2000xi32> to vector<512x2000xi32>
    %eq3A_24 = arith.cmpi eq, %iota3A, %eq3A : vector<512x2000xi32>
    %convert_element_type3A = arith.extui %eq3A_24 : vector<512x2000xi1> to vector<512x2000xi32>
    %convert_element_type3A_25 = arith.sitofp %convert_element_type3A : vector<512x2000xi32> to vector<512x2000xf32>
    %dot_general3A_26 = arith.constant dense<0.000000e+00> : vector<512x128xf32>
    %dot_general3A_27 = tpu.matmul %convert_element_type3A_25, %max3A_18, %dot_general3A_26 {dimension_numbers = #tpu.dot_dimension_numbers<[1], [0], [0], [1], [0, 0, 1, 1], [], []>, transpose_lhs_hint = false} : vector<512x2000xf32>, vector<2000x128xf32>, vector<512x128xf32> -> vector<512x128xf32>
    %eq3A_28 = arith.constant 0 : i32
    %eq3A_29 = arith.cmpi eq, %arg0, %eq3A_28 : i32
    %convert_element_type3A_30 = arith.extui %eq3A_29 : i1 to i32
    %cond3A = arith.constant 0 : i32
    %cond3A_31 = arith.cmpi ne, %convert_element_type3A_30, %cond3A : i32
    scf.if %cond3A_31 {
      %broadcast_in_dim3A_44 = arith.constant 0.000000e+00 : f32
      %broadcast_in_dim3A_45 = vector.broadcast %broadcast_in_dim3A_44 : f32 to vector<512x128xf32>
      %swap3A_46 = arith.constant 0 : index
      %swap3A_47 = arith.constant 0 : index
      %swap3A_48 = vector.load %arg6[%swap3A_46, %swap3A_47] : memref<512x128xf32, #tpu.memory_space<vmem>>, vector<512x128xf32>
      tpu.vector_store %arg6[%swap3A_46, %swap3A_47], %broadcast_in_dim3A_45 {strides = array<i32>} : memref<512x128xf32, #tpu.memory_space<vmem>>, vector<512x128xf32>,
    } else {
    }
    %get3A_32 = arith.constant 0 : index
    %get3A_33 = arith.constant 0 : index
    %get3A_34 = vector.load %arg6[%get3A_32, %get3A_33] : memref<512x128xf32, #tpu.memory_space<vmem>>, vector<512x128xf32>
    %add3A_35 = arith.addf %get3A_34, %dot_general3A_27 : vector<512x128xf32>
    %swap3A = arith.constant 0 : index
    %swap3A_36 = arith.constant 0 : index
    %swap3A_37 = vector.load %arg6[%swap3A, %swap3A_36] : memref<512x128xf32, #tpu.memory_space<vmem>>, vector<512x128xf32>
    tpu.vector_store %arg6[%swap3A, %swap3A_36], %add3A_35 {strides = array<i32>} : memref<512x128xf32, #tpu.memory_space<vmem>>, vector<512x128xf32>,
    %get3A_38 = arith.constant 0 : index
    %get3A_39 = arith.constant 0 : index
    %get3A_40 = vector.load %arg6[%get3A_38, %get3A_39] : memref<512x128xf32, #tpu.memory_space<vmem>>, vector<512x128xf32>
    %swap3A_41 = arith.constant 0 : index
    %swap3A_42 = arith.constant 0 : index
    %swap3A_43 = vector.load %arg5[%swap3A_41, %swap3A_42] : memref<512x128xf32, #tpu.memory_space<vmem>>, vector<512x128xf32>
    tpu.vector_store %arg5[%swap3A_41, %swap3A_42], %get3A_40 {strides = array<i32>} : memref<512x128xf32, #tpu.memory_space<vmem>>, vector<512x128xf32>,
    return
  }
  func.func @transform_0(%arg0: i32) -> (i32, i32) {
    %c0_i32 = arith.constant 0 : i32
    %c0_i32_0 = arith.constant 0 : i32
    return %arg0, %c0_i32 : i32, i32
  }
  func.func @transform_1(%arg0: i32) -> (i32, i32, i32) {
    %c0_i32 = arith.constant 0 : i32
    %c0_i32_0 = arith.constant 0 : i32
    %c0_i32_1 = arith.constant 0 : i32
    return %c0_i32, %arg0, %c0_i32_0 : i32, i32, i32
  }
  func.func @transform_2(%arg0: i32) -> (i32, i32, i32) {
    %c0_i32 = arith.constant 0 : i32
    %c0_i32_0 = arith.constant 0 : i32
    %c0_i32_1 = arith.constant 0 : i32
    return %arg0, %c0_i32, %c0_i32_0 : i32, i32, i32
  }
  func.func @transform_3(%arg0: i32) -> (i32, i32) {
    %c0_i32 = arith.constant 0 : i32
    %c0_i32_0 = arith.constant 0 : i32
    %c0_i32_1 = arith.constant 0 : i32
    return %c0_i32, %c0_i32_0 : i32, i32
  }
  func.func @transform_4(%arg0: i32) -> (i32, i32) {
    %c0_i32 = arith.constant 0 : i32
    %c0_i32_0 = arith.constant 0 : i32
    %c0_i32_1 = arith.constant 0 : i32
    return %c0_i32, %c0_i32_0 : i32, i32
  }
}

</mosaic_0001>

<sc_bundles>
// kernel: kernel.10.cloned.1.call-start
scs
__scs_entry_jumppad:
0x0: {  	(pc) =	sbr.rel $0x88, $3  }
0x1: {  	(tag) =	ssettag $0x0;
	lr =	simm.s32 $0x1  }
0x2: {  	[smem:$0x3F99] =	sst lr;
	_ =	strace $0xD0000000  }
0x3: {  	_ = 	snop  }
0x4: {  	_ = 	snop  }
0x5: {  	_ = 	snop  }
0x6: {  	_ = 	snop  }
0x7: {  	_ = 	snop  }
__scs_overlays_trampoline_lowered:
0x8: {  	[smem:$0x3FA8] =	sst s0  }
0x9: {  	[smem:$0x3FA9] =	sst s1  }
0xa: {  	[smem:$0x3FAA] =	sst s2  }
0xb: {  	[smem:$0x3FAB] =	sst s3  }
0xc: {  	[smem:$0x3FAC] =	sst s4  }
0xd: {  	[smem:$0x3FAD] =	sst s5  }
0xe: {  	[smem:$0x3FAE] =	sst s6  }
0xf: {  	[smem:$0x3FAF] =	sst s7  }
0x10: {  	[smem:$0x3FB0] =	sst s8  }
0x11: {  	[smem:$0x3FB1] =	sst s9;
	s0 =	simm.s32 @!p0 $0x0  }
0x12: {  	s1 =	sld [smem:$0x3F97];
	s0 =	simm.s32 @p0 $0x1  }
0x13: {  	[smem:$0x3FB2] =	sst s0;
	s0 =	simm.s32 @!p1 $0x0  }
0x14: {  	s2 =	sld [smem:$0x3F96];
	s0 =	simm.s32 @p1 $0x1  }
0x15: {  	[smem:$0x3FB3] =	sst s0;
	s0 =	simm.s32 @!p2 $0x0  }
0x16: {  	s3 =	sld [smem:$0x3FDB];
	s0 =	simm.s32 @p2 $0x1  }
0x17: {  	s4 =	simm.s32 $0x1BF5;
	[smem:$0x3FB5] =	sst s0  }
0x18: {  	s0 =	sld [smem:$0x3F98];
	_ =	swait.ge [sflag:s4], $0x0  }
0x19: {  	s7 =	sld [smem:$0x3F99]  }
0x1a: {  	s8 =	sadd.s32 $0xFFFFE003, lr  }
0x1b: {  	s9 =	sadd.s32 $0xFFFFFEF7, lr;
	s5 =	simm.s32 $0xFFFFFFFF;
	p2 =	slt.u32 s8, $0xFFFFF086  }
0x1c: {  	p1 =	slt.u32 s9, $0xF7A;
	s5 =	simm.s32 @!p2 $0x0  }
0x1d: {  	s5 =	simm.s32 @p1 $0x1;
	p0 =	seq.s32 s7, s2  }
0x1e: {  	s7 =	smul.u32 @!p0 $0xF7A, s2;
	p2 =	seq.s32 @!p0 s5, $0x0  }
0x1f: {  	s9 =	smul.u32 $0xF7A, s1;
	s8 =	simm.s32 @!p0 $0x1BF5;
	p2 =	por !p2, p0  }
0x20: {  	[sflag:s8] =	ssyncset.s32 @!p0 $0xFFFFF086;
	s6 =	sadd.s32 @!p0 s3, s7;
	s7 =	simm.s32 @!p0 $0x108  }
0x21: {  	s3 =	sadd.s32 s3, s9;
	s6 =	sadd.s32 @!p0 $0x88, s6;
	s7 =	simm.s32 @p2 $0x1082  }
0x22: {  	[simem:s7], [sflag:s8] =	dma.local @!p0 [hbm:s6], $0xF7A  }
0x23: {  	s9 =	sor.u32 $0xD0000000, s2;
	s6 =	simm.s32 $0x108;
	_ =	swait.ge @!p0 [sflag:s8], $0x0  }
0x24: {  	s3 =	sadd.s32 $0x88, s3;
	s6 =	simm.s32 @!p1 $0x1082;
	[sflag:s4] =	ssyncset.s32 $0xFFFFF086  }
0x25: {  	[simem:s6], [sflag:s4] =	dma.local [hbm:s3], $0xF7A  }
0x26: {  	[smem:$0x3F99] =	sst s1;
	(tag) =	ssettag s2;
	_ =	strace s9  }
0x27: {  	s1 =	sld [smem:$0x3FA9]  }
0x28: {  	s2 =	sld [smem:$0x3FAA]  }
0x29: {  	s4 =	sld [smem:$0x3FAC]  }
0x2a: {  	p0 =	seq.s32 s5, $0x0;
	s5 =	sld [smem:$0x3FAD]  }
0x2b: {  	s6 =	sld [smem:$0x3FAE]  }
0x2c: {  	s7 =	sld [smem:$0x3FAF]  }
0x2d: {  	s3 =	simm.s32 $0x108;
	s8 =	sld [smem:$0x3FB0]  }
0x2e: {  	s3 =	simm.s32 @!p0 $0x1082;
	s9 =	sld [smem:$0x3FB1]  }
0x2f: {  	lr =	sadd.s32 s0, s3;
	s0 =	sld [smem:$0x3FA8]  }
0x30: {  	s3 =	sld [smem:$0x3FAB]  }
0x31: {  	[smem:$0x3FB4] =	sst s10  }
0x32: {  	s10 =	sld [smem:$0x3FB2];
	_ =	sdelay $0x3  }
0x33: {  	p0 =	seq.s32 s10, $0x1;
	s10 =	sld [smem:$0x3FB4];
	_ =	sdelay $0x3  }
0x34: {  	[smem:$0x3FB4] =	sst s10  }
0x35: {  	s10 =	sld [smem:$0x3FB3];
	_ =	sdelay $0x3  }
0x36: {  	p1 =	seq.s32 s10, $0x1;
	s10 =	sld [smem:$0x3FB4];
	_ =	sdelay $0x3  }
0x37: {  	[smem:$0x3FB4] =	sst s10  }
0x38: {  	s10 =	sld [smem:$0x3FB5]  }
0x39: {  	_ = 	snop;
	(pc) =	sbr.ind lr, $3  }
0x3a: {  	_ = 	snop  }
0x3b: {  	_ = 	snop  }
0x3c: {  	p2 =	seq.s32 s10, $0x1;
	s10 =	sld [smem:$0x3FB4]  }
0x3d: {  	_ =	shalt  }
0x3e: {  	_ =	shalt  }
0x3f: {  	_ =	shalt  }
0x40: {  	_ =	shalt  }
0x41: {  	_ =	shalt  }
0x42: {  	_ =	shalt  }
0x43: {  	_ =	shalt  }
0x44: {  	_ =	shalt  }
0x45: {  	_ =	shalt  }
0x46: {  	_ =	shalt  }
0x47: {  	_ =	shalt  }
0x48: {  	_ =	shalt  }
0x49: {  	_ =	shalt  }
0x4a: {  	_ =	shalt  }
0x4b: {  	_ =	shalt  }
0x4c: {  	_ =	shalt  }
0x4d: {  	_ =	shalt  }
0x4e: {  	_ =	shalt  }
0x4f: {  	_ =	shalt  }
0x50: {  	_ =	shalt  }
0x51: {  	_ =	shalt  }
0x52: {  	_ =	shalt  }
0x53: {  	_ =	shalt  }
0x54: {  	_ =	shalt  }
0x55: {  	_ =	shalt  }
0x56: {  	_ =	shalt  }
0x57: {  	_ =	shalt  }
0x58: {  	_ =	shalt  }
0x59: {  	_ =	shalt  }
0x5a: {  	_ =	shalt  }
0x5b: {  	_ =	shalt  }
0x5c: {  	_ =	shalt  }
0x5d: {  	_ =	shalt  }
0x5e: {  	_ =	shalt  }
0x5f: {  	_ =	shalt  }
0x60: {  	_ =	shalt  }
0x61: {  	_ =	shalt  }
0x62: {  	_ =	shalt  }
0x63: {  	_ =	shalt  }
0x64: {  	_ =	shalt  }
0x65: {  	_ =	shalt  }
0x66: {  	_ =	shalt  }
0x67: {  	_ =	shalt  }
0x68: {  	_ =	shalt  }
0x69: {  	_ =	shalt  }
0x6a: {  	_ =	shalt  }
0x6b: {  	_ =	shalt  }
0x6c: {  	_ =	shalt  }
0x6d: {  	_ =	shalt  }
0x6e: {  	_ =	shalt  }
0x6f: {  	_ =	shalt  }
0x70: {  	_ =	shalt  }
0x71: {  	_ =	shalt  }
0x72: {  	_ =	shalt  }
0x73: {  	_ =	shalt  }
0x74: {  	_ =	shalt  }
0x75: {  	_ =	shalt  }
0x76: {  	_ =	shalt  }
0x77: {  	_ =	shalt  }
0x78: {  	_ =	shalt  }
0x79: {  	_ =	shalt  }
0x7a: {  	_ =	shalt  }
0x7b: {  	_ =	shalt  }
0x7c: {  	_ =	shalt  }
0x7d: {  	_ =	shalt  }
0x7e: {  	_ =	shalt  }
0x7f: {  	_ =	shalt  }
0x80: {  	_ =	shalt  }
0x81: {  	_ =	shalt  }
0x82: {  	_ =	shalt  }
0x83: {  	_ =	shalt  }
0x84: {  	_ =	shalt  }
0x85: {  	_ =	shalt  }
0x86: {  	_ =	shalt  }
0x87: {  	_ =	shalt  }
.Lfunc_end0:
.L_simem_size_0:
called_computation_lowered:
.L_overlay_start_0:
0x88: {  	s2 =	sld [smem:$0x3FD9]  }
0x89: {  	s3 =	sld [smem:$0x3FFE];
	_ =	sdelay $0x1  }
0x8a: {  	s1 =	srdreg.scid  }
0x8b: {  	s0 =	sand.u32 $0x1, s1  }
0x8c: {  	s16 =	sshll.u32 s0, $0xA;
	s2 =	sadd.s32 s3, s2  }
0x8d: {  	s2 =	sadd.s32 s2, s16  }
0x8e: {  	[smem:$0x3FC0] =	sst s2  }
0x8f: {  	_ = 	snop  }
0x90: {  	(tm) =	ssettm $0x1  }
0x91: {  	s17 =	sld [smem:$0x3FFB];
	_ =	sdelay $0x3  }
0x92: {  	_ =	strace s17  }
0x93: {  	s2 =	sld [smem:$0x3FFC];
	_ =	sdelay $0x3  }
0x94: {  	_ =	strace s2  }
0x95: {  	s2 =	sld [smem:$0x3FFD];
	_ =	sdelay $0x3  }
0x96: {  	_ =	strace s2  }
0x97: {  	_ =	strace $0x8FFFFFFF  }
0x98: {  	s18 =	sld [smem:$0x3FDB];
	_ =	sdelay $0x1  }
0x99: {  	s19 =	simm.s32 $_scs_section_size  }
0x9a: {  	s4 =	simm.s32 $_size__tile_overlayer_lowered;
	s5 =	simm.s32 $_tile_overlayer_lowered  }
0x9b: {  	s22 =	simm.s32 $0x1BFF;
	s21 =	sshll.u32 s5, $0x1;
	s2 =	sadd.s32 s19, s18  }
0x9c: {  	s6 =	simm.s32 $0x0;
	s20 =	sshll.u32 s4, $0x1;
	s4 =	sadd.s32 s21, s2  }
0x9d: {  	[timem:s6], [sflag:s22] =	dma.local [hbm:s4], s20  }
0x9e: {  	_ =	swait.ge [sflag:s22], s20  }
0x9f: {  	s3 =	ssub.s32 $0x0, s20;
	[sflag:s22] =	ssyncset.done $0x0  }
0xa0: {  	[sflag:s22] =	ssyncadd.s32 s3;
	_ =	sdelay $0x1  }
0xa1: {  	s23 =	simm.s32 $0x1B8B  }
0xa2: {  	_ =	swait.ge [sflag:s23], $0x1  }
0xa3: {  	[sflag:s23] =	ssyncset.done $0x0  }
0xa4: {  	s25 =	simm.s32 $0x1B8E;
	s24 =	sld [smem:$0x3FFE];
	[sflag:s23] =	ssyncadd.s32 $0xFFFFFFFF  }
0xa5: {  	s26 =	simm.s32 $execute0_lowered;
	[smem:$0x3FD2] =	sst s25  }
0xa6: {  	s4 =	sshll.u32 s26, $0x1;
	_ =	strace $0x80000046;
	[dreg:$0x1] =	wrdreg $0xFFFFFFFF  }
0xa7: {  	s28 =	simm.s32 $_size_execute0_lowered;
	s2 =	sadd.s32 s2, s4;
	[dreg:$0x0] =	wrdreg $0x0  }
0xa8: {  	s4 =	sshll.u32 s28, $0x1;
	[dreg:$0x2] =	wrdreg s2  }
0xa9: {  	[dreg:$0x3] =	wrdreg s4  }
0xaa: {  	[dreg:$0x4] =	wrdreg $0xC0  }
0xab: {  	_ =	task [dreg:s6], $0x5FFFF  }
0xac: {  	[dreg:$0x1] =	wrdreg $0xFFFFFFFF  }
0xad: {  	[dreg:$0x0] =	wrdreg $0x60  }
0xae: {  	[dreg:$0x2] =	wrdreg s24  }
0xaf: {  	[dreg:$0x3] =	wrdreg $0xA0800  }
0xb0: {  	[dreg:$0x4] =	wrdreg $0x9  }
0xb1: {  	_ =	task.clear_ibuf [dreg:s6], $0x5FFFF;
	_ =	strace $0x90000046  }
0xb2: {  	s29 =	simm.s32 $0x9;
	_ =	strace $0x80000048  }
0xb3: {  	_ =	swait.ge [sflag:s29], $0x1  }
0xb4: {  	[sflag:s29] =	ssyncadd.s32 $0xFFFFFFFF  }
0xb5: {  	_ =	strace $0x90000048  }
0xb6: {  	_ =	sfence  }
0xb7: {  	s30 =	sld [smem:$0x0];
	_ =	sdelay $0x2  }
0xb8: {  	s31 =	sshll.u32 s1, $0xD;
	s1 =	sshrl.u32 s1, $0x2  }
0xb9: {  	s3 =	sand.u32 $0x4000, s31;
	s1 =	sadd.s32 s1, s30  }
0xba: {  	s0 =	sor.u32 s3, s0;
	s1 =	sshll.u32 s1, $0x11  }
0xbb: {  	s0 =	sor.u32 s1, s0  }
0xbc: {  	s0 =	sadd.s32 $0x8F2B, s0  }
0xbd: {  	[sflag:s0] =	ssyncadd.remote.s32 $0x1  }
0xbe: {  	_ =	sfence.sel $0xFFFF  }
0xbf: {  	[dreg:$0x0] =	wrdreg $0xFFFFFFFF;
	(pc) =	sbr.abs _section_cstart, $3  }
0xc0: {  	[dreg:$0x1] =	wrdreg $0xFFFFFFFF  }
0xc1: {  	_ =	task.clear_ibuf [dreg:s6], $0x2FFFF;
	_ =	strace $0x9FFFFFFF  }
0xc2: {  	(tm) =	ssettm $0x7FFFFFFF  }
0xc3: {  	_ =	shalt  }
tec
execute0_lowered:
.L_overlay_start_1:
0x0: {  	(tag) =	ssettag $0x1  }
0x1: {  	s0 =	rddreg [dreg:$0x0]  }
0x2: {  	s2 =	rddreg [dreg:$0x1]  }
0x3: {  	s1 =	srdreg.scid;
	s14 =	stileid.u32  }
0x4: {  	s3 =	simm.s32 $0x0;
	s17 =	simm.s32 $0x7880;
	s18 =	simm.s32 $0xB  }
0x5: {  	s28 =	simm.s32 $0x3;
	s29 =	simm.s32 $0x5;
	s30 =	simm.s32 $0x1  }
0x6: {  	s31 =	simm.s32 $0x2;
	s1 =	sand.u32 $0x1, s1;
	s4 =	sshll.u32 s14, $0x1  }
0x7: {  	[smem:$0x7FF] =	sst s3;
	s5 =	sadd.s32 $0x3600, s0;
	s6 =	sadd.s32 $0x4F9200, s0  }
0x8: {  	s8 =	sadd.s32 $0x9DB200, s0;
	s23 =	smul.u32 $0x4E200, s14;
	s9 =	sor.u32 s1, s4  }
0x9: {  	_ =	strace $0x80000047;
	s7 =	sshll.u32 s1, $0x4;
	s1 =	ssub.s32 $0x2, s1  }
0xa: {  	s4 =	smul.u32 $0x2710, s9;
	s7 =	sor.u32 s14, s7;
	s13 =	sshrl.u32 s1, $0x1  }
0xb: {  	s9 =	smul.u32 $0x27100, s9;
	s25 =	sshrl.u32 s23, $0x2;
	s23 =	simm.s32 $0x5080  }
0xc: {  	s11 =	smul.u32 $0x2780, s7;
	s7 =	sadd.s32 $0x4E5600, s0;
	s1 =	ssub.s32 s1, s13  }
0xd: {  	s15 =	sadd.s32 s25, s2;
	s25 =	simm.s32 $0x8C80;
	s10 =	sshrl.u32 s4, $0x3  }
0xe: {  	s21 =	sadd.s32 $0x28, s4;
	s9 =	sadd.s32 s6, s9;
	s26 =	smax.u32 s1, $0x1  }
0xf: {  	s1 =	simm.s32 $0x9;
	s12 =	sadd.s32 s10, s0;
	s0 =	sadd.s32 s11, s0  }
0x10: {  	s10 =	sadd.s32 s7, s10;
	s22 =	sshrl.u32 s21, $0x3;
	[dreg:$0x6] =	wrdreg s9  }
0x11: {  	s24 =	sshll.u32 s21, $0x4;
	[dreg:$0x9] =	wrdreg s26;
	s21 =	simm.s32 $0x28  }
0x12: {  	s26 =	simm.s32 $0x7;
	s20 =	sadd.s32 $0x4EF400, s12;
	[dreg:$0x4] =	wrdreg s10  }
0x13: {  	s11 =	simm.s32 $0x0;
	s10 =	sadd.s32 s7, s22;
	[dreg:$0x3] =	wrdreg s20  }
0x14: {  	s9 =	sadd.s32 s6, s24;
	s0 =	sadd.s32 $0x51A00, s0;
	[dreg:$0x5] =	wrdreg s10  }
0x15: {  	s22 =	simm.s32 $0x2880;
	s24 =	simm.s32 $0x6;
	[dreg:$0x7] =	wrdreg s9  }
0x16: {  	v0 =	vimm.f32 $0.0e+00;
	[dreg:$0x8] =	wrdreg s0;
	s20 =	simm.s32 $0x80;
	s0 =	simm.s32 $0x4  }
.LBB2_1:
0x17: {  	s9 =	simm.s32 $0x0;
	s10 =	simm.s32 $0x200  }
.LBB2_2:
0x18: {  	p0 =	sne.s32 s10, $0x3000;
	[tilespmem:s9+$0x78F0] =	vst v0  }
0x19: {  	[tilespmem:s9+$0x7880] =	vst v0  }
0x1a: {  	[tilespmem:s9+$0x7890] =	vst v0  }
.Ltmp0:
0x1b: {  	[tilespmem:s9+$0x78A0] =	vst v0;
	(pc) =	sbr.rel @p0 .LBB2_2-.Ltmp0, $4  }
0x1c: {  	[tilespmem:s9+$0x78B0] =	vst v0  }
0x1d: {  	[tilespmem:s9+$0x78C0] =	vst v0  }
0x1e: {  	[tilespmem:s9+$0x78D0] =	vst v0  }
0x1f: {  	[tilespmem:s9+$0x78E0] =	vst v0;
	s9 =	sshra.s32 s10, $0x2;
	s10 =	sadd.s32 $0x200, s10  }
0x20: {  	[tilespmem:s9+$0x78F0] =	vst v0  }
0x21: {  	[tilespmem:s9+$0x7880] =	vst v0  }
0x22: {  	[tilespmem:s9+$0x7890] =	vst v0  }
0x23: {  	[tilespmem:s9+$0x78A0] =	vst v0  }
0x24: {  	[tilespmem:s9+$0x78B0] =	vst v0  }
0x25: {  	[tilespmem:s9+$0x78C0] =	vst v0  }
0x26: {  	[tilespmem:s9+$0x78D0] =	vst v0  }
0x27: {  	[tilespmem:s9+$0x78E0] =	vst v0;
	s19 =	sadd.s32 $0x0, s15  }
0x28: {  	[spmem:s19] =	stream.linear.scatter [tilespmem:s17], [sflag:$0xB], $0xC80, $0x38;
	[tilespmem:$0x1D900] =	vst v63  }
0x29: {  	s9 =	simm.s32 $0x3200;
	_ =	swait.ge [sflag:s18], $0xC80  }
.LBB2_4:
0x2a: {  	s10 =	sshra.s32 s9, $0x2;
	[sflag:s18] =	ssyncset.done $0x0;
	p0 =	sne.s32 s9, $0x4B000  }
.Ltmp1:
0x2b: {  	s10 =	sadd.s32 s10, s15;
	[sflag:s18] =	ssyncadd.s32 $0xFFFFF380;
	(pc) =	sbr.rel @p0 .LBB2_4-.Ltmp1, $3  }
0x2c: {  	[spmem:s10] =	stream.linear.scatter [tilespmem:s17], [sflag:$0xB], $0xC80, $0x38;
	[tilespmem:$0x1D900] =	vst v63  }
0x2d: {  	s9 =	sadd.s32 $0x3200, s9;
	_ =	sdelay $0x1  }
0x2e: {  	_ =	swait.ge [sflag:s18], $0xC80  }
0x2f: {  	[sflag:s18] =	ssyncset.done $0x0  }
0x30: {  	[sflag:s18] =	ssyncadd.s32 $0xFFFFF380  }
0x31: {  	[bflag:$0x0] =	sbarrier.arrive $0xFFFF  }
0x32: {  	s12 =	simm.s32 $0x0;
	s10 =	simm.s32 $0x100;
	s9 =	rddreg [dreg:$0x3]  }
0x33: {  	[tilespmem:s10], [sflag:$0xB] =	stream.linear.gather [hbm4b:s9+s12], $0x2710, $0x38;
	[tilespmem:$0x1D900] =	vst v63  }
0x34: {  	_ =	swait.ge [sflag:s18], $0x2710  }
0x35: {  	[sflag:s18] =	ssyncset.done $0x0  }
0x36: {  	s16 =	rddreg [dreg:$0x4];
	[sflag:s18] =	ssyncadd.s32 $0xFFFFD8F0  }
0x37: {  	[tilespmem:s12], [sflag:$0x1] =	stream.linear.gather [hbm4b:s16+s12], $0x28, $0x38;
	[tilespmem:$0x1D900] =	vst v63  }
0x38: {  	s19 =	rddreg [dreg:$0x5]  }
0x39: {  	[tilespmem:s20], [sflag:$0x2] =	stream.linear.gather [hbm4b:s19+s12], $0x28, $0x38;
	[tilespmem:$0x1D900] =	vst v63  }
0x3a: {  	_ = 	snop  }
0x3b: {  	[tilespmem:s22], [sflag:$0x3] =	stream.indirect.gather [hbm4b:s5+s21], $0x80, s10, s21, $0xb8;
	[tilespmem:$0x1D900] =	vst v63  }
0x3c: {  	s10 =	rddreg [dreg:$0x6]  }
0x3d: {  	[tilespmem:s23], [sflag:$0x5] =	stream.linear.gather [hbm4b:s10+s12], $0x1400, $0x38;
	[tilespmem:$0x1D900] =	vst v63  }
0x3e: {  	s13 =	simm.s32 $0x128;
	s14 =	simm.s32 $0x3C80  }
0x3f: {  	[tilespmem:s14], [sflag:$0x4] =	stream.indirect.gather [hbm4b:s5+s21], $0x80, s13, s21, $0xb8;
	[tilespmem:$0x1D900] =	vst v63  }
0x40: {  	s16 =	rddreg [dreg:$0x7];
	s19 =	simm.s32 $0x6480  }
0x41: {  	[tilespmem:s19], [sflag:$0x6] =	stream.linear.gather [hbm4b:s16+s12], $0x1400, $0x38;
	[tilespmem:$0x1D900] =	vst v63  }
.LBB2_6:
0x42: {  	_ =	swait.ge [sflag:s28], $0x1400  }
0x43: {  	[sflag:s28] =	ssyncset.done $0x0  }
0x44: {  	[sflag:s28] =	ssyncadd.s32 $0xFFFFEC00  }
0x45: {  	_ =	swait.ge [sflag:s29], $0x1400  }
0x46: {  	[sflag:s29] =	ssyncset.done $0x0  }
0x47: {  	s13 =	simm.s32 $0x0;
	[sflag:s29] =	ssyncadd.s32 $0xFFFFEC00  }
0x48: {  	v1 =	vld [tilespmem:s13+$0x50F0]  }
0x49: {  	v2 =	vld [tilespmem:s13+$0x28F0]  }
0x4a: {  	v3 =	vld [tilespmem:s13+$0x5080]  }
0x4b: {  	v4 =	vld [tilespmem:s13+$0x2880]  }
0x4c: {  	v5 =	vld [tilespmem:s13+$0x5090]  }
0x4d: {  	v6 =	vld [tilespmem:s13+$0x2890]  }
0x4e: {  	v7 =	vld [tilespmem:s13+$0x50A0]  }
0x4f: {  	v1 =	vadd.f32 v2, v1;
	v2 =	vld [tilespmem:s13+$0x28A0]  }
0x50: {  	v8 =	vld [tilespmem:s13+$0x50B0]  }
0x51: {  	v9 =	vld [tilespmem:s13+$0x28B0];
	v3 =	vadd.f32 v4, v3  }
0x52: {  	v10 =	vld [tilespmem:s13+$0x50C0];
	v1 =	vmax.f32 v1, $0.0e+00  }
0x53: {  	[tilespmem:s13+$0x78F0] =	vst v1;
	v1 =	vmax.f32 v3, $0.0e+00;
	v3 =	vadd.f32 v6, v5;
	v6 =	vld [tilespmem:s13+$0x28C0]  }
0x54: {  	v4 =	vld [tilespmem:s13+$0x28D0];
	v2 =	vadd.f32 v2, v7  }
0x55: {  	[tilespmem:s13+$0x7880] =	vst v1;
	v1 =	vld [tilespmem:s13+$0x50D0];
	v3 =	vmax.f32 v3, $0.0e+00  }
0x56: {  	v5 =	vld [tilespmem:s13+$0x28E0];
	v7 =	vadd.f32 v9, v8;
	[tilespmem:s13+$0x7890] =	vst v3;
	v3 =	vmax.f32 v2, $0.0e+00  }
0x57: {  	s14 =	simm.s32 $0x80;
	v2 =	vld [tilespmem:s13+$0x50E0];
	[tilespmem:s13+$0x78A0] =	vst v3  }
0x58: {  	s9 =	simm.s32 $0x400;
	v7 =	vmax.f32 v7, $0.0e+00;
	v6 =	vadd.f32 v6, v10;
	v3 =	vld [tilespmem:s14+$0x50F0]  }
.LBB2_7:
0x59: {  	p0 =	sne.s32 s9, $0x4E00;
	v8 =	vld [tilespmem:s14+$0x28F0];
	[tilespmem:s13+$0x78B0] =	vst v7  }
0x5a: {  	v7 =	vld [tilespmem:s14+$0x5080];
	v6 =	vmax.f32 v6, $0.0e+00;
	v1 =	vadd.f32 v4, v1  }
0x5b: {  	v4 =	vld [tilespmem:s14+$0x2880];
	[tilespmem:s13+$0x78C0] =	vst v6  }
0x5c: {  	v6 =	vld [tilespmem:s14+$0x5090];
	v1 =	vmax.f32 v1, $0.0e+00;
	v2 =	vadd.f32 v5, v2  }
0x5d: {  	v5 =	vld [tilespmem:s14+$0x2890];
	[tilespmem:s13+$0x78D0] =	vst v1  }
0x5e: {  	v1 =	vld [tilespmem:s14+$0x50A0];
	v3 =	vadd.f32 v8, v3;
	v2 =	vmax.f32 v2, $0.0e+00  }
0x5f: {  	v8 =	vld [tilespmem:s14+$0x28A0];
	[tilespmem:s13+$0x78E0] =	vst v2;
	s13 =	smov.u32 s14  }
0x60: {  	v2 =	vadd.f32 v4, v7;
	v7 =	vld [tilespmem:s13+$0x50B0];
	v3 =	vmax.f32 v3, $0.0e+00  }
0x61: {  	v9 =	vld [tilespmem:s13+$0x28B0];
	[tilespmem:s13+$0x78F0] =	vst v3  }
0x62: {  	v2 =	vmax.f32 v2, $0.0e+00;
	v3 =	vadd.f32 v5, v6;
	v6 =	vld [tilespmem:s13+$0x50C0]  }
0x63: {  	[tilespmem:s13+$0x7880] =	vst v2;
	v10 =	vld [tilespmem:s13+$0x28C0]  }
.Ltmp2:
0x64: {  	v2 =	vmax.f32 v3, $0.0e+00;
	v3 =	vadd.f32 v8, v1;
	v1 =	vld [tilespmem:s13+$0x50D0];
	(pc) =	sbr.rel @p0 .LBB2_7-.Ltmp2, $4  }
0x65: {  	[tilespmem:s13+$0x7890] =	vst v2;
	v4 =	vld [tilespmem:s13+$0x28D0]  }
0x66: {  	v3 =	vmax.f32 v3, $0.0e+00;
	v7 =	vadd.f32 v9, v7;
	v2 =	vld [tilespmem:s13+$0x50E0]  }
0x67: {  	s14 =	sshra.s32 s9, $0x2;
	[tilespmem:s13+$0x78A0] =	vst v3;
	v5 =	vld [tilespmem:s13+$0x28E0]  }
0x68: {  	s9 =	sadd.s32 $0x200, s9;
	v3 =	vld [tilespmem:s14+$0x50F0];
	v7 =	vmax.f32 v7, $0.0e+00;
	v6 =	vadd.f32 v10, v6  }
0x69: {  	v8 =	vld [tilespmem:s14+$0x28F0];
	[tilespmem:s13+$0x78B0] =	vst v7  }
0x6a: {  	v7 =	vld [tilespmem:s14+$0x5080];
	v6 =	vmax.f32 v6, $0.0e+00;
	v1 =	vadd.f32 v4, v1  }
0x6b: {  	v9 =	vld [tilespmem:s14+$0x2880];
	[tilespmem:s13+$0x78C0] =	vst v6  }
0x6c: {  	v57 =	vld [tilespmem:s14+$0x5090];
	v1 =	vmax.f32 v1, $0.0e+00;
	v2 =	vadd.f32 v5, v2  }
0x6d: {  	v6 =	vld [tilespmem:s14+$0x2890];
	[tilespmem:s13+$0x78D0] =	vst v1  }
0x6e: {  	v1 =	vld [tilespmem:s14+$0x50A0];
	v2 =	vmax.f32 v2, $0.0e+00  }
0x6f: {  	v58 =	vld [tilespmem:s14+$0x28A0];
	[tilespmem:s13+$0x78E0] =	vst v2  }
0x70: {  	v2 =	vld [tilespmem:s14+$0x50B0]  }
0x71: {  	v3 =	vadd.f32 v8, v3;
	v59 =	vld [tilespmem:s14+$0x28B0]  }
0x72: {  	v7 =	vadd.f32 v9, v7;
	v60 =	vld [tilespmem:s14+$0x50C0]  }
0x73: {  	v3 =	vmax.f32 v3, $0.0e+00;
	v61 =	vld [tilespmem:s14+$0x50D0]  }
0x74: {  	v62 =	vld [tilespmem:s14+$0x28D0];
	[tilespmem:s14+$0x78F0] =	vst v3;
	v3 =	vmax.f32 v7, $0.0e+00;
	v1 =	vadd.f32 v58, v1  }
0x75: {  	[tilespmem:s14+$0x7880] =	vst v3;
	v3 =	vld [tilespmem:s14+$0x28C0]  }
0x76: {  	v63 =	vld [tilespmem:s14+$0x50E0];
	v1 =	vmax.f32 v1, $0.0e+00  }
0x77: {  	[tilespmem:s14+$0x78A0] =	vst v1;
	v1 =	vld [tilespmem:s14+$0x28E0]  }
0x78: {  	v4 =	vadd.f32 v6, v57  }
0x79: {  	v2 =	vadd.f32 v59, v2  }
0x7a: {  	v4 =	vmax.f32 v4, $0.0e+00;
	v3 =	vadd.f32 v3, v60  }
0x7b: {  	[tilespmem:s14+$0x7890] =	vst v4;
	v4 =	vadd.f32 v62, v61;
	v2 =	vmax.f32 v2, $0.0e+00  }
0x7c: {  	[tilespmem:s14+$0x78B0] =	vst v2;
	v2 =	vmax.f32 v3, $0.0e+00;
	v1 =	vadd.f32 v1, v63  }
0x7d: {  	[tilespmem:s14+$0x78C0] =	vst v2;
	v2 =	vmax.f32 v4, $0.0e+00  }
0x7e: {  	s19 =	smul.u32 $0x50, s12;
	[tilespmem:s14+$0x78D0] =	vst v2;
	v1 =	vmax.f32 v1, $0.0e+00  }
0x7f: {  	[tilespmem:s14+$0x78E0] =	vst v1  }
0x80: {  	s9 =	sadd.s32 s4, s19;
	_ =	swait.ge [sflag:s30], $0x28  }
0x81: {  	s9 =	sshll.u32 s9, $0x4;
	[sflag:s30] =	ssyncset.done $0x0  }
0x82: {  	p1 =	seq.s32 s12, $0x0;
	s9 =	sadd.s32 s8, s9;
	[sflag:s30] =	ssyncadd.s32 $0xFFFFFFD8  }
0x83: {  	[hbm4b:s9+s3] =	stream.linear.scatter [tilespmem:s17], [sflag:$0x7], $0x1400, $0x38;
	[tilespmem:$0x1D900] =	vst v63  }
0x84: {  	s9 =	simm.s32 @!p1 $0x8  }
0x85: {  	[spmem:s2] =	stream.indirect.scatter.add.f32 [tilespmem:s17], [sflag:$0x9], $0x80, s3, s21, $0xb8;
	[tilespmem:$0x1D900] =	vst v63  }
0x86: {  	_ =	swait.ge @!p1 [sflag:s9], $0x1400  }
0x87: {  	s13 =	sshllo.u32 @!p1 s12, $0x1;
	[sflag:s9] =	ssyncset.done @!p1 $0x0  }
0x88: {  	s10 =	smul.u32 @!p1 $0x28, s13;
	[sflag:s9] =	ssyncadd.s32 @!p1 $0xFFFFEC00;
	s9 =	simm.s32 @!p1 $0xA  }
0x89: {  	p0 =	seq.s32 @!p1 s12, $0x7C;
	_ =	swait.ge @!p1 [sflag:s9], $0x1400  }
0x8a: {  	p2 =	por p1, !p0;
	s10 =	sadd.s32 @!p1 s4, s10;
	[sflag:s9] =	ssyncset.done @!p1 $0x0  }
.Ltmp3:
0x8b: {  	[sflag:s9] =	ssyncadd.s32 @!p1 $0xFFFFEC00;
	s9 =	sshrl.u32 @!p1 s10, $0x3;
	(pc) =	sbr.rel @!p2 .LBB2_10-.Ltmp3, $4  }
0x8c: {  	s14 =	simm.s32 @!p1 $0x80;
	s10 =	simm.s32 @!p1 $0x0;
	s9 =	sadd.s32 @!p1 s7, s9  }
0x8d: {  	[tilespmem:s14], [sflag:$0x2] =	stream.linear.gather @!p1 [hbm4b:s9+s10], $0x28, $0x38;
	[tilespmem:$0x1D900] =	vst v63  }
0x8e: {  	s9 =	sshll.u32 @!p1 s12, $0x1  }
0x8f: {  	p0 =	por @!p1 $0x1, $0x1;
	s14 =	sadd.s32 @!p1 $0x2, s9  }
0x90: {  	s14 =	simm.s32 @p1 $0x2  }
0x91: {  	s9 =	smul.u32 $0x28, s14;
	_ =	sdelay $0x1  }
0x92: {  	s10 =	sadd.s32 $0x100, s9;
	s9 =	sadd.s32 s4, s9  }
0x93: {  	[tilespmem:s22], [sflag:$0x3] =	stream.indirect.gather [hbm4b:s5+s21], $0x80, s10, s21, $0xb8;
	[tilespmem:$0x1D900] =	vst v63  }
0x94: {  	s9 =	sshll.u32 s9, $0x4  }
0x95: {  	s13 =	simm.s32 @p1 $0x1;
	p0 =	por $0x0, $0x0;
	s9 =	sadd.s32 s6, s9  }
0x96: {  	[tilespmem:s23], [sflag:$0x5] =	stream.linear.gather [hbm4b:s9+s3], $0x1400, $0x38;
	[tilespmem:$0x1D900] =	vst v63  }
.LBB2_10:
0x97: {  	_ =	swait.ge [sflag:s0], $0x1400  }
0x98: {  	[sflag:s0] =	ssyncset.done $0x0  }
0x99: {  	[sflag:s0] =	ssyncadd.s32 $0xFFFFEC00  }
0x9a: {  	_ =	swait.ge [sflag:s24], $0x1400  }
0x9b: {  	[sflag:s24] =	ssyncset.done $0x0  }
0x9c: {  	s16 =	simm.s32 $0x0;
	[sflag:s24] =	ssyncadd.s32 $0xFFFFEC00  }
0x9d: {  	v1 =	vld [tilespmem:s16+$0x64F0]  }
0x9e: {  	v2 =	vld [tilespmem:s16+$0x3CF0]  }
0x9f: {  	v3 =	vld [tilespmem:s16+$0x6480]  }
0xa0: {  	v4 =	vld [tilespmem:s16+$0x3C80]  }
0xa1: {  	v5 =	vld [tilespmem:s16+$0x6490]  }
0xa2: {  	v6 =	vld [tilespmem:s16+$0x3C90]  }
0xa3: {  	v7 =	vld [tilespmem:s16+$0x64A0]  }
0xa4: {  	v1 =	vadd.f32 v2, v1;
	v2 =	vld [tilespmem:s16+$0x3CA0]  }
0xa5: {  	v8 =	vld [tilespmem:s16+$0x64B0]  }
0xa6: {  	v9 =	vld [tilespmem:s16+$0x3CB0];
	v3 =	vadd.f32 v4, v3  }
0xa7: {  	v10 =	vld [tilespmem:s16+$0x64C0];
	v1 =	vmax.f32 v1, $0.0e+00  }
0xa8: {  	[tilespmem:s16+$0x8CF0] =	vst v1;
	v1 =	vmax.f32 v3, $0.0e+00;
	v3 =	vadd.f32 v6, v5;
	v6 =	vld [tilespmem:s16+$0x3CC0]  }
0xa9: {  	v4 =	vld [tilespmem:s16+$0x3CD0];
	v2 =	vadd.f32 v2, v7  }
0xaa: {  	[tilespmem:s16+$0x8C80] =	vst v1;
	v1 =	vld [tilespmem:s16+$0x64D0];
	v3 =	vmax.f32 v3, $0.0e+00  }
0xab: {  	v5 =	vld [tilespmem:s16+$0x3CE0];
	v7 =	vadd.f32 v9, v8;
	[tilespmem:s16+$0x8C90] =	vst v3;
	v3 =	vmax.f32 v2, $0.0e+00  }
0xac: {  	s9 =	simm.s32 $0x80;
	v2 =	vld [tilespmem:s16+$0x64E0];
	[tilespmem:s16+$0x8CA0] =	vst v3  }
0xad: {  	s10 =	simm.s32 $0x400;
	v7 =	vmax.f32 v7, $0.0e+00;
	v6 =	vadd.f32 v6, v10;
	v3 =	vld [tilespmem:s9+$0x64F0]  }
.LBB2_11:
0xae: {  	p1 =	sne.s32 s10, $0x4E00;
	v8 =	vld [tilespmem:s9+$0x3CF0];
	[tilespmem:s16+$0x8CB0] =	vst v7  }
0xaf: {  	v7 =	vld [tilespmem:s9+$0x6480];
	v6 =	vmax.f32 v6, $0.0e+00;
	v1 =	vadd.f32 v4, v1  }
0xb0: {  	v4 =	vld [tilespmem:s9+$0x3C80];
	[tilespmem:s16+$0x8CC0] =	vst v6  }
0xb1: {  	v6 =	vld [tilespmem:s9+$0x6490];
	v1 =	vmax.f32 v1, $0.0e+00;
	v2 =	vadd.f32 v5, v2  }
0xb2: {  	v5 =	vld [tilespmem:s9+$0x3C90];
	[tilespmem:s16+$0x8CD0] =	vst v1  }
0xb3: {  	v1 =	vld [tilespmem:s9+$0x64A0];
	v3 =	vadd.f32 v8, v3;
	v2 =	vmax.f32 v2, $0.0e+00  }
0xb4: {  	v8 =	vld [tilespmem:s9+$0x3CA0];
	[tilespmem:s16+$0x8CE0] =	vst v2;
	s16 =	smov.u32 s9  }
0xb5: {  	v2 =	vadd.f32 v4, v7;
	v7 =	vld [tilespmem:s16+$0x64B0];
	v3 =	vmax.f32 v3, $0.0e+00  }
0xb6: {  	v9 =	vld [tilespmem:s16+$0x3CB0];
	[tilespmem:s16+$0x8CF0] =	vst v3  }
0xb7: {  	v2 =	vmax.f32 v2, $0.0e+00;
	v3 =	vadd.f32 v5, v6;
	v6 =	vld [tilespmem:s16+$0x64C0]  }
0xb8: {  	[tilespmem:s16+$0x8C80] =	vst v2;
	v10 =	vld [tilespmem:s16+$0x3CC0]  }
.Ltmp4:
0xb9: {  	v2 =	vmax.f32 v3, $0.0e+00;
	v3 =	vadd.f32 v8, v1;
	v1 =	vld [tilespmem:s16+$0x64D0];
	(pc) =	sbr.rel @p1 .LBB2_11-.Ltmp4, $4  }
0xba: {  	[tilespmem:s16+$0x8C90] =	vst v2;
	v4 =	vld [tilespmem:s16+$0x3CD0]  }
0xbb: {  	v3 =	vmax.f32 v3, $0.0e+00;
	v7 =	vadd.f32 v9, v7;
	v2 =	vld [tilespmem:s16+$0x64E0]  }
0xbc: {  	s9 =	sshra.s32 s10, $0x2;
	[tilespmem:s16+$0x8CA0] =	vst v3;
	v5 =	vld [tilespmem:s16+$0x3CE0]  }
0xbd: {  	s10 =	sadd.s32 $0x200, s10;
	v3 =	vld [tilespmem:s9+$0x64F0];
	v7 =	vmax.f32 v7, $0.0e+00;
	v6 =	vadd.f32 v10, v6  }
0xbe: {  	v8 =	vld [tilespmem:s9+$0x3CF0];
	[tilespmem:s16+$0x8CB0] =	vst v7  }
0xbf: {  	v7 =	vld [tilespmem:s9+$0x6480];
	v6 =	vmax.f32 v6, $0.0e+00;
	v1 =	vadd.f32 v4, v1  }
0xc0: {  	v9 =	vld [tilespmem:s9+$0x3C80];
	[tilespmem:s16+$0x8CC0] =	vst v6  }
0xc1: {  	v57 =	vld [tilespmem:s9+$0x6490];
	v1 =	vmax.f32 v1, $0.0e+00;
	v2 =	vadd.f32 v5, v2  }
0xc2: {  	v6 =	vld [tilespmem:s9+$0x3C90];
	[tilespmem:s16+$0x8CD0] =	vst v1  }
0xc3: {  	v1 =	vld [tilespmem:s9+$0x64A0];
	v2 =	vmax.f32 v2, $0.0e+00  }
0xc4: {  	v58 =	vld [tilespmem:s9+$0x3CA0];
	[tilespmem:s16+$0x8CE0] =	vst v2  }
0xc5: {  	v2 =	vld [tilespmem:s9+$0x64B0]  }
0xc6: {  	v3 =	vadd.f32 v8, v3;
	v59 =	vld [tilespmem:s9+$0x3CB0]  }
0xc7: {  	v7 =	vadd.f32 v9, v7;
	v60 =	vld [tilespmem:s9+$0x64C0]  }
0xc8: {  	v3 =	vmax.f32 v3, $0.0e+00;
	v61 =	vld [tilespmem:s9+$0x64D0]  }
0xc9: {  	v62 =	vld [tilespmem:s9+$0x3CD0];
	[tilespmem:s9+$0x8CF0] =	vst v3;
	v3 =	vmax.f32 v7, $0.0e+00;
	v1 =	vadd.f32 v58, v1  }
0xca: {  	[tilespmem:s9+$0x8C80] =	vst v3;
	v3 =	vld [tilespmem:s9+$0x3CC0]  }
0xcb: {  	v63 =	vld [tilespmem:s9+$0x64E0];
	v1 =	vmax.f32 v1, $0.0e+00  }
0xcc: {  	[tilespmem:s9+$0x8CA0] =	vst v1;
	v1 =	vld [tilespmem:s9+$0x3CE0]  }
0xcd: {  	v4 =	vadd.f32 v6, v57  }
0xce: {  	v2 =	vadd.f32 v59, v2  }
0xcf: {  	v4 =	vmax.f32 v4, $0.0e+00;
	v3 =	vadd.f32 v3, v60  }
0xd0: {  	[tilespmem:s9+$0x8C90] =	vst v4;
	v4 =	vadd.f32 v62, v61;
	v2 =	vmax.f32 v2, $0.0e+00  }
0xd1: {  	[tilespmem:s9+$0x8CB0] =	vst v2;
	v2 =	vmax.f32 v3, $0.0e+00;
	v1 =	vadd.f32 v1, v63  }
0xd2: {  	[tilespmem:s9+$0x8CC0] =	vst v2;
	v2 =	vmax.f32 v4, $0.0e+00  }
0xd3: {  	s10 =	smul.u32 $0x28, s13;
	[tilespmem:s9+$0x8CD0] =	vst v2;
	v1 =	vmax.f32 v1, $0.0e+00  }
0xd4: {  	[tilespmem:s9+$0x8CE0] =	vst v1  }
0xd5: {  	s16 =	sadd.s32 s4, s10;
	_ =	swait.ge [sflag:s31], $0x28  }
0xd6: {  	s9 =	sshll.u32 s16, $0x4;
	[sflag:s31] =	ssyncset.done $0x0  }
0xd7: {  	s9 =	sadd.s32 s8, s9;
	[sflag:s31] =	ssyncadd.s32 $0xFFFFFFD8  }
0xd8: {  	[hbm4b:s9+s3] =	stream.linear.scatter [tilespmem:s25], [sflag:$0x8], $0x1400, $0x38;
	[tilespmem:$0x1D900] =	vst v63  }
0xd9: {  	_ = 	snop  }
0xda: {  	[spmem:s2] =	stream.indirect.scatter.add.f32 [tilespmem:s25], [sflag:$0xA], $0x80, s20, s21, $0xb8;
	[tilespmem:$0x1D900] =	vst v63  }
0xdb: {  	_ =	swait.ge [sflag:s26], $0x1400  }
0xdc: {  	s9 =	smul.u32 @!p0 $0x28, s14;
	[sflag:s26] =	ssyncset.done $0x0  }
0xdd: {  	[sflag:s26] =	ssyncadd.s32 $0xFFFFEC00  }
0xde: {  	s9 =	sadd.s32 @!p0 s4, s9;
	_ =	swait.ge [sflag:s1], $0x1400  }
0xdf: {  	s9 =	sshrl.u32 @!p0 s9, $0x3;
	[sflag:s1] =	ssyncset.done $0x0  }
0xe0: {  	s10 =	simm.s32 @!p0 $0x0;
	s9 =	sadd.s32 @!p0 s7, s9;
	[sflag:s1] =	ssyncadd.s32 $0xFFFFEC00  }
0xe1: {  	[tilespmem:s10], [sflag:$0x1] =	stream.linear.gather @!p0 [hbm4b:s9+s10], $0x28, $0x38;
	[tilespmem:$0x1D900] =	vst v63  }
0xe2: {  	s13 =	sadd.s32 @!p0 $0x178, s19;
	s9 =	sadd.s32 @!p0 s4, s19  }
0xe3: {  	s16 =	simm.s32 @!p0 $0x3C80;
	s14 =	simm.s32 @!p0 $0x28;
	s9 =	sshll.u32 @!p0 s9, $0x4  }
0xe4: {  	[tilespmem:s16], [sflag:$0x4] =	stream.indirect.gather @!p0 [hbm4b:s5+s14], $0x80, s13, s14, $0xb8;
	[tilespmem:$0x1D900] =	vst v63  }
0xe5: {  	s9 =	sadd.s32 @!p0 s6, s9  }
0xe6: {  	s12 =	sadd.s32 $0x1, s12;
	s13 =	simm.s32 @!p0 $0x6480;
	s9 =	sadd.s32 @!p0 $0x780, s9  }
0xe7: {  	[tilespmem:s13], [sflag:$0x6] =	stream.linear.gather @!p0 [hbm4b:s9+s10], $0x1400, $0x38;
	[tilespmem:$0x1D900] =	vst v63  }
0xe8: {  	p0 =	sne.s32 s12, $0x7D  }
.Ltmp5:
0xe9: {  	_ = 	snop;
	(pc) =	sbr.rel @p0 .LBB2_6-.Ltmp5, $1  }
0xea: {  	_ =	sdelay $0x3  }
0xeb: {  	s9 =	simm.s32 $0x8  }
0xec: {  	_ =	swait.ge [sflag:s9], $0x1400  }
0xed: {  	[sflag:s9] =	ssyncset.done $0x0  }
0xee: {  	s14 =	simm.s32 $0xA;
	[sflag:s9] =	ssyncadd.s32 $0xFFFFEC00  }
0xef: {  	_ =	swait.ge [sflag:s14], $0x1400  }
0xf0: {  	[sflag:s14] =	ssyncset.done $0x0  }
0xf1: {  	s16 =	stileid.u32;
	[sflag:s14] =	ssyncadd.s32 $0xFFFFEC00  }
0xf2: {  	s9 =	sshll.u32 s16, $0x6;
	[bflag:$0x0] =	sbarrier.arrive $0xFFFF  }
0xf3: {  	s10 =	sshrl.u32 s15, $0x3;
	s9 =	sor.u32 $0x1C0B, s9;
	s12 =	rddreg [dreg:$0x8]  }
0xf4: {  	[hbm:s12], [sflag:s9] =	dma.local [spmem:s10], $0x2710  }
0xf5: {  	_ =	swait.ge [sflag:s18], $0x2710  }
0xf6: {  	s11 =	sadd.s32 $0x1, s11;
	s19 =	rddreg [dreg:$0x9]  }
0xf7: {  	p0 =	sne.s32 s11, s19  }
.Ltmp6:
0xf8: {  	_ = 	snop;
	(pc) =	sbr.rel @p0 .LBB2_1-.Ltmp6, $3  }
0xf9: {  	_ =	sdelay $0x1  }
0xfa: {  	[sflag:s18] =	ssyncset.done $0x0  }
0xfb: {  	[sflag:s18] =	ssyncadd.s32 $0xFFFFD8F0  }
0xfc: {  	_ =	sfence.sel $0x180000  }
0xfd: {  	[bflag:$0x0] =	sbarrier.arrive $0xFFFF  }
0xfe: {  	_ =	strace $0x90000047  }
0xff: {  	s0 =	stileid.u32;
	[bflag:$0x2] =	sbarrier.arrive $0xFFFF  }
0x100: {  	p0 =	sne.s32 s0, $0x0;
	s0 =	rddreg [dreg:$0x2]  }
0x101: {  	s0 =	sadd.s32 @!p0 $0x100000, s0  }
0x102: {  	[sflag:s0] =	ssyncadd.tile.s32 @!p0 $0x1;
	_ =	shalt  }
.Lfunc_end2:
_tile_overlayer_lowered:
.L_overlay_start_2:
0x103: {  	(tag) =	ssettag $0x2  }
0x104: {  	s0 =	rddreg [dreg:$0x0];
	s2 =	stileid.u32  }
0x105: {  	s1 =	rddreg [dreg:$0x1];
	p0 =	sne.s32 s2, $0x0  }
0x106: {  	s3 =	rddreg [dreg:$0x2];
	[bflag:$0x3] =	sbarrier.arrive $0xFFFF;
	s2 =	simm.s32 @!p0 $0x1C0B  }
0x107: {  	[timem:s3], [sflag:s2] =	dma.local @!p0 [hbm:s0], s1  }
0x108: {  	s0 =	simm.s32 @!p0 $0xB  }
0x109: {  	_ =	swait.ge @!p0 [sflag:s0], s1  }
0x10a: {  	s1 =	ssub.s32 @!p0 $0x0, s1;
	[sflag:s0] =	ssyncset.done @!p0 $0x0  }
0x10b: {  	[sflag:s0] =	ssyncadd.s32 @!p0 s1  }
0x10c: {  	[bflag:$0x3] =	sbarrier.arrive $0xFFFF  }
0x10d: {  	_ =	shalt  }

// kernel: kernel.13.cloned.1.call-start
scs
__scs_entry_jumppad:
0x0: {  	(pc) =	sbr.rel $0x88, $3  }
0x1: {  	(tag) =	ssettag $0x0;
	lr =	simm.s32 $0x1  }
0x2: {  	[smem:$0x3F99] =	sst lr;
	_ =	strace $0xD0000000  }
0x3: {  	_ = 	snop  }
0x4: {  	_ = 	snop  }
0x5: {  	_ = 	snop  }
0x6: {  	_ = 	snop  }
0x7: {  	_ = 	snop  }
__scs_overlays_trampoline_lowered:
0x8: {  	[smem:$0x3FA8] =	sst s0  }
0x9: {  	[smem:$0x3FA9] =	sst s1  }
0xa: {  	[smem:$0x3FAA] =	sst s2  }
0xb: {  	[smem:$0x3FAB] =	sst s3  }
0xc: {  	[smem:$0x3FAC] =	sst s4  }
0xd: {  	[smem:$0x3FAD] =	sst s5  }
0xe: {  	[smem:$0x3FAE] =	sst s6  }
0xf: {  	[smem:$0x3FAF] =	sst s7  }
0x10: {  	[smem:$0x3FB0] =	sst s8  }
0x11: {  	[smem:$0x3FB1] =	sst s9;
	s0 =	simm.s32 @!p0 $0x0  }
0x12: {  	s1 =	sld [smem:$0x3F97];
	s0 =	simm.s32 @p0 $0x1  }
0x13: {  	[smem:$0x3FB2] =	sst s0;
	s0 =	simm.s32 @!p1 $0x0  }
0x14: {  	s2 =	sld [smem:$0x3F96];
	s0 =	simm.s32 @p1 $0x1  }
0x15: {  	[smem:$0x3FB3] =	sst s0;
	s0 =	simm.s32 @!p2 $0x0  }
0x16: {  	s3 =	sld [smem:$0x3FDB];
	s0 =	simm.s32 @p2 $0x1  }
0x17: {  	s4 =	simm.s32 $0x1BF5;
	[smem:$0x3FB5] =	sst s0  }
0x18: {  	s0 =	sld [smem:$0x3F98];
	_ =	swait.ge [sflag:s4], $0x0  }
0x19: {  	s7 =	sld [smem:$0x3F99]  }
0x1a: {  	s8 =	sadd.s32 $0xFFFFE003, lr  }
0x1b: {  	s9 =	sadd.s32 $0xFFFFFEF7, lr;
	s5 =	simm.s32 $0xFFFFFFFF;
	p2 =	slt.u32 s8, $0xFFFFF086  }
0x1c: {  	p1 =	slt.u32 s9, $0xF7A;
	s5 =	simm.s32 @!p2 $0x0  }
0x1d: {  	s5 =	simm.s32 @p1 $0x1;
	p0 =	seq.s32 s7, s2  }
0x1e: {  	s7 =	smul.u32 @!p0 $0xF7A, s2;
	p2 =	seq.s32 @!p0 s5, $0x0  }
0x1f: {  	s9 =	smul.u32 $0xF7A, s1;
	s8 =	simm.s32 @!p0 $0x1BF5;
	p2 =	por !p2, p0  }
0x20: {  	[sflag:s8] =	ssyncset.s32 @!p0 $0xFFFFF086;
	s6 =	sadd.s32 @!p0 s3, s7;
	s7 =	simm.s32 @!p0 $0x108  }
0x21: {  	s3 =	sadd.s32 s3, s9;
	s6 =	sadd.s32 @!p0 $0x88, s6;
	s7 =	simm.s32 @p2 $0x1082  }
0x22: {  	[simem:s7], [sflag:s8] =	dma.local @!p0 [hbm:s6], $0xF7A  }
0x23: {  	s9 =	sor.u32 $0xD0000000, s2;
	s6 =	simm.s32 $0x108;
	_ =	swait.ge @!p0 [sflag:s8], $0x0  }
0x24: {  	s3 =	sadd.s32 $0x88, s3;
	s6 =	simm.s32 @!p1 $0x1082;
	[sflag:s4] =	ssyncset.s32 $0xFFFFF086  }
0x25: {  	[simem:s6], [sflag:s4] =	dma.local [hbm:s3], $0xF7A  }
0x26: {  	[smem:$0x3F99] =	sst s1;
	(tag) =	ssettag s2;
	_ =	strace s9  }
0x27: {  	s1 =	sld [smem:$0x3FA9]  }
0x28: {  	s2 =	sld [smem:$0x3FAA]  }
0x29: {  	s4 =	sld [smem:$0x3FAC]  }
0x2a: {  	p0 =	seq.s32 s5, $0x0;
	s5 =	sld [smem:$0x3FAD]  }
0x2b: {  	s6 =	sld [smem:$0x3FAE]  }
0x2c: {  	s7 =	sld [smem:$0x3FAF]  }
0x2d: {  	s3 =	simm.s32 $0x108;
	s8 =	sld [smem:$0x3FB0]  }
0x2e: {  	s3 =	simm.s32 @!p0 $0x1082;
	s9 =	sld [smem:$0x3FB1]  }
0x2f: {  	lr =	sadd.s32 s0, s3;
	s0 =	sld [smem:$0x3FA8]  }
0x30: {  	s3 =	sld [smem:$0x3FAB]  }
0x31: {  	[smem:$0x3FB4] =	sst s10  }
0x32: {  	s10 =	sld [smem:$0x3FB2];
	_ =	sdelay $0x3  }
0x33: {  	p0 =	seq.s32 s10, $0x1;
	s10 =	sld [smem:$0x3FB4];
	_ =	sdelay $0x3  }
0x34: {  	[smem:$0x3FB4] =	sst s10  }
0x35: {  	s10 =	sld [smem:$0x3FB3];
	_ =	sdelay $0x3  }
0x36: {  	p1 =	seq.s32 s10, $0x1;
	s10 =	sld [smem:$0x3FB4];
	_ =	sdelay $0x3  }
0x37: {  	[smem:$0x3FB4] =	sst s10  }
0x38: {  	s10 =	sld [smem:$0x3FB5]  }
0x39: {  	_ = 	snop;
	(pc) =	sbr.ind lr, $3  }
0x3a: {  	_ = 	snop  }
0x3b: {  	_ = 	snop  }
0x3c: {  	p2 =	seq.s32 s10, $0x1;
	s10 =	sld [smem:$0x3FB4]  }
0x3d: {  	_ =	shalt  }
0x3e: {  	_ =	shalt  }
0x3f: {  	_ =	shalt  }
0x40: {  	_ =	shalt  }
0x41: {  	_ =	shalt  }
0x42: {  	_ =	shalt  }
0x43: {  	_ =	shalt  }
0x44: {  	_ =	shalt  }
0x45: {  	_ =	shalt  }
0x46: {  	_ =	shalt  }
0x47: {  	_ =	shalt  }
0x48: {  	_ =	shalt  }
0x49: {  	_ =	shalt  }
0x4a: {  	_ =	shalt  }
0x4b: {  	_ =	shalt  }
0x4c: {  	_ =	shalt  }
0x4d: {  	_ =	shalt  }
0x4e: {  	_ =	shalt  }
0x4f: {  	_ =	shalt  }
0x50: {  	_ =	shalt  }
0x51: {  	_ =	shalt  }
0x52: {  	_ =	shalt  }
0x53: {  	_ =	shalt  }
0x54: {  	_ =	shalt  }
0x55: {  	_ =	shalt  }
0x56: {  	_ =	shalt  }
0x57: {  	_ =	shalt  }
0x58: {  	_ =	shalt  }
0x59: {  	_ =	shalt  }
0x5a: {  	_ =	shalt  }
0x5b: {  	_ =	shalt  }
0x5c: {  	_ =	shalt  }
0x5d: {  	_ =	shalt  }
0x5e: {  	_ =	shalt  }
0x5f: {  	_ =	shalt  }
0x60: {  	_ =	shalt  }
0x61: {  	_ =	shalt  }
0x62: {  	_ =	shalt  }
0x63: {  	_ =	shalt  }
0x64: {  	_ =	shalt  }
0x65: {  	_ =	shalt  }
0x66: {  	_ =	shalt  }
0x67: {  	_ =	shalt  }
0x68: {  	_ =	shalt  }
0x69: {  	_ =	shalt  }
0x6a: {  	_ =	shalt  }
0x6b: {  	_ =	shalt  }
0x6c: {  	_ =	shalt  }
0x6d: {  	_ =	shalt  }
0x6e: {  	_ =	shalt  }
0x6f: {  	_ =	shalt  }
0x70: {  	_ =	shalt  }
0x71: {  	_ =	shalt  }
0x72: {  	_ =	shalt  }
0x73: {  	_ =	shalt  }
0x74: {  	_ =	shalt  }
0x75: {  	_ =	shalt  }
0x76: {  	_ =	shalt  }
0x77: {  	_ =	shalt  }
0x78: {  	_ =	shalt  }
0x79: {  	_ =	shalt  }
0x7a: {  	_ =	shalt  }
0x7b: {  	_ =	shalt  }
0x7c: {  	_ =	shalt  }
0x7d: {  	_ =	shalt  }
0x7e: {  	_ =	shalt  }
0x7f: {  	_ =	shalt  }
0x80: {  	_ =	shalt  }
0x81: {  	_ =	shalt  }
0x82: {  	_ =	shalt  }
0x83: {  	_ =	shalt  }
0x84: {  	_ =	shalt  }
0x85: {  	_ =	shalt  }
0x86: {  	_ =	shalt  }
0x87: {  	_ =	shalt  }
.Lfunc_end0:
.L_simem_size_0:
called_computation.1_lowered:
.L_overlay_start_0:
0x88: {  	s2 =	sld [smem:$0x3FD9]  }
0x89: {  	s3 =	sld [smem:$0x3FFE];
	_ =	sdelay $0x1  }
0x8a: {  	s1 =	srdreg.scid  }
0x8b: {  	s0 =	sand.u32 $0x1, s1  }
0x8c: {  	s16 =	sshll.u32 s0, $0xA;
	s2 =	sadd.s32 s3, s2  }
0x8d: {  	s2 =	sadd.s32 s2, s16  }
0x8e: {  	[smem:$0x3FC0] =	sst s2  }
0x8f: {  	_ = 	snop  }
0x90: {  	(tm) =	ssettm $0x1  }
0x91: {  	s17 =	sld [smem:$0x3FFB];
	_ =	sdelay $0x3  }
0x92: {  	_ =	strace s17  }
0x93: {  	s2 =	sld [smem:$0x3FFC];
	_ =	sdelay $0x3  }
0x94: {  	_ =	strace s2  }
0x95: {  	s2 =	sld [smem:$0x3FFD];
	_ =	sdelay $0x3  }
0x96: {  	_ =	strace s2  }
0x97: {  	_ =	strace $0x8FFFFFFF  }
0x98: {  	s18 =	sld [smem:$0x3FDB];
	_ =	sdelay $0x1  }
0x99: {  	s19 =	simm.s32 $_scs_section_size  }
0x9a: {  	s4 =	simm.s32 $_size__tile_overlayer_lowered;
	s5 =	simm.s32 $_tile_overlayer_lowered  }
0x9b: {  	s22 =	simm.s32 $0x1BFF;
	s21 =	sshll.u32 s5, $0x1;
	s2 =	sadd.s32 s19, s18  }
0x9c: {  	s6 =	simm.s32 $0x0;
	s20 =	sshll.u32 s4, $0x1;
	s4 =	sadd.s32 s21, s2  }
0x9d: {  	[timem:s6], [sflag:s22] =	dma.local [hbm:s4], s20  }
0x9e: {  	_ =	swait.ge [sflag:s22], s20  }
0x9f: {  	s3 =	ssub.s32 $0x0, s20;
	[sflag:s22] =	ssyncset.done $0x0  }
0xa0: {  	[sflag:s22] =	ssyncadd.s32 s3;
	_ =	sdelay $0x1  }
0xa1: {  	s23 =	simm.s32 $0x1B8B  }
0xa2: {  	_ =	swait.ge [sflag:s23], $0x1  }
0xa3: {  	[sflag:s23] =	ssyncset.done $0x0  }
0xa4: {  	s25 =	simm.s32 $0x1B8E;
	s24 =	sld [smem:$0x3FFE];
	[sflag:s23] =	ssyncadd.s32 $0xFFFFFFFF  }
0xa5: {  	s26 =	simm.s32 $execute0_lowered;
	[smem:$0x3FD2] =	sst s25  }
0xa6: {  	s4 =	sshll.u32 s26, $0x1;
	_ =	strace $0x80000049;
	[dreg:$0x1] =	wrdreg $0xFFFFFFFF  }
0xa7: {  	s28 =	simm.s32 $_size_execute0_lowered;
	s2 =	sadd.s32 s2, s4;
	[dreg:$0x0] =	wrdreg $0x0  }
0xa8: {  	s4 =	sshll.u32 s28, $0x1;
	[dreg:$0x2] =	wrdreg s2  }
0xa9: {  	[dreg:$0x3] =	wrdreg s4  }
0xaa: {  	[dreg:$0x4] =	wrdreg $0xC0  }
0xab: {  	_ =	task [dreg:s6], $0x5FFFF  }
0xac: {  	[dreg:$0x1] =	wrdreg $0xFFFFFFFF  }
0xad: {  	[dreg:$0x0] =	wrdreg $0x60  }
0xae: {  	[dreg:$0x2] =	wrdreg s24  }
0xaf: {  	[dreg:$0x3] =	wrdreg $0xA0800  }
0xb0: {  	[dreg:$0x4] =	wrdreg $0x9  }
0xb1: {  	_ =	task.clear_ibuf [dreg:s6], $0x5FFFF;
	_ =	strace $0x90000049  }
0xb2: {  	s29 =	simm.s32 $0x9;
	_ =	strace $0x8000004B  }
0xb3: {  	_ =	swait.ge [sflag:s29], $0x1  }
0xb4: {  	[sflag:s29] =	ssyncadd.s32 $0xFFFFFFFF  }
0xb5: {  	_ =	strace $0x9000004B  }
0xb6: {  	_ =	sfence  }
0xb7: {  	s30 =	sld [smem:$0x0];
	_ =	sdelay $0x2  }
0xb8: {  	s31 =	sshll.u32 s1, $0xD;
	s1 =	sshrl.u32 s1, $0x2  }
0xb9: {  	s3 =	sand.u32 $0x4000, s31;
	s1 =	sadd.s32 s1, s30  }
0xba: {  	s0 =	sor.u32 s3, s0;
	s1 =	sshll.u32 s1, $0x11  }
0xbb: {  	s0 =	sor.u32 s1, s0  }
0xbc: {  	s0 =	sadd.s32 $0x8F2B, s0  }
0xbd: {  	[sflag:s0] =	ssyncadd.remote.s32 $0x1  }
0xbe: {  	_ =	sfence.sel $0xFFFF  }
0xbf: {  	[dreg:$0x0] =	wrdreg $0xFFFFFFFF;
	(pc) =	sbr.abs _section_cstart, $3  }
0xc0: {  	[dreg:$0x1] =	wrdreg $0xFFFFFFFF  }
0xc1: {  	_ =	task.clear_ibuf [dreg:s6], $0x2FFFF;
	_ =	strace $0x9FFFFFFF  }
0xc2: {  	(tm) =	ssettm $0x7FFFFFFF  }
0xc3: {  	_ =	shalt  }
tec
execute0_lowered:
.L_overlay_start_1:
0x0: {  	(tag) =	ssettag $0x1  }
0x1: {  	s0 =	rddreg [dreg:$0x0]  }
0x2: {  	s2 =	rddreg [dreg:$0x1]  }
0x3: {  	s1 =	srdreg.scid;
	s14 =	stileid.u32  }
0x4: {  	s3 =	simm.s32 $0x0;
	s17 =	simm.s32 $0x7880;
	s18 =	simm.s32 $0xB  }
0x5: {  	s28 =	simm.s32 $0x3;
	s29 =	simm.s32 $0x5;
	s30 =	simm.s32 $0x1  }
0x6: {  	s31 =	simm.s32 $0x2;
	s1 =	sand.u32 $0x1, s1;
	s4 =	sshll.u32 s14, $0x1  }
0x7: {  	[smem:$0x7FF] =	sst s3;
	s5 =	sadd.s32 $0x3600, s0;
	s6 =	sadd.s32 $0x9DB200, s0  }
0x8: {  	s8 =	sadd.s32 $0x4F9200, s0;
	s23 =	smul.u32 $0x4E200, s14;
	s9 =	sor.u32 s1, s4  }
0x9: {  	_ =	strace $0x8000004A;
	s7 =	sshll.u32 s1, $0x4;
	s1 =	ssub.s32 $0x2, s1  }
0xa: {  	s4 =	smul.u32 $0x2710, s9;
	s7 =	sor.u32 s14, s7;
	s13 =	sshrl.u32 s1, $0x1  }
0xb: {  	s9 =	smul.u32 $0x27100, s9;
	s25 =	sshrl.u32 s23, $0x2;
	s23 =	simm.s32 $0x5080  }
0xc: {  	s11 =	smul.u32 $0x2780, s7;
	s7 =	sadd.s32 $0x4E5600, s0;
	s1 =	ssub.s32 s1, s13  }
0xd: {  	s15 =	sadd.s32 s25, s2;
	s25 =	simm.s32 $0x8C80;
	s10 =	sshrl.u32 s4, $0x3  }
0xe: {  	s21 =	sadd.s32 $0x28, s4;
	s9 =	sadd.s32 s6, s9;
	s26 =	smax.u32 s1, $0x1  }
0xf: {  	s1 =	simm.s32 $0x9;
	s12 =	sadd.s32 s10, s0;
	s0 =	sadd.s32 s11, s0  }
0x10: {  	s10 =	sadd.s32 s7, s10;
	s22 =	sshrl.u32 s21, $0x3;
	[dreg:$0x6] =	wrdreg s9  }
0x11: {  	s24 =	sshll.u32 s21, $0x4;
	[dreg:$0x9] =	wrdreg s26;
	s21 =	simm.s32 $0x28  }
0x12: {  	s26 =	simm.s32 $0x7;
	s20 =	sadd.s32 $0x4EF400, s12;
	[dreg:$0x4] =	wrdreg s10  }
0x13: {  	s11 =	simm.s32 $0x0;
	s10 =	sadd.s32 s7, s22;
	[dreg:$0x3] =	wrdreg s20  }
0x14: {  	s9 =	sadd.s32 s6, s24;
	s0 =	sadd.s32 $0x51A00, s0;
	[dreg:$0x5] =	wrdreg s10  }
0x15: {  	s22 =	simm.s32 $0x2880;
	s24 =	simm.s32 $0x6;
	[dreg:$0x7] =	wrdreg s9  }
0x16: {  	v0 =	vimm.f32 $0.0e+00;
	[dreg:$0x8] =	wrdreg s0;
	s20 =	simm.s32 $0x80;
	s0 =	simm.s32 $0x4  }
.LBB2_1:
0x17: {  	s9 =	simm.s32 $0x0;
	s10 =	simm.s32 $0x200  }
.LBB2_2:
0x18: {  	p0 =	sne.s32 s10, $0x3000;
	[tilespmem:s9+$0x78F0] =	vst v0  }
0x19: {  	[tilespmem:s9+$0x7880] =	vst v0  }
0x1a: {  	[tilespmem:s9+$0x7890] =	vst v0  }
.Ltmp0:
0x1b: {  	[tilespmem:s9+$0x78A0] =	vst v0;
	(pc) =	sbr.rel @p0 .LBB2_2-.Ltmp0, $4  }
0x1c: {  	[tilespmem:s9+$0x78B0] =	vst v0  }
0x1d: {  	[tilespmem:s9+$0x78C0] =	vst v0  }
0x1e: {  	[tilespmem:s9+$0x78D0] =	vst v0  }
0x1f: {  	[tilespmem:s9+$0x78E0] =	vst v0;
	s9 =	sshra.s32 s10, $0x2;
	s10 =	sadd.s32 $0x200, s10  }
0x20: {  	[tilespmem:s9+$0x78F0] =	vst v0  }
0x21: {  	[tilespmem:s9+$0x7880] =	vst v0  }
0x22: {  	[tilespmem:s9+$0x7890] =	vst v0  }
0x23: {  	[tilespmem:s9+$0x78A0] =	vst v0  }
0x24: {  	[tilespmem:s9+$0x78B0] =	vst v0  }
0x25: {  	[tilespmem:s9+$0x78C0] =	vst v0  }
0x26: {  	[tilespmem:s9+$0x78D0] =	vst v0  }
0x27: {  	[tilespmem:s9+$0x78E0] =	vst v0;
	s19 =	sadd.s32 $0x0, s15  }
0x28: {  	[spmem:s19] =	stream.linear.scatter [tilespmem:s17], [sflag:$0xB], $0xC80, $0x38;
	[tilespmem:$0x1D900] =	vst v63  }
0x29: {  	s9 =	simm.s32 $0x3200;
	_ =	swait.ge [sflag:s18], $0xC80  }
.LBB2_4:
0x2a: {  	s10 =	sshra.s32 s9, $0x2;
	[sflag:s18] =	ssyncset.done $0x0;
	p0 =	sne.s32 s9, $0x4B000  }
.Ltmp1:
0x2b: {  	s10 =	sadd.s32 s10, s15;
	[sflag:s18] =	ssyncadd.s32 $0xFFFFF380;
	(pc) =	sbr.rel @p0 .LBB2_4-.Ltmp1, $3  }
0x2c: {  	[spmem:s10] =	stream.linear.scatter [tilespmem:s17], [sflag:$0xB], $0xC80, $0x38;
	[tilespmem:$0x1D900] =	vst v63  }
0x2d: {  	s9 =	sadd.s32 $0x3200, s9;
	_ =	sdelay $0x1  }
0x2e: {  	_ =	swait.ge [sflag:s18], $0xC80  }
0x2f: {  	[sflag:s18] =	ssyncset.done $0x0  }
0x30: {  	[sflag:s18] =	ssyncadd.s32 $0xFFFFF380  }
0x31: {  	[bflag:$0x0] =	sbarrier.arrive $0xFFFF  }
0x32: {  	s12 =	simm.s32 $0x0;
	s10 =	simm.s32 $0x100;
	s9 =	rddreg [dreg:$0x3]  }
0x33: {  	[tilespmem:s10], [sflag:$0xB] =	stream.linear.gather [hbm4b:s9+s12], $0x2710, $0x38;
	[tilespmem:$0x1D900] =	vst v63  }
0x34: {  	_ =	swait.ge [sflag:s18], $0x2710  }
0x35: {  	[sflag:s18] =	ssyncset.done $0x0  }
0x36: {  	s16 =	rddreg [dreg:$0x4];
	[sflag:s18] =	ssyncadd.s32 $0xFFFFD8F0  }
0x37: {  	[tilespmem:s12], [sflag:$0x1] =	stream.linear.gather [hbm4b:s16+s12], $0x28, $0x38;
	[tilespmem:$0x1D900] =	vst v63  }
0x38: {  	s19 =	rddreg [dreg:$0x5]  }
0x39: {  	[tilespmem:s20], [sflag:$0x2] =	stream.linear.gather [hbm4b:s19+s12], $0x28, $0x38;
	[tilespmem:$0x1D900] =	vst v63  }
0x3a: {  	_ = 	snop  }
0x3b: {  	[tilespmem:s22], [sflag:$0x3] =	stream.indirect.gather [hbm4b:s5+s21], $0x80, s10, s21, $0xb8;
	[tilespmem:$0x1D900] =	vst v63  }
0x3c: {  	s10 =	rddreg [dreg:$0x6]  }
0x3d: {  	[tilespmem:s23], [sflag:$0x5] =	stream.linear.gather [hbm4b:s10+s12], $0x1400, $0x38;
	[tilespmem:$0x1D900] =	vst v63  }
0x3e: {  	s13 =	simm.s32 $0x128;
	s14 =	simm.s32 $0x3C80  }
0x3f: {  	[tilespmem:s14], [sflag:$0x4] =	stream.indirect.gather [hbm4b:s5+s21], $0x80, s13, s21, $0xb8;
	[tilespmem:$0x1D900] =	vst v63  }
0x40: {  	s16 =	rddreg [dreg:$0x7];
	s19 =	simm.s32 $0x6480  }
0x41: {  	[tilespmem:s19], [sflag:$0x6] =	stream.linear.gather [hbm4b:s16+s12], $0x1400, $0x38;
	[tilespmem:$0x1D900] =	vst v63  }
.LBB2_6:
0x42: {  	_ =	swait.ge [sflag:s28], $0x1400  }
0x43: {  	[sflag:s28] =	ssyncset.done $0x0  }
0x44: {  	[sflag:s28] =	ssyncadd.s32 $0xFFFFEC00  }
0x45: {  	_ =	swait.ge [sflag:s29], $0x1400  }
0x46: {  	[sflag:s29] =	ssyncset.done $0x0  }
0x47: {  	s13 =	simm.s32 $0x0;
	[sflag:s29] =	ssyncadd.s32 $0xFFFFEC00  }
0x48: {  	v1 =	vld [tilespmem:s13+$0x50F0]  }
0x49: {  	v2 =	vld [tilespmem:s13+$0x28F0]  }
0x4a: {  	v3 =	vld [tilespmem:s13+$0x5080]  }
0x4b: {  	v4 =	vld [tilespmem:s13+$0x2880]  }
0x4c: {  	v5 =	vld [tilespmem:s13+$0x5090]  }
0x4d: {  	v6 =	vld [tilespmem:s13+$0x2890]  }
0x4e: {  	v7 =	vld [tilespmem:s13+$0x50A0]  }
0x4f: {  	v1 =	vadd.f32 v2, v1;
	v2 =	vld [tilespmem:s13+$0x28A0]  }
0x50: {  	v8 =	vld [tilespmem:s13+$0x50B0]  }
0x51: {  	v9 =	vld [tilespmem:s13+$0x28B0];
	v3 =	vadd.f32 v4, v3  }
0x52: {  	v10 =	vld [tilespmem:s13+$0x50C0];
	v1 =	vmax.f32 v1, $0.0e+00  }
0x53: {  	[tilespmem:s13+$0x78F0] =	vst v1;
	v1 =	vmax.f32 v3, $0.0e+00;
	v3 =	vadd.f32 v6, v5;
	v6 =	vld [tilespmem:s13+$0x28C0]  }
0x54: {  	v4 =	vld [tilespmem:s13+$0x28D0];
	v2 =	vadd.f32 v2, v7  }
0x55: {  	[tilespmem:s13+$0x7880] =	vst v1;
	v1 =	vld [tilespmem:s13+$0x50D0];
	v3 =	vmax.f32 v3, $0.0e+00  }
0x56: {  	v5 =	vld [tilespmem:s13+$0x28E0];
	v7 =	vadd.f32 v9, v8;
	[tilespmem:s13+$0x7890] =	vst v3;
	v3 =	vmax.f32 v2, $0.0e+00  }
0x57: {  	s14 =	simm.s32 $0x80;
	v2 =	vld [tilespmem:s13+$0x50E0];
	[tilespmem:s13+$0x78A0] =	vst v3  }
0x58: {  	s9 =	simm.s32 $0x400;
	v7 =	vmax.f32 v7, $0.0e+00;
	v6 =	vadd.f32 v6, v10;
	v3 =	vld [tilespmem:s14+$0x50F0]  }
.LBB2_7:
0x59: {  	p0 =	sne.s32 s9, $0x4E00;
	v8 =	vld [tilespmem:s14+$0x28F0];
	[tilespmem:s13+$0x78B0] =	vst v7  }
0x5a: {  	v7 =	vld [tilespmem:s14+$0x5080];
	v6 =	vmax.f32 v6, $0.0e+00;
	v1 =	vadd.f32 v4, v1  }
0x5b: {  	v4 =	vld [tilespmem:s14+$0x2880];
	[tilespmem:s13+$0x78C0] =	vst v6  }
0x5c: {  	v6 =	vld [tilespmem:s14+$0x5090];
	v1 =	vmax.f32 v1, $0.0e+00;
	v2 =	vadd.f32 v5, v2  }
0x5d: {  	v5 =	vld [tilespmem:s14+$0x2890];
	[tilespmem:s13+$0x78D0] =	vst v1  }
0x5e: {  	v1 =	vld [tilespmem:s14+$0x50A0];
	v3 =	vadd.f32 v8, v3;
	v2 =	vmax.f32 v2, $0.0e+00  }
0x5f: {  	v8 =	vld [tilespmem:s14+$0x28A0];
	[tilespmem:s13+$0x78E0] =	vst v2;
	s13 =	smov.u32 s14  }
0x60: {  	v2 =	vadd.f32 v4, v7;
	v7 =	vld [tilespmem:s13+$0x50B0];
	v3 =	vmax.f32 v3, $0.0e+00  }
0x61: {  	v9 =	vld [tilespmem:s13+$0x28B0];
	[tilespmem:s13+$0x78F0] =	vst v3  }
0x62: {  	v2 =	vmax.f32 v2, $0.0e+00;
	v3 =	vadd.f32 v5, v6;
	v6 =	vld [tilespmem:s13+$0x50C0]  }
0x63: {  	[tilespmem:s13+$0x7880] =	vst v2;
	v10 =	vld [tilespmem:s13+$0x28C0]  }
.Ltmp2:
0x64: {  	v2 =	vmax.f32 v3, $0.0e+00;
	v3 =	vadd.f32 v8, v1;
	v1 =	vld [tilespmem:s13+$0x50D0];
	(pc) =	sbr.rel @p0 .LBB2_7-.Ltmp2, $4  }
0x65: {  	[tilespmem:s13+$0x7890] =	vst v2;
	v4 =	vld [tilespmem:s13+$0x28D0]  }
0x66: {  	v3 =	vmax.f32 v3, $0.0e+00;
	v7 =	vadd.f32 v9, v7;
	v2 =	vld [tilespmem:s13+$0x50E0]  }
0x67: {  	s14 =	sshra.s32 s9, $0x2;
	[tilespmem:s13+$0x78A0] =	vst v3;
	v5 =	vld [tilespmem:s13+$0x28E0]  }
0x68: {  	s9 =	sadd.s32 $0x200, s9;
	v3 =	vld [tilespmem:s14+$0x50F0];
	v7 =	vmax.f32 v7, $0.0e+00;
	v6 =	vadd.f32 v10, v6  }
0x69: {  	v8 =	vld [tilespmem:s14+$0x28F0];
	[tilespmem:s13+$0x78B0] =	vst v7  }
0x6a: {  	v7 =	vld [tilespmem:s14+$0x5080];
	v6 =	vmax.f32 v6, $0.0e+00;
	v1 =	vadd.f32 v4, v1  }
0x6b: {  	v9 =	vld [tilespmem:s14+$0x2880];
	[tilespmem:s13+$0x78C0] =	vst v6  }
0x6c: {  	v57 =	vld [tilespmem:s14+$0x5090];
	v1 =	vmax.f32 v1, $0.0e+00;
	v2 =	vadd.f32 v5, v2  }
0x6d: {  	v6 =	vld [tilespmem:s14+$0x2890];
	[tilespmem:s13+$0x78D0] =	vst v1  }
0x6e: {  	v1 =	vld [tilespmem:s14+$0x50A0];
	v2 =	vmax.f32 v2, $0.0e+00  }
0x6f: {  	v58 =	vld [tilespmem:s14+$0x28A0];
	[tilespmem:s13+$0x78E0] =	vst v2  }
0x70: {  	v2 =	vld [tilespmem:s14+$0x50B0]  }
0x71: {  	v3 =	vadd.f32 v8, v3;
	v59 =	vld [tilespmem:s14+$0x28B0]  }
0x72: {  	v7 =	vadd.f32 v9, v7;
	v60 =	vld [tilespmem:s14+$0x50C0]  }
0x73: {  	v3 =	vmax.f32 v3, $0.0e+00;
	v61 =	vld [tilespmem:s14+$0x50D0]  }
0x74: {  	v62 =	vld [tilespmem:s14+$0x28D0];
	[tilespmem:s14+$0x78F0] =	vst v3;
	v3 =	vmax.f32 v7, $0.0e+00;
	v1 =	vadd.f32 v58, v1  }
0x75: {  	[tilespmem:s14+$0x7880] =	vst v3;
	v3 =	vld [tilespmem:s14+$0x28C0]  }
0x76: {  	v63 =	vld [tilespmem:s14+$0x50E0];
	v1 =	vmax.f32 v1, $0.0e+00  }
0x77: {  	[tilespmem:s14+$0x78A0] =	vst v1;
	v1 =	vld [tilespmem:s14+$0x28E0]  }
0x78: {  	v4 =	vadd.f32 v6, v57  }
0x79: {  	v2 =	vadd.f32 v59, v2  }
0x7a: {  	v4 =	vmax.f32 v4, $0.0e+00;
	v3 =	vadd.f32 v3, v60  }
0x7b: {  	[tilespmem:s14+$0x7890] =	vst v4;
	v4 =	vadd.f32 v62, v61;
	v2 =	vmax.f32 v2, $0.0e+00  }
0x7c: {  	[tilespmem:s14+$0x78B0] =	vst v2;
	v2 =	vmax.f32 v3, $0.0e+00;
	v1 =	vadd.f32 v1, v63  }
0x7d: {  	[tilespmem:s14+$0x78C0] =	vst v2;
	v2 =	vmax.f32 v4, $0.0e+00  }
0x7e: {  	s19 =	smul.u32 $0x50, s12;
	[tilespmem:s14+$0x78D0] =	vst v2;
	v1 =	vmax.f32 v1, $0.0e+00  }
0x7f: {  	[tilespmem:s14+$0x78E0] =	vst v1  }
0x80: {  	s9 =	sadd.s32 s4, s19;
	_ =	swait.ge [sflag:s30], $0x28  }
0x81: {  	s9 =	sshll.u32 s9, $0x4;
	[sflag:s30] =	ssyncset.done $0x0  }
0x82: {  	p1 =	seq.s32 s12, $0x0;
	s9 =	sadd.s32 s8, s9;
	[sflag:s30] =	ssyncadd.s32 $0xFFFFFFD8  }
0x83: {  	[hbm4b:s9+s3] =	stream.linear.scatter [tilespmem:s17], [sflag:$0x7], $0x1400, $0x38;
	[tilespmem:$0x1D900] =	vst v63  }
0x84: {  	s9 =	simm.s32 @!p1 $0x8  }
0x85: {  	[spmem:s2] =	stream.indirect.scatter.add.f32 [tilespmem:s17], [sflag:$0x9], $0x80, s3, s21, $0xb8;
	[tilespmem:$0x1D900] =	vst v63  }
0x86: {  	_ =	swait.ge @!p1 [sflag:s9], $0x1400  }
0x87: {  	s13 =	sshllo.u32 @!p1 s12, $0x1;
	[sflag:s9] =	ssyncset.done @!p1 $0x0  }
0x88: {  	s10 =	smul.u32 @!p1 $0x28, s13;
	[sflag:s9] =	ssyncadd.s32 @!p1 $0xFFFFEC00;
	s9 =	simm.s32 @!p1 $0xA  }
0x89: {  	p0 =	seq.s32 @!p1 s12, $0x7C;
	_ =	swait.ge @!p1 [sflag:s9], $0x1400  }
0x8a: {  	p2 =	por p1, !p0;
	s10 =	sadd.s32 @!p1 s4, s10;
	[sflag:s9] =	ssyncset.done @!p1 $0x0  }
.Ltmp3:
0x8b: {  	[sflag:s9] =	ssyncadd.s32 @!p1 $0xFFFFEC00;
	s9 =	sshrl.u32 @!p1 s10, $0x3;
	(pc) =	sbr.rel @!p2 .LBB2_10-.Ltmp3, $4  }
0x8c: {  	s14 =	simm.s32 @!p1 $0x80;
	s10 =	simm.s32 @!p1 $0x0;
	s9 =	sadd.s32 @!p1 s7, s9  }
0x8d: {  	[tilespmem:s14], [sflag:$0x2] =	stream.linear.gather @!p1 [hbm4b:s9+s10], $0x28, $0x38;
	[tilespmem:$0x1D900] =	vst v63  }
0x8e: {  	s9 =	sshll.u32 @!p1 s12, $0x1  }
0x8f: {  	p0 =	por @!p1 $0x1, $0x1;
	s14 =	sadd.s32 @!p1 $0x2, s9  }
0x90: {  	s14 =	simm.s32 @p1 $0x2  }
0x91: {  	s9 =	smul.u32 $0x28, s14;
	_ =	sdelay $0x1  }
0x92: {  	s10 =	sadd.s32 $0x100, s9;
	s9 =	sadd.s32 s4, s9  }
0x93: {  	[tilespmem:s22], [sflag:$0x3] =	stream.indirect.gather [hbm4b:s5+s21], $0x80, s10, s21, $0xb8;
	[tilespmem:$0x1D900] =	vst v63  }
0x94: {  	s9 =	sshll.u32 s9, $0x4  }
0x95: {  	s13 =	simm.s32 @p1 $0x1;
	p0 =	por $0x0, $0x0;
	s9 =	sadd.s32 s6, s9  }
0x96: {  	[tilespmem:s23], [sflag:$0x5] =	stream.linear.gather [hbm4b:s9+s3], $0x1400, $0x38;
	[tilespmem:$0x1D900] =	vst v63  }
.LBB2_10:
0x97: {  	_ =	swait.ge [sflag:s0], $0x1400  }
0x98: {  	[sflag:s0] =	ssyncset.done $0x0  }
0x99: {  	[sflag:s0] =	ssyncadd.s32 $0xFFFFEC00  }
0x9a: {  	_ =	swait.ge [sflag:s24], $0x1400  }
0x9b: {  	[sflag:s24] =	ssyncset.done $0x0  }
0x9c: {  	s16 =	simm.s32 $0x0;
	[sflag:s24] =	ssyncadd.s32 $0xFFFFEC00  }
0x9d: {  	v1 =	vld [tilespmem:s16+$0x64F0]  }
0x9e: {  	v2 =	vld [tilespmem:s16+$0x3CF0]  }
0x9f: {  	v3 =	vld [tilespmem:s16+$0x6480]  }
0xa0: {  	v4 =	vld [tilespmem:s16+$0x3C80]  }
0xa1: {  	v5 =	vld [tilespmem:s16+$0x6490]  }
0xa2: {  	v6 =	vld [tilespmem:s16+$0x3C90]  }
0xa3: {  	v7 =	vld [tilespmem:s16+$0x64A0]  }
0xa4: {  	v1 =	vadd.f32 v2, v1;
	v2 =	vld [tilespmem:s16+$0x3CA0]  }
0xa5: {  	v8 =	vld [tilespmem:s16+$0x64B0]  }
0xa6: {  	v9 =	vld [tilespmem:s16+$0x3CB0];
	v3 =	vadd.f32 v4, v3  }
0xa7: {  	v10 =	vld [tilespmem:s16+$0x64C0];
	v1 =	vmax.f32 v1, $0.0e+00  }
0xa8: {  	[tilespmem:s16+$0x8CF0] =	vst v1;
	v1 =	vmax.f32 v3, $0.0e+00;
	v3 =	vadd.f32 v6, v5;
	v6 =	vld [tilespmem:s16+$0x3CC0]  }
0xa9: {  	v4 =	vld [tilespmem:s16+$0x3CD0];
	v2 =	vadd.f32 v2, v7  }
0xaa: {  	[tilespmem:s16+$0x8C80] =	vst v1;
	v1 =	vld [tilespmem:s16+$0x64D0];
	v3 =	vmax.f32 v3, $0.0e+00  }
0xab: {  	v5 =	vld [tilespmem:s16+$0x3CE0];
	v7 =	vadd.f32 v9, v8;
	[tilespmem:s16+$0x8C90] =	vst v3;
	v3 =	vmax.f32 v2, $0.0e+00  }
0xac: {  	s9 =	simm.s32 $0x80;
	v2 =	vld [tilespmem:s16+$0x64E0];
	[tilespmem:s16+$0x8CA0] =	vst v3  }
0xad: {  	s10 =	simm.s32 $0x400;
	v7 =	vmax.f32 v7, $0.0e+00;
	v6 =	vadd.f32 v6, v10;
	v3 =	vld [tilespmem:s9+$0x64F0]  }
.LBB2_11:
0xae: {  	p1 =	sne.s32 s10, $0x4E00;
	v8 =	vld [tilespmem:s9+$0x3CF0];
	[tilespmem:s16+$0x8CB0] =	vst v7  }
0xaf: {  	v7 =	vld [tilespmem:s9+$0x6480];
	v6 =	vmax.f32 v6, $0.0e+00;
	v1 =	vadd.f32 v4, v1  }
0xb0: {  	v4 =	vld [tilespmem:s9+$0x3C80];
	[tilespmem:s16+$0x8CC0] =	vst v6  }
0xb1: {  	v6 =	vld [tilespmem:s9+$0x6490];
	v1 =	vmax.f32 v1, $0.0e+00;
	v2 =	vadd.f32 v5, v2  }
0xb2: {  	v5 =	vld [tilespmem:s9+$0x3C90];
	[tilespmem:s16+$0x8CD0] =	vst v1  }
0xb3: {  	v1 =	vld [tilespmem:s9+$0x64A0];
	v3 =	vadd.f32 v8, v3;
	v2 =	vmax.f32 v2, $0.0e+00  }
0xb4: {  	v8 =	vld [tilespmem:s9+$0x3CA0];
	[tilespmem:s16+$0x8CE0] =	vst v2;
	s16 =	smov.u32 s9  }
0xb5: {  	v2 =	vadd.f32 v4, v7;
	v7 =	vld [tilespmem:s16+$0x64B0];
	v3 =	vmax.f32 v3, $0.0e+00  }
0xb6: {  	v9 =	vld [tilespmem:s16+$0x3CB0];
	[tilespmem:s16+$0x8CF0] =	vst v3  }
0xb7: {  	v2 =	vmax.f32 v2, $0.0e+00;
	v3 =	vadd.f32 v5, v6;
	v6 =	vld [tilespmem:s16+$0x64C0]  }
0xb8: {  	[tilespmem:s16+$0x8C80] =	vst v2;
	v10 =	vld [tilespmem:s16+$0x3CC0]  }
.Ltmp4:
0xb9: {  	v2 =	vmax.f32 v3, $0.0e+00;
	v3 =	vadd.f32 v8, v1;
	v1 =	vld [tilespmem:s16+$0x64D0];
	(pc) =	sbr.rel @p1 .LBB2_11-.Ltmp4, $4  }
0xba: {  	[tilespmem:s16+$0x8C90] =	vst v2;
	v4 =	vld [tilespmem:s16+$0x3CD0]  }
0xbb: {  	v3 =	vmax.f32 v3, $0.0e+00;
	v7 =	vadd.f32 v9, v7;
	v2 =	vld [tilespmem:s16+$0x64E0]  }
0xbc: {  	s9 =	sshra.s32 s10, $0x2;
	[tilespmem:s16+$0x8CA0] =	vst v3;
	v5 =	vld [tilespmem:s16+$0x3CE0]  }
0xbd: {  	s10 =	sadd.s32 $0x200, s10;
	v3 =	vld [tilespmem:s9+$0x64F0];
	v7 =	vmax.f32 v7, $0.0e+00;
	v6 =	vadd.f32 v10, v6  }
0xbe: {  	v8 =	vld [tilespmem:s9+$0x3CF0];
	[tilespmem:s16+$0x8CB0] =	vst v7  }
0xbf: {  	v7 =	vld [tilespmem:s9+$0x6480];
	v6 =	vmax.f32 v6, $0.0e+00;
	v1 =	vadd.f32 v4, v1  }
0xc0: {  	v9 =	vld [tilespmem:s9+$0x3C80];
	[tilespmem:s16+$0x8CC0] =	vst v6  }
0xc1: {  	v57 =	vld [tilespmem:s9+$0x6490];
	v1 =	vmax.f32 v1, $0.0e+00;
	v2 =	vadd.f32 v5, v2  }
0xc2: {  	v6 =	vld [tilespmem:s9+$0x3C90];
	[tilespmem:s16+$0x8CD0] =	vst v1  }
0xc3: {  	v1 =	vld [tilespmem:s9+$0x64A0];
	v2 =	vmax.f32 v2, $0.0e+00  }
0xc4: {  	v58 =	vld [tilespmem:s9+$0x3CA0];
	[tilespmem:s16+$0x8CE0] =	vst v2  }
0xc5: {  	v2 =	vld [tilespmem:s9+$0x64B0]  }
0xc6: {  	v3 =	vadd.f32 v8, v3;
	v59 =	vld [tilespmem:s9+$0x3CB0]  }
0xc7: {  	v7 =	vadd.f32 v9, v7;
	v60 =	vld [tilespmem:s9+$0x64C0]  }
0xc8: {  	v3 =	vmax.f32 v3, $0.0e+00;
	v61 =	vld [tilespmem:s9+$0x64D0]  }
0xc9: {  	v62 =	vld [tilespmem:s9+$0x3CD0];
	[tilespmem:s9+$0x8CF0] =	vst v3;
	v3 =	vmax.f32 v7, $0.0e+00;
	v1 =	vadd.f32 v58, v1  }
0xca: {  	[tilespmem:s9+$0x8C80] =	vst v3;
	v3 =	vld [tilespmem:s9+$0x3CC0]  }
0xcb: {  	v63 =	vld [tilespmem:s9+$0x64E0];
	v1 =	vmax.f32 v1, $0.0e+00  }
0xcc: {  	[tilespmem:s9+$0x8CA0] =	vst v1;
	v1 =	vld [tilespmem:s9+$0x3CE0]  }
0xcd: {  	v4 =	vadd.f32 v6, v57  }
0xce: {  	v2 =	vadd.f32 v59, v2  }
0xcf: {  	v4 =	vmax.f32 v4, $0.0e+00;
	v3 =	vadd.f32 v3, v60  }
0xd0: {  	[tilespmem:s9+$0x8C90] =	vst v4;
	v4 =	vadd.f32 v62, v61;
	v2 =	vmax.f32 v2, $0.0e+00  }
0xd1: {  	[tilespmem:s9+$0x8CB0] =	vst v2;
	v2 =	vmax.f32 v3, $0.0e+00;
	v1 =	vadd.f32 v1, v63  }
0xd2: {  	[tilespmem:s9+$0x8CC0] =	vst v2;
	v2 =	vmax.f32 v4, $0.0e+00  }
0xd3: {  	s10 =	smul.u32 $0x28, s13;
	[tilespmem:s9+$0x8CD0] =	vst v2;
	v1 =	vmax.f32 v1, $0.0e+00  }
0xd4: {  	[tilespmem:s9+$0x8CE0] =	vst v1  }
0xd5: {  	s16 =	sadd.s32 s4, s10;
	_ =	swait.ge [sflag:s31], $0x28  }
0xd6: {  	s9 =	sshll.u32 s16, $0x4;
	[sflag:s31] =	ssyncset.done $0x0  }
0xd7: {  	s9 =	sadd.s32 s8, s9;
	[sflag:s31] =	ssyncadd.s32 $0xFFFFFFD8  }
0xd8: {  	[hbm4b:s9+s3] =	stream.linear.scatter [tilespmem:s25], [sflag:$0x8], $0x1400, $0x38;
	[tilespmem:$0x1D900] =	vst v63  }
0xd9: {  	_ = 	snop  }
0xda: {  	[spmem:s2] =	stream.indirect.scatter.add.f32 [tilespmem:s25], [sflag:$0xA], $0x80, s20, s21, $0xb8;
	[tilespmem:$0x1D900] =	vst v63  }
0xdb: {  	_ =	swait.ge [sflag:s26], $0x1400  }
0xdc: {  	s9 =	smul.u32 @!p0 $0x28, s14;
	[sflag:s26] =	ssyncset.done $0x0  }
0xdd: {  	[sflag:s26] =	ssyncadd.s32 $0xFFFFEC00  }
0xde: {  	s9 =	sadd.s32 @!p0 s4, s9;
	_ =	swait.ge [sflag:s1], $0x1400  }
0xdf: {  	s9 =	sshrl.u32 @!p0 s9, $0x3;
	[sflag:s1] =	ssyncset.done $0x0  }
0xe0: {  	s10 =	simm.s32 @!p0 $0x0;
	s9 =	sadd.s32 @!p0 s7, s9;
	[sflag:s1] =	ssyncadd.s32 $0xFFFFEC00  }
0xe1: {  	[tilespmem:s10], [sflag:$0x1] =	stream.linear.gather @!p0 [hbm4b:s9+s10], $0x28, $0x38;
	[tilespmem:$0x1D900] =	vst v63  }
0xe2: {  	s13 =	sadd.s32 @!p0 $0x178, s19;
	s9 =	sadd.s32 @!p0 s4, s19  }
0xe3: {  	s16 =	simm.s32 @!p0 $0x3C80;
	s14 =	simm.s32 @!p0 $0x28;
	s9 =	sshll.u32 @!p0 s9, $0x4  }
0xe4: {  	[tilespmem:s16], [sflag:$0x4] =	stream.indirect.gather @!p0 [hbm4b:s5+s14], $0x80, s13, s14, $0xb8;
	[tilespmem:$0x1D900] =	vst v63  }
0xe5: {  	s9 =	sadd.s32 @!p0 s6, s9  }
0xe6: {  	s12 =	sadd.s32 $0x1, s12;
	s13 =	simm.s32 @!p0 $0x6480;
	s9 =	sadd.s32 @!p0 $0x780, s9  }
0xe7: {  	[tilespmem:s13], [sflag:$0x6] =	stream.linear.gather @!p0 [hbm4b:s9+s10], $0x1400, $0x38;
	[tilespmem:$0x1D900] =	vst v63  }
0xe8: {  	p0 =	sne.s32 s12, $0x7D  }
.Ltmp5:
0xe9: {  	_ = 	snop;
	(pc) =	sbr.rel @p0 .LBB2_6-.Ltmp5, $1  }
0xea: {  	_ =	sdelay $0x3  }
0xeb: {  	s9 =	simm.s32 $0x8  }
0xec: {  	_ =	swait.ge [sflag:s9], $0x1400  }
0xed: {  	[sflag:s9] =	ssyncset.done $0x0  }
0xee: {  	s14 =	simm.s32 $0xA;
	[sflag:s9] =	ssyncadd.s32 $0xFFFFEC00  }
0xef: {  	_ =	swait.ge [sflag:s14], $0x1400  }
0xf0: {  	[sflag:s14] =	ssyncset.done $0x0  }
0xf1: {  	s16 =	stileid.u32;
	[sflag:s14] =	ssyncadd.s32 $0xFFFFEC00  }
0xf2: {  	s9 =	sshll.u32 s16, $0x6;
	[bflag:$0x0] =	sbarrier.arrive $0xFFFF  }
0xf3: {  	s10 =	sshrl.u32 s15, $0x3;
	s9 =	sor.u32 $0x1C0B, s9;
	s12 =	rddreg [dreg:$0x8]  }
0xf4: {  	[hbm:s12], [sflag:s9] =	dma.local [spmem:s10], $0x2710  }
0xf5: {  	_ =	swait.ge [sflag:s18], $0x2710  }
0xf6: {  	s11 =	sadd.s32 $0x1, s11;
	s19 =	rddreg [dreg:$0x9]  }
0xf7: {  	p0 =	sne.s32 s11, s19  }
.Ltmp6:
0xf8: {  	_ = 	snop;
	(pc) =	sbr.rel @p0 .LBB2_1-.Ltmp6, $3  }
0xf9: {  	_ =	sdelay $0x1  }
0xfa: {  	[sflag:s18] =	ssyncset.done $0x0  }
0xfb: {  	[sflag:s18] =	ssyncadd.s32 $0xFFFFD8F0  }
0xfc: {  	_ =	sfence.sel $0x180000  }
0xfd: {  	[bflag:$0x0] =	sbarrier.arrive $0xFFFF  }
0xfe: {  	_ =	strace $0x9000004A  }
0xff: {  	s0 =	stileid.u32;
	[bflag:$0x2] =	sbarrier.arrive $0xFFFF  }
0x100: {  	p0 =	sne.s32 s0, $0x0;
	s0 =	rddreg [dreg:$0x2]  }
0x101: {  	s0 =	sadd.s32 @!p0 $0x100000, s0  }
0x102: {  	[sflag:s0] =	ssyncadd.tile.s32 @!p0 $0x1;
	_ =	shalt  }
.Lfunc_end2:
_tile_overlayer_lowered:
.L_overlay_start_2:
0x103: {  	(tag) =	ssettag $0x2  }
0x104: {  	s0 =	rddreg [dreg:$0x0];
	s2 =	stileid.u32  }
0x105: {  	s1 =	rddreg [dreg:$0x1];
	p0 =	sne.s32 s2, $0x0  }
0x106: {  	s3 =	rddreg [dreg:$0x2];
	[bflag:$0x3] =	sbarrier.arrive $0xFFFF;
	s2 =	simm.s32 @!p0 $0x1C0B  }
0x107: {  	[timem:s3], [sflag:s2] =	dma.local @!p0 [hbm:s0], s1  }
0x108: {  	s0 =	simm.s32 @!p0 $0xB  }
0x109: {  	_ =	swait.ge @!p0 [sflag:s0], s1  }
0x10a: {  	s1 =	ssub.s32 @!p0 $0x0, s1;
	[sflag:s0] =	ssyncset.done @!p0 $0x0  }
0x10b: {  	[sflag:s0] =	ssyncadd.s32 @!p0 s1  }
0x10c: {  	[bflag:$0x3] =	sbarrier.arrive $0xFFFF  }
0x10d: {  	_ =	shalt  }

// kernel: kernel.16.cloned.1.call-start
scs
__scs_entry_jumppad:
0x0: {  	(pc) =	sbr.rel $0x88, $3  }
0x1: {  	(tag) =	ssettag $0x0;
	lr =	simm.s32 $0x1  }
0x2: {  	[smem:$0x3F99] =	sst lr;
	_ =	strace $0xD0000000  }
0x3: {  	_ = 	snop  }
0x4: {  	_ = 	snop  }
0x5: {  	_ = 	snop  }
0x6: {  	_ = 	snop  }
0x7: {  	_ = 	snop  }
__scs_overlays_trampoline_lowered:
0x8: {  	[smem:$0x3FA8] =	sst s0  }
0x9: {  	[smem:$0x3FA9] =	sst s1  }
0xa: {  	[smem:$0x3FAA] =	sst s2  }
0xb: {  	[smem:$0x3FAB] =	sst s3  }
0xc: {  	[smem:$0x3FAC] =	sst s4  }
0xd: {  	[smem:$0x3FAD] =	sst s5  }
0xe: {  	[smem:$0x3FAE] =	sst s6  }
0xf: {  	[smem:$0x3FAF] =	sst s7  }
0x10: {  	[smem:$0x3FB0] =	sst s8  }
0x11: {  	[smem:$0x3FB1] =	sst s9;
	s0 =	simm.s32 @!p0 $0x0  }
0x12: {  	s1 =	sld [smem:$0x3F97];
	s0 =	simm.s32 @p0 $0x1  }
0x13: {  	[smem:$0x3FB2] =	sst s0;
	s0 =	simm.s32 @!p1 $0x0  }
0x14: {  	s2 =	sld [smem:$0x3F96];
	s0 =	simm.s32 @p1 $0x1  }
0x15: {  	[smem:$0x3FB3] =	sst s0;
	s0 =	simm.s32 @!p2 $0x0  }
0x16: {  	s3 =	sld [smem:$0x3FDB];
	s0 =	simm.s32 @p2 $0x1  }
0x17: {  	s4 =	simm.s32 $0x1BF5;
	[smem:$0x3FB5] =	sst s0  }
0x18: {  	s0 =	sld [smem:$0x3F98];
	_ =	swait.ge [sflag:s4], $0x0  }
0x19: {  	s7 =	sld [smem:$0x3F99]  }
0x1a: {  	s8 =	sadd.s32 $0xFFFFE003, lr  }
0x1b: {  	s9 =	sadd.s32 $0xFFFFFEF7, lr;
	s5 =	simm.s32 $0xFFFFFFFF;
	p2 =	slt.u32 s8, $0xFFFFF086  }
0x1c: {  	p1 =	slt.u32 s9, $0xF7A;
	s5 =	simm.s32 @!p2 $0x0  }
0x1d: {  	s5 =	simm.s32 @p1 $0x1;
	p0 =	seq.s32 s7, s2  }
0x1e: {  	s7 =	smul.u32 @!p0 $0xF7A, s2;
	p2 =	seq.s32 @!p0 s5, $0x0  }
0x1f: {  	s9 =	smul.u32 $0xF7A, s1;
	s8 =	simm.s32 @!p0 $0x1BF5;
	p2 =	por !p2, p0  }
0x20: {  	[sflag:s8] =	ssyncset.s32 @!p0 $0xFFFFF086;
	s6 =	sadd.s32 @!p0 s3, s7;
	s7 =	simm.s32 @!p0 $0x108  }
0x21: {  	s3 =	sadd.s32 s3, s9;
	s6 =	sadd.s32 @!p0 $0x88, s6;
	s7 =	simm.s32 @p2 $0x1082  }
0x22: {  	[simem:s7], [sflag:s8] =	dma.local @!p0 [hbm:s6], $0xF7A  }
0x23: {  	s9 =	sor.u32 $0xD0000000, s2;
	s6 =	simm.s32 $0x108;
	_ =	swait.ge @!p0 [sflag:s8], $0x0  }
0x24: {  	s3 =	sadd.s32 $0x88, s3;
	s6 =	simm.s32 @!p1 $0x1082;
	[sflag:s4] =	ssyncset.s32 $0xFFFFF086  }
0x25: {  	[simem:s6], [sflag:s4] =	dma.local [hbm:s3], $0xF7A  }
0x26: {  	[smem:$0x3F99] =	sst s1;
	(tag) =	ssettag s2;
	_ =	strace s9  }
0x27: {  	s1 =	sld [smem:$0x3FA9]  }
0x28: {  	s2 =	sld [smem:$0x3FAA]  }
0x29: {  	s4 =	sld [smem:$0x3FAC]  }
0x2a: {  	p0 =	seq.s32 s5, $0x0;
	s5 =	sld [smem:$0x3FAD]  }
0x2b: {  	s6 =	sld [smem:$0x3FAE]  }
0x2c: {  	s7 =	sld [smem:$0x3FAF]  }
0x2d: {  	s3 =	simm.s32 $0x108;
	s8 =	sld [smem:$0x3FB0]  }
0x2e: {  	s3 =	simm.s32 @!p0 $0x1082;
	s9 =	sld [smem:$0x3FB1]  }
0x2f: {  	lr =	sadd.s32 s0, s3;
	s0 =	sld [smem:$0x3FA8]  }
0x30: {  	s3 =	sld [smem:$0x3FAB]  }
0x31: {  	[smem:$0x3FB4] =	sst s10  }
0x32: {  	s10 =	sld [smem:$0x3FB2];
	_ =	sdelay $0x3  }
0x33: {  	p0 =	seq.s32 s10, $0x1;
	s10 =	sld [smem:$0x3FB4];
	_ =	sdelay $0x3  }
0x34: {  	[smem:$0x3FB4] =	sst s10  }
0x35: {  	s10 =	sld [smem:$0x3FB3];
	_ =	sdelay $0x3  }
0x36: {  	p1 =	seq.s32 s10, $0x1;
	s10 =	sld [smem:$0x3FB4];
	_ =	sdelay $0x3  }
0x37: {  	[smem:$0x3FB4] =	sst s10  }
0x38: {  	s10 =	sld [smem:$0x3FB5]  }
0x39: {  	_ = 	snop;
	(pc) =	sbr.ind lr, $3  }
0x3a: {  	_ = 	snop  }
0x3b: {  	_ = 	snop  }
0x3c: {  	p2 =	seq.s32 s10, $0x1;
	s10 =	sld [smem:$0x3FB4]  }
0x3d: {  	_ =	shalt  }
0x3e: {  	_ =	shalt  }
0x3f: {  	_ =	shalt  }
0x40: {  	_ =	shalt  }
0x41: {  	_ =	shalt  }
0x42: {  	_ =	shalt  }
0x43: {  	_ =	shalt  }
0x44: {  	_ =	shalt  }
0x45: {  	_ =	shalt  }
0x46: {  	_ =	shalt  }
0x47: {  	_ =	shalt  }
0x48: {  	_ =	shalt  }
0x49: {  	_ =	shalt  }
0x4a: {  	_ =	shalt  }
0x4b: {  	_ =	shalt  }
0x4c: {  	_ =	shalt  }
0x4d: {  	_ =	shalt  }
0x4e: {  	_ =	shalt  }
0x4f: {  	_ =	shalt  }
0x50: {  	_ =	shalt  }
0x51: {  	_ =	shalt  }
0x52: {  	_ =	shalt  }
0x53: {  	_ =	shalt  }
0x54: {  	_ =	shalt  }
0x55: {  	_ =	shalt  }
0x56: {  	_ =	shalt  }
0x57: {  	_ =	shalt  }
0x58: {  	_ =	shalt  }
0x59: {  	_ =	shalt  }
0x5a: {  	_ =	shalt  }
0x5b: {  	_ =	shalt  }
0x5c: {  	_ =	shalt  }
0x5d: {  	_ =	shalt  }
0x5e: {  	_ =	shalt  }
0x5f: {  	_ =	shalt  }
0x60: {  	_ =	shalt  }
0x61: {  	_ =	shalt  }
0x62: {  	_ =	shalt  }
0x63: {  	_ =	shalt  }
0x64: {  	_ =	shalt  }
0x65: {  	_ =	shalt  }
0x66: {  	_ =	shalt  }
0x67: {  	_ =	shalt  }
0x68: {  	_ =	shalt  }
0x69: {  	_ =	shalt  }
0x6a: {  	_ =	shalt  }
0x6b: {  	_ =	shalt  }
0x6c: {  	_ =	shalt  }
0x6d: {  	_ =	shalt  }
0x6e: {  	_ =	shalt  }
0x6f: {  	_ =	shalt  }
0x70: {  	_ =	shalt  }
0x71: {  	_ =	shalt  }
0x72: {  	_ =	shalt  }
0x73: {  	_ =	shalt  }
0x74: {  	_ =	shalt  }
0x75: {  	_ =	shalt  }
0x76: {  	_ =	shalt  }
0x77: {  	_ =	shalt  }
0x78: {  	_ =	shalt  }
0x79: {  	_ =	shalt  }
0x7a: {  	_ =	shalt  }
0x7b: {  	_ =	shalt  }
0x7c: {  	_ =	shalt  }
0x7d: {  	_ =	shalt  }
0x7e: {  	_ =	shalt  }
0x7f: {  	_ =	shalt  }
0x80: {  	_ =	shalt  }
0x81: {  	_ =	shalt  }
0x82: {  	_ =	shalt  }
0x83: {  	_ =	shalt  }
0x84: {  	_ =	shalt  }
0x85: {  	_ =	shalt  }
0x86: {  	_ =	shalt  }
0x87: {  	_ =	shalt  }
.Lfunc_end0:
.L_simem_size_0:
called_computation.2_lowered:
.L_overlay_start_0:
0x88: {  	s2 =	sld [smem:$0x3FD9]  }
0x89: {  	s3 =	sld [smem:$0x3FFE];
	_ =	sdelay $0x1  }
0x8a: {  	s1 =	srdreg.scid  }
0x8b: {  	s0 =	sand.u32 $0x1, s1  }
0x8c: {  	s16 =	sshll.u32 s0, $0xA;
	s2 =	sadd.s32 s3, s2  }
0x8d: {  	s2 =	sadd.s32 s2, s16  }
0x8e: {  	[smem:$0x3FC0] =	sst s2  }
0x8f: {  	_ = 	snop  }
0x90: {  	(tm) =	ssettm $0x1  }
0x91: {  	s17 =	sld [smem:$0x3FFB];
	_ =	sdelay $0x3  }
0x92: {  	_ =	strace s17  }
0x93: {  	s2 =	sld [smem:$0x3FFC];
	_ =	sdelay $0x3  }
0x94: {  	_ =	strace s2  }
0x95: {  	s2 =	sld [smem:$0x3FFD];
	_ =	sdelay $0x3  }
0x96: {  	_ =	strace s2  }
0x97: {  	_ =	strace $0x8FFFFFFF  }
0x98: {  	s18 =	sld [smem:$0x3FDB];
	_ =	sdelay $0x1  }
0x99: {  	s19 =	simm.s32 $_scs_section_size  }
0x9a: {  	s4 =	simm.s32 $_size__tile_overlayer_lowered;
	s5 =	simm.s32 $_tile_overlayer_lowered  }
0x9b: {  	s22 =	simm.s32 $0x1BFF;
	s21 =	sshll.u32 s5, $0x1;
	s2 =	sadd.s32 s19, s18  }
0x9c: {  	s6 =	simm.s32 $0x0;
	s20 =	sshll.u32 s4, $0x1;
	s4 =	sadd.s32 s21, s2  }
0x9d: {  	[timem:s6], [sflag:s22] =	dma.local [hbm:s4], s20  }
0x9e: {  	_ =	swait.ge [sflag:s22], s20  }
0x9f: {  	s3 =	ssub.s32 $0x0, s20;
	[sflag:s22] =	ssyncset.done $0x0  }
0xa0: {  	[sflag:s22] =	ssyncadd.s32 s3;
	_ =	sdelay $0x1  }
0xa1: {  	s23 =	simm.s32 $0x1B8B  }
0xa2: {  	_ =	swait.ge [sflag:s23], $0x1  }
0xa3: {  	[sflag:s23] =	ssyncset.done $0x0  }
0xa4: {  	s25 =	simm.s32 $0x1B8E;
	s24 =	sld [smem:$0x3FFE];
	[sflag:s23] =	ssyncadd.s32 $0xFFFFFFFF  }
0xa5: {  	s26 =	simm.s32 $execute0_lowered;
	[smem:$0x3FD2] =	sst s25  }
0xa6: {  	s4 =	sshll.u32 s26, $0x1;
	_ =	strace $0x8000004C;
	[dreg:$0x1] =	wrdreg $0xFFFFFFFF  }
0xa7: {  	s28 =	simm.s32 $_size_execute0_lowered;
	s2 =	sadd.s32 s2, s4;
	[dreg:$0x0] =	wrdreg $0x0  }
0xa8: {  	s4 =	sshll.u32 s28, $0x1;
	[dreg:$0x2] =	wrdreg s2  }
0xa9: {  	[dreg:$0x3] =	wrdreg s4  }
0xaa: {  	[dreg:$0x4] =	wrdreg $0xC0  }
0xab: {  	_ =	task [dreg:s6], $0x5FFFF  }
0xac: {  	[dreg:$0x1] =	wrdreg $0xFFFFFFFF  }
0xad: {  	[dreg:$0x0] =	wrdreg $0x60  }
0xae: {  	[dreg:$0x2] =	wrdreg s24  }
0xaf: {  	[dreg:$0x3] =	wrdreg $0xA0800  }
0xb0: {  	[dreg:$0x4] =	wrdreg $0x9  }
0xb1: {  	_ =	task.clear_ibuf [dreg:s6], $0x5FFFF;
	_ =	strace $0x9000004C  }
0xb2: {  	s29 =	simm.s32 $0x9;
	_ =	strace $0x8000004E  }
0xb3: {  	_ =	swait.ge [sflag:s29], $0x1  }
0xb4: {  	[sflag:s29] =	ssyncadd.s32 $0xFFFFFFFF  }
0xb5: {  	_ =	strace $0x9000004E  }
0xb6: {  	_ =	sfence  }
0xb7: {  	s30 =	sld [smem:$0x0];
	_ =	sdelay $0x2  }
0xb8: {  	s31 =	sshll.u32 s1, $0xD;
	s1 =	sshrl.u32 s1, $0x2  }
0xb9: {  	s3 =	sand.u32 $0x4000, s31;
	s1 =	sadd.s32 s1, s30  }
0xba: {  	s0 =	sor.u32 s3, s0;
	s1 =	sshll.u32 s1, $0x11  }
0xbb: {  	s0 =	sor.u32 s1, s0  }
0xbc: {  	s0 =	sadd.s32 $0x8F2B, s0  }
0xbd: {  	[sflag:s0] =	ssyncadd.remote.s32 $0x1  }
0xbe: {  	_ =	sfence.sel $0xFFFF  }
0xbf: {  	[dreg:$0x0] =	wrdreg $0xFFFFFFFF;
	(pc) =	sbr.abs _section_cstart, $3  }
0xc0: {  	[dreg:$0x1] =	wrdreg $0xFFFFFFFF  }
0xc1: {  	_ =	task.clear_ibuf [dreg:s6], $0x2FFFF;
	_ =	strace $0x9FFFFFFF  }
0xc2: {  	(tm) =	ssettm $0x7FFFFFFF  }
0xc3: {  	_ =	shalt  }
tec
execute0_lowered:
.L_overlay_start_1:
0x0: {  	(tag) =	ssettag $0x1  }
0x1: {  	s0 =	rddreg [dreg:$0x0];
	s1 =	srdreg.scid  }
0x2: {  	s13 =	stileid.u32;
	s2 =	rddreg [dreg:$0x1];
	s17 =	simm.s32 $0x7880  }
0x3: {  	s18 =	simm.s32 $0x9;
	s20 =	simm.s32 $0x80;
	s21 =	simm.s32 $0x28  }
0x4: {  	s22 =	simm.s32 $0x2880;
	s28 =	simm.s32 $0x3;
	s29 =	simm.s32 $0x5  }
0x5: {  	s30 =	simm.s32 $0x1;
	s1 =	sand.u32 $0x1, s1;
	s3 =	sshll.u32 s13, $0x1  }
0x6: {  	s31 =	simm.s32 $0x2;
	s6 =	sadd.s32 $0x4F9200, s0;
	s9 =	sor.u32 s1, s3  }
0x7: {  	s7 =	sadd.s32 $0x4E5600, s0;
	s3 =	simm.s32 $0x0;
	s4 =	smul.u32 $0x2710, s9  }
0x8: {  	s5 =	sshll.u32 s1, $0x4;
	s1 =	ssub.s32 $0x2, s1;
	s9 =	smul.u32 $0x27100, s9  }
0x9: {  	[smem:$0x7FF] =	sst s3;
	s5 =	sor.u32 s13, s5;
	s13 =	smul.u32 $0x4E200, s13  }
0xa: {  	s12 =	sshrl.u32 s1, $0x1;
	_ =	strace $0x8000004D;
	s8 =	smul.u32 $0x2780, s5  }
0xb: {  	s5 =	sadd.s32 $0x3600, s0;
	s1 =	ssub.s32 s1, s12;
	s10 =	sshrl.u32 s4, $0x3  }
0xc: {  	s9 =	sadd.s32 s6, s9;
	s26 =	sshrl.u32 s13, $0x2;
	s16 =	smax.u32 s1, $0x1  }
0xd: {  	s1 =	simm.s32 $0x4;
	s11 =	sadd.s32 s10, s0;
	s0 =	sadd.s32 s8, s0  }
0xe: {  	s8 =	sadd.s32 $0x28, s4;
	s10 =	sadd.s32 s7, s10;
	[dreg:$0x6] =	wrdreg s9  }
0xf: {  	s15 =	sadd.s32 s26, s2;
	s26 =	simm.s32 $0x7;
	s23 =	sshrl.u32 s8, $0x3  }
0x10: {  	s11 =	sadd.s32 $0x4EF400, s11;
	[dreg:$0x4] =	wrdreg s10;
	s25 =	sshll.u32 s8, $0x4  }
0x11: {  	s0 =	sadd.s32 $0x51A00, s0;
	[dreg:$0x3] =	wrdreg s11;
	s24 =	sadd.s32 s7, s23  }
0x12: {  	s9 =	sadd.s32 s6, s25;
	[dreg:$0x8] =	wrdreg s0;
	s23 =	simm.s32 $0x5080  }
0x13: {  	s25 =	simm.s32 $0x8C80;
	s0 =	simm.s32 $0x8;
	[dreg:$0x5] =	wrdreg s24  }
0x14: {  	v0 =	vimm.f32 $0.0e+00;
	[dreg:$0x7] =	wrdreg s9;
	s24 =	simm.s32 $0x6;
	s9 =	simm.s32 $0x0  }
.LBB2_1:
0x15: {  	s10 =	simm.s32 $0x0;
	s11 =	simm.s32 $0x200  }
.LBB2_2:
0x16: {  	p0 =	sne.s32 s11, $0x3000;
	[tilespmem:s10+$0x78F0] =	vst v0  }
0x17: {  	[tilespmem:s10+$0x7880] =	vst v0  }
0x18: {  	[tilespmem:s10+$0x7890] =	vst v0  }
.Ltmp0:
0x19: {  	[tilespmem:s10+$0x78A0] =	vst v0;
	(pc) =	sbr.rel @p0 .LBB2_2-.Ltmp0, $4  }
0x1a: {  	[tilespmem:s10+$0x78B0] =	vst v0  }
0x1b: {  	[tilespmem:s10+$0x78C0] =	vst v0  }
0x1c: {  	[tilespmem:s10+$0x78D0] =	vst v0  }
0x1d: {  	[tilespmem:s10+$0x78E0] =	vst v0;
	s10 =	sshra.s32 s11, $0x2;
	s11 =	sadd.s32 $0x200, s11  }
0x1e: {  	[tilespmem:s10+$0x78F0] =	vst v0  }
0x1f: {  	[tilespmem:s10+$0x7880] =	vst v0  }
0x20: {  	[tilespmem:s10+$0x7890] =	vst v0  }
0x21: {  	[tilespmem:s10+$0x78A0] =	vst v0  }
0x22: {  	[tilespmem:s10+$0x78B0] =	vst v0  }
0x23: {  	[tilespmem:s10+$0x78C0] =	vst v0  }
0x24: {  	[tilespmem:s10+$0x78D0] =	vst v0  }
0x25: {  	[tilespmem:s10+$0x78E0] =	vst v0;
	s19 =	sadd.s32 $0x0, s15  }
0x26: {  	[spmem:s19] =	stream.linear.scatter [tilespmem:s17], [sflag:$0x9], $0xC80, $0x38;
	[tilespmem:$0x1D900] =	vst v63  }
0x27: {  	s10 =	simm.s32 $0x3200;
	_ =	swait.ge [sflag:s18], $0xC80  }
.LBB2_4:
0x28: {  	s11 =	sshra.s32 s10, $0x2;
	[sflag:s18] =	ssyncset.done $0x0;
	p0 =	sne.s32 s10, $0x4B000  }
.Ltmp1:
0x29: {  	s11 =	sadd.s32 s11, s15;
	[sflag:s18] =	ssyncadd.s32 $0xFFFFF380;
	(pc) =	sbr.rel @p0 .LBB2_4-.Ltmp1, $3  }
0x2a: {  	[spmem:s11] =	stream.linear.scatter [tilespmem:s17], [sflag:$0x9], $0xC80, $0x38;
	[tilespmem:$0x1D900] =	vst v63  }
0x2b: {  	s10 =	sadd.s32 $0x3200, s10;
	_ =	sdelay $0x1  }
0x2c: {  	_ =	swait.ge [sflag:s18], $0xC80  }
0x2d: {  	[sflag:s18] =	ssyncset.done $0x0  }
0x2e: {  	[sflag:s18] =	ssyncadd.s32 $0xFFFFF380  }
0x2f: {  	[bflag:$0x0] =	sbarrier.arrive $0xFFFF  }
0x30: {  	s10 =	simm.s32 $0x0;
	s12 =	simm.s32 $0x100;
	s11 =	rddreg [dreg:$0x3]  }
0x31: {  	[tilespmem:s12], [sflag:$0x9] =	stream.linear.gather [hbm4b:s11+s10], $0x2710, $0x38;
	[tilespmem:$0x1D900] =	vst v63  }
0x32: {  	_ =	swait.ge [sflag:s18], $0x2710  }
0x33: {  	[sflag:s18] =	ssyncset.done $0x0  }
0x34: {  	s13 =	rddreg [dreg:$0x4];
	[sflag:s18] =	ssyncadd.s32 $0xFFFFD8F0  }
0x35: {  	[tilespmem:s10], [sflag:$0x1] =	stream.linear.gather [hbm4b:s13+s10], $0x28, $0x38;
	[tilespmem:$0x1D900] =	vst v63  }
0x36: {  	s14 =	rddreg [dreg:$0x5]  }
0x37: {  	[tilespmem:s20], [sflag:$0x2] =	stream.linear.gather [hbm4b:s14+s10], $0x28, $0x38;
	[tilespmem:$0x1D900] =	vst v63  }
0x38: {  	_ = 	snop  }
0x39: {  	[tilespmem:s22], [sflag:$0x3] =	stream.indirect.gather [hbm4b:s5+s21], $0x80, s12, s21, $0xb8;
	[tilespmem:$0x1D900] =	vst v63  }
0x3a: {  	s19 =	rddreg [dreg:$0x6]  }
0x3b: {  	[tilespmem:s23], [sflag:$0x5] =	stream.linear.gather [hbm4b:s19+s10], $0x1400, $0x38;
	[tilespmem:$0x1D900] =	vst v63  }
0x3c: {  	s13 =	simm.s32 $0x3C80;
	s12 =	simm.s32 $0x128  }
0x3d: {  	[tilespmem:s13], [sflag:$0x4] =	stream.indirect.gather [hbm4b:s5+s21], $0x80, s12, s21, $0xb8;
	[tilespmem:$0x1D900] =	vst v63  }
0x3e: {  	s14 =	rddreg [dreg:$0x7];
	s19 =	simm.s32 $0x6480  }
0x3f: {  	[tilespmem:s19], [sflag:$0x6] =	stream.linear.gather [hbm4b:s14+s10], $0x1400, $0x38;
	[tilespmem:$0x1D900] =	vst v63  }
.LBB2_6:
0x40: {  	_ =	swait.ge [sflag:s28], $0x1400  }
0x41: {  	[sflag:s28] =	ssyncset.done $0x0  }
0x42: {  	[sflag:s28] =	ssyncadd.s32 $0xFFFFEC00  }
0x43: {  	_ =	swait.ge [sflag:s29], $0x1400  }
0x44: {  	[sflag:s29] =	ssyncset.done $0x0  }
0x45: {  	s11 =	simm.s32 $0x0;
	[sflag:s29] =	ssyncadd.s32 $0xFFFFEC00  }
0x46: {  	v1 =	vld [tilespmem:s11+$0x50F0]  }
0x47: {  	v2 =	vld [tilespmem:s11+$0x28F0]  }
0x48: {  	v3 =	vld [tilespmem:s11+$0x5080]  }
0x49: {  	v4 =	vld [tilespmem:s11+$0x2880]  }
0x4a: {  	v5 =	vld [tilespmem:s11+$0x5090]  }
0x4b: {  	v6 =	vld [tilespmem:s11+$0x2890]  }
0x4c: {  	v7 =	vld [tilespmem:s11+$0x50A0]  }
0x4d: {  	v1 =	vadd.f32 v2, v1;
	v2 =	vld [tilespmem:s11+$0x28A0]  }
0x4e: {  	v8 =	vld [tilespmem:s11+$0x50B0]  }
0x4f: {  	v9 =	vld [tilespmem:s11+$0x28B0];
	v3 =	vadd.f32 v4, v3  }
0x50: {  	v10 =	vld [tilespmem:s11+$0x50C0];
	v1 =	vmax.f32 v1, $0.0e+00  }
0x51: {  	[tilespmem:s11+$0x78F0] =	vst v1;
	v1 =	vmax.f32 v3, $0.0e+00;
	v3 =	vadd.f32 v6, v5;
	v6 =	vld [tilespmem:s11+$0x28C0]  }
0x52: {  	v4 =	vld [tilespmem:s11+$0x28D0];
	v2 =	vadd.f32 v2, v7  }
0x53: {  	[tilespmem:s11+$0x7880] =	vst v1;
	v1 =	vld [tilespmem:s11+$0x50D0];
	v3 =	vmax.f32 v3, $0.0e+00  }
0x54: {  	v5 =	vld [tilespmem:s11+$0x28E0];
	v7 =	vadd.f32 v9, v8;
	[tilespmem:s11+$0x7890] =	vst v3;
	v3 =	vmax.f32 v2, $0.0e+00  }
0x55: {  	s12 =	simm.s32 $0x80;
	v2 =	vld [tilespmem:s11+$0x50E0];
	[tilespmem:s11+$0x78A0] =	vst v3  }
0x56: {  	s19 =	simm.s32 $0x400;
	v7 =	vmax.f32 v7, $0.0e+00;
	v6 =	vadd.f32 v6, v10;
	v3 =	vld [tilespmem:s12+$0x50F0]  }
.LBB2_7:
0x57: {  	p0 =	sne.s32 s19, $0x4E00;
	v8 =	vld [tilespmem:s12+$0x28F0];
	[tilespmem:s11+$0x78B0] =	vst v7  }
0x58: {  	v7 =	vld [tilespmem:s12+$0x5080];
	v6 =	vmax.f32 v6, $0.0e+00;
	v1 =	vadd.f32 v4, v1  }
0x59: {  	v4 =	vld [tilespmem:s12+$0x2880];
	[tilespmem:s11+$0x78C0] =	vst v6  }
0x5a: {  	v6 =	vld [tilespmem:s12+$0x5090];
	v1 =	vmax.f32 v1, $0.0e+00;
	v2 =	vadd.f32 v5, v2  }
0x5b: {  	v5 =	vld [tilespmem:s12+$0x2890];
	[tilespmem:s11+$0x78D0] =	vst v1  }
0x5c: {  	v1 =	vld [tilespmem:s12+$0x50A0];
	v3 =	vadd.f32 v8, v3;
	v2 =	vmax.f32 v2, $0.0e+00  }
0x5d: {  	v8 =	vld [tilespmem:s12+$0x28A0];
	[tilespmem:s11+$0x78E0] =	vst v2;
	s11 =	smov.u32 s12  }
0x5e: {  	v2 =	vadd.f32 v4, v7;
	v7 =	vld [tilespmem:s11+$0x50B0];
	v3 =	vmax.f32 v3, $0.0e+00  }
0x5f: {  	v9 =	vld [tilespmem:s11+$0x28B0];
	[tilespmem:s11+$0x78F0] =	vst v3  }
0x60: {  	v2 =	vmax.f32 v2, $0.0e+00;
	v3 =	vadd.f32 v5, v6;
	v6 =	vld [tilespmem:s11+$0x50C0]  }
0x61: {  	[tilespmem:s11+$0x7880] =	vst v2;
	v10 =	vld [tilespmem:s11+$0x28C0]  }
.Ltmp2:
0x62: {  	v2 =	vmax.f32 v3, $0.0e+00;
	v3 =	vadd.f32 v8, v1;
	v1 =	vld [tilespmem:s11+$0x50D0];
	(pc) =	sbr.rel @p0 .LBB2_7-.Ltmp2, $4  }
0x63: {  	[tilespmem:s11+$0x7890] =	vst v2;
	v4 =	vld [tilespmem:s11+$0x28D0]  }
0x64: {  	v3 =	vmax.f32 v3, $0.0e+00;
	v7 =	vadd.f32 v9, v7;
	v2 =	vld [tilespmem:s11+$0x50E0]  }
0x65: {  	s12 =	sshra.s32 s19, $0x2;
	[tilespmem:s11+$0x78A0] =	vst v3;
	v5 =	vld [tilespmem:s11+$0x28E0]  }
0x66: {  	s19 =	sadd.s32 $0x200, s19;
	v3 =	vld [tilespmem:s12+$0x50F0];
	v7 =	vmax.f32 v7, $0.0e+00;
	v6 =	vadd.f32 v10, v6  }
0x67: {  	v8 =	vld [tilespmem:s12+$0x28F0];
	[tilespmem:s11+$0x78B0] =	vst v7  }
0x68: {  	v7 =	vld [tilespmem:s12+$0x5080];
	v6 =	vmax.f32 v6, $0.0e+00;
	v1 =	vadd.f32 v4, v1  }
0x69: {  	v9 =	vld [tilespmem:s12+$0x2880];
	[tilespmem:s11+$0x78C0] =	vst v6  }
0x6a: {  	v57 =	vld [tilespmem:s12+$0x5090];
	v1 =	vmax.f32 v1, $0.0e+00;
	v2 =	vadd.f32 v5, v2  }
0x6b: {  	v6 =	vld [tilespmem:s12+$0x2890];
	[tilespmem:s11+$0x78D0] =	vst v1  }
0x6c: {  	v1 =	vld [tilespmem:s12+$0x50A0];
	v2 =	vmax.f32 v2, $0.0e+00  }
0x6d: {  	v58 =	vld [tilespmem:s12+$0x28A0];
	[tilespmem:s11+$0x78E0] =	vst v2  }
0x6e: {  	v2 =	vld [tilespmem:s12+$0x50B0]  }
0x6f: {  	v3 =	vadd.f32 v8, v3;
	v59 =	vld [tilespmem:s12+$0x28B0]  }
0x70: {  	v7 =	vadd.f32 v9, v7;
	v60 =	vld [tilespmem:s12+$0x50C0]  }
0x71: {  	v3 =	vmax.f32 v3, $0.0e+00;
	v61 =	vld [tilespmem:s12+$0x50D0]  }
0x72: {  	v62 =	vld [tilespmem:s12+$0x28D0];
	[tilespmem:s12+$0x78F0] =	vst v3;
	v3 =	vmax.f32 v7, $0.0e+00;
	v1 =	vadd.f32 v58, v1  }
0x73: {  	[tilespmem:s12+$0x7880] =	vst v3;
	v3 =	vld [tilespmem:s12+$0x28C0]  }
0x74: {  	v63 =	vld [tilespmem:s12+$0x50E0];
	v1 =	vmax.f32 v1, $0.0e+00  }
0x75: {  	[tilespmem:s12+$0x78A0] =	vst v1;
	v1 =	vld [tilespmem:s12+$0x28E0]  }
0x76: {  	v4 =	vadd.f32 v6, v57  }
0x77: {  	v2 =	vadd.f32 v59, v2  }
0x78: {  	v4 =	vmax.f32 v4, $0.0e+00;
	v3 =	vadd.f32 v3, v60  }
0x79: {  	[tilespmem:s12+$0x7890] =	vst v4;
	v4 =	vadd.f32 v62, v61;
	v2 =	vmax.f32 v2, $0.0e+00  }
0x7a: {  	[tilespmem:s12+$0x78B0] =	vst v2;
	v2 =	vmax.f32 v3, $0.0e+00;
	v1 =	vadd.f32 v1, v63  }
0x7b: {  	[tilespmem:s12+$0x78C0] =	vst v2;
	v2 =	vmax.f32 v4, $0.0e+00  }
0x7c: {  	[tilespmem:s12+$0x78D0] =	vst v2;
	v1 =	vmax.f32 v1, $0.0e+00  }
0x7d: {  	[tilespmem:s12+$0x78E0] =	vst v1  }
0x7e: {  	_ =	swait.ge [sflag:s30], $0x28  }
0x7f: {  	p1 =	seq.s32 s10, $0x0;
	[sflag:s30] =	ssyncset.done $0x0  }
0x80: {  	s11 =	simm.s32 @!p1 $0x8;
	s12 =	smul.u32 @!p1 $0x50, s10;
	[sflag:s30] =	ssyncadd.s32 $0xFFFFFFD8  }
0x81: {  	[spmem:s2] =	stream.indirect.scatter.add.f32 [tilespmem:s17], [sflag:$0x7], $0x80, s3, s21, $0xb8;
	[tilespmem:$0x1D900] =	vst v63  }
0x82: {  	p0 =	seq.s32 @!p1 s10, $0x7C;
	_ =	swait.ge @!p1 [sflag:s11], $0x1400  }
0x83: {  	p2 =	por p1, !p0;
	s12 =	sadd.s32 @!p1 s12, s8;
	[sflag:s11] =	ssyncset.done @!p1 $0x0  }
.Ltmp3:
0x84: {  	[sflag:s11] =	ssyncadd.s32 @!p1 $0xFFFFEC00;
	s11 =	sshrl.u32 @!p1 s12, $0x3;
	(pc) =	sbr.rel @!p2 .LBB2_10-.Ltmp3, $4  }
0x85: {  	s13 =	simm.s32 @!p1 $0x80;
	s12 =	simm.s32 @!p1 $0x0;
	s11 =	sadd.s32 @!p1 s7, s11  }
0x86: {  	[tilespmem:s13], [sflag:$0x2] =	stream.linear.gather @!p1 [hbm4b:s11+s12], $0x28, $0x38;
	[tilespmem:$0x1D900] =	vst v63  }
0x87: {  	s11 =	sshll.u32 @!p1 s10, $0x1  }
0x88: {  	p0 =	por @!p1 $0x1, $0x1;
	s11 =	sadd.s32 @!p1 $0x2, s11  }
0x89: {  	s11 =	simm.s32 @p1 $0x2  }
0x8a: {  	s12 =	smul.u32 $0x28, s11;
	_ =	sdelay $0x1  }
0x8b: {  	s13 =	sadd.s32 $0x100, s12;
	s12 =	sadd.s32 s4, s12  }
0x8c: {  	[tilespmem:s22], [sflag:$0x3] =	stream.indirect.gather [hbm4b:s5+s21], $0x80, s13, s21, $0xb8;
	[tilespmem:$0x1D900] =	vst v63  }
0x8d: {  	s12 =	sshll.u32 s12, $0x4  }
0x8e: {  	p0 =	por $0x0, $0x0;
	s12 =	sadd.s32 s6, s12  }
0x8f: {  	[tilespmem:s23], [sflag:$0x5] =	stream.linear.gather [hbm4b:s12+s3], $0x1400, $0x38;
	[tilespmem:$0x1D900] =	vst v63  }
.LBB2_10:
0x90: {  	_ =	swait.ge [sflag:s1], $0x1400  }
0x91: {  	[sflag:s1] =	ssyncset.done $0x0  }
0x92: {  	[sflag:s1] =	ssyncadd.s32 $0xFFFFEC00  }
0x93: {  	_ =	swait.ge [sflag:s24], $0x1400  }
0x94: {  	[sflag:s24] =	ssyncset.done $0x0  }
0x95: {  	s12 =	simm.s32 $0x0;
	[sflag:s24] =	ssyncadd.s32 $0xFFFFEC00  }
0x96: {  	v1 =	vld [tilespmem:s12+$0x64F0]  }
0x97: {  	v2 =	vld [tilespmem:s12+$0x3CF0]  }
0x98: {  	v3 =	vld [tilespmem:s12+$0x6480]  }
0x99: {  	v4 =	vld [tilespmem:s12+$0x3C80]  }
0x9a: {  	v5 =	vld [tilespmem:s12+$0x6490]  }
0x9b: {  	v6 =	vld [tilespmem:s12+$0x3C90]  }
0x9c: {  	v7 =	vld [tilespmem:s12+$0x64A0]  }
0x9d: {  	v1 =	vadd.f32 v2, v1;
	v2 =	vld [tilespmem:s12+$0x3CA0]  }
0x9e: {  	v8 =	vld [tilespmem:s12+$0x64B0]  }
0x9f: {  	v9 =	vld [tilespmem:s12+$0x3CB0];
	v3 =	vadd.f32 v4, v3  }
0xa0: {  	v10 =	vld [tilespmem:s12+$0x64C0];
	v1 =	vmax.f32 v1, $0.0e+00  }
0xa1: {  	[tilespmem:s12+$0x8CF0] =	vst v1;
	v1 =	vmax.f32 v3, $0.0e+00;
	v3 =	vadd.f32 v6, v5;
	v6 =	vld [tilespmem:s12+$0x3CC0]  }
0xa2: {  	v4 =	vld [tilespmem:s12+$0x3CD0];
	v2 =	vadd.f32 v2, v7  }
0xa3: {  	[tilespmem:s12+$0x8C80] =	vst v1;
	v1 =	vld [tilespmem:s12+$0x64D0];
	v3 =	vmax.f32 v3, $0.0e+00  }
0xa4: {  	v5 =	vld [tilespmem:s12+$0x3CE0];
	v7 =	vadd.f32 v9, v8;
	[tilespmem:s12+$0x8C90] =	vst v3;
	v3 =	vmax.f32 v2, $0.0e+00  }
0xa5: {  	s19 =	simm.s32 $0x80;
	v2 =	vld [tilespmem:s12+$0x64E0];
	[tilespmem:s12+$0x8CA0] =	vst v3  }
0xa6: {  	s13 =	simm.s32 $0x400;
	v7 =	vmax.f32 v7, $0.0e+00;
	v6 =	vadd.f32 v6, v10;
	v3 =	vld [tilespmem:s19+$0x64F0]  }
.LBB2_11:
0xa7: {  	p1 =	sne.s32 s13, $0x4E00;
	v8 =	vld [tilespmem:s19+$0x3CF0];
	[tilespmem:s12+$0x8CB0] =	vst v7  }
0xa8: {  	v7 =	vld [tilespmem:s19+$0x6480];
	v6 =	vmax.f32 v6, $0.0e+00;
	v1 =	vadd.f32 v4, v1  }
0xa9: {  	v4 =	vld [tilespmem:s19+$0x3C80];
	[tilespmem:s12+$0x8CC0] =	vst v6  }
0xaa: {  	v6 =	vld [tilespmem:s19+$0x6490];
	v1 =	vmax.f32 v1, $0.0e+00;
	v2 =	vadd.f32 v5, v2  }
0xab: {  	v5 =	vld [tilespmem:s19+$0x3C90];
	[tilespmem:s12+$0x8CD0] =	vst v1  }
0xac: {  	v1 =	vld [tilespmem:s19+$0x64A0];
	v3 =	vadd.f32 v8, v3;
	v2 =	vmax.f32 v2, $0.0e+00  }
0xad: {  	v8 =	vld [tilespmem:s19+$0x3CA0];
	[tilespmem:s12+$0x8CE0] =	vst v2;
	s12 =	smov.u32 s19  }
0xae: {  	v2 =	vadd.f32 v4, v7;
	v7 =	vld [tilespmem:s12+$0x64B0];
	v3 =	vmax.f32 v3, $0.0e+00  }
0xaf: {  	v9 =	vld [tilespmem:s12+$0x3CB0];
	[tilespmem:s12+$0x8CF0] =	vst v3  }
0xb0: {  	v2 =	vmax.f32 v2, $0.0e+00;
	v3 =	vadd.f32 v5, v6;
	v6 =	vld [tilespmem:s12+$0x64C0]  }
0xb1: {  	[tilespmem:s12+$0x8C80] =	vst v2;
	v10 =	vld [tilespmem:s12+$0x3CC0]  }
.Ltmp4:
0xb2: {  	v2 =	vmax.f32 v3, $0.0e+00;
	v3 =	vadd.f32 v8, v1;
	v1 =	vld [tilespmem:s12+$0x64D0];
	(pc) =	sbr.rel @p1 .LBB2_11-.Ltmp4, $4  }
0xb3: {  	[tilespmem:s12+$0x8C90] =	vst v2;
	v4 =	vld [tilespmem:s12+$0x3CD0]  }
0xb4: {  	v3 =	vmax.f32 v3, $0.0e+00;
	v7 =	vadd.f32 v9, v7;
	v2 =	vld [tilespmem:s12+$0x64E0]  }
0xb5: {  	s19 =	sshra.s32 s13, $0x2;
	[tilespmem:s12+$0x8CA0] =	vst v3;
	v5 =	vld [tilespmem:s12+$0x3CE0]  }
0xb6: {  	s13 =	sadd.s32 $0x200, s13;
	v3 =	vld [tilespmem:s19+$0x64F0];
	v7 =	vmax.f32 v7, $0.0e+00;
	v6 =	vadd.f32 v10, v6  }
0xb7: {  	v8 =	vld [tilespmem:s19+$0x3CF0];
	[tilespmem:s12+$0x8CB0] =	vst v7  }
0xb8: {  	v7 =	vld [tilespmem:s19+$0x6480];
	v6 =	vmax.f32 v6, $0.0e+00;
	v1 =	vadd.f32 v4, v1  }
0xb9: {  	v9 =	vld [tilespmem:s19+$0x3C80];
	[tilespmem:s12+$0x8CC0] =	vst v6  }
0xba: {  	v57 =	vld [tilespmem:s19+$0x6490];
	v1 =	vmax.f32 v1, $0.0e+00;
	v2 =	vadd.f32 v5, v2  }
0xbb: {  	v6 =	vld [tilespmem:s19+$0x3C90];
	[tilespmem:s12+$0x8CD0] =	vst v1  }
0xbc: {  	v1 =	vld [tilespmem:s19+$0x64A0];
	v2 =	vmax.f32 v2, $0.0e+00  }
0xbd: {  	v58 =	vld [tilespmem:s19+$0x3CA0];
	[tilespmem:s12+$0x8CE0] =	vst v2  }
0xbe: {  	v2 =	vld [tilespmem:s19+$0x64B0]  }
0xbf: {  	v3 =	vadd.f32 v8, v3;
	v59 =	vld [tilespmem:s19+$0x3CB0]  }
0xc0: {  	v7 =	vadd.f32 v9, v7;
	v60 =	vld [tilespmem:s19+$0x64C0]  }
0xc1: {  	v3 =	vmax.f32 v3, $0.0e+00;
	v61 =	vld [tilespmem:s19+$0x64D0]  }
0xc2: {  	v62 =	vld [tilespmem:s19+$0x3CD0];
	[tilespmem:s19+$0x8CF0] =	vst v3;
	v3 =	vmax.f32 v7, $0.0e+00;
	v1 =	vadd.f32 v58, v1  }
0xc3: {  	[tilespmem:s19+$0x8C80] =	vst v3;
	v3 =	vld [tilespmem:s19+$0x3CC0]  }
0xc4: {  	v63 =	vld [tilespmem:s19+$0x64E0];
	v1 =	vmax.f32 v1, $0.0e+00  }
0xc5: {  	[tilespmem:s19+$0x8CA0] =	vst v1;
	v1 =	vld [tilespmem:s19+$0x3CE0]  }
0xc6: {  	v4 =	vadd.f32 v6, v57  }
0xc7: {  	v2 =	vadd.f32 v59, v2  }
0xc8: {  	v4 =	vmax.f32 v4, $0.0e+00;
	v3 =	vadd.f32 v3, v60  }
0xc9: {  	[tilespmem:s19+$0x8C90] =	vst v4;
	v4 =	vadd.f32 v62, v61;
	v2 =	vmax.f32 v2, $0.0e+00  }
0xca: {  	[tilespmem:s19+$0x8CB0] =	vst v2;
	v2 =	vmax.f32 v3, $0.0e+00;
	v1 =	vadd.f32 v1, v63  }
0xcb: {  	[tilespmem:s19+$0x8CC0] =	vst v2;
	v2 =	vmax.f32 v4, $0.0e+00  }
0xcc: {  	[tilespmem:s19+$0x8CD0] =	vst v2;
	v1 =	vmax.f32 v1, $0.0e+00  }
0xcd: {  	[tilespmem:s19+$0x8CE0] =	vst v1  }
0xce: {  	_ =	swait.ge [sflag:s31], $0x28  }
0xcf: {  	[sflag:s31] =	ssyncset.done $0x0  }
0xd0: {  	s11 =	smul.u32 @!p0 $0x28, s11;
	[sflag:s31] =	ssyncadd.s32 $0xFFFFFFD8  }
0xd1: {  	[spmem:s2] =	stream.indirect.scatter.add.f32 [tilespmem:s25], [sflag:$0x8], $0x80, s20, s21, $0xb8;
	[tilespmem:$0x1D900] =	vst v63  }
0xd2: {  	s11 =	sadd.s32 @!p0 s4, s11;
	_ =	swait.ge [sflag:s26], $0x1400  }
0xd3: {  	s13 =	smul.u32 @!p0 $0x50, s10;
	s11 =	sshrl.u32 @!p0 s11, $0x3;
	[sflag:s26] =	ssyncset.done $0x0  }
0xd4: {  	s11 =	sadd.s32 @!p0 s7, s11;
	s12 =	simm.s32 @!p0 $0x0;
	[sflag:s26] =	ssyncadd.s32 $0xFFFFEC00  }
0xd5: {  	[tilespmem:s12], [sflag:$0x1] =	stream.linear.gather @!p0 [hbm4b:s11+s12], $0x28, $0x38;
	[tilespmem:$0x1D900] =	vst v63  }
0xd6: {  	s14 =	simm.s32 @!p0 $0x3C80;
	s11 =	sadd.s32 @!p0 s4, s13  }
0xd7: {  	s19 =	simm.s32 @!p0 $0x28;
	s13 =	sadd.s32 @!p0 $0x178, s13;
	s11 =	sshll.u32 @!p0 s11, $0x4  }
0xd8: {  	[tilespmem:s14], [sflag:$0x4] =	stream.indirect.gather @!p0 [hbm4b:s5+s19], $0x80, s13, s19, $0xb8;
	[tilespmem:$0x1D900] =	vst v63  }
0xd9: {  	s11 =	sadd.s32 @!p0 s6, s11  }
0xda: {  	s10 =	sadd.s32 $0x1, s10;
	s13 =	simm.s32 @!p0 $0x6480;
	s11 =	sadd.s32 @!p0 $0x780, s11  }
0xdb: {  	[tilespmem:s13], [sflag:$0x6] =	stream.linear.gather @!p0 [hbm4b:s11+s12], $0x1400, $0x38;
	[tilespmem:$0x1D900] =	vst v63  }
0xdc: {  	p0 =	sne.s32 s10, $0x7D  }
.Ltmp5:
0xdd: {  	_ = 	snop;
	(pc) =	sbr.rel @p0 .LBB2_6-.Ltmp5, $1  }
0xde: {  	_ =	sdelay $0x3  }
0xdf: {  	_ =	swait.ge [sflag:s0], $0x1400  }
0xe0: {  	s10 =	stileid.u32;
	[sflag:s0] =	ssyncset.done $0x0  }
0xe1: {  	s11 =	sshrl.u32 s15, $0x3;
	s9 =	sadd.s32 $0x1, s9;
	[sflag:s0] =	ssyncadd.s32 $0xFFFFEC00  }
0xe2: {  	s10 =	sshll.u32 s10, $0x6;
	p0 =	sne.s32 s9, s16;
	[bflag:$0x0] =	sbarrier.arrive $0xFFFF  }
.Ltmp6:
0xe3: {  	s10 =	sor.u32 $0x1C09, s10;
	s12 =	rddreg [dreg:$0x8];
	(pc) =	sbr.rel @p0 .LBB2_1-.Ltmp6, $4  }
0xe4: {  	[hbm:s12], [sflag:s10] =	dma.local [spmem:s11], $0x2710  }
0xe5: {  	_ =	swait.ge [sflag:s18], $0x2710  }
0xe6: {  	[sflag:s18] =	ssyncset.done $0x0  }
0xe7: {  	[sflag:s18] =	ssyncadd.s32 $0xFFFFD8F0  }
0xe8: {  	_ =	sfence.sel $0x180000  }
0xe9: {  	[bflag:$0x0] =	sbarrier.arrive $0xFFFF  }
0xea: {  	_ =	strace $0x9000004D  }
0xeb: {  	s0 =	stileid.u32;
	[bflag:$0x2] =	sbarrier.arrive $0xFFFF  }
0xec: {  	p0 =	sne.s32 s0, $0x0;
	s0 =	rddreg [dreg:$0x2]  }
0xed: {  	s0 =	sadd.s32 @!p0 $0x100000, s0  }
0xee: {  	[sflag:s0] =	ssyncadd.tile.s32 @!p0 $0x1;
	_ =	shalt  }
.Lfunc_end2:
_tile_overlayer_lowered:
.L_overlay_start_2:
0xef: {  	(tag) =	ssettag $0x2  }
0xf0: {  	s0 =	rddreg [dreg:$0x0];
	s2 =	stileid.u32  }
0xf1: {  	s1 =	rddreg [dreg:$0x1];
	p0 =	sne.s32 s2, $0x0  }
0xf2: {  	s3 =	rddreg [dreg:$0x2];
	[bflag:$0x3] =	sbarrier.arrive $0xFFFF;
	s2 =	simm.s32 @!p0 $0x1C09  }
0xf3: {  	[timem:s3], [sflag:s2] =	dma.local @!p0 [hbm:s0], s1  }
0xf4: {  	s0 =	simm.s32 @!p0 $0x9  }
0xf5: {  	_ =	swait.ge @!p0 [sflag:s0], s1  }
0xf6: {  	s1 =	ssub.s32 @!p0 $0x0, s1;
	[sflag:s0] =	ssyncset.done @!p0 $0x0  }
0xf7: {  	[sflag:s0] =	ssyncadd.s32 @!p0 s1  }
0xf8: {  	[bflag:$0x3] =	sbarrier.arrive $0xFFFF  }
0xf9: {  	_ =	shalt  }

</sc_bundles>
